<compile_context>
chip_gen: v7x
topology: tpu7x:2x2x1
jax: 0.10.2.dev20260603
libtpu: 0.0.44.dev20260713+nightly
codegen_flags: <defaults>
</compile_context>

<pallas_src>
import functools

import jax
import jax.numpy as jnp
from jax import lax
from jax.experimental import pallas as pl
from jax.experimental.pallas import tpu as pltpu
from jax.experimental.pallas import tpu_sc as plsc

N = 10000
E = 320000
NUM_MASK = 3000

NC = 2
NS = 16
NW = NC * NS
NPAD = 10240
EW = 10240
EPAD = NW * EW
BLK = 128
NBLK = EW // BLK
RPS = NPAD // NS

_mesh = plsc.VectorSubcoreMesh(core_axis_name="c", subcore_axis_name="s")


def _fill(ref, nrows, width, value):
    v = jnp.full((16,), value, jnp.float32)

    def row(i, _):
        for j in range(width // 16):
            ref[i, pl.ds(j * 16, 16)] = v
        return 0

    lax.fori_loop(0, nrows, row, 0)


@functools.partial(
    pl.kernel,
    out_type=[jax.ShapeDtypeStruct((NC, NPAD), jnp.float32),
              jax.ShapeDtypeStruct((NW, EW), jnp.int32),
              jax.ShapeDtypeStruct((NW, EW), jnp.int32),
              jax.ShapeDtypeStruct((NW, 16), jnp.int32)],
    mesh=_mesh,
    compiler_params=pltpu.CompilerParams(needs_layout_passes=False),
    scratch_types=[
        pltpu.VMEM((EW,), jnp.int32),
        pltpu.VMEM((EW,), jnp.int32),
        pltpu.VMEM((NPAD,), jnp.float32),
        pltpu.VMEM((EW,), jnp.int32),
        pltpu.VMEM((EW,), jnp.int32),
        pltpu.VMEM((16,), jnp.int32),
        pltpu.VMEM((NPAD,), jnp.float32),
        pltpu.VMEM((NS, RPS), jnp.float32),
        pltpu.VMEM_SHARED((NS, NPAD), jnp.float32),
    ],
)
def _deg_sc(dst_hbm, src_hbm, mask_hbm, deg_out, fsrc_out, fdst_out,
            fcnt_out, dst_v, src_v, mask_v, fdst_v, fsrc_v, cnt_v, hist,
            red_v, shared):
    c = lax.axis_index("c")
    s = lax.axis_index("s")
    wid = s * NC + c
    zero16 = jnp.zeros((16,), jnp.float32)
    ones16 = jnp.ones((16,), jnp.float32)
    iota16 = lax.iota(jnp.int32, 16)

    def zr(i, _):
        hist[pl.ds(i * 16, 16)] = zero16
        return 0

    lax.fori_loop(0, NPAD // 16, zr, 0)
    pltpu.sync_copy(dst_hbm.at[wid], dst_v)
    pltpu.sync_copy(src_hbm.at[wid], src_v)
    pltpu.sync_copy(mask_hbm, mask_v)

    def acc16(i, off_vec):
        idx = dst_v[pl.ds(i * 16, 16)]
        plsc.addupdate_scatter(hist, [idx], ones16)
        sv = src_v[pl.ds(i * 16, 16)]
        fl = plsc.load_gather(mask_v, [idx]) > 0.0
        cum = plsc.cumsum(fl.astype(jnp.int32))
        pos = off_vec + cum - 1
        plsc.store_scatter(fdst_v, [pos], idx, mask=fl)
        plsc.store_scatter(fsrc_v, [pos], sv, mask=fl)
        return off_vec + plsc.all_reduce_population_count(fl)

    off_vec = lax.fori_loop(0, EW // 16, acc16, jnp.zeros((16,), jnp.int32))
    target = ((off_vec + 255) // 256) * 256
    for k in range(16):
        pos = off_vec + k * 16 + iota16
        mk = pos < target
        plsc.store_scatter(fdst_v, [pos], N + iota16, mask=mk)
        plsc.store_scatter(fsrc_v, [pos], iota16, mask=mk)
    cnt_v[pl.ds(0, 16)] = target // 256
    pltpu.sync_copy(fsrc_v, fsrc_out.at[wid])
    pltpu.sync_copy(fdst_v, fdst_out.at[wid])
    pltpu.sync_copy(cnt_v, fcnt_out.at[wid])

    pltpu.sync_copy(hist, shared.at[s])
    plsc.subcore_barrier()
    pltpu.sync_copy(shared.at[:, pl.ds(s * RPS, RPS)], red_v)

    def red(j, _):
        acc = zero16
        for r in range(NS):
            acc = acc + red_v[r, pl.ds(j * 16, 16)]
        hist[pl.ds(j * 16, 16)] = acc
        return 0

    lax.fori_loop(0, RPS // 16, red, 0)
    pltpu.sync_copy(hist.at[pl.ds(0, RPS)],
                    deg_out.at[c, pl.ds(s * RPS, RPS)])


def _make_prop(D, tc_tiling=True, bpg=1):
    NG = NBLK // bpg
    HG = NG // 2
    GE = bpg * BLK
    params = None if tc_tiling else pltpu.CompilerParams(
        use_tc_tiling_on_sc=False)

    @functools.partial(
        pl.kernel,
        out_type=jax.ShapeDtypeStruct((NC, NPAD, D), jnp.float32),
        mesh=_mesh,
        compiler_params=params,
        scratch_types=[
            pltpu.VMEM((HG, GE), jnp.int32),
            pltpu.VMEM((HG, GE), jnp.int32),
            pltpu.VMEM((GE, D), jnp.float32),
            pltpu.VMEM((GE, D), jnp.float32),
            pltpu.VMEM_SHARED((NPAD, D), jnp.float32),
            pltpu.SemaphoreType.DMA,
            pltpu.SemaphoreType.DMA,
        ],
    )
    def prop(table_hbm, src_hbm, dst_hbm, out_hbm, src_v, dst_v, rows_a,
             rows_b, acc, sem_ga, sem_gb):
        c = lax.axis_index("c")
        s = lax.axis_index("s")
        wid = s * NC + c
        _fill(rows_a, GE, D, 0.0)

        def zero(t, _):
            pltpu.sync_copy(rows_a.at[pl.ds(0, BLK)],
                            acc.at[pl.ds(s * RPS + t * BLK, BLK)])
            return 0

        lax.fori_loop(0, RPS // BLK, zero, 0)
        plsc.subcore_barrier()

        for h in range(2):
            pltpu.sync_copy(src_hbm.at[wid, pl.ds(h * HG, HG)], src_v)
            pltpu.sync_copy(dst_hbm.at[wid, pl.ds(h * HG, HG)], dst_v)
            pltpu.async_copy(table_hbm.at[src_v.at[0]], rows_a, sem_ga)

            def pair(g, _):
                b0 = 2 * g
                pltpu.async_copy(table_hbm.at[src_v.at[b0 + 1]], rows_b,
                                 sem_gb)
                pltpu.make_async_copy(table_hbm.at[src_v.at[b0]], rows_a,
                                      sem_ga).wait()
                pltpu.sync_copy(rows_a, acc.at[dst_v.at[b0]], add=True)

                @pl.when(b0 + 2 < HG)
                def _():
                    pltpu.async_copy(table_hbm.at[src_v.at[b0 + 2]], rows_a,
                                     sem_ga)

                pltpu.make_async_copy(table_hbm.at[src_v.at[b0 + 1]], rows_b,
                                      sem_gb).wait()
                pltpu.sync_copy(rows_b, acc.at[dst_v.at[b0 + 1]], add=True)
                return 0

            lax.fori_loop(0, HG // 2, pair, 0)
        plsc.subcore_barrier()
        pltpu.sync_copy(acc.at[pl.ds(s * RPS, RPS)],
                        out_hbm.at[c, pl.ds(s * RPS, RPS)])

    return prop


def _make_prop_masked(D):
    HG = NBLK // 2

    @functools.partial(
        pl.kernel,
        out_type=jax.ShapeDtypeStruct((NC, NPAD, D), jnp.float32),
        mesh=_mesh,
        scratch_types=[
            pltpu.VMEM((HG, BLK), jnp.int32),
            pltpu.VMEM((HG, BLK), jnp.int32),
            pltpu.VMEM((BLK, D), jnp.float32),
            pltpu.VMEM((BLK, D), jnp.float32),
            pltpu.VMEM((16,), jnp.int32),
            pltpu.VMEM_SHARED((NPAD, D), jnp.float32),
            pltpu.SemaphoreType.DMA,
            pltpu.SemaphoreType.DMA,
        ],
    )
    def prop(table_hbm, src_hbm, dst_hbm, cnt_hbm, out_hbm, src_v, dst_v,
             rows_a, rows_b, cnt_v, acc, sem_ga, sem_gb):
        c = lax.axis_index("c")
        s = lax.axis_index("s")
        wid = s * NC + c
        pltpu.sync_copy(cnt_hbm.at[wid], cnt_v)
        _fill(rows_a, BLK, D, 0.0)

        def zero(t, _):
            pltpu.sync_copy(rows_a.at[pl.ds(0, BLK)],
                            acc.at[pl.ds(s * RPS + t * BLK, BLK)])
            return 0

        lax.fori_loop(0, RPS // BLK, zero, 0)
        plsc.subcore_barrier()

        npairs = cnt_v[pl.ds(0, 16)][0]
        p0 = jnp.minimum(npairs, HG // 2)
        for h, ph in ((0, p0), (1, npairs - p0)):
            pltpu.sync_copy(src_hbm.at[wid, pl.ds(h * HG, HG)], src_v)
            pltpu.sync_copy(dst_hbm.at[wid, pl.ds(h * HG, HG)], dst_v)

            @pl.when(ph > 0)
            def _():
                pltpu.async_copy(table_hbm.at[src_v.at[0]], rows_a, sem_ga)

            def pair(g, _):
                b0 = 2 * g
                pltpu.async_copy(table_hbm.at[src_v.at[b0 + 1]], rows_b,
                                 sem_gb)
                pltpu.make_async_copy(table_hbm.at[src_v.at[b0]], rows_a,
                                      sem_ga).wait()
                pltpu.sync_copy(rows_a, acc.at[dst_v.at[b0]], add=True)

                @pl.when(b0 + 2 < 2 * ph)
                def _():
                    pltpu.async_copy(table_hbm.at[src_v.at[b0 + 2]], rows_a,
                                     sem_ga)

                pltpu.make_async_copy(table_hbm.at[src_v.at[b0 + 1]], rows_b,
                                      sem_gb).wait()
                pltpu.sync_copy(rows_b, acc.at[dst_v.at[b0 + 1]], add=True)
                return 0

            lax.fori_loop(0, ph, pair, 0)
        plsc.subcore_barrier()
        pltpu.sync_copy(acc.at[pl.ds(s * RPS, RPS)],
                        out_hbm.at[c, pl.ds(s * RPS, RPS)])

    return prop


_prop128 = _make_prop(128)
_prop_masked128 = _make_prop_masked(128)
_prop64 = _make_prop(64, tc_tiling=False, bpg=2)

RB = 1000
GRID = N // RB


def _tc_spec(d):
    return pl.BlockSpec((RB, d), lambda i: (i, 0))


def _full_spec(shape):
    return pl.BlockSpec(shape, lambda i: tuple(0 for _ in shape))


def _tc_dis(degp):
    DB = 1280

    def body(d_r, dis_o):
        deg = d_r[0, :] + d_r[1, :] + 1.0
        dis_o[...] = (1.0 / jnp.sqrt(deg))[:, None]

    return pl.pallas_call(
        body,
        grid=(NPAD // DB,),
        in_specs=[pl.BlockSpec((NC, DB), lambda i: (0, i))],
        out_specs=pl.BlockSpec((DB, 1), lambda i: (i, 0)),
        out_shape=jax.ShapeDtypeStruct((NPAD, 1), jnp.float32),
    )(degp)


def _tc_stage1(dis, x, m, pos, W1):
    def body(dis_r, x_r, m_r, pos_r, w_r, t1_o):
        xb = x_r[...] + m_r[...] * pos_r[...]
        t1 = jnp.dot(xb, w_r[...], preferred_element_type=jnp.float32)
        t1_o[...] = t1 * dis_r[...]

    return pl.pallas_call(
        body,
        grid=(GRID,),
        in_specs=[_tc_spec(1), _tc_spec(128), _tc_spec(1),
                  _full_spec((1, 128)), _full_spec((128, 128))],
        out_specs=_tc_spec(128),
        out_shape=jax.ShapeDtypeStruct((N, 128), jnp.float32),
    )(dis, x, m, pos, W1)


def _tc_stage2(p0, p1, t1, dis, b1, a_enc, W2):
    def body(p0_r, p1_r, t1_r, dis_r, b_r, a_r, w_r, t2_o):
        a = a_r[0, 0]
        dis = dis_r[...]
        tot = dis * (p0_r[...] + p1_r[...] + t1_r[...]) + b_r[...]
        h = jnp.where(tot >= 0, tot, a * tot)
        t2_o[...] = dis * jnp.dot(h, w_r[...],
                                  preferred_element_type=jnp.float32)

    return pl.pallas_call(
        body,
        grid=(GRID,),
        in_specs=[_tc_spec(128), _tc_spec(128), _tc_spec(128), _tc_spec(1),
                  _full_spec((1, 128)), _full_spec((1, 1)),
                  _full_spec((128, 64))],
        out_specs=_tc_spec(64),
        out_shape=jax.ShapeDtypeStruct((N, 64), jnp.float32),
    )(p0, p1, t1, dis, b1, a_enc, W2)


def _tc_stage3(p0, p1, t2, dis, b2, a_enc, We2d, Wd, m):
    def body(p0_r, p1_r, t2_r, dis_r, b_r, a_r, we_r, wd_r, m_r, t3_o):
        a = a_r[0, 0]
        dis = dis_r[...]
        tot = dis * (p0_r[...] + p1_r[...] + t2_r[...]) + b_r[...]
        h2 = jnp.where(tot >= 0, tot, a * tot)
        rec = lax.dot_general(h2, we_r[...], (((1,), (1,)), ((), ())),
                              preferred_element_type=jnp.float32)
        rec = rec * (1.0 - m_r[...])
        t3_o[...] = dis * jnp.dot(rec, wd_r[...],
                                  preferred_element_type=jnp.float32)

    return pl.pallas_call(
        body,
        grid=(GRID,),
        in_specs=[_tc_spec(64), _tc_spec(64), _tc_spec(64), _tc_spec(1),
                  _full_spec((1, 64)), _full_spec((1, 1)),
                  _full_spec((64, 64)), _full_spec((64, 128)), _tc_spec(1)],
        out_specs=_tc_spec(128),
        out_shape=jax.ShapeDtypeStruct((N, 128), jnp.float32),
    )(p0, p1, t2, dis, b2, a_enc, We2d, Wd, m)


def _tc_stage4(p0, p1, t3, dis, bd, a_dec, x, m):
    def body(p0_r, p1_r, t3_r, dis_r, b_r, a_r, x_r, m_r, out_o):
        i = pl.program_id(0)
        a = a_r[0, 0]
        dis = dis_r[...]
        tot = dis * (p0_r[...] + p1_r[...] + t3_r[...]) + b_r[...]
        dec = jnp.where(tot >= 0, tot, a * tot)
        xv = x_r[...]
        xn = xv / jnp.maximum(
            jnp.sqrt(jnp.sum(xv * xv, axis=-1, keepdims=True)), 1e-12)
        rn = dec / jnp.maximum(
            jnp.sqrt(jnp.sum(dec * dec, axis=-1, keepdims=True)), 1e-12)
        cos = jnp.sum(xn * rn, axis=-1)
        e = 1.0 - cos
        contrib = jnp.sum(m_r[..., 0] * e * e) * (1.0 / NUM_MASK)

        @pl.when(i == 0)
        def _():
            out_o[...] = jnp.zeros((1, 1), jnp.float32)

        out_o[...] += jnp.reshape(contrib, (1, 1))

    return pl.pallas_call(
        body,
        grid=(GRID,),
        in_specs=[_tc_spec(128), _tc_spec(128), _tc_spec(128), _tc_spec(1),
                  _full_spec((1, 128)), _full_spec((1, 1)), _tc_spec(128),
                  _tc_spec(1)],
        out_specs=_full_spec((1, 1)),
        out_shape=jax.ShapeDtypeStruct((1, 1), jnp.float32),
    )(p0, p1, t3, dis, bd, a_dec, x, m)


def kernel(x, edge_index, W1, b1, W2, b2, a_enc, W_e2d, Wd, bd, a_dec,
           pos_token):
    f32 = jnp.float32
    ei = edge_index.astype(jnp.int32)
    npadlen = EPAD - E
    pad_i = jnp.arange(npadlen, dtype=jnp.int32)
    src_pad = jnp.concatenate([ei[0], (pad_i * 131) % N]).reshape(NW, NBLK, BLK)
    dst_pad = jnp.concatenate([ei[1], N + pad_i % (NPAD - N)]).reshape(
        NW, NBLK, BLK)
    src_pad2 = src_pad.reshape(NW, NBLK // 2, 2 * BLK)
    dst_pad2 = dst_pad.reshape(NW, NBLK // 2, 2 * BLK)

    perm = jax.random.permutation(jax.random.key(42), N)
    mask_nodes = perm[:NUM_MASK]
    m = jnp.zeros((N,), f32).at[mask_nodes].set(1.0).reshape(N, 1)

    m_pad = jnp.concatenate([m[:, 0], jnp.zeros((NPAD - N,), f32)])
    degp, fsrc, fdst, fcnt = _deg_sc(dst_pad.reshape(NW, EW),
                                     src_pad.reshape(NW, EW), m_pad)
    dis = _tc_dis(degp)
    t1 = _tc_stage1(dis, x, m, pos_token, W1)

    src_pad1 = src_pad
    dst_pad1 = dst_pad
    part1 = _prop128(t1, src_pad1, dst_pad1)
    t2 = _tc_stage2(part1[0], part1[1], t1, dis, b1.reshape(1, 128),
                    a_enc.reshape(1, 1), W2)

    part2 = _prop64(t2, src_pad2, dst_pad2)
    t3 = _tc_stage3(part2[0], part2[1], t2, dis, b2.reshape(1, 64),
                    a_enc.reshape(1, 1), W_e2d, Wd, m)

    part3 = _prop_masked128(t3, fsrc.reshape(NW, NBLK, BLK),
                            fdst.reshape(NW, NBLK, BLK), fcnt)
    out = _tc_stage4(part3[0], part3[1], t3, dis, bd.reshape(1, 128),
                     a_dec.reshape(1, 1), x, m)
    return out[0, 0]

# --- scband reference (transcript-rebuilt; emitter-appended) ---
"""Pipeline reference for scband-jin-2310692405386 (READ-ONLY COPY).

The authoritative reference and input builder live on the scoring server;
editing this copy changes nothing except your own understanding.
"""

import jax, jax.numpy as jnp
import numpy as np

N = 10000
E = 320000
D_IN = 128
D_H = 128
D_L = 64
D_OUT = 128
MASK_RATE = 0.3
ALPHA = 2.0


def _prelu(h, a):
    return jnp.where(h >= 0, h, a * h)


def _normalize(v, eps=1e-12):
    n = jnp.sqrt(jnp.sum(v * v, axis=-1, keepdims=True))
    return v / jnp.maximum(n, eps)


def _gcn(x, src, dst, W, b):
    deg = jnp.zeros((N,), x.dtype).at[dst].add(1.0)
    dis = jnp.where(deg > 0, 1.0 / jnp.sqrt(deg), 0.0)
    norm = dis[src] * dis[dst]
    xw = x @ W
    out = jnp.zeros((N, W.shape[1]), x.dtype).at[dst].add(xw[src] * norm[:, None])
    return out + b


def setup_inputs(seed: int = 0):
    key = jax.random.key(seed)
    ks = jax.random.split(key, 8)
    x = jax.random.normal(ks[0], (N, D_IN), dtype=jnp.float32)
    edge_index = jax.random.randint(ks[1], (2, E), 0, N, dtype=jnp.int32).astype(jnp.int64)
    s = 0.05
    W1 = jax.random.normal(ks[2], (D_IN, D_H), dtype=jnp.float32) * s
    b1 = jnp.zeros((D_H,), jnp.float32)
    W2 = jax.random.normal(ks[3], (D_H, D_L), dtype=jnp.float32) * s
    b2 = jnp.zeros((D_L,), jnp.float32)
    a_enc = jnp.asarray(0.25, jnp.float32)
    W_e2d = jax.random.normal(ks[4], (D_L, D_L), dtype=jnp.float32) * s
    Wd = jax.random.normal(ks[5], (D_L, D_OUT), dtype=jnp.float32) * s
    bd = jnp.zeros((D_OUT,), jnp.float32)
    a_dec = jnp.asarray(0.25, jnp.float32)
    pos_token = jnp.zeros((1, D_IN), jnp.float32)
    return {"x": x, "edge_index": edge_index, "W1": W1, "b1": b1, "W2": W2, "b2": b2,
            "a_enc": a_enc, "W_e2d": W_e2d, "Wd": Wd, "bd": bd, "a_dec": a_dec,
            "pos_token": pos_token}


def reference(x, edge_index, W1, b1, W2, b2, a_enc, W_e2d, Wd, bd, a_dec, pos_token):
    loop = jnp.arange(N, dtype=edge_index.dtype)
    src = jnp.concatenate([edge_index[0], loop])
    dst = jnp.concatenate([edge_index[1], loop])
    perm = jax.random.permutation(jax.random.key(42), N)
    num_mask = int(MASK_RATE * N)
    mask_nodes = perm[:num_mask]
    # mask_feature: out_x[mask_nodes] += pos_enc_mask_token
    out_x = x.at[mask_nodes].add(pos_token[0])
    # Encoder (bn=False -> Identity, dropout=0): GCN -> PReLU -> GCN -> PReLU (shared PReLU param)
    h = _prelu(_gcn(out_x, src, dst, W1, b1), a_enc)
    h = _prelu(_gcn(h, src, dst, W2, b2), a_enc)
    # encoder_to_decoder (Linear, no bias)
    rec = h @ W_e2d.T
    # rec_pos_x[mask_nodes] = 0
    rec = rec.at[mask_nodes].set(0.0)
    # FeatureDecoder: GCN -> PReLU
    rec = _prelu(_gcn(rec, src, dst, Wd, bd), a_dec)
    # sce loss on masked nodes
    xm = _normalize(x[mask_nodes])
    rm = _normalize(rec[mask_nodes])
    cos = jnp.sum(xm * rm, axis=-1)
    loss = jnp.mean((1.0 - cos) ** ALPHA)
    return loss

if __name__ == "__main__":
    import jax
    _d = setup_inputs()
    print(jax.jit(kernel)(*tuple(_d.values())))

</pallas_src>

<mosaic_0001>
#map = affine_map<(d0, d1) -> (0, 0)>
#map1 = affine_map<(d0, d1) -> (0)>
module attributes {stable_mosaic.version = 14 : i64} {
  func.func @_deg_sc(%arg0: i32, %arg1: i32, %arg2: memref<32x10240xi32, #tpu.memory_space<hbm>>, %arg3: memref<32x10240xi32, #tpu.memory_space<hbm>>, %arg4: memref<10240xf32, #tpu.memory_space<hbm>>, %arg5: memref<2x10240xf32, #tpu.memory_space<hbm>>, %arg6: memref<32x10240xi32, #tpu.memory_space<hbm>>, %arg7: memref<32x10240xi32, #tpu.memory_space<hbm>>, %arg8: memref<32x16xi32, #tpu.memory_space<hbm>>, %arg9: memref<10240xi32, #tpu.memory_space<vmem>>, %arg10: memref<10240xi32, #tpu.memory_space<vmem>>, %arg11: memref<10240xf32, #tpu.memory_space<vmem>>, %arg12: memref<10240xi32, #tpu.memory_space<vmem>>, %arg13: memref<10240xi32, #tpu.memory_space<vmem>>, %arg14: memref<16xi32, #tpu.memory_space<vmem>>, %arg15: memref<10240xf32, #tpu.memory_space<vmem>>, %arg16: memref<16x640xf32, #tpu.memory_space<vmem>>, %arg17: memref<16x10240xf32, #tpu.memory_space<vmem_shared>>) attributes {dimension_semantics = [#tpu.dimension_semantics<core_parallel>, #tpu.dimension_semantics<subcore_parallel>], iteration_bounds = array<i64: 2, 16>, scalar_prefetch = 0 : i64, scratch_operands = 9 : i64, tpu.core_type = #tpu.core_type<sc_vector_subcore>, window_params = [{transform_indices = #map}, {transform_indices = #map}, {transform_indices = #map1}, {transform_indices = #map}, {transform_indices = #map}, {transform_indices = #map}, {transform_indices = #map}]} {
    %mul3A = arith.constant 2 : i32
    %mul3A_0 = arith.muli %arg1, %mul3A : i32
    %add3A = arith.addi %mul3A_0, %arg0 : i32
    %broadcast_in_dim3A = arith.constant 0.000000e+00 : f32
    %broadcast_in_dim3A_1 = vector.broadcast %broadcast_in_dim3A : f32 to vector<16xf32>
    %broadcast_in_dim3A_2 = arith.constant 1.000000e+00 : f32
    %broadcast_in_dim3A_3 = vector.broadcast %broadcast_in_dim3A_2 : f32 to vector<16xf32>
    %iota3A = tpu.iota {dimensions = array<i32: 0>} : vector<16xi32>
    %scan3A = arith.constant 0 : i32
    %scan3A_4 = arith.constant 0 : i32
    %scan3A_5 = arith.constant 640 : i32
    %scan3A_6 = arith.addi %scan3A_4, %scan3A_5 : i32
    %scan3A_7 = arith.constant 1 : i32
    %scan3A_8 = scf.for %scan3A_217 = %scan3A_4 to %scan3A_6 step %scan3A_7 iter_args(%scan3A_218 = %scan3A) -> (i32)  : i32 {
      %mul3A_219 = arith.constant 16 : i32
      %mul3A_220 = arith.muli %scan3A_217, %mul3A_219 : i32
      %swap3A_221 = arith.index_cast %mul3A_220 : i32 to index
      %swap3A_222 = tpu.vector_load %arg15[%swap3A_221] {strides = array<i32>} : memref<10240xf32, #tpu.memory_space<vmem>>, vector<16xf32>,
      tpu.vector_store %arg15[%swap3A_221], %broadcast_in_dim3A_1 {strides = array<i32>} : memref<10240xf32, #tpu.memory_space<vmem>>, vector<16xf32>,
      %scan3A_223 = arith.constant 0 : i32
      scf.yield %scan3A_223 : i32
    }
    %scan3A_9 = arith.constant 640 : i32
    "tpu.region"() ({
      %run_scoped3A = tpu.sem_alloc : memref<!tpu.dma_semaphore, #tpu.memory_space<semaphore_mem>>
      %dma_start3A = arith.constant 0 : i32
      %dma_start3A_217 = tpu.memref_slice %arg2[%add3A, %dma_start3A] : memref<32x10240xi32, #tpu.memory_space<hbm>> -> memref<1x10240xi32, #tpu.memory_space<hbm>>
      %dma_start3A_218 = tpu.memref_squeeze %dma_start3A_217 : memref<1x10240xi32, #tpu.memory_space<hbm>> -> memref<10240xi32, #tpu.memory_space<hbm>>
      %dma_start3A_219 = arith.constant 0 : i32
      %dma_start3A_220 = tpu.memref_slice %arg2[%add3A, %dma_start3A_219] : memref<32x10240xi32, #tpu.memory_space<hbm>> -> memref<1x10240xi32, #tpu.memory_space<hbm>>
      %dma_start3A_221 = tpu.memref_squeeze %dma_start3A_220 : memref<1x10240xi32, #tpu.memory_space<hbm>> -> memref<10240xi32, #tpu.memory_space<hbm>>
      tpu.enqueue_dma source(%dma_start3A_221 : memref<10240xi32, #tpu.memory_space<hbm>>) target(%arg9 : memref<10240xi32, #tpu.memory_space<vmem>>) target_semaphore(%run_scoped3A : memref<!tpu.dma_semaphore, #tpu.memory_space<semaphore_mem>>)
      %dma_wait3A = arith.constant 0 : i32
      %dma_wait3A_222 = tpu.memref_slice %arg2[%add3A, %dma_wait3A] : memref<32x10240xi32, #tpu.memory_space<hbm>> -> memref<1x10240xi32, #tpu.memory_space<hbm>>
      %dma_wait3A_223 = tpu.memref_squeeze %dma_wait3A_222 : memref<1x10240xi32, #tpu.memory_space<hbm>> -> memref<10240xi32, #tpu.memory_space<hbm>>
      %dma_wait3A_224 = arith.constant 0 : i32
      %dma_wait3A_225 = tpu.memref_slice %arg2[%add3A, %dma_wait3A_224] : memref<32x10240xi32, #tpu.memory_space<hbm>> -> memref<1x10240xi32, #tpu.memory_space<hbm>>
      %dma_wait3A_226 = tpu.memref_squeeze %dma_wait3A_225 : memref<1x10240xi32, #tpu.memory_space<hbm>> -> memref<10240xi32, #tpu.memory_space<hbm>>
      tpu.wait_dma2 semaphore(%run_scoped3A : memref<!tpu.dma_semaphore, #tpu.memory_space<semaphore_mem>>) src(%dma_wait3A_226 : memref<10240xi32, #tpu.memory_space<hbm>>) dst(%arg9 : memref<10240xi32, #tpu.memory_space<vmem>>)
      tpu.yield
    }) : () -> ()
    "tpu.region"() ({
      %run_scoped3A = tpu.sem_alloc : memref<!tpu.dma_semaphore, #tpu.memory_space<semaphore_mem>>
      %dma_start3A = arith.constant 0 : i32
      %dma_start3A_217 = tpu.memref_slice %arg3[%add3A, %dma_start3A] : memref<32x10240xi32, #tpu.memory_space<hbm>> -> memref<1x10240xi32, #tpu.memory_space<hbm>>
      %dma_start3A_218 = tpu.memref_squeeze %dma_start3A_217 : memref<1x10240xi32, #tpu.memory_space<hbm>> -> memref<10240xi32, #tpu.memory_space<hbm>>
      %dma_start3A_219 = arith.constant 0 : i32
      %dma_start3A_220 = tpu.memref_slice %arg3[%add3A, %dma_start3A_219] : memref<32x10240xi32, #tpu.memory_space<hbm>> -> memref<1x10240xi32, #tpu.memory_space<hbm>>
      %dma_start3A_221 = tpu.memref_squeeze %dma_start3A_220 : memref<1x10240xi32, #tpu.memory_space<hbm>> -> memref<10240xi32, #tpu.memory_space<hbm>>
      tpu.enqueue_dma source(%dma_start3A_221 : memref<10240xi32, #tpu.memory_space<hbm>>) target(%arg10 : memref<10240xi32, #tpu.memory_space<vmem>>) target_semaphore(%run_scoped3A : memref<!tpu.dma_semaphore, #tpu.memory_space<semaphore_mem>>)
      %dma_wait3A = arith.constant 0 : i32
      %dma_wait3A_222 = tpu.memref_slice %arg3[%add3A, %dma_wait3A] : memref<32x10240xi32, #tpu.memory_space<hbm>> -> memref<1x10240xi32, #tpu.memory_space<hbm>>
      %dma_wait3A_223 = tpu.memref_squeeze %dma_wait3A_222 : memref<1x10240xi32, #tpu.memory_space<hbm>> -> memref<10240xi32, #tpu.memory_space<hbm>>
      %dma_wait3A_224 = arith.constant 0 : i32
      %dma_wait3A_225 = tpu.memref_slice %arg3[%add3A, %dma_wait3A_224] : memref<32x10240xi32, #tpu.memory_space<hbm>> -> memref<1x10240xi32, #tpu.memory_space<hbm>>
      %dma_wait3A_226 = tpu.memref_squeeze %dma_wait3A_225 : memref<1x10240xi32, #tpu.memory_space<hbm>> -> memref<10240xi32, #tpu.memory_space<hbm>>
      tpu.wait_dma2 semaphore(%run_scoped3A : memref<!tpu.dma_semaphore, #tpu.memory_space<semaphore_mem>>) src(%dma_wait3A_226 : memref<10240xi32, #tpu.memory_space<hbm>>) dst(%arg10 : memref<10240xi32, #tpu.memory_space<vmem>>)
      tpu.yield
    }) : () -> ()
    "tpu.region"() ({
      %run_scoped3A = tpu.sem_alloc : memref<!tpu.dma_semaphore, #tpu.memory_space<semaphore_mem>>
      tpu.enqueue_dma source(%arg4 : memref<10240xf32, #tpu.memory_space<hbm>>) target(%arg11 : memref<10240xf32, #tpu.memory_space<vmem>>) target_semaphore(%run_scoped3A : memref<!tpu.dma_semaphore, #tpu.memory_space<semaphore_mem>>)
      tpu.wait_dma2 semaphore(%run_scoped3A : memref<!tpu.dma_semaphore, #tpu.memory_space<semaphore_mem>>) src(%arg4 : memref<10240xf32, #tpu.memory_space<hbm>>) dst(%arg11 : memref<10240xf32, #tpu.memory_space<vmem>>)
      tpu.yield
    }) : () -> ()
    %broadcast_in_dim3A_10 = arith.constant 0 : i32
    %broadcast_in_dim3A_11 = vector.broadcast %broadcast_in_dim3A_10 : i32 to vector<16xi32>
    %scan3A_12 = arith.constant 0 : i32
    %scan3A_13 = arith.constant 640 : i32
    %scan3A_14 = arith.addi %scan3A_12, %scan3A_13 : i32
    %scan3A_15 = arith.constant 1 : i32
    %scan3A_16 = scf.for %scan3A_217 = %scan3A_12 to %scan3A_14 step %scan3A_15 iter_args(%scan3A_218 = %broadcast_in_dim3A_11) -> (vector<16xi32>)  : i32 {
      %mul3A_219 = arith.constant 16 : i32
      %mul3A_220 = arith.muli %scan3A_217, %mul3A_219 : i32
      %get3A = arith.index_cast %mul3A_220 : i32 to index
      %get3A_221 = tpu.vector_load %arg9[%get3A] {strides = array<i32>} : memref<10240xi32, #tpu.memory_space<vmem>>, vector<16xi32>,
      tpu.vector_store_idx %arg15[%get3A_221], %broadcast_in_dim3A_3 {add = true} : memref<10240xf32, #tpu.memory_space<vmem>>[vector<16xi32>], vector<16xf32>,
      %mul3A_222 = arith.constant 16 : i32
      %mul3A_223 = arith.muli %scan3A_217, %mul3A_222 : i32
      %get3A_224 = arith.index_cast %mul3A_223 : i32 to index
      %get3A_225 = tpu.vector_load %arg10[%get3A_224] {strides = array<i32>} : memref<10240xi32, #tpu.memory_space<vmem>>, vector<16xi32>,
      %gather3A = tpu.vector_load_idx %arg11[%get3A_221] : memref<10240xf32, #tpu.memory_space<vmem>>[vector<16xi32>], vector<16xf32>,
      %gt3A = arith.constant 0.000000e+00 : f32
      %gt3A_226 = vector.broadcast %gt3A : f32 to vector<16xf32>
      %gt3A_227 = arith.cmpf ogt, %gather3A, %gt3A_226 : vector<16xf32>
      %convert_element_type3A = arith.extui %gt3A_227 : vector<16xi1> to vector<16xi32>
      %broadcast_in_dim3A_228 = arith.constant true
      %broadcast_in_dim3A_229 = vector.broadcast %broadcast_in_dim3A_228 : i1 to vector<16xi1>
      %masked_cumsum3A = tpu.scan <sum>, %convert_element_type3A masked %broadcast_in_dim3A_229 : vector<16xi32>, vector<16xi1> -> vector<16xi32>
      %add3A_230 = arith.addi %scan3A_218, %masked_cumsum3A : vector<16xi32>
      %sub3A_231 = arith.constant 1 : i32
      %sub3A_232 = vector.broadcast %sub3A_231 : i32 to vector<16xi32>
      %sub3A_233 = arith.subi %add3A_230, %sub3A_232 : vector<16xi32>
      tpu.vector_store_idx %arg12[%sub3A_233], %get3A_221 masked %gt3A_227 : memref<10240xi32, #tpu.memory_space<vmem>>[vector<16xi32>], vector<16xi32>, vector<16xi1>
      tpu.vector_store_idx %arg13[%sub3A_233], %get3A_225 masked %gt3A_227 : memref<10240xi32, #tpu.memory_space<vmem>>[vector<16xi32>], vector<16xi32>, vector<16xi1>
      %all_reduce_population_count3A = tpu.all_reduce %gt3A_227 {dim = 0 : i64, kind = #tpu.reduction_kind<sum>} : vector<16xi1> -> vector<16xi32>
      %add3A_234 = arith.addi %scan3A_218, %all_reduce_population_count3A : vector<16xi32>
      scf.yield %add3A_234 : vector<16xi32>
    }
    %scan3A_17 = arith.constant 640 : i32
    %add3A_18 = arith.constant 255 : i32
    %add3A_19 = vector.broadcast %add3A_18 : i32 to vector<16xi32>
    %add3A_20 = arith.addi %scan3A_16, %add3A_19 : vector<16xi32>
    %jit3A = arith.constant 256 : i32
    %div3A = vector.broadcast %jit3A : i32 to vector<16xi32>
    %div3A_21 = arith.divsi %add3A_20, %div3A : vector<16xi32>
    %sign3A = arith.constant 0 : i32
    %sign3A_22 = vector.broadcast %sign3A : i32 to vector<16xi32>
    %sign3A_23 = arith.cmpi sgt, %add3A_20, %sign3A_22 : vector<16xi32>
    %sign3A_24 = arith.extui %sign3A_23 : vector<16xi1> to vector<16xi32>
    %sign3A_25 = arith.constant 0 : i32
    %sign3A_26 = vector.broadcast %sign3A_25 : i32 to vector<16xi32>
    %sign3A_27 = arith.cmpi slt, %add3A_20, %sign3A_26 : vector<16xi32>
    %sign3A_28 = arith.extui %sign3A_27 : vector<16xi1> to vector<16xi32>
    %sign3A_29 = arith.subi %sign3A_24, %sign3A_28 : vector<16xi32>
    %sign3A_30 = arith.constant 0 : i32
    %sign3A_31 = arith.cmpi sgt, %jit3A, %sign3A_30 : i32
    %sign3A_32 = arith.extui %sign3A_31 : i1 to i32
    %sign3A_33 = arith.constant 0 : i32
    %sign3A_34 = arith.cmpi slt, %jit3A, %sign3A_33 : i32
    %sign3A_35 = arith.extui %sign3A_34 : i1 to i32
    %sign3A_36 = arith.subi %sign3A_32, %sign3A_35 : i32
    %ne3A = vector.broadcast %sign3A_36 : i32 to vector<16xi32>
    %ne3A_37 = arith.cmpi ne, %sign3A_29, %ne3A : vector<16xi32>
    %rem3A = vector.broadcast %jit3A : i32 to vector<16xi32>
    %rem3A_38 = arith.remsi %add3A_20, %rem3A : vector<16xi32>
    %ne3A_39 = arith.constant 0 : i32
    %ne3A_40 = vector.broadcast %ne3A_39 : i32 to vector<16xi32>
    %ne3A_41 = arith.cmpi ne, %rem3A_38, %ne3A_40 : vector<16xi32>
    %and3A = arith.andi %ne3A_37, %ne3A_41 : vector<16xi1>
    %sub3A = arith.constant 1 : i32
    %sub3A_42 = vector.broadcast %sub3A : i32 to vector<16xi32>
    %sub3A_43 = arith.subi %div3A_21, %sub3A_42 : vector<16xi32>
    %select_n3A = arith.select %and3A, %sub3A_43, %div3A_21 : vector<16xi1>, vector<16xi32>
    %mul3A_44 = arith.constant 256 : i32
    %mul3A_45 = vector.broadcast %mul3A_44 : i32 to vector<16xi32>
    %mul3A_46 = arith.muli %select_n3A, %mul3A_45 : vector<16xi32>
    %add3A_47 = arith.constant 0 : i32
    %add3A_48 = vector.broadcast %add3A_47 : i32 to vector<16xi32>
    %add3A_49 = arith.addi %scan3A_16, %add3A_48 : vector<16xi32>
    %add3A_50 = arith.addi %add3A_49, %iota3A : vector<16xi32>
    %lt3A = arith.cmpi slt, %add3A_50, %mul3A_46 : vector<16xi32>
    %add3A_51 = arith.constant 10000 : i32
    %add3A_52 = vector.broadcast %add3A_51 : i32 to vector<16xi32>
    %add3A_53 = arith.addi %add3A_52, %iota3A : vector<16xi32>
    tpu.vector_store_idx %arg12[%add3A_50], %add3A_53 masked %lt3A : memref<10240xi32, #tpu.memory_space<vmem>>[vector<16xi32>], vector<16xi32>, vector<16xi1>
    tpu.vector_store_idx %arg13[%add3A_50], %iota3A masked %lt3A : memref<10240xi32, #tpu.memory_space<vmem>>[vector<16xi32>], vector<16xi32>, vector<16xi1>
    %add3A_54 = arith.constant 16 : i32
    %add3A_55 = vector.broadcast %add3A_54 : i32 to vector<16xi32>
    %add3A_56 = arith.addi %scan3A_16, %add3A_55 : vector<16xi32>
    %add3A_57 = arith.addi %add3A_56, %iota3A : vector<16xi32>
    %lt3A_58 = arith.cmpi slt, %add3A_57, %mul3A_46 : vector<16xi32>
    %add3A_59 = arith.constant 10000 : i32
    %add3A_60 = vector.broadcast %add3A_59 : i32 to vector<16xi32>
    %add3A_61 = arith.addi %add3A_60, %iota3A : vector<16xi32>
    tpu.vector_store_idx %arg12[%add3A_57], %add3A_61 masked %lt3A_58 : memref<10240xi32, #tpu.memory_space<vmem>>[vector<16xi32>], vector<16xi32>, vector<16xi1>
    tpu.vector_store_idx %arg13[%add3A_57], %iota3A masked %lt3A_58 : memref<10240xi32, #tpu.memory_space<vmem>>[vector<16xi32>], vector<16xi32>, vector<16xi1>
    %add3A_62 = arith.constant 32 : i32
    %add3A_63 = vector.broadcast %add3A_62 : i32 to vector<16xi32>
    %add3A_64 = arith.addi %scan3A_16, %add3A_63 : vector<16xi32>
    %add3A_65 = arith.addi %add3A_64, %iota3A : vector<16xi32>
    %lt3A_66 = arith.cmpi slt, %add3A_65, %mul3A_46 : vector<16xi32>
    %add3A_67 = arith.constant 10000 : i32
    %add3A_68 = vector.broadcast %add3A_67 : i32 to vector<16xi32>
    %add3A_69 = arith.addi %add3A_68, %iota3A : vector<16xi32>
    tpu.vector_store_idx %arg12[%add3A_65], %add3A_69 masked %lt3A_66 : memref<10240xi32, #tpu.memory_space<vmem>>[vector<16xi32>], vector<16xi32>, vector<16xi1>
    tpu.vector_store_idx %arg13[%add3A_65], %iota3A masked %lt3A_66 : memref<10240xi32, #tpu.memory_space<vmem>>[vector<16xi32>], vector<16xi32>, vector<16xi1>
    %add3A_70 = arith.constant 48 : i32
    %add3A_71 = vector.broadcast %add3A_70 : i32 to vector<16xi32>
    %add3A_72 = arith.addi %scan3A_16, %add3A_71 : vector<16xi32>
    %add3A_73 = arith.addi %add3A_72, %iota3A : vector<16xi32>
    %lt3A_74 = arith.cmpi slt, %add3A_73, %mul3A_46 : vector<16xi32>
    %add3A_75 = arith.constant 10000 : i32
    %add3A_76 = vector.broadcast %add3A_75 : i32 to vector<16xi32>
    %add3A_77 = arith.addi %add3A_76, %iota3A : vector<16xi32>
    tpu.vector_store_idx %arg12[%add3A_73], %add3A_77 masked %lt3A_74 : memref<10240xi32, #tpu.memory_space<vmem>>[vector<16xi32>], vector<16xi32>, vector<16xi1>
    tpu.vector_store_idx %arg13[%add3A_73], %iota3A masked %lt3A_74 : memref<10240xi32, #tpu.memory_space<vmem>>[vector<16xi32>], vector<16xi32>, vector<16xi1>
    %add3A_78 = arith.constant 64 : i32
    %add3A_79 = vector.broadcast %add3A_78 : i32 to vector<16xi32>
    %add3A_80 = arith.addi %scan3A_16, %add3A_79 : vector<16xi32>
    %add3A_81 = arith.addi %add3A_80, %iota3A : vector<16xi32>
    %lt3A_82 = arith.cmpi slt, %add3A_81, %mul3A_46 : vector<16xi32>
    %add3A_83 = arith.constant 10000 : i32
    %add3A_84 = vector.broadcast %add3A_83 : i32 to vector<16xi32>
    %add3A_85 = arith.addi %add3A_84, %iota3A : vector<16xi32>
    tpu.vector_store_idx %arg12[%add3A_81], %add3A_85 masked %lt3A_82 : memref<10240xi32, #tpu.memory_space<vmem>>[vector<16xi32>], vector<16xi32>, vector<16xi1>
    tpu.vector_store_idx %arg13[%add3A_81], %iota3A masked %lt3A_82 : memref<10240xi32, #tpu.memory_space<vmem>>[vector<16xi32>], vector<16xi32>, vector<16xi1>
    %add3A_86 = arith.constant 80 : i32
    %add3A_87 = vector.broadcast %add3A_86 : i32 to vector<16xi32>
    %add3A_88 = arith.addi %scan3A_16, %add3A_87 : vector<16xi32>
    %add3A_89 = arith.addi %add3A_88, %iota3A : vector<16xi32>
    %lt3A_90 = arith.cmpi slt, %add3A_89, %mul3A_46 : vector<16xi32>
    %add3A_91 = arith.constant 10000 : i32
    %add3A_92 = vector.broadcast %add3A_91 : i32 to vector<16xi32>
    %add3A_93 = arith.addi %add3A_92, %iota3A : vector<16xi32>
    tpu.vector_store_idx %arg12[%add3A_89], %add3A_93 masked %lt3A_90 : memref<10240xi32, #tpu.memory_space<vmem>>[vector<16xi32>], vector<16xi32>, vector<16xi1>
    tpu.vector_store_idx %arg13[%add3A_89], %iota3A masked %lt3A_90 : memref<10240xi32, #tpu.memory_space<vmem>>[vector<16xi32>], vector<16xi32>, vector<16xi1>
    %add3A_94 = arith.constant 96 : i32
    %add3A_95 = vector.broadcast %add3A_94 : i32 to vector<16xi32>
    %add3A_96 = arith.addi %scan3A_16, %add3A_95 : vector<16xi32>
    %add3A_97 = arith.addi %add3A_96, %iota3A : vector<16xi32>
    %lt3A_98 = arith.cmpi slt, %add3A_97, %mul3A_46 : vector<16xi32>
    %add3A_99 = arith.constant 10000 : i32
    %add3A_100 = vector.broadcast %add3A_99 : i32 to vector<16xi32>
    %add3A_101 = arith.addi %add3A_100, %iota3A : vector<16xi32>
    tpu.vector_store_idx %arg12[%add3A_97], %add3A_101 masked %lt3A_98 : memref<10240xi32, #tpu.memory_space<vmem>>[vector<16xi32>], vector<16xi32>, vector<16xi1>
    tpu.vector_store_idx %arg13[%add3A_97], %iota3A masked %lt3A_98 : memref<10240xi32, #tpu.memory_space<vmem>>[vector<16xi32>], vector<16xi32>, vector<16xi1>
    %add3A_102 = arith.constant 112 : i32
    %add3A_103 = vector.broadcast %add3A_102 : i32 to vector<16xi32>
    %add3A_104 = arith.addi %scan3A_16, %add3A_103 : vector<16xi32>
    %add3A_105 = arith.addi %add3A_104, %iota3A : vector<16xi32>
    %lt3A_106 = arith.cmpi slt, %add3A_105, %mul3A_46 : vector<16xi32>
    %add3A_107 = arith.constant 10000 : i32
    %add3A_108 = vector.broadcast %add3A_107 : i32 to vector<16xi32>
    %add3A_109 = arith.addi %add3A_108, %iota3A : vector<16xi32>
    tpu.vector_store_idx %arg12[%add3A_105], %add3A_109 masked %lt3A_106 : memref<10240xi32, #tpu.memory_space<vmem>>[vector<16xi32>], vector<16xi32>, vector<16xi1>
    tpu.vector_store_idx %arg13[%add3A_105], %iota3A masked %lt3A_106 : memref<10240xi32, #tpu.memory_space<vmem>>[vector<16xi32>], vector<16xi32>, vector<16xi1>
    %add3A_110 = arith.constant 128 : i32
    %add3A_111 = vector.broadcast %add3A_110 : i32 to vector<16xi32>
    %add3A_112 = arith.addi %scan3A_16, %add3A_111 : vector<16xi32>
    %add3A_113 = arith.addi %add3A_112, %iota3A : vector<16xi32>
    %lt3A_114 = arith.cmpi slt, %add3A_113, %mul3A_46 : vector<16xi32>
    %add3A_115 = arith.constant 10000 : i32
    %add3A_116 = vector.broadcast %add3A_115 : i32 to vector<16xi32>
    %add3A_117 = arith.addi %add3A_116, %iota3A : vector<16xi32>
    tpu.vector_store_idx %arg12[%add3A_113], %add3A_117 masked %lt3A_114 : memref<10240xi32, #tpu.memory_space<vmem>>[vector<16xi32>], vector<16xi32>, vector<16xi1>
    tpu.vector_store_idx %arg13[%add3A_113], %iota3A masked %lt3A_114 : memref<10240xi32, #tpu.memory_space<vmem>>[vector<16xi32>], vector<16xi32>, vector<16xi1>
    %add3A_118 = arith.constant 144 : i32
    %add3A_119 = vector.broadcast %add3A_118 : i32 to vector<16xi32>
    %add3A_120 = arith.addi %scan3A_16, %add3A_119 : vector<16xi32>
    %add3A_121 = arith.addi %add3A_120, %iota3A : vector<16xi32>
    %lt3A_122 = arith.cmpi slt, %add3A_121, %mul3A_46 : vector<16xi32>
    %add3A_123 = arith.constant 10000 : i32
    %add3A_124 = vector.broadcast %add3A_123 : i32 to vector<16xi32>
    %add3A_125 = arith.addi %add3A_124, %iota3A : vector<16xi32>
    tpu.vector_store_idx %arg12[%add3A_121], %add3A_125 masked %lt3A_122 : memref<10240xi32, #tpu.memory_space<vmem>>[vector<16xi32>], vector<16xi32>, vector<16xi1>
    tpu.vector_store_idx %arg13[%add3A_121], %iota3A masked %lt3A_122 : memref<10240xi32, #tpu.memory_space<vmem>>[vector<16xi32>], vector<16xi32>, vector<16xi1>
    %add3A_126 = arith.constant 160 : i32
    %add3A_127 = vector.broadcast %add3A_126 : i32 to vector<16xi32>
    %add3A_128 = arith.addi %scan3A_16, %add3A_127 : vector<16xi32>
    %add3A_129 = arith.addi %add3A_128, %iota3A : vector<16xi32>
    %lt3A_130 = arith.cmpi slt, %add3A_129, %mul3A_46 : vector<16xi32>
    %add3A_131 = arith.constant 10000 : i32
    %add3A_132 = vector.broadcast %add3A_131 : i32 to vector<16xi32>
    %add3A_133 = arith.addi %add3A_132, %iota3A : vector<16xi32>
    tpu.vector_store_idx %arg12[%add3A_129], %add3A_133 masked %lt3A_130 : memref<10240xi32, #tpu.memory_space<vmem>>[vector<16xi32>], vector<16xi32>, vector<16xi1>
    tpu.vector_store_idx %arg13[%add3A_129], %iota3A masked %lt3A_130 : memref<10240xi32, #tpu.memory_space<vmem>>[vector<16xi32>], vector<16xi32>, vector<16xi1>
    %add3A_134 = arith.constant 176 : i32
    %add3A_135 = vector.broadcast %add3A_134 : i32 to vector<16xi32>
    %add3A_136 = arith.addi %scan3A_16, %add3A_135 : vector<16xi32>
    %add3A_137 = arith.addi %add3A_136, %iota3A : vector<16xi32>
    %lt3A_138 = arith.cmpi slt, %add3A_137, %mul3A_46 : vector<16xi32>
    %add3A_139 = arith.constant 10000 : i32
    %add3A_140 = vector.broadcast %add3A_139 : i32 to vector<16xi32>
    %add3A_141 = arith.addi %add3A_140, %iota3A : vector<16xi32>
    tpu.vector_store_idx %arg12[%add3A_137], %add3A_141 masked %lt3A_138 : memref<10240xi32, #tpu.memory_space<vmem>>[vector<16xi32>], vector<16xi32>, vector<16xi1>
    tpu.vector_store_idx %arg13[%add3A_137], %iota3A masked %lt3A_138 : memref<10240xi32, #tpu.memory_space<vmem>>[vector<16xi32>], vector<16xi32>, vector<16xi1>
    %add3A_142 = arith.constant 192 : i32
    %add3A_143 = vector.broadcast %add3A_142 : i32 to vector<16xi32>
    %add3A_144 = arith.addi %scan3A_16, %add3A_143 : vector<16xi32>
    %add3A_145 = arith.addi %add3A_144, %iota3A : vector<16xi32>
    %lt3A_146 = arith.cmpi slt, %add3A_145, %mul3A_46 : vector<16xi32>
    %add3A_147 = arith.constant 10000 : i32
    %add3A_148 = vector.broadcast %add3A_147 : i32 to vector<16xi32>
    %add3A_149 = arith.addi %add3A_148, %iota3A : vector<16xi32>
    tpu.vector_store_idx %arg12[%add3A_145], %add3A_149 masked %lt3A_146 : memref<10240xi32, #tpu.memory_space<vmem>>[vector<16xi32>], vector<16xi32>, vector<16xi1>
    tpu.vector_store_idx %arg13[%add3A_145], %iota3A masked %lt3A_146 : memref<10240xi32, #tpu.memory_space<vmem>>[vector<16xi32>], vector<16xi32>, vector<16xi1>
    %add3A_150 = arith.constant 208 : i32
    %add3A_151 = vector.broadcast %add3A_150 : i32 to vector<16xi32>
    %add3A_152 = arith.addi %scan3A_16, %add3A_151 : vector<16xi32>
    %add3A_153 = arith.addi %add3A_152, %iota3A : vector<16xi32>
    %lt3A_154 = arith.cmpi slt, %add3A_153, %mul3A_46 : vector<16xi32>
    %add3A_155 = arith.constant 10000 : i32
    %add3A_156 = vector.broadcast %add3A_155 : i32 to vector<16xi32>
    %add3A_157 = arith.addi %add3A_156, %iota3A : vector<16xi32>
    tpu.vector_store_idx %arg12[%add3A_153], %add3A_157 masked %lt3A_154 : memref<10240xi32, #tpu.memory_space<vmem>>[vector<16xi32>], vector<16xi32>, vector<16xi1>
    tpu.vector_store_idx %arg13[%add3A_153], %iota3A masked %lt3A_154 : memref<10240xi32, #tpu.memory_space<vmem>>[vector<16xi32>], vector<16xi32>, vector<16xi1>
    %add3A_158 = arith.constant 224 : i32
    %add3A_159 = vector.broadcast %add3A_158 : i32 to vector<16xi32>
    %add3A_160 = arith.addi %scan3A_16, %add3A_159 : vector<16xi32>
    %add3A_161 = arith.addi %add3A_160, %iota3A : vector<16xi32>
    %lt3A_162 = arith.cmpi slt, %add3A_161, %mul3A_46 : vector<16xi32>
    %add3A_163 = arith.constant 10000 : i32
    %add3A_164 = vector.broadcast %add3A_163 : i32 to vector<16xi32>
    %add3A_165 = arith.addi %add3A_164, %iota3A : vector<16xi32>
    tpu.vector_store_idx %arg12[%add3A_161], %add3A_165 masked %lt3A_162 : memref<10240xi32, #tpu.memory_space<vmem>>[vector<16xi32>], vector<16xi32>, vector<16xi1>
    tpu.vector_store_idx %arg13[%add3A_161], %iota3A masked %lt3A_162 : memref<10240xi32, #tpu.memory_space<vmem>>[vector<16xi32>], vector<16xi32>, vector<16xi1>
    %add3A_166 = arith.constant 240 : i32
    %add3A_167 = vector.broadcast %add3A_166 : i32 to vector<16xi32>
    %add3A_168 = arith.addi %scan3A_16, %add3A_167 : vector<16xi32>
    %add3A_169 = arith.addi %add3A_168, %iota3A : vector<16xi32>
    %lt3A_170 = arith.cmpi slt, %add3A_169, %mul3A_46 : vector<16xi32>
    %add3A_171 = arith.constant 10000 : i32
    %add3A_172 = vector.broadcast %add3A_171 : i32 to vector<16xi32>
    %add3A_173 = arith.addi %add3A_172, %iota3A : vector<16xi32>
    tpu.vector_store_idx %arg12[%add3A_169], %add3A_173 masked %lt3A_170 : memref<10240xi32, #tpu.memory_space<vmem>>[vector<16xi32>], vector<16xi32>, vector<16xi1>
    tpu.vector_store_idx %arg13[%add3A_169], %iota3A masked %lt3A_170 : memref<10240xi32, #tpu.memory_space<vmem>>[vector<16xi32>], vector<16xi32>, vector<16xi1>
    %jit3A_174 = arith.constant 256 : i32
    %div3A_175 = vector.broadcast %jit3A_174 : i32 to vector<16xi32>
    %div3A_176 = arith.divsi %mul3A_46, %div3A_175 : vector<16xi32>
    %sign3A_177 = arith.constant 0 : i32
    %sign3A_178 = vector.broadcast %sign3A_177 : i32 to vector<16xi32>
    %sign3A_179 = arith.cmpi sgt, %mul3A_46, %sign3A_178 : vector<16xi32>
    %sign3A_180 = arith.extui %sign3A_179 : vector<16xi1> to vector<16xi32>
    %sign3A_181 = arith.constant 0 : i32
    %sign3A_182 = vector.broadcast %sign3A_181 : i32 to vector<16xi32>
    %sign3A_183 = arith.cmpi slt, %mul3A_46, %sign3A_182 : vector<16xi32>
    %sign3A_184 = arith.extui %sign3A_183 : vector<16xi1> to vector<16xi32>
    %sign3A_185 = arith.subi %sign3A_180, %sign3A_184 : vector<16xi32>
    %sign3A_186 = arith.constant 0 : i32
    %sign3A_187 = arith.cmpi sgt, %jit3A_174, %sign3A_186 : i32
    %sign3A_188 = arith.extui %sign3A_187 : i1 to i32
    %sign3A_189 = arith.constant 0 : i32
    %sign3A_190 = arith.cmpi slt, %jit3A_174, %sign3A_189 : i32
    %sign3A_191 = arith.extui %sign3A_190 : i1 to i32
    %sign3A_192 = arith.subi %sign3A_188, %sign3A_191 : i32
    %ne3A_193 = vector.broadcast %sign3A_192 : i32 to vector<16xi32>
    %ne3A_194 = arith.cmpi ne, %sign3A_185, %ne3A_193 : vector<16xi32>
    %rem3A_195 = vector.broadcast %jit3A_174 : i32 to vector<16xi32>
    %rem3A_196 = arith.remsi %mul3A_46, %rem3A_195 : vector<16xi32>
    %ne3A_197 = arith.constant 0 : i32
    %ne3A_198 = vector.broadcast %ne3A_197 : i32 to vector<16xi32>
    %ne3A_199 = arith.cmpi ne, %rem3A_196, %ne3A_198 : vector<16xi32>
    %and3A_200 = arith.andi %ne3A_194, %ne3A_199 : vector<16xi1>
    %sub3A_201 = arith.constant 1 : i32
    %sub3A_202 = vector.broadcast %sub3A_201 : i32 to vector<16xi32>
    %sub3A_203 = arith.subi %div3A_176, %sub3A_202 : vector<16xi32>
    %select_n3A_204 = arith.select %and3A_200, %sub3A_203, %div3A_176 : vector<16xi1>, vector<16xi32>
    %swap3A = arith.constant 0 : index
    %swap3A_205 = tpu.vector_load %arg14[%swap3A] {strides = array<i32>} : memref<16xi32, #tpu.memory_space<vmem>>, vector<16xi32>,
    tpu.vector_store %arg14[%swap3A], %select_n3A_204 {strides = array<i32>} : memref<16xi32, #tpu.memory_space<vmem>>, vector<16xi32>,
    "tpu.region"() ({
      %run_scoped3A = tpu.sem_alloc : memref<!tpu.dma_semaphore, #tpu.memory_space<semaphore_mem>>
      %dma_start3A = arith.constant 0 : i32
      %dma_start3A_217 = tpu.memref_slice %arg6[%add3A, %dma_start3A] : memref<32x10240xi32, #tpu.memory_space<hbm>> -> memref<1x10240xi32, #tpu.memory_space<hbm>>
      %dma_start3A_218 = tpu.memref_squeeze %dma_start3A_217 : memref<1x10240xi32, #tpu.memory_space<hbm>> -> memref<10240xi32, #tpu.memory_space<hbm>>
      %dma_start3A_219 = arith.constant 0 : i32
      %dma_start3A_220 = tpu.memref_slice %arg6[%add3A, %dma_start3A_219] : memref<32x10240xi32, #tpu.memory_space<hbm>> -> memref<1x10240xi32, #tpu.memory_space<hbm>>
      %dma_start3A_221 = tpu.memref_squeeze %dma_start3A_220 : memref<1x10240xi32, #tpu.memory_space<hbm>> -> memref<10240xi32, #tpu.memory_space<hbm>>
      tpu.enqueue_dma source(%arg13 : memref<10240xi32, #tpu.memory_space<vmem>>) target(%dma_start3A_221 : memref<10240xi32, #tpu.memory_space<hbm>>) target_semaphore(%run_scoped3A : memref<!tpu.dma_semaphore, #tpu.memory_space<semaphore_mem>>)
      %dma_wait3A = arith.constant 0 : i32
      %dma_wait3A_222 = tpu.memref_slice %arg6[%add3A, %dma_wait3A] : memref<32x10240xi32, #tpu.memory_space<hbm>> -> memref<1x10240xi32, #tpu.memory_space<hbm>>
      %dma_wait3A_223 = tpu.memref_squeeze %dma_wait3A_222 : memref<1x10240xi32, #tpu.memory_space<hbm>> -> memref<10240xi32, #tpu.memory_space<hbm>>
      %dma_wait3A_224 = arith.constant 0 : i32
      %dma_wait3A_225 = tpu.memref_slice %arg6[%add3A, %dma_wait3A_224] : memref<32x10240xi32, #tpu.memory_space<hbm>> -> memref<1x10240xi32, #tpu.memory_space<hbm>>
      %dma_wait3A_226 = tpu.memref_squeeze %dma_wait3A_225 : memref<1x10240xi32, #tpu.memory_space<hbm>> -> memref<10240xi32, #tpu.memory_space<hbm>>
      tpu.wait_dma2 semaphore(%run_scoped3A : memref<!tpu.dma_semaphore, #tpu.memory_space<semaphore_mem>>) src(%arg13 : memref<10240xi32, #tpu.memory_space<vmem>>) dst(%dma_wait3A_226 : memref<10240xi32, #tpu.memory_space<hbm>>)
      tpu.yield
    }) : () -> ()
    "tpu.region"() ({
      %run_scoped3A = tpu.sem_alloc : memref<!tpu.dma_semaphore, #tpu.memory_space<semaphore_mem>>
      %dma_start3A = arith.constant 0 : i32
      %dma_start3A_217 = tpu.memref_slice %arg7[%add3A, %dma_start3A] : memref<32x10240xi32, #tpu.memory_space<hbm>> -> memref<1x10240xi32, #tpu.memory_space<hbm>>
      %dma_start3A_218 = tpu.memref_squeeze %dma_start3A_217 : memref<1x10240xi32, #tpu.memory_space<hbm>> -> memref<10240xi32, #tpu.memory_space<hbm>>
      %dma_start3A_219 = arith.constant 0 : i32
      %dma_start3A_220 = tpu.memref_slice %arg7[%add3A, %dma_start3A_219] : memref<32x10240xi32, #tpu.memory_space<hbm>> -> memref<1x10240xi32, #tpu.memory_space<hbm>>
      %dma_start3A_221 = tpu.memref_squeeze %dma_start3A_220 : memref<1x10240xi32, #tpu.memory_space<hbm>> -> memref<10240xi32, #tpu.memory_space<hbm>>
      tpu.enqueue_dma source(%arg12 : memref<10240xi32, #tpu.memory_space<vmem>>) target(%dma_start3A_221 : memref<10240xi32, #tpu.memory_space<hbm>>) target_semaphore(%run_scoped3A : memref<!tpu.dma_semaphore, #tpu.memory_space<semaphore_mem>>)
      %dma_wait3A = arith.constant 0 : i32
      %dma_wait3A_222 = tpu.memref_slice %arg7[%add3A, %dma_wait3A] : memref<32x10240xi32, #tpu.memory_space<hbm>> -> memref<1x10240xi32, #tpu.memory_space<hbm>>
      %dma_wait3A_223 = tpu.memref_squeeze %dma_wait3A_222 : memref<1x10240xi32, #tpu.memory_space<hbm>> -> memref<10240xi32, #tpu.memory_space<hbm>>
      %dma_wait3A_224 = arith.constant 0 : i32
      %dma_wait3A_225 = tpu.memref_slice %arg7[%add3A, %dma_wait3A_224] : memref<32x10240xi32, #tpu.memory_space<hbm>> -> memref<1x10240xi32, #tpu.memory_space<hbm>>
      %dma_wait3A_226 = tpu.memref_squeeze %dma_wait3A_225 : memref<1x10240xi32, #tpu.memory_space<hbm>> -> memref<10240xi32, #tpu.memory_space<hbm>>
      tpu.wait_dma2 semaphore(%run_scoped3A : memref<!tpu.dma_semaphore, #tpu.memory_space<semaphore_mem>>) src(%arg12 : memref<10240xi32, #tpu.memory_space<vmem>>) dst(%dma_wait3A_226 : memref<10240xi32, #tpu.memory_space<hbm>>)
      tpu.yield
    }) : () -> ()
    "tpu.region"() ({
      %run_scoped3A = tpu.sem_alloc : memref<!tpu.dma_semaphore, #tpu.memory_space<semaphore_mem>>
      %dma_start3A = arith.constant 0 : i32
      %dma_start3A_217 = tpu.memref_slice %arg8[%add3A, %dma_start3A] : memref<32x16xi32, #tpu.memory_space<hbm>> -> memref<1x16xi32, #tpu.memory_space<hbm>>
      %dma_start3A_218 = tpu.memref_squeeze %dma_start3A_217 : memref<1x16xi32, #tpu.memory_space<hbm>> -> memref<16xi32, #tpu.memory_space<hbm>>
      %dma_start3A_219 = arith.constant 0 : i32
      %dma_start3A_220 = tpu.memref_slice %arg8[%add3A, %dma_start3A_219] : memref<32x16xi32, #tpu.memory_space<hbm>> -> memref<1x16xi32, #tpu.memory_space<hbm>>
      %dma_start3A_221 = tpu.memref_squeeze %dma_start3A_220 : memref<1x16xi32, #tpu.memory_space<hbm>> -> memref<16xi32, #tpu.memory_space<hbm>>
      tpu.enqueue_dma source(%arg14 : memref<16xi32, #tpu.memory_space<vmem>>) target(%dma_start3A_221 : memref<16xi32, #tpu.memory_space<hbm>>) target_semaphore(%run_scoped3A : memref<!tpu.dma_semaphore, #tpu.memory_space<semaphore_mem>>)
      %dma_wait3A = arith.constant 0 : i32
      %dma_wait3A_222 = tpu.memref_slice %arg8[%add3A, %dma_wait3A] : memref<32x16xi32, #tpu.memory_space<hbm>> -> memref<1x16xi32, #tpu.memory_space<hbm>>
      %dma_wait3A_223 = tpu.memref_squeeze %dma_wait3A_222 : memref<1x16xi32, #tpu.memory_space<hbm>> -> memref<16xi32, #tpu.memory_space<hbm>>
      %dma_wait3A_224 = arith.constant 0 : i32
      %dma_wait3A_225 = tpu.memref_slice %arg8[%add3A, %dma_wait3A_224] : memref<32x16xi32, #tpu.memory_space<hbm>> -> memref<1x16xi32, #tpu.memory_space<hbm>>
      %dma_wait3A_226 = tpu.memref_squeeze %dma_wait3A_225 : memref<1x16xi32, #tpu.memory_space<hbm>> -> memref<16xi32, #tpu.memory_space<hbm>>
      tpu.wait_dma2 semaphore(%run_scoped3A : memref<!tpu.dma_semaphore, #tpu.memory_space<semaphore_mem>>) src(%arg14 : memref<16xi32, #tpu.memory_space<vmem>>) dst(%dma_wait3A_226 : memref<16xi32, #tpu.memory_space<hbm>>)
      tpu.yield
    }) : () -> ()
    "tpu.region"() ({
      %run_scoped3A = tpu.sem_alloc : memref<!tpu.dma_semaphore, #tpu.memory_space<semaphore_mem>>
      %dma_start3A = arith.constant 0 : i32
      %dma_start3A_217 = tpu.memref_slice %arg17[%arg1, %dma_start3A] : memref<16x10240xf32, #tpu.memory_space<vmem_shared>> -> memref<1x10240xf32, #tpu.memory_space<vmem_shared>>
      %dma_start3A_218 = tpu.memref_squeeze %dma_start3A_217 : memref<1x10240xf32, #tpu.memory_space<vmem_shared>> -> memref<10240xf32, #tpu.memory_space<vmem_shared>>
      %dma_start3A_219 = arith.constant 0 : i32
      %dma_start3A_220 = tpu.memref_slice %arg17[%arg1, %dma_start3A_219] : memref<16x10240xf32, #tpu.memory_space<vmem_shared>> -> memref<1x10240xf32, #tpu.memory_space<vmem_shared>>
      %dma_start3A_221 = tpu.memref_squeeze %dma_start3A_220 : memref<1x10240xf32, #tpu.memory_space<vmem_shared>> -> memref<10240xf32, #tpu.memory_space<vmem_shared>>
      tpu.enqueue_dma source(%arg15 : memref<10240xf32, #tpu.memory_space<vmem>>) target(%dma_start3A_221 : memref<10240xf32, #tpu.memory_space<vmem_shared>>) target_semaphore(%run_scoped3A : memref<!tpu.dma_semaphore, #tpu.memory_space<semaphore_mem>>)
      %dma_wait3A = arith.constant 0 : i32
      %dma_wait3A_222 = tpu.memref_slice %arg17[%arg1, %dma_wait3A] : memref<16x10240xf32, #tpu.memory_space<vmem_shared>> -> memref<1x10240xf32, #tpu.memory_space<vmem_shared>>
      %dma_wait3A_223 = tpu.memref_squeeze %dma_wait3A_222 : memref<1x10240xf32, #tpu.memory_space<vmem_shared>> -> memref<10240xf32, #tpu.memory_space<vmem_shared>>
      %dma_wait3A_224 = arith.constant 0 : i32
      %dma_wait3A_225 = tpu.memref_slice %arg17[%arg1, %dma_wait3A_224] : memref<16x10240xf32, #tpu.memory_space<vmem_shared>> -> memref<1x10240xf32, #tpu.memory_space<vmem_shared>>
      %dma_wait3A_226 = tpu.memref_squeeze %dma_wait3A_225 : memref<1x10240xf32, #tpu.memory_space<vmem_shared>> -> memref<10240xf32, #tpu.memory_space<vmem_shared>>
      tpu.wait_dma2 semaphore(%run_scoped3A : memref<!tpu.dma_semaphore, #tpu.memory_space<semaphore_mem>>) src(%arg15 : memref<10240xf32, #tpu.memory_space<vmem>>) dst(%dma_wait3A_226 : memref<10240xf32, #tpu.memory_space<vmem_shared>>)
      tpu.yield
    }) : () -> ()
    %barrier3A = arith.constant 0 : index
    tpu.barrier barrier_id(%barrier3A)
    %mul3A_206 = arith.constant 640 : i32
    %mul3A_207 = arith.muli %arg1, %mul3A_206 : i32
    "tpu.region"() ({
      %run_scoped3A = tpu.sem_alloc : memref<!tpu.dma_semaphore, #tpu.memory_space<semaphore_mem>>
      %dma_start3A = arith.constant 0 : i32
      %dma_start3A_217 = tpu.memref_slice %arg17[%dma_start3A, %mul3A_207] : memref<16x10240xf32, #tpu.memory_space<vmem_shared>> -> memref<16x640xf32, #tpu.memory_space<vmem_shared>>
      %dma_start3A_218 = arith.constant 0 : i32
      %dma_start3A_219 = tpu.memref_slice %arg17[%dma_start3A_218, %mul3A_207] : memref<16x10240xf32, #tpu.memory_space<vmem_shared>> -> memref<16x640xf32, #tpu.memory_space<vmem_shared>>
      tpu.enqueue_dma source(%dma_start3A_219 : memref<16x640xf32, #tpu.memory_space<vmem_shared>>) target(%arg16 : memref<16x640xf32, #tpu.memory_space<vmem>>) target_semaphore(%run_scoped3A : memref<!tpu.dma_semaphore, #tpu.memory_space<semaphore_mem>>)
      %dma_wait3A = arith.constant 0 : i32
      %dma_wait3A_220 = tpu.memref_slice %arg17[%dma_wait3A, %mul3A_207] : memref<16x10240xf32, #tpu.memory_space<vmem_shared>> -> memref<16x640xf32, #tpu.memory_space<vmem_shared>>
      %dma_wait3A_221 = arith.constant 0 : i32
      %dma_wait3A_222 = tpu.memref_slice %arg17[%dma_wait3A_221, %mul3A_207] : memref<16x10240xf32, #tpu.memory_space<vmem_shared>> -> memref<16x640xf32, #tpu.memory_space<vmem_shared>>
      tpu.wait_dma2 semaphore(%run_scoped3A : memref<!tpu.dma_semaphore, #tpu.memory_space<semaphore_mem>>) src(%dma_wait3A_222 : memref<16x640xf32, #tpu.memory_space<vmem_shared>>) dst(%arg16 : memref<16x640xf32, #tpu.memory_space<vmem>>)
      tpu.yield
    }) : () -> ()
    %scan3A_208 = arith.constant 0 : i32
    %scan3A_209 = arith.constant 0 : i32
    %scan3A_210 = arith.constant 40 : i32
    %scan3A_211 = arith.addi %scan3A_209, %scan3A_210 : i32
    %scan3A_212 = arith.constant 1 : i32
    %scan3A_213 = scf.for %scan3A_217 = %scan3A_209 to %scan3A_211 step %scan3A_212 iter_args(%scan3A_218 = %scan3A_208) -> (i32)  : i32 {
      %mul3A_219 = arith.constant 16 : i32
      %mul3A_220 = arith.muli %scan3A_217, %mul3A_219 : i32
      %get3A = arith.constant 0 : i32
      %get3A_221 = arith.index_cast %get3A : i32 to index
      %get3A_222 = arith.index_cast %mul3A_220 : i32 to index
      %get3A_223 = tpu.vector_load %arg16[%get3A_221, %get3A_222] {strides = array<i32>} : memref<16x640xf32, #tpu.memory_space<vmem>>, vector<16xf32>,
      %add3A_224 = arith.addf %broadcast_in_dim3A_1, %get3A_223 : vector<16xf32>
      %mul3A_225 = arith.constant 16 : i32
      %mul3A_226 = arith.muli %scan3A_217, %mul3A_225 : i32
      %get3A_227 = arith.constant 1 : i32
      %get3A_228 = arith.index_cast %get3A_227 : i32 to index
      %get3A_229 = arith.index_cast %mul3A_226 : i32 to index
      %get3A_230 = tpu.vector_load %arg16[%get3A_228, %get3A_229] {strides = array<i32>} : memref<16x640xf32, #tpu.memory_space<vmem>>, vector<16xf32>,
      %add3A_231 = arith.addf %add3A_224, %get3A_230 : vector<16xf32>
      %mul3A_232 = arith.constant 16 : i32
      %mul3A_233 = arith.muli %scan3A_217, %mul3A_232 : i32
      %get3A_234 = arith.constant 2 : i32
      %get3A_235 = arith.index_cast %get3A_234 : i32 to index
      %get3A_236 = arith.index_cast %mul3A_233 : i32 to index
      %get3A_237 = tpu.vector_load %arg16[%get3A_235, %get3A_236] {strides = array<i32>} : memref<16x640xf32, #tpu.memory_space<vmem>>, vector<16xf32>,
      %add3A_238 = arith.addf %add3A_231, %get3A_237 : vector<16xf32>
      %mul3A_239 = arith.constant 16 : i32
      %mul3A_240 = arith.muli %scan3A_217, %mul3A_239 : i32
      %get3A_241 = arith.constant 3 : i32
      %get3A_242 = arith.index_cast %get3A_241 : i32 to index
      %get3A_243 = arith.index_cast %mul3A_240 : i32 to index
      %get3A_244 = tpu.vector_load %arg16[%get3A_242, %get3A_243] {strides = array<i32>} : memref<16x640xf32, #tpu.memory_space<vmem>>, vector<16xf32>,
      %add3A_245 = arith.addf %add3A_238, %get3A_244 : vector<16xf32>
      %mul3A_246 = arith.constant 16 : i32
      %mul3A_247 = arith.muli %scan3A_217, %mul3A_246 : i32
      %get3A_248 = arith.constant 4 : i32
      %get3A_249 = arith.index_cast %get3A_248 : i32 to index
      %get3A_250 = arith.index_cast %mul3A_247 : i32 to index
      %get3A_251 = tpu.vector_load %arg16[%get3A_249, %get3A_250] {strides = array<i32>} : memref<16x640xf32, #tpu.memory_space<vmem>>, vector<16xf32>,
      %add3A_252 = arith.addf %add3A_245, %get3A_251 : vector<16xf32>
      %mul3A_253 = arith.constant 16 : i32
      %mul3A_254 = arith.muli %scan3A_217, %mul3A_253 : i32
      %get3A_255 = arith.constant 5 : i32
      %get3A_256 = arith.index_cast %get3A_255 : i32 to index
      %get3A_257 = arith.index_cast %mul3A_254 : i32 to index
      %get3A_258 = tpu.vector_load %arg16[%get3A_256, %get3A_257] {strides = array<i32>} : memref<16x640xf32, #tpu.memory_space<vmem>>, vector<16xf32>,
      %add3A_259 = arith.addf %add3A_252, %get3A_258 : vector<16xf32>
      %mul3A_260 = arith.constant 16 : i32
      %mul3A_261 = arith.muli %scan3A_217, %mul3A_260 : i32
      %get3A_262 = arith.constant 6 : i32
      %get3A_263 = arith.index_cast %get3A_262 : i32 to index
      %get3A_264 = arith.index_cast %mul3A_261 : i32 to index
      %get3A_265 = tpu.vector_load %arg16[%get3A_263, %get3A_264] {strides = array<i32>} : memref<16x640xf32, #tpu.memory_space<vmem>>, vector<16xf32>,
      %add3A_266 = arith.addf %add3A_259, %get3A_265 : vector<16xf32>
      %mul3A_267 = arith.constant 16 : i32
      %mul3A_268 = arith.muli %scan3A_217, %mul3A_267 : i32
      %get3A_269 = arith.constant 7 : i32
      %get3A_270 = arith.index_cast %get3A_269 : i32 to index
      %get3A_271 = arith.index_cast %mul3A_268 : i32 to index
      %get3A_272 = tpu.vector_load %arg16[%get3A_270, %get3A_271] {strides = array<i32>} : memref<16x640xf32, #tpu.memory_space<vmem>>, vector<16xf32>,
      %add3A_273 = arith.addf %add3A_266, %get3A_272 : vector<16xf32>
      %mul3A_274 = arith.constant 16 : i32
      %mul3A_275 = arith.muli %scan3A_217, %mul3A_274 : i32
      %get3A_276 = arith.constant 8 : i32
      %get3A_277 = arith.index_cast %get3A_276 : i32 to index
      %get3A_278 = arith.index_cast %mul3A_275 : i32 to index
      %get3A_279 = tpu.vector_load %arg16[%get3A_277, %get3A_278] {strides = array<i32>} : memref<16x640xf32, #tpu.memory_space<vmem>>, vector<16xf32>,
      %add3A_280 = arith.addf %add3A_273, %get3A_279 : vector<16xf32>
      %mul3A_281 = arith.constant 16 : i32
      %mul3A_282 = arith.muli %scan3A_217, %mul3A_281 : i32
      %get3A_283 = arith.constant 9 : i32
      %get3A_284 = arith.index_cast %get3A_283 : i32 to index
      %get3A_285 = arith.index_cast %mul3A_282 : i32 to index
      %get3A_286 = tpu.vector_load %arg16[%get3A_284, %get3A_285] {strides = array<i32>} : memref<16x640xf32, #tpu.memory_space<vmem>>, vector<16xf32>,
      %add3A_287 = arith.addf %add3A_280, %get3A_286 : vector<16xf32>
      %mul3A_288 = arith.constant 16 : i32
      %mul3A_289 = arith.muli %scan3A_217, %mul3A_288 : i32
      %get3A_290 = arith.constant 10 : i32
      %get3A_291 = arith.index_cast %get3A_290 : i32 to index
      %get3A_292 = arith.index_cast %mul3A_289 : i32 to index
      %get3A_293 = tpu.vector_load %arg16[%get3A_291, %get3A_292] {strides = array<i32>} : memref<16x640xf32, #tpu.memory_space<vmem>>, vector<16xf32>,
      %add3A_294 = arith.addf %add3A_287, %get3A_293 : vector<16xf32>
      %mul3A_295 = arith.constant 16 : i32
      %mul3A_296 = arith.muli %scan3A_217, %mul3A_295 : i32
      %get3A_297 = arith.constant 11 : i32
      %get3A_298 = arith.index_cast %get3A_297 : i32 to index
      %get3A_299 = arith.index_cast %mul3A_296 : i32 to index
      %get3A_300 = tpu.vector_load %arg16[%get3A_298, %get3A_299] {strides = array<i32>} : memref<16x640xf32, #tpu.memory_space<vmem>>, vector<16xf32>,
      %add3A_301 = arith.addf %add3A_294, %get3A_300 : vector<16xf32>
      %mul3A_302 = arith.constant 16 : i32
      %mul3A_303 = arith.muli %scan3A_217, %mul3A_302 : i32
      %get3A_304 = arith.constant 12 : i32
      %get3A_305 = arith.index_cast %get3A_304 : i32 to index
      %get3A_306 = arith.index_cast %mul3A_303 : i32 to index
      %get3A_307 = tpu.vector_load %arg16[%get3A_305, %get3A_306] {strides = array<i32>} : memref<16x640xf32, #tpu.memory_space<vmem>>, vector<16xf32>,
      %add3A_308 = arith.addf %add3A_301, %get3A_307 : vector<16xf32>
      %mul3A_309 = arith.constant 16 : i32
      %mul3A_310 = arith.muli %scan3A_217, %mul3A_309 : i32
      %get3A_311 = arith.constant 13 : i32
      %get3A_312 = arith.index_cast %get3A_311 : i32 to index
      %get3A_313 = arith.index_cast %mul3A_310 : i32 to index
      %get3A_314 = tpu.vector_load %arg16[%get3A_312, %get3A_313] {strides = array<i32>} : memref<16x640xf32, #tpu.memory_space<vmem>>, vector<16xf32>,
      %add3A_315 = arith.addf %add3A_308, %get3A_314 : vector<16xf32>
      %mul3A_316 = arith.constant 16 : i32
      %mul3A_317 = arith.muli %scan3A_217, %mul3A_316 : i32
      %get3A_318 = arith.constant 14 : i32
      %get3A_319 = arith.index_cast %get3A_318 : i32 to index
      %get3A_320 = arith.index_cast %mul3A_317 : i32 to index
      %get3A_321 = tpu.vector_load %arg16[%get3A_319, %get3A_320] {strides = array<i32>} : memref<16x640xf32, #tpu.memory_space<vmem>>, vector<16xf32>,
      %add3A_322 = arith.addf %add3A_315, %get3A_321 : vector<16xf32>
      %mul3A_323 = arith.constant 16 : i32
      %mul3A_324 = arith.muli %scan3A_217, %mul3A_323 : i32
      %get3A_325 = arith.constant 15 : i32
      %get3A_326 = arith.index_cast %get3A_325 : i32 to index
      %get3A_327 = arith.index_cast %mul3A_324 : i32 to index
      %get3A_328 = tpu.vector_load %arg16[%get3A_326, %get3A_327] {strides = array<i32>} : memref<16x640xf32, #tpu.memory_space<vmem>>, vector<16xf32>,
      %add3A_329 = arith.addf %add3A_322, %get3A_328 : vector<16xf32>
      %mul3A_330 = arith.constant 16 : i32
      %mul3A_331 = arith.muli %scan3A_217, %mul3A_330 : i32
      %swap3A_332 = arith.index_cast %mul3A_331 : i32 to index
      %swap3A_333 = tpu.vector_load %arg15[%swap3A_332] {strides = array<i32>} : memref<10240xf32, #tpu.memory_space<vmem>>, vector<16xf32>,
      tpu.vector_store %arg15[%swap3A_332], %add3A_329 {strides = array<i32>} : memref<10240xf32, #tpu.memory_space<vmem>>, vector<16xf32>,
      %scan3A_334 = arith.constant 0 : i32
      scf.yield %scan3A_334 : i32
    }
    %scan3A_214 = arith.constant 40 : i32
    %mul3A_215 = arith.constant 640 : i32
    %mul3A_216 = arith.muli %arg1, %mul3A_215 : i32
    "tpu.region"() ({
      %run_scoped3A = tpu.sem_alloc : memref<!tpu.dma_semaphore, #tpu.memory_space<semaphore_mem>>
      %dma_start3A = arith.constant 0 : i32
      %dma_start3A_217 = tpu.memref_slice %arg15[%dma_start3A] : memref<10240xf32, #tpu.memory_space<vmem>> -> memref<640xf32, #tpu.memory_space<vmem>>
      %dma_start3A_218 = tpu.memref_slice %arg5[%arg0, %mul3A_216] : memref<2x10240xf32, #tpu.memory_space<hbm>> -> memref<1x640xf32, #tpu.memory_space<hbm>>
      %dma_start3A_219 = tpu.memref_squeeze %dma_start3A_218 : memref<1x640xf32, #tpu.memory_space<hbm>> -> memref<640xf32, #tpu.memory_space<hbm>>
      %dma_start3A_220 = tpu.memref_slice %arg5[%arg0, %mul3A_216] : memref<2x10240xf32, #tpu.memory_space<hbm>> -> memref<1x640xf32, #tpu.memory_space<hbm>>
      %dma_start3A_221 = tpu.memref_squeeze %dma_start3A_220 : memref<1x640xf32, #tpu.memory_space<hbm>> -> memref<640xf32, #tpu.memory_space<hbm>>
      %dma_start3A_222 = arith.constant 0 : i32
      %dma_start3A_223 = tpu.memref_slice %arg15[%dma_start3A_222] : memref<10240xf32, #tpu.memory_space<vmem>> -> memref<640xf32, #tpu.memory_space<vmem>>
      tpu.enqueue_dma source(%dma_start3A_223 : memref<640xf32, #tpu.memory_space<vmem>>) target(%dma_start3A_221 : memref<640xf32, #tpu.memory_space<hbm>>) target_semaphore(%run_scoped3A : memref<!tpu.dma_semaphore, #tpu.memory_space<semaphore_mem>>)
      %dma_wait3A = arith.constant 0 : i32
      %dma_wait3A_224 = tpu.memref_slice %arg15[%dma_wait3A] : memref<10240xf32, #tpu.memory_space<vmem>> -> memref<640xf32, #tpu.memory_space<vmem>>
      %dma_wait3A_225 = tpu.memref_slice %arg5[%arg0, %mul3A_216] : memref<2x10240xf32, #tpu.memory_space<hbm>> -> memref<1x640xf32, #tpu.memory_space<hbm>>
      %dma_wait3A_226 = tpu.memref_squeeze %dma_wait3A_225 : memref<1x640xf32, #tpu.memory_space<hbm>> -> memref<640xf32, #tpu.memory_space<hbm>>
      %dma_wait3A_227 = tpu.memref_slice %arg5[%arg0, %mul3A_216] : memref<2x10240xf32, #tpu.memory_space<hbm>> -> memref<1x640xf32, #tpu.memory_space<hbm>>
      %dma_wait3A_228 = tpu.memref_squeeze %dma_wait3A_227 : memref<1x640xf32, #tpu.memory_space<hbm>> -> memref<640xf32, #tpu.memory_space<hbm>>
      %dma_wait3A_229 = arith.constant 0 : i32
      %dma_wait3A_230 = tpu.memref_slice %arg15[%dma_wait3A_229] : memref<10240xf32, #tpu.memory_space<vmem>> -> memref<640xf32, #tpu.memory_space<vmem>>
      tpu.wait_dma2 semaphore(%run_scoped3A : memref<!tpu.dma_semaphore, #tpu.memory_space<semaphore_mem>>) src(%dma_wait3A_230 : memref<640xf32, #tpu.memory_space<vmem>>) dst(%dma_wait3A_228 : memref<640xf32, #tpu.memory_space<hbm>>)
      tpu.yield
    }) : () -> ()
    return
  }
}

#map = affine_map<(d0, d1) -> (0, 0)>
#map1 = affine_map<(d0, d1) -> (0, 0, 0)>
module attributes {stable_mosaic.version = 14 : i64} {
  func.func @prop(%arg0: i32, %arg1: i32, %arg2: memref<10000x128xf32, #tpu.memory_space<hbm>>, %arg3: memref<32x80x128xi32, #tpu.memory_space<hbm>>, %arg4: memref<32x80x128xi32, #tpu.memory_space<hbm>>, %arg5: memref<2x10240x128xf32, #tpu.memory_space<hbm>>, %arg6: memref<40x128xi32, #tpu.memory_space<vmem>>, %arg7: memref<40x128xi32, #tpu.memory_space<vmem>>, %arg8: memref<128x128xf32, #tpu.memory_space<vmem>>, %arg9: memref<128x128xf32, #tpu.memory_space<vmem>>, %arg10: memref<10240x128xf32, #tpu.memory_space<vmem_shared>>, %arg11: memref<!tpu.dma_semaphore, #tpu.memory_space<semaphore_mem>>, %arg12: memref<!tpu.dma_semaphore, #tpu.memory_space<semaphore_mem>>) attributes {dimension_semantics = [#tpu.dimension_semantics<core_parallel>, #tpu.dimension_semantics<subcore_parallel>], iteration_bounds = array<i64: 2, 16>, scalar_prefetch = 0 : i64, scratch_operands = 7 : i64, tpu.core_type = #tpu.core_type<sc_vector_subcore>, window_params = [{transform_indices = #map}, {transform_indices = #map1}, {transform_indices = #map1}, {transform_indices = #map1}]} {
    %mul3A = arith.constant 2 : i32
    %mul3A_0 = arith.muli %arg1, %mul3A : i32
    %add3A = arith.addi %mul3A_0, %arg0 : i32
    %broadcast_in_dim3A = arith.constant 0.000000e+00 : f32
    %broadcast_in_dim3A_1 = vector.broadcast %broadcast_in_dim3A : f32 to vector<16xf32>
    %scan3A = arith.constant 0 : i32
    %scan3A_2 = arith.constant 0 : i32
    %scan3A_3 = arith.constant 128 : i32
    %scan3A_4 = arith.addi %scan3A_2, %scan3A_3 : i32
    %scan3A_5 = arith.constant 1 : i32
    %scan3A_6 = scf.for %scan3A_47 = %scan3A_2 to %scan3A_4 step %scan3A_5 iter_args(%scan3A_48 = %scan3A) -> (i32)  : i32 {
      %swap3A = arith.index_cast %scan3A_47 : i32 to index
      %swap3A_49 = arith.constant 0 : index
      %swap3A_50 = tpu.vector_load %arg8[%swap3A, %swap3A_49] {strides = array<i32>} : memref<128x128xf32, #tpu.memory_space<vmem>>, vector<1x16xf32>,
      %swap3A_51 = vector.shape_cast %swap3A_50 : vector<1x16xf32> to vector<16xf32>
      %swap3A_52 = vector.shape_cast %broadcast_in_dim3A_1 : vector<16xf32> to vector<1x16xf32>
      tpu.vector_store %arg8[%swap3A, %swap3A_49], %swap3A_52 {strides = array<i32>} : memref<128x128xf32, #tpu.memory_space<vmem>>, vector<1x16xf32>,
      %swap3A_53 = arith.index_cast %scan3A_47 : i32 to index
      %swap3A_54 = arith.constant 16 : index
      %swap3A_55 = tpu.vector_load %arg8[%swap3A_53, %swap3A_54] {strides = array<i32>} : memref<128x128xf32, #tpu.memory_space<vmem>>, vector<1x16xf32>,
      %swap3A_56 = vector.shape_cast %swap3A_55 : vector<1x16xf32> to vector<16xf32>
      %swap3A_57 = vector.shape_cast %broadcast_in_dim3A_1 : vector<16xf32> to vector<1x16xf32>
      tpu.vector_store %arg8[%swap3A_53, %swap3A_54], %swap3A_57 {strides = array<i32>} : memref<128x128xf32, #tpu.memory_space<vmem>>, vector<1x16xf32>,
      %swap3A_58 = arith.index_cast %scan3A_47 : i32 to index
      %swap3A_59 = arith.constant 32 : index
      %swap3A_60 = tpu.vector_load %arg8[%swap3A_58, %swap3A_59] {strides = array<i32>} : memref<128x128xf32, #tpu.memory_space<vmem>>, vector<1x16xf32>,
      %swap3A_61 = vector.shape_cast %swap3A_60 : vector<1x16xf32> to vector<16xf32>
      %swap3A_62 = vector.shape_cast %broadcast_in_dim3A_1 : vector<16xf32> to vector<1x16xf32>
      tpu.vector_store %arg8[%swap3A_58, %swap3A_59], %swap3A_62 {strides = array<i32>} : memref<128x128xf32, #tpu.memory_space<vmem>>, vector<1x16xf32>,
      %swap3A_63 = arith.index_cast %scan3A_47 : i32 to index
      %swap3A_64 = arith.constant 48 : index
      %swap3A_65 = tpu.vector_load %arg8[%swap3A_63, %swap3A_64] {strides = array<i32>} : memref<128x128xf32, #tpu.memory_space<vmem>>, vector<1x16xf32>,
      %swap3A_66 = vector.shape_cast %swap3A_65 : vector<1x16xf32> to vector<16xf32>
      %swap3A_67 = vector.shape_cast %broadcast_in_dim3A_1 : vector<16xf32> to vector<1x16xf32>
      tpu.vector_store %arg8[%swap3A_63, %swap3A_64], %swap3A_67 {strides = array<i32>} : memref<128x128xf32, #tpu.memory_space<vmem>>, vector<1x16xf32>,
      %swap3A_68 = arith.index_cast %scan3A_47 : i32 to index
      %swap3A_69 = arith.constant 64 : index
      %swap3A_70 = tpu.vector_load %arg8[%swap3A_68, %swap3A_69] {strides = array<i32>} : memref<128x128xf32, #tpu.memory_space<vmem>>, vector<1x16xf32>,
      %swap3A_71 = vector.shape_cast %swap3A_70 : vector<1x16xf32> to vector<16xf32>
      %swap3A_72 = vector.shape_cast %broadcast_in_dim3A_1 : vector<16xf32> to vector<1x16xf32>
      tpu.vector_store %arg8[%swap3A_68, %swap3A_69], %swap3A_72 {strides = array<i32>} : memref<128x128xf32, #tpu.memory_space<vmem>>, vector<1x16xf32>,
      %swap3A_73 = arith.index_cast %scan3A_47 : i32 to index
      %swap3A_74 = arith.constant 80 : index
      %swap3A_75 = tpu.vector_load %arg8[%swap3A_73, %swap3A_74] {strides = array<i32>} : memref<128x128xf32, #tpu.memory_space<vmem>>, vector<1x16xf32>,
      %swap3A_76 = vector.shape_cast %swap3A_75 : vector<1x16xf32> to vector<16xf32>
      %swap3A_77 = vector.shape_cast %broadcast_in_dim3A_1 : vector<16xf32> to vector<1x16xf32>
      tpu.vector_store %arg8[%swap3A_73, %swap3A_74], %swap3A_77 {strides = array<i32>} : memref<128x128xf32, #tpu.memory_space<vmem>>, vector<1x16xf32>,
      %swap3A_78 = arith.index_cast %scan3A_47 : i32 to index
      %swap3A_79 = arith.constant 96 : index
      %swap3A_80 = tpu.vector_load %arg8[%swap3A_78, %swap3A_79] {strides = array<i32>} : memref<128x128xf32, #tpu.memory_space<vmem>>, vector<1x16xf32>,
      %swap3A_81 = vector.shape_cast %swap3A_80 : vector<1x16xf32> to vector<16xf32>
      %swap3A_82 = vector.shape_cast %broadcast_in_dim3A_1 : vector<16xf32> to vector<1x16xf32>
      tpu.vector_store %arg8[%swap3A_78, %swap3A_79], %swap3A_82 {strides = array<i32>} : memref<128x128xf32, #tpu.memory_space<vmem>>, vector<1x16xf32>,
      %swap3A_83 = arith.index_cast %scan3A_47 : i32 to index
      %swap3A_84 = arith.constant 112 : index
      %swap3A_85 = tpu.vector_load %arg8[%swap3A_83, %swap3A_84] {strides = array<i32>} : memref<128x128xf32, #tpu.memory_space<vmem>>, vector<1x16xf32>,
      %swap3A_86 = vector.shape_cast %swap3A_85 : vector<1x16xf32> to vector<16xf32>
      %swap3A_87 = vector.shape_cast %broadcast_in_dim3A_1 : vector<16xf32> to vector<1x16xf32>
      tpu.vector_store %arg8[%swap3A_83, %swap3A_84], %swap3A_87 {strides = array<i32>} : memref<128x128xf32, #tpu.memory_space<vmem>>, vector<1x16xf32>,
      %scan3A_88 = arith.constant 0 : i32
      scf.yield %scan3A_88 : i32
    }
    %scan3A_7 = arith.constant 128 : i32
    %scan3A_8 = arith.constant 0 : i32
    %scan3A_9 = arith.constant 0 : i32
    %scan3A_10 = arith.constant 5 : i32
    %scan3A_11 = arith.addi %scan3A_9, %scan3A_10 : i32
    %scan3A_12 = arith.constant 1 : i32
    %scan3A_13 = scf.for %scan3A_47 = %scan3A_9 to %scan3A_11 step %scan3A_12 iter_args(%scan3A_48 = %scan3A_8) -> (i32)  : i32 {
      %mul3A_49 = arith.constant 640 : i32
      %mul3A_50 = arith.muli %arg1, %mul3A_49 : i32
      %mul3A_51 = arith.constant 128 : i32
      %mul3A_52 = arith.muli %scan3A_47, %mul3A_51 : i32
      %add3A_53 = arith.addi %mul3A_50, %mul3A_52 : i32
      "tpu.region"() ({
        %run_scoped3A = tpu.sem_alloc : memref<!tpu.dma_semaphore, #tpu.memory_space<semaphore_mem>>
        %dma_start3A_55 = arith.constant 0 : i32
        %dma_start3A_56 = arith.constant 0 : i32
        %dma_start3A_57 = tpu.memref_slice %arg8[%dma_start3A_55, %dma_start3A_56] : memref<128x128xf32, #tpu.memory_space<vmem>> -> memref<128x128xf32, #tpu.memory_space<vmem>>
        %dma_start3A_58 = arith.constant 0 : i32
        %dma_start3A_59 = tpu.memref_slice %arg10[%add3A_53, %dma_start3A_58] : memref<10240x128xf32, #tpu.memory_space<vmem_shared>> -> memref<128x128xf32, #tpu.memory_space<vmem_shared>>
        %dma_start3A_60 = arith.constant 0 : i32
        %dma_start3A_61 = tpu.memref_slice %arg10[%add3A_53, %dma_start3A_60] : memref<10240x128xf32, #tpu.memory_space<vmem_shared>> -> memref<128x128xf32, #tpu.memory_space<vmem_shared>>
        %dma_start3A_62 = arith.constant 0 : i32
        %dma_start3A_63 = arith.constant 0 : i32
        %dma_start3A_64 = tpu.memref_slice %arg8[%dma_start3A_62, %dma_start3A_63] : memref<128x128xf32, #tpu.memory_space<vmem>> -> memref<128x128xf32, #tpu.memory_space<vmem>>
        tpu.enqueue_dma source(%dma_start3A_64 : memref<128x128xf32, #tpu.memory_space<vmem>>) target(%dma_start3A_61 : memref<128x128xf32, #tpu.memory_space<vmem_shared>>) target_semaphore(%run_scoped3A : memref<!tpu.dma_semaphore, #tpu.memory_space<semaphore_mem>>)
        %dma_wait3A = arith.constant 0 : i32
        %dma_wait3A_65 = arith.constant 0 : i32
        %dma_wait3A_66 = tpu.memref_slice %arg8[%dma_wait3A, %dma_wait3A_65] : memref<128x128xf32, #tpu.memory_space<vmem>> -> memref<128x128xf32, #tpu.memory_space<vmem>>
        %dma_wait3A_67 = arith.constant 0 : i32
        %dma_wait3A_68 = tpu.memref_slice %arg10[%add3A_53, %dma_wait3A_67] : memref<10240x128xf32, #tpu.memory_space<vmem_shared>> -> memref<128x128xf32, #tpu.memory_space<vmem_shared>>
        %dma_wait3A_69 = arith.constant 0 : i32
        %dma_wait3A_70 = tpu.memref_slice %arg10[%add3A_53, %dma_wait3A_69] : memref<10240x128xf32, #tpu.memory_space<vmem_shared>> -> memref<128x128xf32, #tpu.memory_space<vmem_shared>>
        %dma_wait3A_71 = arith.constant 0 : i32
        %dma_wait3A_72 = arith.constant 0 : i32
        %dma_wait3A_73 = tpu.memref_slice %arg8[%dma_wait3A_71, %dma_wait3A_72] : memref<128x128xf32, #tpu.memory_space<vmem>> -> memref<128x128xf32, #tpu.memory_space<vmem>>
        tpu.wait_dma2 semaphore(%run_scoped3A : memref<!tpu.dma_semaphore, #tpu.memory_space<semaphore_mem>>) src(%dma_wait3A_73 : memref<128x128xf32, #tpu.memory_space<vmem>>) dst(%dma_wait3A_70 : memref<128x128xf32, #tpu.memory_space<vmem_shared>>)
        tpu.yield
      }) : () -> ()
      %scan3A_54 = arith.constant 0 : i32
      scf.yield %scan3A_54 : i32
    }
    %scan3A_14 = arith.constant 5 : i32
    %barrier3A = arith.constant 0 : index
    tpu.barrier barrier_id(%barrier3A)
    "tpu.region"() ({
      %run_scoped3A = tpu.sem_alloc : memref<!tpu.dma_semaphore, #tpu.memory_space<semaphore_mem>>
      %dma_start3A_47 = arith.constant 0 : i32
      %dma_start3A_48 = arith.constant 0 : i32
      %dma_start3A_49 = tpu.memref_slice %arg3[%add3A, %dma_start3A_47, %dma_start3A_48] : memref<32x80x128xi32, #tpu.memory_space<hbm>> -> memref<1x40x128xi32, #tpu.memory_space<hbm>>
      %dma_start3A_50 = tpu.memref_squeeze %dma_start3A_49 : memref<1x40x128xi32, #tpu.memory_space<hbm>> -> memref<40x128xi32, #tpu.memory_space<hbm>>
      %dma_start3A_51 = arith.constant 0 : i32
      %dma_start3A_52 = arith.constant 0 : i32
      %dma_start3A_53 = tpu.memref_slice %arg3[%add3A, %dma_start3A_51, %dma_start3A_52] : memref<32x80x128xi32, #tpu.memory_space<hbm>> -> memref<1x40x128xi32, #tpu.memory_space<hbm>>
      %dma_start3A_54 = tpu.memref_squeeze %dma_start3A_53 : memref<1x40x128xi32, #tpu.memory_space<hbm>> -> memref<40x128xi32, #tpu.memory_space<hbm>>
      tpu.enqueue_dma source(%dma_start3A_54 : memref<40x128xi32, #tpu.memory_space<hbm>>) target(%arg6 : memref<40x128xi32, #tpu.memory_space<vmem>>) target_semaphore(%run_scoped3A : memref<!tpu.dma_semaphore, #tpu.memory_space<semaphore_mem>>)
      %dma_wait3A = arith.constant 0 : i32
      %dma_wait3A_55 = arith.constant 0 : i32
      %dma_wait3A_56 = tpu.memref_slice %arg3[%add3A, %dma_wait3A, %dma_wait3A_55] : memref<32x80x128xi32, #tpu.memory_space<hbm>> -> memref<1x40x128xi32, #tpu.memory_space<hbm>>
      %dma_wait3A_57 = tpu.memref_squeeze %dma_wait3A_56 : memref<1x40x128xi32, #tpu.memory_space<hbm>> -> memref<40x128xi32, #tpu.memory_space<hbm>>
      %dma_wait3A_58 = arith.constant 0 : i32
      %dma_wait3A_59 = arith.constant 0 : i32
      %dma_wait3A_60 = tpu.memref_slice %arg3[%add3A, %dma_wait3A_58, %dma_wait3A_59] : memref<32x80x128xi32, #tpu.memory_space<hbm>> -> memref<1x40x128xi32, #tpu.memory_space<hbm>>
      %dma_wait3A_61 = tpu.memref_squeeze %dma_wait3A_60 : memref<1x40x128xi32, #tpu.memory_space<hbm>> -> memref<40x128xi32, #tpu.memory_space<hbm>>
      tpu.wait_dma2 semaphore(%run_scoped3A : memref<!tpu.dma_semaphore, #tpu.memory_space<semaphore_mem>>) src(%dma_wait3A_61 : memref<40x128xi32, #tpu.memory_space<hbm>>) dst(%arg6 : memref<40x128xi32, #tpu.memory_space<vmem>>)
      tpu.yield
    }) : () -> ()
    "tpu.region"() ({
      %run_scoped3A = tpu.sem_alloc : memref<!tpu.dma_semaphore, #tpu.memory_space<semaphore_mem>>
      %dma_start3A_47 = arith.constant 0 : i32
      %dma_start3A_48 = arith.constant 0 : i32
      %dma_start3A_49 = tpu.memref_slice %arg4[%add3A, %dma_start3A_47, %dma_start3A_48] : memref<32x80x128xi32, #tpu.memory_space<hbm>> -> memref<1x40x128xi32, #tpu.memory_space<hbm>>
      %dma_start3A_50 = tpu.memref_squeeze %dma_start3A_49 : memref<1x40x128xi32, #tpu.memory_space<hbm>> -> memref<40x128xi32, #tpu.memory_space<hbm>>
      %dma_start3A_51 = arith.constant 0 : i32
      %dma_start3A_52 = arith.constant 0 : i32
      %dma_start3A_53 = tpu.memref_slice %arg4[%add3A, %dma_start3A_51, %dma_start3A_52] : memref<32x80x128xi32, #tpu.memory_space<hbm>> -> memref<1x40x128xi32, #tpu.memory_space<hbm>>
      %dma_start3A_54 = tpu.memref_squeeze %dma_start3A_53 : memref<1x40x128xi32, #tpu.memory_space<hbm>> -> memref<40x128xi32, #tpu.memory_space<hbm>>
      tpu.enqueue_dma source(%dma_start3A_54 : memref<40x128xi32, #tpu.memory_space<hbm>>) target(%arg7 : memref<40x128xi32, #tpu.memory_space<vmem>>) target_semaphore(%run_scoped3A : memref<!tpu.dma_semaphore, #tpu.memory_space<semaphore_mem>>)
      %dma_wait3A = arith.constant 0 : i32
      %dma_wait3A_55 = arith.constant 0 : i32
      %dma_wait3A_56 = tpu.memref_slice %arg4[%add3A, %dma_wait3A, %dma_wait3A_55] : memref<32x80x128xi32, #tpu.memory_space<hbm>> -> memref<1x40x128xi32, #tpu.memory_space<hbm>>
      %dma_wait3A_57 = tpu.memref_squeeze %dma_wait3A_56 : memref<1x40x128xi32, #tpu.memory_space<hbm>> -> memref<40x128xi32, #tpu.memory_space<hbm>>
      %dma_wait3A_58 = arith.constant 0 : i32
      %dma_wait3A_59 = arith.constant 0 : i32
      %dma_wait3A_60 = tpu.memref_slice %arg4[%add3A, %dma_wait3A_58, %dma_wait3A_59] : memref<32x80x128xi32, #tpu.memory_space<hbm>> -> memref<1x40x128xi32, #tpu.memory_space<hbm>>
      %dma_wait3A_61 = tpu.memref_squeeze %dma_wait3A_60 : memref<1x40x128xi32, #tpu.memory_space<hbm>> -> memref<40x128xi32, #tpu.memory_space<hbm>>
      tpu.wait_dma2 semaphore(%run_scoped3A : memref<!tpu.dma_semaphore, #tpu.memory_space<semaphore_mem>>) src(%dma_wait3A_61 : memref<40x128xi32, #tpu.memory_space<hbm>>) dst(%arg7 : memref<40x128xi32, #tpu.memory_space<vmem>>)
      tpu.yield
    }) : () -> ()
    %dma_start3A = arith.constant 0 : i32
    %dma_start3A_15 = arith.constant 0 : i32
    %dma_start3A_16 = tpu.memref_slice %arg6[%dma_start3A, %dma_start3A_15] : memref<40x128xi32, #tpu.memory_space<vmem>> -> memref<1x128xi32, #tpu.memory_space<vmem>>
    %dma_start3A_17 = tpu.memref_squeeze %dma_start3A_16 : memref<1x128xi32, #tpu.memory_space<vmem>> -> memref<128xi32, #tpu.memory_space<vmem>>
    %dma_start3A_18 = arith.constant 0 : i32
    %dma_start3A_19 = arith.constant 0 : i32
    %dma_start3A_20 = tpu.memref_slice %arg2[%dma_start3A_18, %dma_start3A_19] : memref<10000x128xf32, #tpu.memory_space<hbm>> -> memref<10000x128xf32, #tpu.memory_space<hbm>>
    tpu.enqueue_indirect_dma source(%dma_start3A_20 : memref<10000x128xf32, #tpu.memory_space<hbm>>) target(%arg8 : memref<128x128xf32, #tpu.memory_space<vmem>>) offsets(%dma_start3A_17 : memref<128xi32, #tpu.memory_space<vmem>>) semaphore(%arg11 : memref<!tpu.dma_semaphore, #tpu.memory_space<semaphore_mem>>)
    %scan3A_21 = arith.constant 0 : i32
    %scan3A_22 = arith.constant 0 : i32
    %scan3A_23 = arith.constant 20 : i32
    %scan3A_24 = arith.addi %scan3A_22, %scan3A_23 : i32
    %scan3A_25 = arith.constant 1 : i32
    %scan3A_26 = scf.for %scan3A_47 = %scan3A_22 to %scan3A_24 step %scan3A_25 iter_args(%scan3A_48 = %scan3A_21) -> (i32)  : i32 {
      %mul3A_49 = arith.constant 2 : i32
      %mul3A_50 = arith.muli %mul3A_49, %scan3A_47 : i32
      %add3A_51 = arith.constant 1 : i32
      %add3A_52 = arith.addi %mul3A_50, %add3A_51 : i32
      %dma_start3A_53 = arith.constant 0 : i32
      %dma_start3A_54 = tpu.memref_slice %arg6[%add3A_52, %dma_start3A_53] : memref<40x128xi32, #tpu.memory_space<vmem>> -> memref<1x128xi32, #tpu.memory_space<vmem>>
      %dma_start3A_55 = tpu.memref_squeeze %dma_start3A_54 : memref<1x128xi32, #tpu.memory_space<vmem>> -> memref<128xi32, #tpu.memory_space<vmem>>
      %dma_start3A_56 = arith.constant 0 : i32
      %dma_start3A_57 = arith.constant 0 : i32
      %dma_start3A_58 = tpu.memref_slice %arg2[%dma_start3A_56, %dma_start3A_57] : memref<10000x128xf32, #tpu.memory_space<hbm>> -> memref<10000x128xf32, #tpu.memory_space<hbm>>
      tpu.enqueue_indirect_dma source(%dma_start3A_58 : memref<10000x128xf32, #tpu.memory_space<hbm>>) target(%arg9 : memref<128x128xf32, #tpu.memory_space<vmem>>) offsets(%dma_start3A_55 : memref<128xi32, #tpu.memory_space<vmem>>) semaphore(%arg12 : memref<!tpu.dma_semaphore, #tpu.memory_space<semaphore_mem>>)
      %dma_wait3A = arith.constant 0 : i32
      %dma_wait3A_59 = tpu.memref_slice %arg6[%mul3A_50, %dma_wait3A] : memref<40x128xi32, #tpu.memory_space<vmem>> -> memref<1x128xi32, #tpu.memory_space<vmem>>
      %dma_wait3A_60 = tpu.memref_squeeze %dma_wait3A_59 : memref<1x128xi32, #tpu.memory_space<vmem>> -> memref<128xi32, #tpu.memory_space<vmem>>
      %dma_wait3A_61 = arith.constant 0 : i32
      %dma_wait3A_62 = arith.constant 0 : i32
      %dma_wait3A_63 = tpu.memref_slice %arg2[%dma_wait3A_61, %dma_wait3A_62] : memref<10000x128xf32, #tpu.memory_space<hbm>> -> memref<10000x128xf32, #tpu.memory_space<hbm>>
      tpu.wait_indirect_dma semaphore(%arg11 : memref<!tpu.dma_semaphore, #tpu.memory_space<semaphore_mem>>) src(%dma_wait3A_63 : memref<10000x128xf32, #tpu.memory_space<hbm>>) dst(%arg8 : memref<128x128xf32, #tpu.memory_space<vmem>>)
      "tpu.region"() ({
        %run_scoped3A = tpu.sem_alloc : memref<!tpu.dma_semaphore, #tpu.memory_space<semaphore_mem>>
        %dma_start3A_79 = arith.constant 0 : i32
        %dma_start3A_80 = tpu.memref_slice %arg7[%mul3A_50, %dma_start3A_79] : memref<40x128xi32, #tpu.memory_space<vmem>> -> memref<1x128xi32, #tpu.memory_space<vmem>>
        %dma_start3A_81 = tpu.memref_squeeze %dma_start3A_80 : memref<1x128xi32, #tpu.memory_space<vmem>> -> memref<128xi32, #tpu.memory_space<vmem>>
        %dma_start3A_82 = arith.constant 0 : i32
        %dma_start3A_83 = arith.constant 0 : i32
        %dma_start3A_84 = tpu.memref_slice %arg10[%dma_start3A_82, %dma_start3A_83] : memref<10240x128xf32, #tpu.memory_space<vmem_shared>> -> memref<10240x128xf32, #tpu.memory_space<vmem_shared>>
        tpu.enqueue_indirect_dma source(%arg8 : memref<128x128xf32, #tpu.memory_space<vmem>>) target(%dma_start3A_84 : memref<10240x128xf32, #tpu.memory_space<vmem_shared>>) offsets(%dma_start3A_81 : memref<128xi32, #tpu.memory_space<vmem>>) semaphore(%run_scoped3A : memref<!tpu.dma_semaphore, #tpu.memory_space<semaphore_mem>>) {add = true}
        %dma_wait3A_85 = arith.constant 0 : i32
        %dma_wait3A_86 = tpu.memref_slice %arg7[%mul3A_50, %dma_wait3A_85] : memref<40x128xi32, #tpu.memory_space<vmem>> -> memref<1x128xi32, #tpu.memory_space<vmem>>
        %dma_wait3A_87 = tpu.memref_squeeze %dma_wait3A_86 : memref<1x128xi32, #tpu.memory_space<vmem>> -> memref<128xi32, #tpu.memory_space<vmem>>
        %dma_wait3A_88 = arith.constant 0 : i32
        %dma_wait3A_89 = arith.constant 0 : i32
        %dma_wait3A_90 = tpu.memref_slice %arg10[%dma_wait3A_88, %dma_wait3A_89] : memref<10240x128xf32, #tpu.memory_space<vmem_shared>> -> memref<10240x128xf32, #tpu.memory_space<vmem_shared>>
        tpu.wait_indirect_dma semaphore(%run_scoped3A : memref<!tpu.dma_semaphore, #tpu.memory_space<semaphore_mem>>) src(%arg8 : memref<128x128xf32, #tpu.memory_space<vmem>>) dst(%dma_wait3A_90 : memref<10240x128xf32, #tpu.memory_space<vmem_shared>>)
        tpu.yield
      }) : () -> ()
      %add3A_64 = arith.constant 2 : i32
      %add3A_65 = arith.addi %mul3A_50, %add3A_64 : i32
      %lt3A = arith.constant 40 : i32
      %lt3A_66 = arith.cmpi slt, %add3A_65, %lt3A : i32
      %convert_element_type3A = arith.extui %lt3A_66 : i1 to i32
      %cond3A = arith.constant 0 : i32
      %cond3A_67 = arith.cmpi ne, %convert_element_type3A, %cond3A : i32
      scf.if %cond3A_67 {
        %add3A_79 = arith.constant 2 : i32
        %add3A_80 = arith.addi %mul3A_50, %add3A_79 : i32
        %dma_start3A_81 = arith.constant 0 : i32
        %dma_start3A_82 = tpu.memref_slice %arg6[%add3A_80, %dma_start3A_81] : memref<40x128xi32, #tpu.memory_space<vmem>> -> memref<1x128xi32, #tpu.memory_space<vmem>>
        %dma_start3A_83 = tpu.memref_squeeze %dma_start3A_82 : memref<1x128xi32, #tpu.memory_space<vmem>> -> memref<128xi32, #tpu.memory_space<vmem>>
        %dma_start3A_84 = arith.constant 0 : i32
        %dma_start3A_85 = arith.constant 0 : i32
        %dma_start3A_86 = tpu.memref_slice %arg2[%dma_start3A_84, %dma_start3A_85] : memref<10000x128xf32, #tpu.memory_space<hbm>> -> memref<10000x128xf32, #tpu.memory_space<hbm>>
        tpu.enqueue_indirect_dma source(%dma_start3A_86 : memref<10000x128xf32, #tpu.memory_space<hbm>>) target(%arg8 : memref<128x128xf32, #tpu.memory_space<vmem>>) offsets(%dma_start3A_83 : memref<128xi32, #tpu.memory_space<vmem>>) semaphore(%arg11 : memref<!tpu.dma_semaphore, #tpu.memory_space<semaphore_mem>>)
      } else {
      }
      %add3A_68 = arith.constant 1 : i32
      %add3A_69 = arith.addi %mul3A_50, %add3A_68 : i32
      %dma_wait3A_70 = arith.constant 0 : i32
      %dma_wait3A_71 = tpu.memref_slice %arg6[%add3A_69, %dma_wait3A_70] : memref<40x128xi32, #tpu.memory_space<vmem>> -> memref<1x128xi32, #tpu.memory_space<vmem>>
      %dma_wait3A_72 = tpu.memref_squeeze %dma_wait3A_71 : memref<1x128xi32, #tpu.memory_space<vmem>> -> memref<128xi32, #tpu.memory_space<vmem>>
      %dma_wait3A_73 = arith.constant 0 : i32
      %dma_wait3A_74 = arith.constant 0 : i32
      %dma_wait3A_75 = tpu.memref_slice %arg2[%dma_wait3A_73, %dma_wait3A_74] : memref<10000x128xf32, #tpu.memory_space<hbm>> -> memref<10000x128xf32, #tpu.memory_space<hbm>>
      tpu.wait_indirect_dma semaphore(%arg12 : memref<!tpu.dma_semaphore, #tpu.memory_space<semaphore_mem>>) src(%dma_wait3A_75 : memref<10000x128xf32, #tpu.memory_space<hbm>>) dst(%arg9 : memref<128x128xf32, #tpu.memory_space<vmem>>)
      %add3A_76 = arith.constant 1 : i32
      %add3A_77 = arith.addi %mul3A_50, %add3A_76 : i32
      "tpu.region"() ({
        %run_scoped3A = tpu.sem_alloc : memref<!tpu.dma_semaphore, #tpu.memory_space<semaphore_mem>>
        %dma_start3A_79 = arith.constant 0 : i32
        %dma_start3A_80 = tpu.memref_slice %arg7[%add3A_77, %dma_start3A_79] : memref<40x128xi32, #tpu.memory_space<vmem>> -> memref<1x128xi32, #tpu.memory_space<vmem>>
        %dma_start3A_81 = tpu.memref_squeeze %dma_start3A_80 : memref<1x128xi32, #tpu.memory_space<vmem>> -> memref<128xi32, #tpu.memory_space<vmem>>
        %dma_start3A_82 = arith.constant 0 : i32
        %dma_start3A_83 = arith.constant 0 : i32
        %dma_start3A_84 = tpu.memref_slice %arg10[%dma_start3A_82, %dma_start3A_83] : memref<10240x128xf32, #tpu.memory_space<vmem_shared>> -> memref<10240x128xf32, #tpu.memory_space<vmem_shared>>
        tpu.enqueue_indirect_dma source(%arg9 : memref<128x128xf32, #tpu.memory_space<vmem>>) target(%dma_start3A_84 : memref<10240x128xf32, #tpu.memory_space<vmem_shared>>) offsets(%dma_start3A_81 : memref<128xi32, #tpu.memory_space<vmem>>) semaphore(%run_scoped3A : memref<!tpu.dma_semaphore, #tpu.memory_space<semaphore_mem>>) {add = true}
        %dma_wait3A_85 = arith.constant 0 : i32
        %dma_wait3A_86 = tpu.memref_slice %arg7[%add3A_77, %dma_wait3A_85] : memref<40x128xi32, #tpu.memory_space<vmem>> -> memref<1x128xi32, #tpu.memory_space<vmem>>
        %dma_wait3A_87 = tpu.memref_squeeze %dma_wait3A_86 : memref<1x128xi32, #tpu.memory_space<vmem>> -> memref<128xi32, #tpu.memory_space<vmem>>
        %dma_wait3A_88 = arith.constant 0 : i32
        %dma_wait3A_89 = arith.constant 0 : i32
        %dma_wait3A_90 = tpu.memref_slice %arg10[%dma_wait3A_88, %dma_wait3A_89] : memref<10240x128xf32, #tpu.memory_space<vmem_shared>> -> memref<10240x128xf32, #tpu.memory_space<vmem_shared>>
        tpu.wait_indirect_dma semaphore(%run_scoped3A : memref<!tpu.dma_semaphore, #tpu.memory_space<semaphore_mem>>) src(%arg9 : memref<128x128xf32, #tpu.memory_space<vmem>>) dst(%dma_wait3A_90 : memref<10240x128xf32, #tpu.memory_space<vmem_shared>>)
        tpu.yield
      }) : () -> ()
      %scan3A_78 = arith.constant 0 : i32
      scf.yield %scan3A_78 : i32
    }
    %scan3A_27 = arith.constant 20 : i32
    "tpu.region"() ({
      %run_scoped3A = tpu.sem_alloc : memref<!tpu.dma_semaphore, #tpu.memory_space<semaphore_mem>>
      %dma_start3A_47 = arith.constant 40 : i32
      %dma_start3A_48 = arith.constant 0 : i32
      %dma_start3A_49 = tpu.memref_slice %arg3[%add3A, %dma_start3A_47, %dma_start3A_48] : memref<32x80x128xi32, #tpu.memory_space<hbm>> -> memref<1x40x128xi32, #tpu.memory_space<hbm>>
      %dma_start3A_50 = tpu.memref_squeeze %dma_start3A_49 : memref<1x40x128xi32, #tpu.memory_space<hbm>> -> memref<40x128xi32, #tpu.memory_space<hbm>>
      %dma_start3A_51 = arith.constant 40 : i32
      %dma_start3A_52 = arith.constant 0 : i32
      %dma_start3A_53 = tpu.memref_slice %arg3[%add3A, %dma_start3A_51, %dma_start3A_52] : memref<32x80x128xi32, #tpu.memory_space<hbm>> -> memref<1x40x128xi32, #tpu.memory_space<hbm>>
      %dma_start3A_54 = tpu.memref_squeeze %dma_start3A_53 : memref<1x40x128xi32, #tpu.memory_space<hbm>> -> memref<40x128xi32, #tpu.memory_space<hbm>>
      tpu.enqueue_dma source(%dma_start3A_54 : memref<40x128xi32, #tpu.memory_space<hbm>>) target(%arg6 : memref<40x128xi32, #tpu.memory_space<vmem>>) target_semaphore(%run_scoped3A : memref<!tpu.dma_semaphore, #tpu.memory_space<semaphore_mem>>)
      %dma_wait3A = arith.constant 40 : i32
      %dma_wait3A_55 = arith.constant 0 : i32
      %dma_wait3A_56 = tpu.memref_slice %arg3[%add3A, %dma_wait3A, %dma_wait3A_55] : memref<32x80x128xi32, #tpu.memory_space<hbm>> -> memref<1x40x128xi32, #tpu.memory_space<hbm>>
      %dma_wait3A_57 = tpu.memref_squeeze %dma_wait3A_56 : memref<1x40x128xi32, #tpu.memory_space<hbm>> -> memref<40x128xi32, #tpu.memory_space<hbm>>
      %dma_wait3A_58 = arith.constant 40 : i32
      %dma_wait3A_59 = arith.constant 0 : i32
      %dma_wait3A_60 = tpu.memref_slice %arg3[%add3A, %dma_wait3A_58, %dma_wait3A_59] : memref<32x80x128xi32, #tpu.memory_space<hbm>> -> memref<1x40x128xi32, #tpu.memory_space<hbm>>
      %dma_wait3A_61 = tpu.memref_squeeze %dma_wait3A_60 : memref<1x40x128xi32, #tpu.memory_space<hbm>> -> memref<40x128xi32, #tpu.memory_space<hbm>>
      tpu.wait_dma2 semaphore(%run_scoped3A : memref<!tpu.dma_semaphore, #tpu.memory_space<semaphore_mem>>) src(%dma_wait3A_61 : memref<40x128xi32, #tpu.memory_space<hbm>>) dst(%arg6 : memref<40x128xi32, #tpu.memory_space<vmem>>)
      tpu.yield
    }) : () -> ()
    "tpu.region"() ({
      %run_scoped3A = tpu.sem_alloc : memref<!tpu.dma_semaphore, #tpu.memory_space<semaphore_mem>>
      %dma_start3A_47 = arith.constant 40 : i32
      %dma_start3A_48 = arith.constant 0 : i32
      %dma_start3A_49 = tpu.memref_slice %arg4[%add3A, %dma_start3A_47, %dma_start3A_48] : memref<32x80x128xi32, #tpu.memory_space<hbm>> -> memref<1x40x128xi32, #tpu.memory_space<hbm>>
      %dma_start3A_50 = tpu.memref_squeeze %dma_start3A_49 : memref<1x40x128xi32, #tpu.memory_space<hbm>> -> memref<40x128xi32, #tpu.memory_space<hbm>>
      %dma_start3A_51 = arith.constant 40 : i32
      %dma_start3A_52 = arith.constant 0 : i32
      %dma_start3A_53 = tpu.memref_slice %arg4[%add3A, %dma_start3A_51, %dma_start3A_52] : memref<32x80x128xi32, #tpu.memory_space<hbm>> -> memref<1x40x128xi32, #tpu.memory_space<hbm>>
      %dma_start3A_54 = tpu.memref_squeeze %dma_start3A_53 : memref<1x40x128xi32, #tpu.memory_space<hbm>> -> memref<40x128xi32, #tpu.memory_space<hbm>>
      tpu.enqueue_dma source(%dma_start3A_54 : memref<40x128xi32, #tpu.memory_space<hbm>>) target(%arg7 : memref<40x128xi32, #tpu.memory_space<vmem>>) target_semaphore(%run_scoped3A : memref<!tpu.dma_semaphore, #tpu.memory_space<semaphore_mem>>)
      %dma_wait3A = arith.constant 40 : i32
      %dma_wait3A_55 = arith.constant 0 : i32
      %dma_wait3A_56 = tpu.memref_slice %arg4[%add3A, %dma_wait3A, %dma_wait3A_55] : memref<32x80x128xi32, #tpu.memory_space<hbm>> -> memref<1x40x128xi32, #tpu.memory_space<hbm>>
      %dma_wait3A_57 = tpu.memref_squeeze %dma_wait3A_56 : memref<1x40x128xi32, #tpu.memory_space<hbm>> -> memref<40x128xi32, #tpu.memory_space<hbm>>
      %dma_wait3A_58 = arith.constant 40 : i32
      %dma_wait3A_59 = arith.constant 0 : i32
      %dma_wait3A_60 = tpu.memref_slice %arg4[%add3A, %dma_wait3A_58, %dma_wait3A_59] : memref<32x80x128xi32, #tpu.memory_space<hbm>> -> memref<1x40x128xi32, #tpu.memory_space<hbm>>
      %dma_wait3A_61 = tpu.memref_squeeze %dma_wait3A_60 : memref<1x40x128xi32, #tpu.memory_space<hbm>> -> memref<40x128xi32, #tpu.memory_space<hbm>>
      tpu.wait_dma2 semaphore(%run_scoped3A : memref<!tpu.dma_semaphore, #tpu.memory_space<semaphore_mem>>) src(%dma_wait3A_61 : memref<40x128xi32, #tpu.memory_space<hbm>>) dst(%arg7 : memref<40x128xi32, #tpu.memory_space<vmem>>)
      tpu.yield
    }) : () -> ()
    %dma_start3A_28 = arith.constant 0 : i32
    %dma_start3A_29 = arith.constant 0 : i32
    %dma_start3A_30 = tpu.memref_slice %arg6[%dma_start3A_28, %dma_start3A_29] : memref<40x128xi32, #tpu.memory_space<vmem>> -> memref<1x128xi32, #tpu.memory_space<vmem>>
    %dma_start3A_31 = tpu.memref_squeeze %dma_start3A_30 : memref<1x128xi32, #tpu.memory_space<vmem>> -> memref<128xi32, #tpu.memory_space<vmem>>
    %dma_start3A_32 = arith.constant 0 : i32
    %dma_start3A_33 = arith.constant 0 : i32
    %dma_start3A_34 = tpu.memref_slice %arg2[%dma_start3A_32, %dma_start3A_33] : memref<10000x128xf32, #tpu.memory_space<hbm>> -> memref<10000x128xf32, #tpu.memory_space<hbm>>
    tpu.enqueue_indirect_dma source(%dma_start3A_34 : memref<10000x128xf32, #tpu.memory_space<hbm>>) target(%arg8 : memref<128x128xf32, #tpu.memory_space<vmem>>) offsets(%dma_start3A_31 : memref<128xi32, #tpu.memory_space<vmem>>) semaphore(%arg11 : memref<!tpu.dma_semaphore, #tpu.memory_space<semaphore_mem>>)
    %scan3A_35 = arith.constant 0 : i32
    %scan3A_36 = arith.constant 0 : i32
    %scan3A_37 = arith.constant 20 : i32
    %scan3A_38 = arith.addi %scan3A_36, %scan3A_37 : i32
    %scan3A_39 = arith.constant 1 : i32
    %scan3A_40 = scf.for %scan3A_47 = %scan3A_36 to %scan3A_38 step %scan3A_39 iter_args(%scan3A_48 = %scan3A_35) -> (i32)  : i32 {
      %mul3A_49 = arith.constant 2 : i32
      %mul3A_50 = arith.muli %mul3A_49, %scan3A_47 : i32
      %add3A_51 = arith.constant 1 : i32
      %add3A_52 = arith.addi %mul3A_50, %add3A_51 : i32
      %dma_start3A_53 = arith.constant 0 : i32
      %dma_start3A_54 = tpu.memref_slice %arg6[%add3A_52, %dma_start3A_53] : memref<40x128xi32, #tpu.memory_space<vmem>> -> memref<1x128xi32, #tpu.memory_space<vmem>>
      %dma_start3A_55 = tpu.memref_squeeze %dma_start3A_54 : memref<1x128xi32, #tpu.memory_space<vmem>> -> memref<128xi32, #tpu.memory_space<vmem>>
      %dma_start3A_56 = arith.constant 0 : i32
      %dma_start3A_57 = arith.constant 0 : i32
      %dma_start3A_58 = tpu.memref_slice %arg2[%dma_start3A_56, %dma_start3A_57] : memref<10000x128xf32, #tpu.memory_space<hbm>> -> memref<10000x128xf32, #tpu.memory_space<hbm>>
      tpu.enqueue_indirect_dma source(%dma_start3A_58 : memref<10000x128xf32, #tpu.memory_space<hbm>>) target(%arg9 : memref<128x128xf32, #tpu.memory_space<vmem>>) offsets(%dma_start3A_55 : memref<128xi32, #tpu.memory_space<vmem>>) semaphore(%arg12 : memref<!tpu.dma_semaphore, #tpu.memory_space<semaphore_mem>>)
      %dma_wait3A = arith.constant 0 : i32
      %dma_wait3A_59 = tpu.memref_slice %arg6[%mul3A_50, %dma_wait3A] : memref<40x128xi32, #tpu.memory_space<vmem>> -> memref<1x128xi32, #tpu.memory_space<vmem>>
      %dma_wait3A_60 = tpu.memref_squeeze %dma_wait3A_59 : memref<1x128xi32, #tpu.memory_space<vmem>> -> memref<128xi32, #tpu.memory_space<vmem>>
      %dma_wait3A_61 = arith.constant 0 : i32
      %dma_wait3A_62 = arith.constant 0 : i32
      %dma_wait3A_63 = tpu.memref_slice %arg2[%dma_wait3A_61, %dma_wait3A_62] : memref<10000x128xf32, #tpu.memory_space<hbm>> -> memref<10000x128xf32, #tpu.memory_space<hbm>>
      tpu.wait_indirect_dma semaphore(%arg11 : memref<!tpu.dma_semaphore, #tpu.memory_space<semaphore_mem>>) src(%dma_wait3A_63 : memref<10000x128xf32, #tpu.memory_space<hbm>>) dst(%arg8 : memref<128x128xf32, #tpu.memory_space<vmem>>)
      "tpu.region"() ({
        %run_scoped3A = tpu.sem_alloc : memref<!tpu.dma_semaphore, #tpu.memory_space<semaphore_mem>>
        %dma_start3A_79 = arith.constant 0 : i32
        %dma_start3A_80 = tpu.memref_slice %arg7[%mul3A_50, %dma_start3A_79] : memref<40x128xi32, #tpu.memory_space<vmem>> -> memref<1x128xi32, #tpu.memory_space<vmem>>
        %dma_start3A_81 = tpu.memref_squeeze %dma_start3A_80 : memref<1x128xi32, #tpu.memory_space<vmem>> -> memref<128xi32, #tpu.memory_space<vmem>>
        %dma_start3A_82 = arith.constant 0 : i32
        %dma_start3A_83 = arith.constant 0 : i32
        %dma_start3A_84 = tpu.memref_slice %arg10[%dma_start3A_82, %dma_start3A_83] : memref<10240x128xf32, #tpu.memory_space<vmem_shared>> -> memref<10240x128xf32, #tpu.memory_space<vmem_shared>>
        tpu.enqueue_indirect_dma source(%arg8 : memref<128x128xf32, #tpu.memory_space<vmem>>) target(%dma_start3A_84 : memref<10240x128xf32, #tpu.memory_space<vmem_shared>>) offsets(%dma_start3A_81 : memref<128xi32, #tpu.memory_space<vmem>>) semaphore(%run_scoped3A : memref<!tpu.dma_semaphore, #tpu.memory_space<semaphore_mem>>) {add = true}
        %dma_wait3A_85 = arith.constant 0 : i32
        %dma_wait3A_86 = tpu.memref_slice %arg7[%mul3A_50, %dma_wait3A_85] : memref<40x128xi32, #tpu.memory_space<vmem>> -> memref<1x128xi32, #tpu.memory_space<vmem>>
        %dma_wait3A_87 = tpu.memref_squeeze %dma_wait3A_86 : memref<1x128xi32, #tpu.memory_space<vmem>> -> memref<128xi32, #tpu.memory_space<vmem>>
        %dma_wait3A_88 = arith.constant 0 : i32
        %dma_wait3A_89 = arith.constant 0 : i32
        %dma_wait3A_90 = tpu.memref_slice %arg10[%dma_wait3A_88, %dma_wait3A_89] : memref<10240x128xf32, #tpu.memory_space<vmem_shared>> -> memref<10240x128xf32, #tpu.memory_space<vmem_shared>>
        tpu.wait_indirect_dma semaphore(%run_scoped3A : memref<!tpu.dma_semaphore, #tpu.memory_space<semaphore_mem>>) src(%arg8 : memref<128x128xf32, #tpu.memory_space<vmem>>) dst(%dma_wait3A_90 : memref<10240x128xf32, #tpu.memory_space<vmem_shared>>)
        tpu.yield
      }) : () -> ()
      %add3A_64 = arith.constant 2 : i32
      %add3A_65 = arith.addi %mul3A_50, %add3A_64 : i32
      %lt3A = arith.constant 40 : i32
      %lt3A_66 = arith.cmpi slt, %add3A_65, %lt3A : i32
      %convert_element_type3A = arith.extui %lt3A_66 : i1 to i32
      %cond3A = arith.constant 0 : i32
      %cond3A_67 = arith.cmpi ne, %convert_element_type3A, %cond3A : i32
      scf.if %cond3A_67 {
        %add3A_79 = arith.constant 2 : i32
        %add3A_80 = arith.addi %mul3A_50, %add3A_79 : i32
        %dma_start3A_81 = arith.constant 0 : i32
        %dma_start3A_82 = tpu.memref_slice %arg6[%add3A_80, %dma_start3A_81] : memref<40x128xi32, #tpu.memory_space<vmem>> -> memref<1x128xi32, #tpu.memory_space<vmem>>
        %dma_start3A_83 = tpu.memref_squeeze %dma_start3A_82 : memref<1x128xi32, #tpu.memory_space<vmem>> -> memref<128xi32, #tpu.memory_space<vmem>>
        %dma_start3A_84 = arith.constant 0 : i32
        %dma_start3A_85 = arith.constant 0 : i32
        %dma_start3A_86 = tpu.memref_slice %arg2[%dma_start3A_84, %dma_start3A_85] : memref<10000x128xf32, #tpu.memory_space<hbm>> -> memref<10000x128xf32, #tpu.memory_space<hbm>>
        tpu.enqueue_indirect_dma source(%dma_start3A_86 : memref<10000x128xf32, #tpu.memory_space<hbm>>) target(%arg8 : memref<128x128xf32, #tpu.memory_space<vmem>>) offsets(%dma_start3A_83 : memref<128xi32, #tpu.memory_space<vmem>>) semaphore(%arg11 : memref<!tpu.dma_semaphore, #tpu.memory_space<semaphore_mem>>)
      } else {
      }
      %add3A_68 = arith.constant 1 : i32
      %add3A_69 = arith.addi %mul3A_50, %add3A_68 : i32
      %dma_wait3A_70 = arith.constant 0 : i32
      %dma_wait3A_71 = tpu.memref_slice %arg6[%add3A_69, %dma_wait3A_70] : memref<40x128xi32, #tpu.memory_space<vmem>> -> memref<1x128xi32, #tpu.memory_space<vmem>>
      %dma_wait3A_72 = tpu.memref_squeeze %dma_wait3A_71 : memref<1x128xi32, #tpu.memory_space<vmem>> -> memref<128xi32, #tpu.memory_space<vmem>>
      %dma_wait3A_73 = arith.constant 0 : i32
      %dma_wait3A_74 = arith.constant 0 : i32
      %dma_wait3A_75 = tpu.memref_slice %arg2[%dma_wait3A_73, %dma_wait3A_74] : memref<10000x128xf32, #tpu.memory_space<hbm>> -> memref<10000x128xf32, #tpu.memory_space<hbm>>
      tpu.wait_indirect_dma semaphore(%arg12 : memref<!tpu.dma_semaphore, #tpu.memory_space<semaphore_mem>>) src(%dma_wait3A_75 : memref<10000x128xf32, #tpu.memory_space<hbm>>) dst(%arg9 : memref<128x128xf32, #tpu.memory_space<vmem>>)
      %add3A_76 = arith.constant 1 : i32
      %add3A_77 = arith.addi %mul3A_50, %add3A_76 : i32
      "tpu.region"() ({
        %run_scoped3A = tpu.sem_alloc : memref<!tpu.dma_semaphore, #tpu.memory_space<semaphore_mem>>
        %dma_start3A_79 = arith.constant 0 : i32
        %dma_start3A_80 = tpu.memref_slice %arg7[%add3A_77, %dma_start3A_79] : memref<40x128xi32, #tpu.memory_space<vmem>> -> memref<1x128xi32, #tpu.memory_space<vmem>>
        %dma_start3A_81 = tpu.memref_squeeze %dma_start3A_80 : memref<1x128xi32, #tpu.memory_space<vmem>> -> memref<128xi32, #tpu.memory_space<vmem>>
        %dma_start3A_82 = arith.constant 0 : i32
        %dma_start3A_83 = arith.constant 0 : i32
        %dma_start3A_84 = tpu.memref_slice %arg10[%dma_start3A_82, %dma_start3A_83] : memref<10240x128xf32, #tpu.memory_space<vmem_shared>> -> memref<10240x128xf32, #tpu.memory_space<vmem_shared>>
        tpu.enqueue_indirect_dma source(%arg9 : memref<128x128xf32, #tpu.memory_space<vmem>>) target(%dma_start3A_84 : memref<10240x128xf32, #tpu.memory_space<vmem_shared>>) offsets(%dma_start3A_81 : memref<128xi32, #tpu.memory_space<vmem>>) semaphore(%run_scoped3A : memref<!tpu.dma_semaphore, #tpu.memory_space<semaphore_mem>>) {add = true}
        %dma_wait3A_85 = arith.constant 0 : i32
        %dma_wait3A_86 = tpu.memref_slice %arg7[%add3A_77, %dma_wait3A_85] : memref<40x128xi32, #tpu.memory_space<vmem>> -> memref<1x128xi32, #tpu.memory_space<vmem>>
        %dma_wait3A_87 = tpu.memref_squeeze %dma_wait3A_86 : memref<1x128xi32, #tpu.memory_space<vmem>> -> memref<128xi32, #tpu.memory_space<vmem>>
        %dma_wait3A_88 = arith.constant 0 : i32
        %dma_wait3A_89 = arith.constant 0 : i32
        %dma_wait3A_90 = tpu.memref_slice %arg10[%dma_wait3A_88, %dma_wait3A_89] : memref<10240x128xf32, #tpu.memory_space<vmem_shared>> -> memref<10240x128xf32, #tpu.memory_space<vmem_shared>>
        tpu.wait_indirect_dma semaphore(%run_scoped3A : memref<!tpu.dma_semaphore, #tpu.memory_space<semaphore_mem>>) src(%arg9 : memref<128x128xf32, #tpu.memory_space<vmem>>) dst(%dma_wait3A_90 : memref<10240x128xf32, #tpu.memory_space<vmem_shared>>)
        tpu.yield
      }) : () -> ()
      %scan3A_78 = arith.constant 0 : i32
      scf.yield %scan3A_78 : i32
    }
    %scan3A_41 = arith.constant 20 : i32
    %barrier3A_42 = arith.constant 0 : index
    tpu.barrier barrier_id(%barrier3A_42)
    %mul3A_43 = arith.constant 640 : i32
    %mul3A_44 = arith.muli %arg1, %mul3A_43 : i32
    %mul3A_45 = arith.constant 640 : i32
    %mul3A_46 = arith.muli %arg1, %mul3A_45 : i32
    "tpu.region"() ({
      %run_scoped3A = tpu.sem_alloc : memref<!tpu.dma_semaphore, #tpu.memory_space<semaphore_mem>>
      %dma_start3A_47 = arith.constant 0 : i32
      %dma_start3A_48 = tpu.memref_slice %arg5[%arg0, %mul3A_46, %dma_start3A_47] : memref<2x10240x128xf32, #tpu.memory_space<hbm>> -> memref<1x640x128xf32, #tpu.memory_space<hbm>>
      %dma_start3A_49 = tpu.memref_squeeze %dma_start3A_48 : memref<1x640x128xf32, #tpu.memory_space<hbm>> -> memref<640x128xf32, #tpu.memory_space<hbm>>
      %dma_start3A_50 = arith.constant 0 : i32
      %dma_start3A_51 = tpu.memref_slice %arg10[%mul3A_44, %dma_start3A_50] : memref<10240x128xf32, #tpu.memory_space<vmem_shared>> -> memref<640x128xf32, #tpu.memory_space<vmem_shared>>
      tpu.enqueue_dma source(%dma_start3A_51 : memref<640x128xf32, #tpu.memory_space<vmem_shared>>) target(%dma_start3A_49 : memref<640x128xf32, #tpu.memory_space<hbm>>) target_semaphore(%run_scoped3A : memref<!tpu.dma_semaphore, #tpu.memory_space<semaphore_mem>>)
      %dma_wait3A = arith.constant 0 : i32
      %dma_wait3A_52 = tpu.memref_slice %arg5[%arg0, %mul3A_46, %dma_wait3A] : memref<2x10240x128xf32, #tpu.memory_space<hbm>> -> memref<1x640x128xf32, #tpu.memory_space<hbm>>
      %dma_wait3A_53 = tpu.memref_squeeze %dma_wait3A_52 : memref<1x640x128xf32, #tpu.memory_space<hbm>> -> memref<640x128xf32, #tpu.memory_space<hbm>>
      %dma_wait3A_54 = arith.constant 0 : i32
      %dma_wait3A_55 = tpu.memref_slice %arg10[%mul3A_44, %dma_wait3A_54] : memref<10240x128xf32, #tpu.memory_space<vmem_shared>> -> memref<640x128xf32, #tpu.memory_space<vmem_shared>>
      tpu.wait_dma2 semaphore(%run_scoped3A : memref<!tpu.dma_semaphore, #tpu.memory_space<semaphore_mem>>) src(%dma_wait3A_55 : memref<640x128xf32, #tpu.memory_space<vmem_shared>>) dst(%dma_wait3A_53 : memref<640x128xf32, #tpu.memory_space<hbm>>)
      tpu.yield
    }) : () -> ()
    return
  }
}

#map = affine_map<(d0, d1) -> (0, 0)>
#map1 = affine_map<(d0, d1) -> (0, 0, 0)>
module attributes {stable_mosaic.version = 14 : i64} {
  func.func @prop(%arg0: i32, %arg1: i32, %arg2: memref<10000x64xf32, #tpu.memory_space<hbm>>, %arg3: memref<32x40x256xi32, #tpu.memory_space<hbm>>, %arg4: memref<32x40x256xi32, #tpu.memory_space<hbm>>, %arg5: memref<2x10240x64xf32, #tpu.memory_space<hbm>>, %arg6: memref<20x256xi32, #tpu.memory_space<vmem>>, %arg7: memref<20x256xi32, #tpu.memory_space<vmem>>, %arg8: memref<256x64xf32, #tpu.memory_space<vmem>>, %arg9: memref<256x64xf32, #tpu.memory_space<vmem>>, %arg10: memref<10240x64xf32, #tpu.memory_space<vmem_shared>>, %arg11: memref<!tpu.dma_semaphore, #tpu.memory_space<semaphore_mem>>, %arg12: memref<!tpu.dma_semaphore, #tpu.memory_space<semaphore_mem>>) attributes {dimension_semantics = [#tpu.dimension_semantics<core_parallel>, #tpu.dimension_semantics<subcore_parallel>], iteration_bounds = array<i64: 2, 16>, scalar_prefetch = 0 : i64, scratch_operands = 7 : i64, tpu.core_type = #tpu.core_type<sc_vector_subcore>, window_params = [{transform_indices = #map}, {transform_indices = #map1}, {transform_indices = #map1}, {transform_indices = #map1}]} {
    %mul3A = arith.constant 2 : i32
    %mul3A_0 = arith.muli %arg1, %mul3A : i32
    %add3A = arith.addi %mul3A_0, %arg0 : i32
    %broadcast_in_dim3A = arith.constant 0.000000e+00 : f32
    %broadcast_in_dim3A_1 = vector.broadcast %broadcast_in_dim3A : f32 to vector<16xf32>
    %scan3A = arith.constant 0 : i32
    %scan3A_2 = arith.constant 0 : i32
    %scan3A_3 = arith.constant 256 : i32
    %scan3A_4 = arith.addi %scan3A_2, %scan3A_3 : i32
    %scan3A_5 = arith.constant 1 : i32
    %scan3A_6 = scf.for %scan3A_47 = %scan3A_2 to %scan3A_4 step %scan3A_5 iter_args(%scan3A_48 = %scan3A) -> (i32)  : i32 {
      %swap3A = arith.index_cast %scan3A_47 : i32 to index
      %swap3A_49 = arith.constant 0 : index
      %swap3A_50 = tpu.vector_load %arg8[%swap3A, %swap3A_49] {strides = array<i32>} : memref<256x64xf32, #tpu.memory_space<vmem>>, vector<1x16xf32>,
      %swap3A_51 = vector.shape_cast %swap3A_50 : vector<1x16xf32> to vector<16xf32>
      %swap3A_52 = vector.shape_cast %broadcast_in_dim3A_1 : vector<16xf32> to vector<1x16xf32>
      tpu.vector_store %arg8[%swap3A, %swap3A_49], %swap3A_52 {strides = array<i32>} : memref<256x64xf32, #tpu.memory_space<vmem>>, vector<1x16xf32>,
      %swap3A_53 = arith.index_cast %scan3A_47 : i32 to index
      %swap3A_54 = arith.constant 16 : index
      %swap3A_55 = tpu.vector_load %arg8[%swap3A_53, %swap3A_54] {strides = array<i32>} : memref<256x64xf32, #tpu.memory_space<vmem>>, vector<1x16xf32>,
      %swap3A_56 = vector.shape_cast %swap3A_55 : vector<1x16xf32> to vector<16xf32>
      %swap3A_57 = vector.shape_cast %broadcast_in_dim3A_1 : vector<16xf32> to vector<1x16xf32>
      tpu.vector_store %arg8[%swap3A_53, %swap3A_54], %swap3A_57 {strides = array<i32>} : memref<256x64xf32, #tpu.memory_space<vmem>>, vector<1x16xf32>,
      %swap3A_58 = arith.index_cast %scan3A_47 : i32 to index
      %swap3A_59 = arith.constant 32 : index
      %swap3A_60 = tpu.vector_load %arg8[%swap3A_58, %swap3A_59] {strides = array<i32>} : memref<256x64xf32, #tpu.memory_space<vmem>>, vector<1x16xf32>,
      %swap3A_61 = vector.shape_cast %swap3A_60 : vector<1x16xf32> to vector<16xf32>
      %swap3A_62 = vector.shape_cast %broadcast_in_dim3A_1 : vector<16xf32> to vector<1x16xf32>
      tpu.vector_store %arg8[%swap3A_58, %swap3A_59], %swap3A_62 {strides = array<i32>} : memref<256x64xf32, #tpu.memory_space<vmem>>, vector<1x16xf32>,
      %swap3A_63 = arith.index_cast %scan3A_47 : i32 to index
      %swap3A_64 = arith.constant 48 : index
      %swap3A_65 = tpu.vector_load %arg8[%swap3A_63, %swap3A_64] {strides = array<i32>} : memref<256x64xf32, #tpu.memory_space<vmem>>, vector<1x16xf32>,
      %swap3A_66 = vector.shape_cast %swap3A_65 : vector<1x16xf32> to vector<16xf32>
      %swap3A_67 = vector.shape_cast %broadcast_in_dim3A_1 : vector<16xf32> to vector<1x16xf32>
      tpu.vector_store %arg8[%swap3A_63, %swap3A_64], %swap3A_67 {strides = array<i32>} : memref<256x64xf32, #tpu.memory_space<vmem>>, vector<1x16xf32>,
      %scan3A_68 = arith.constant 0 : i32
      scf.yield %scan3A_68 : i32
    }
    %scan3A_7 = arith.constant 256 : i32
    %scan3A_8 = arith.constant 0 : i32
    %scan3A_9 = arith.constant 0 : i32
    %scan3A_10 = arith.constant 5 : i32
    %scan3A_11 = arith.addi %scan3A_9, %scan3A_10 : i32
    %scan3A_12 = arith.constant 1 : i32
    %scan3A_13 = scf.for %scan3A_47 = %scan3A_9 to %scan3A_11 step %scan3A_12 iter_args(%scan3A_48 = %scan3A_8) -> (i32)  : i32 {
      %mul3A_49 = arith.constant 640 : i32
      %mul3A_50 = arith.muli %arg1, %mul3A_49 : i32
      %mul3A_51 = arith.constant 128 : i32
      %mul3A_52 = arith.muli %scan3A_47, %mul3A_51 : i32
      %add3A_53 = arith.addi %mul3A_50, %mul3A_52 : i32
      "tpu.region"() ({
        %run_scoped3A = tpu.sem_alloc : memref<!tpu.dma_semaphore, #tpu.memory_space<semaphore_mem>>
        %dma_start3A_55 = arith.constant 0 : i32
        %dma_start3A_56 = arith.constant 0 : i32
        %dma_start3A_57 = tpu.memref_slice %arg8[%dma_start3A_55, %dma_start3A_56] : memref<256x64xf32, #tpu.memory_space<vmem>> -> memref<128x64xf32, #tpu.memory_space<vmem>>
        %dma_start3A_58 = arith.constant 0 : i32
        %dma_start3A_59 = tpu.memref_slice %arg10[%add3A_53, %dma_start3A_58] : memref<10240x64xf32, #tpu.memory_space<vmem_shared>> -> memref<128x64xf32, #tpu.memory_space<vmem_shared>>
        %dma_start3A_60 = arith.constant 0 : i32
        %dma_start3A_61 = tpu.memref_slice %arg10[%add3A_53, %dma_start3A_60] : memref<10240x64xf32, #tpu.memory_space<vmem_shared>> -> memref<128x64xf32, #tpu.memory_space<vmem_shared>>
        %dma_start3A_62 = arith.constant 0 : i32
        %dma_start3A_63 = arith.constant 0 : i32
        %dma_start3A_64 = tpu.memref_slice %arg8[%dma_start3A_62, %dma_start3A_63] : memref<256x64xf32, #tpu.memory_space<vmem>> -> memref<128x64xf32, #tpu.memory_space<vmem>>
        tpu.enqueue_dma source(%dma_start3A_64 : memref<128x64xf32, #tpu.memory_space<vmem>>) target(%dma_start3A_61 : memref<128x64xf32, #tpu.memory_space<vmem_shared>>) target_semaphore(%run_scoped3A : memref<!tpu.dma_semaphore, #tpu.memory_space<semaphore_mem>>)
        %dma_wait3A = arith.constant 0 : i32
        %dma_wait3A_65 = arith.constant 0 : i32
        %dma_wait3A_66 = tpu.memref_slice %arg8[%dma_wait3A, %dma_wait3A_65] : memref<256x64xf32, #tpu.memory_space<vmem>> -> memref<128x64xf32, #tpu.memory_space<vmem>>
        %dma_wait3A_67 = arith.constant 0 : i32
        %dma_wait3A_68 = tpu.memref_slice %arg10[%add3A_53, %dma_wait3A_67] : memref<10240x64xf32, #tpu.memory_space<vmem_shared>> -> memref<128x64xf32, #tpu.memory_space<vmem_shared>>
        %dma_wait3A_69 = arith.constant 0 : i32
        %dma_wait3A_70 = tpu.memref_slice %arg10[%add3A_53, %dma_wait3A_69] : memref<10240x64xf32, #tpu.memory_space<vmem_shared>> -> memref<128x64xf32, #tpu.memory_space<vmem_shared>>
        %dma_wait3A_71 = arith.constant 0 : i32
        %dma_wait3A_72 = arith.constant 0 : i32
        %dma_wait3A_73 = tpu.memref_slice %arg8[%dma_wait3A_71, %dma_wait3A_72] : memref<256x64xf32, #tpu.memory_space<vmem>> -> memref<128x64xf32, #tpu.memory_space<vmem>>
        tpu.wait_dma2 semaphore(%run_scoped3A : memref<!tpu.dma_semaphore, #tpu.memory_space<semaphore_mem>>) src(%dma_wait3A_73 : memref<128x64xf32, #tpu.memory_space<vmem>>) dst(%dma_wait3A_70 : memref<128x64xf32, #tpu.memory_space<vmem_shared>>)
        tpu.yield
      }) : () -> ()
      %scan3A_54 = arith.constant 0 : i32
      scf.yield %scan3A_54 : i32
    }
    %scan3A_14 = arith.constant 5 : i32
    %barrier3A = arith.constant 0 : index
    tpu.barrier barrier_id(%barrier3A)
    "tpu.region"() ({
      %run_scoped3A = tpu.sem_alloc : memref<!tpu.dma_semaphore, #tpu.memory_space<semaphore_mem>>
      %dma_start3A_47 = arith.constant 0 : i32
      %dma_start3A_48 = arith.constant 0 : i32
      %dma_start3A_49 = tpu.memref_slice %arg3[%add3A, %dma_start3A_47, %dma_start3A_48] : memref<32x40x256xi32, #tpu.memory_space<hbm>> -> memref<1x20x256xi32, #tpu.memory_space<hbm>>
      %dma_start3A_50 = tpu.memref_squeeze %dma_start3A_49 : memref<1x20x256xi32, #tpu.memory_space<hbm>> -> memref<20x256xi32, #tpu.memory_space<hbm>>
      %dma_start3A_51 = arith.constant 0 : i32
      %dma_start3A_52 = arith.constant 0 : i32
      %dma_start3A_53 = tpu.memref_slice %arg3[%add3A, %dma_start3A_51, %dma_start3A_52] : memref<32x40x256xi32, #tpu.memory_space<hbm>> -> memref<1x20x256xi32, #tpu.memory_space<hbm>>
      %dma_start3A_54 = tpu.memref_squeeze %dma_start3A_53 : memref<1x20x256xi32, #tpu.memory_space<hbm>> -> memref<20x256xi32, #tpu.memory_space<hbm>>
      tpu.enqueue_dma source(%dma_start3A_54 : memref<20x256xi32, #tpu.memory_space<hbm>>) target(%arg6 : memref<20x256xi32, #tpu.memory_space<vmem>>) target_semaphore(%run_scoped3A : memref<!tpu.dma_semaphore, #tpu.memory_space<semaphore_mem>>)
      %dma_wait3A = arith.constant 0 : i32
      %dma_wait3A_55 = arith.constant 0 : i32
      %dma_wait3A_56 = tpu.memref_slice %arg3[%add3A, %dma_wait3A, %dma_wait3A_55] : memref<32x40x256xi32, #tpu.memory_space<hbm>> -> memref<1x20x256xi32, #tpu.memory_space<hbm>>
      %dma_wait3A_57 = tpu.memref_squeeze %dma_wait3A_56 : memref<1x20x256xi32, #tpu.memory_space<hbm>> -> memref<20x256xi32, #tpu.memory_space<hbm>>
      %dma_wait3A_58 = arith.constant 0 : i32
      %dma_wait3A_59 = arith.constant 0 : i32
      %dma_wait3A_60 = tpu.memref_slice %arg3[%add3A, %dma_wait3A_58, %dma_wait3A_59] : memref<32x40x256xi32, #tpu.memory_space<hbm>> -> memref<1x20x256xi32, #tpu.memory_space<hbm>>
      %dma_wait3A_61 = tpu.memref_squeeze %dma_wait3A_60 : memref<1x20x256xi32, #tpu.memory_space<hbm>> -> memref<20x256xi32, #tpu.memory_space<hbm>>
      tpu.wait_dma2 semaphore(%run_scoped3A : memref<!tpu.dma_semaphore, #tpu.memory_space<semaphore_mem>>) src(%dma_wait3A_61 : memref<20x256xi32, #tpu.memory_space<hbm>>) dst(%arg6 : memref<20x256xi32, #tpu.memory_space<vmem>>)
      tpu.yield
    }) : () -> ()
    "tpu.region"() ({
      %run_scoped3A = tpu.sem_alloc : memref<!tpu.dma_semaphore, #tpu.memory_space<semaphore_mem>>
      %dma_start3A_47 = arith.constant 0 : i32
      %dma_start3A_48 = arith.constant 0 : i32
      %dma_start3A_49 = tpu.memref_slice %arg4[%add3A, %dma_start3A_47, %dma_start3A_48] : memref<32x40x256xi32, #tpu.memory_space<hbm>> -> memref<1x20x256xi32, #tpu.memory_space<hbm>>
      %dma_start3A_50 = tpu.memref_squeeze %dma_start3A_49 : memref<1x20x256xi32, #tpu.memory_space<hbm>> -> memref<20x256xi32, #tpu.memory_space<hbm>>
      %dma_start3A_51 = arith.constant 0 : i32
      %dma_start3A_52 = arith.constant 0 : i32
      %dma_start3A_53 = tpu.memref_slice %arg4[%add3A, %dma_start3A_51, %dma_start3A_52] : memref<32x40x256xi32, #tpu.memory_space<hbm>> -> memref<1x20x256xi32, #tpu.memory_space<hbm>>
      %dma_start3A_54 = tpu.memref_squeeze %dma_start3A_53 : memref<1x20x256xi32, #tpu.memory_space<hbm>> -> memref<20x256xi32, #tpu.memory_space<hbm>>
      tpu.enqueue_dma source(%dma_start3A_54 : memref<20x256xi32, #tpu.memory_space<hbm>>) target(%arg7 : memref<20x256xi32, #tpu.memory_space<vmem>>) target_semaphore(%run_scoped3A : memref<!tpu.dma_semaphore, #tpu.memory_space<semaphore_mem>>)
      %dma_wait3A = arith.constant 0 : i32
      %dma_wait3A_55 = arith.constant 0 : i32
      %dma_wait3A_56 = tpu.memref_slice %arg4[%add3A, %dma_wait3A, %dma_wait3A_55] : memref<32x40x256xi32, #tpu.memory_space<hbm>> -> memref<1x20x256xi32, #tpu.memory_space<hbm>>
      %dma_wait3A_57 = tpu.memref_squeeze %dma_wait3A_56 : memref<1x20x256xi32, #tpu.memory_space<hbm>> -> memref<20x256xi32, #tpu.memory_space<hbm>>
      %dma_wait3A_58 = arith.constant 0 : i32
      %dma_wait3A_59 = arith.constant 0 : i32
      %dma_wait3A_60 = tpu.memref_slice %arg4[%add3A, %dma_wait3A_58, %dma_wait3A_59] : memref<32x40x256xi32, #tpu.memory_space<hbm>> -> memref<1x20x256xi32, #tpu.memory_space<hbm>>
      %dma_wait3A_61 = tpu.memref_squeeze %dma_wait3A_60 : memref<1x20x256xi32, #tpu.memory_space<hbm>> -> memref<20x256xi32, #tpu.memory_space<hbm>>
      tpu.wait_dma2 semaphore(%run_scoped3A : memref<!tpu.dma_semaphore, #tpu.memory_space<semaphore_mem>>) src(%dma_wait3A_61 : memref<20x256xi32, #tpu.memory_space<hbm>>) dst(%arg7 : memref<20x256xi32, #tpu.memory_space<vmem>>)
      tpu.yield
    }) : () -> ()
    %dma_start3A = arith.constant 0 : i32
    %dma_start3A_15 = arith.constant 0 : i32
    %dma_start3A_16 = tpu.memref_slice %arg6[%dma_start3A, %dma_start3A_15] : memref<20x256xi32, #tpu.memory_space<vmem>> -> memref<1x256xi32, #tpu.memory_space<vmem>>
    %dma_start3A_17 = tpu.memref_squeeze %dma_start3A_16 : memref<1x256xi32, #tpu.memory_space<vmem>> -> memref<256xi32, #tpu.memory_space<vmem>>
    %dma_start3A_18 = arith.constant 0 : i32
    %dma_start3A_19 = arith.constant 0 : i32
    %dma_start3A_20 = tpu.memref_slice %arg2[%dma_start3A_18, %dma_start3A_19] : memref<10000x64xf32, #tpu.memory_space<hbm>> -> memref<10000x64xf32, #tpu.memory_space<hbm>>
    tpu.enqueue_indirect_dma source(%dma_start3A_20 : memref<10000x64xf32, #tpu.memory_space<hbm>>) target(%arg8 : memref<256x64xf32, #tpu.memory_space<vmem>>) offsets(%dma_start3A_17 : memref<256xi32, #tpu.memory_space<vmem>>) semaphore(%arg11 : memref<!tpu.dma_semaphore, #tpu.memory_space<semaphore_mem>>)
    %scan3A_21 = arith.constant 0 : i32
    %scan3A_22 = arith.constant 0 : i32
    %scan3A_23 = arith.constant 10 : i32
    %scan3A_24 = arith.addi %scan3A_22, %scan3A_23 : i32
    %scan3A_25 = arith.constant 1 : i32
    %scan3A_26 = scf.for %scan3A_47 = %scan3A_22 to %scan3A_24 step %scan3A_25 iter_args(%scan3A_48 = %scan3A_21) -> (i32)  : i32 {
      %mul3A_49 = arith.constant 2 : i32
      %mul3A_50 = arith.muli %mul3A_49, %scan3A_47 : i32
      %add3A_51 = arith.constant 1 : i32
      %add3A_52 = arith.addi %mul3A_50, %add3A_51 : i32
      %dma_start3A_53 = arith.constant 0 : i32
      %dma_start3A_54 = tpu.memref_slice %arg6[%add3A_52, %dma_start3A_53] : memref<20x256xi32, #tpu.memory_space<vmem>> -> memref<1x256xi32, #tpu.memory_space<vmem>>
      %dma_start3A_55 = tpu.memref_squeeze %dma_start3A_54 : memref<1x256xi32, #tpu.memory_space<vmem>> -> memref<256xi32, #tpu.memory_space<vmem>>
      %dma_start3A_56 = arith.constant 0 : i32
      %dma_start3A_57 = arith.constant 0 : i32
      %dma_start3A_58 = tpu.memref_slice %arg2[%dma_start3A_56, %dma_start3A_57] : memref<10000x64xf32, #tpu.memory_space<hbm>> -> memref<10000x64xf32, #tpu.memory_space<hbm>>
      tpu.enqueue_indirect_dma source(%dma_start3A_58 : memref<10000x64xf32, #tpu.memory_space<hbm>>) target(%arg9 : memref<256x64xf32, #tpu.memory_space<vmem>>) offsets(%dma_start3A_55 : memref<256xi32, #tpu.memory_space<vmem>>) semaphore(%arg12 : memref<!tpu.dma_semaphore, #tpu.memory_space<semaphore_mem>>)
      %dma_wait3A = arith.constant 0 : i32
      %dma_wait3A_59 = tpu.memref_slice %arg6[%mul3A_50, %dma_wait3A] : memref<20x256xi32, #tpu.memory_space<vmem>> -> memref<1x256xi32, #tpu.memory_space<vmem>>
      %dma_wait3A_60 = tpu.memref_squeeze %dma_wait3A_59 : memref<1x256xi32, #tpu.memory_space<vmem>> -> memref<256xi32, #tpu.memory_space<vmem>>
      %dma_wait3A_61 = arith.constant 0 : i32
      %dma_wait3A_62 = arith.constant 0 : i32
      %dma_wait3A_63 = tpu.memref_slice %arg2[%dma_wait3A_61, %dma_wait3A_62] : memref<10000x64xf32, #tpu.memory_space<hbm>> -> memref<10000x64xf32, #tpu.memory_space<hbm>>
      tpu.wait_indirect_dma semaphore(%arg11 : memref<!tpu.dma_semaphore, #tpu.memory_space<semaphore_mem>>) src(%dma_wait3A_63 : memref<10000x64xf32, #tpu.memory_space<hbm>>) dst(%arg8 : memref<256x64xf32, #tpu.memory_space<vmem>>)
      "tpu.region"() ({
        %run_scoped3A = tpu.sem_alloc : memref<!tpu.dma_semaphore, #tpu.memory_space<semaphore_mem>>
        %dma_start3A_79 = arith.constant 0 : i32
        %dma_start3A_80 = tpu.memref_slice %arg7[%mul3A_50, %dma_start3A_79] : memref<20x256xi32, #tpu.memory_space<vmem>> -> memref<1x256xi32, #tpu.memory_space<vmem>>
        %dma_start3A_81 = tpu.memref_squeeze %dma_start3A_80 : memref<1x256xi32, #tpu.memory_space<vmem>> -> memref<256xi32, #tpu.memory_space<vmem>>
        %dma_start3A_82 = arith.constant 0 : i32
        %dma_start3A_83 = arith.constant 0 : i32
        %dma_start3A_84 = tpu.memref_slice %arg10[%dma_start3A_82, %dma_start3A_83] : memref<10240x64xf32, #tpu.memory_space<vmem_shared>> -> memref<10240x64xf32, #tpu.memory_space<vmem_shared>>
        tpu.enqueue_indirect_dma source(%arg8 : memref<256x64xf32, #tpu.memory_space<vmem>>) target(%dma_start3A_84 : memref<10240x64xf32, #tpu.memory_space<vmem_shared>>) offsets(%dma_start3A_81 : memref<256xi32, #tpu.memory_space<vmem>>) semaphore(%run_scoped3A : memref<!tpu.dma_semaphore, #tpu.memory_space<semaphore_mem>>) {add = true}
        %dma_wait3A_85 = arith.constant 0 : i32
        %dma_wait3A_86 = tpu.memref_slice %arg7[%mul3A_50, %dma_wait3A_85] : memref<20x256xi32, #tpu.memory_space<vmem>> -> memref<1x256xi32, #tpu.memory_space<vmem>>
        %dma_wait3A_87 = tpu.memref_squeeze %dma_wait3A_86 : memref<1x256xi32, #tpu.memory_space<vmem>> -> memref<256xi32, #tpu.memory_space<vmem>>
        %dma_wait3A_88 = arith.constant 0 : i32
        %dma_wait3A_89 = arith.constant 0 : i32
        %dma_wait3A_90 = tpu.memref_slice %arg10[%dma_wait3A_88, %dma_wait3A_89] : memref<10240x64xf32, #tpu.memory_space<vmem_shared>> -> memref<10240x64xf32, #tpu.memory_space<vmem_shared>>
        tpu.wait_indirect_dma semaphore(%run_scoped3A : memref<!tpu.dma_semaphore, #tpu.memory_space<semaphore_mem>>) src(%arg8 : memref<256x64xf32, #tpu.memory_space<vmem>>) dst(%dma_wait3A_90 : memref<10240x64xf32, #tpu.memory_space<vmem_shared>>)
        tpu.yield
      }) : () -> ()
      %add3A_64 = arith.constant 2 : i32
      %add3A_65 = arith.addi %mul3A_50, %add3A_64 : i32
      %lt3A = arith.constant 20 : i32
      %lt3A_66 = arith.cmpi slt, %add3A_65, %lt3A : i32
      %convert_element_type3A = arith.extui %lt3A_66 : i1 to i32
      %cond3A = arith.constant 0 : i32
      %cond3A_67 = arith.cmpi ne, %convert_element_type3A, %cond3A : i32
      scf.if %cond3A_67 {
        %add3A_79 = arith.constant 2 : i32
        %add3A_80 = arith.addi %mul3A_50, %add3A_79 : i32
        %dma_start3A_81 = arith.constant 0 : i32
        %dma_start3A_82 = tpu.memref_slice %arg6[%add3A_80, %dma_start3A_81] : memref<20x256xi32, #tpu.memory_space<vmem>> -> memref<1x256xi32, #tpu.memory_space<vmem>>
        %dma_start3A_83 = tpu.memref_squeeze %dma_start3A_82 : memref<1x256xi32, #tpu.memory_space<vmem>> -> memref<256xi32, #tpu.memory_space<vmem>>
        %dma_start3A_84 = arith.constant 0 : i32
        %dma_start3A_85 = arith.constant 0 : i32
        %dma_start3A_86 = tpu.memref_slice %arg2[%dma_start3A_84, %dma_start3A_85] : memref<10000x64xf32, #tpu.memory_space<hbm>> -> memref<10000x64xf32, #tpu.memory_space<hbm>>
        tpu.enqueue_indirect_dma source(%dma_start3A_86 : memref<10000x64xf32, #tpu.memory_space<hbm>>) target(%arg8 : memref<256x64xf32, #tpu.memory_space<vmem>>) offsets(%dma_start3A_83 : memref<256xi32, #tpu.memory_space<vmem>>) semaphore(%arg11 : memref<!tpu.dma_semaphore, #tpu.memory_space<semaphore_mem>>)
      } else {
      }
      %add3A_68 = arith.constant 1 : i32
      %add3A_69 = arith.addi %mul3A_50, %add3A_68 : i32
      %dma_wait3A_70 = arith.constant 0 : i32
      %dma_wait3A_71 = tpu.memref_slice %arg6[%add3A_69, %dma_wait3A_70] : memref<20x256xi32, #tpu.memory_space<vmem>> -> memref<1x256xi32, #tpu.memory_space<vmem>>
      %dma_wait3A_72 = tpu.memref_squeeze %dma_wait3A_71 : memref<1x256xi32, #tpu.memory_space<vmem>> -> memref<256xi32, #tpu.memory_space<vmem>>
      %dma_wait3A_73 = arith.constant 0 : i32
      %dma_wait3A_74 = arith.constant 0 : i32
      %dma_wait3A_75 = tpu.memref_slice %arg2[%dma_wait3A_73, %dma_wait3A_74] : memref<10000x64xf32, #tpu.memory_space<hbm>> -> memref<10000x64xf32, #tpu.memory_space<hbm>>
      tpu.wait_indirect_dma semaphore(%arg12 : memref<!tpu.dma_semaphore, #tpu.memory_space<semaphore_mem>>) src(%dma_wait3A_75 : memref<10000x64xf32, #tpu.memory_space<hbm>>) dst(%arg9 : memref<256x64xf32, #tpu.memory_space<vmem>>)
      %add3A_76 = arith.constant 1 : i32
      %add3A_77 = arith.addi %mul3A_50, %add3A_76 : i32
      "tpu.region"() ({
        %run_scoped3A = tpu.sem_alloc : memref<!tpu.dma_semaphore, #tpu.memory_space<semaphore_mem>>
        %dma_start3A_79 = arith.constant 0 : i32
        %dma_start3A_80 = tpu.memref_slice %arg7[%add3A_77, %dma_start3A_79] : memref<20x256xi32, #tpu.memory_space<vmem>> -> memref<1x256xi32, #tpu.memory_space<vmem>>
        %dma_start3A_81 = tpu.memref_squeeze %dma_start3A_80 : memref<1x256xi32, #tpu.memory_space<vmem>> -> memref<256xi32, #tpu.memory_space<vmem>>
        %dma_start3A_82 = arith.constant 0 : i32
        %dma_start3A_83 = arith.constant 0 : i32
        %dma_start3A_84 = tpu.memref_slice %arg10[%dma_start3A_82, %dma_start3A_83] : memref<10240x64xf32, #tpu.memory_space<vmem_shared>> -> memref<10240x64xf32, #tpu.memory_space<vmem_shared>>
        tpu.enqueue_indirect_dma source(%arg9 : memref<256x64xf32, #tpu.memory_space<vmem>>) target(%dma_start3A_84 : memref<10240x64xf32, #tpu.memory_space<vmem_shared>>) offsets(%dma_start3A_81 : memref<256xi32, #tpu.memory_space<vmem>>) semaphore(%run_scoped3A : memref<!tpu.dma_semaphore, #tpu.memory_space<semaphore_mem>>) {add = true}
        %dma_wait3A_85 = arith.constant 0 : i32
        %dma_wait3A_86 = tpu.memref_slice %arg7[%add3A_77, %dma_wait3A_85] : memref<20x256xi32, #tpu.memory_space<vmem>> -> memref<1x256xi32, #tpu.memory_space<vmem>>
        %dma_wait3A_87 = tpu.memref_squeeze %dma_wait3A_86 : memref<1x256xi32, #tpu.memory_space<vmem>> -> memref<256xi32, #tpu.memory_space<vmem>>
        %dma_wait3A_88 = arith.constant 0 : i32
        %dma_wait3A_89 = arith.constant 0 : i32
        %dma_wait3A_90 = tpu.memref_slice %arg10[%dma_wait3A_88, %dma_wait3A_89] : memref<10240x64xf32, #tpu.memory_space<vmem_shared>> -> memref<10240x64xf32, #tpu.memory_space<vmem_shared>>
        tpu.wait_indirect_dma semaphore(%run_scoped3A : memref<!tpu.dma_semaphore, #tpu.memory_space<semaphore_mem>>) src(%arg9 : memref<256x64xf32, #tpu.memory_space<vmem>>) dst(%dma_wait3A_90 : memref<10240x64xf32, #tpu.memory_space<vmem_shared>>)
        tpu.yield
      }) : () -> ()
      %scan3A_78 = arith.constant 0 : i32
      scf.yield %scan3A_78 : i32
    }
    %scan3A_27 = arith.constant 10 : i32
    "tpu.region"() ({
      %run_scoped3A = tpu.sem_alloc : memref<!tpu.dma_semaphore, #tpu.memory_space<semaphore_mem>>
      %dma_start3A_47 = arith.constant 20 : i32
      %dma_start3A_48 = arith.constant 0 : i32
      %dma_start3A_49 = tpu.memref_slice %arg3[%add3A, %dma_start3A_47, %dma_start3A_48] : memref<32x40x256xi32, #tpu.memory_space<hbm>> -> memref<1x20x256xi32, #tpu.memory_space<hbm>>
      %dma_start3A_50 = tpu.memref_squeeze %dma_start3A_49 : memref<1x20x256xi32, #tpu.memory_space<hbm>> -> memref<20x256xi32, #tpu.memory_space<hbm>>
      %dma_start3A_51 = arith.constant 20 : i32
      %dma_start3A_52 = arith.constant 0 : i32
      %dma_start3A_53 = tpu.memref_slice %arg3[%add3A, %dma_start3A_51, %dma_start3A_52] : memref<32x40x256xi32, #tpu.memory_space<hbm>> -> memref<1x20x256xi32, #tpu.memory_space<hbm>>
      %dma_start3A_54 = tpu.memref_squeeze %dma_start3A_53 : memref<1x20x256xi32, #tpu.memory_space<hbm>> -> memref<20x256xi32, #tpu.memory_space<hbm>>
      tpu.enqueue_dma source(%dma_start3A_54 : memref<20x256xi32, #tpu.memory_space<hbm>>) target(%arg6 : memref<20x256xi32, #tpu.memory_space<vmem>>) target_semaphore(%run_scoped3A : memref<!tpu.dma_semaphore, #tpu.memory_space<semaphore_mem>>)
      %dma_wait3A = arith.constant 20 : i32
      %dma_wait3A_55 = arith.constant 0 : i32
      %dma_wait3A_56 = tpu.memref_slice %arg3[%add3A, %dma_wait3A, %dma_wait3A_55] : memref<32x40x256xi32, #tpu.memory_space<hbm>> -> memref<1x20x256xi32, #tpu.memory_space<hbm>>
      %dma_wait3A_57 = tpu.memref_squeeze %dma_wait3A_56 : memref<1x20x256xi32, #tpu.memory_space<hbm>> -> memref<20x256xi32, #tpu.memory_space<hbm>>
      %dma_wait3A_58 = arith.constant 20 : i32
      %dma_wait3A_59 = arith.constant 0 : i32
      %dma_wait3A_60 = tpu.memref_slice %arg3[%add3A, %dma_wait3A_58, %dma_wait3A_59] : memref<32x40x256xi32, #tpu.memory_space<hbm>> -> memref<1x20x256xi32, #tpu.memory_space<hbm>>
      %dma_wait3A_61 = tpu.memref_squeeze %dma_wait3A_60 : memref<1x20x256xi32, #tpu.memory_space<hbm>> -> memref<20x256xi32, #tpu.memory_space<hbm>>
      tpu.wait_dma2 semaphore(%run_scoped3A : memref<!tpu.dma_semaphore, #tpu.memory_space<semaphore_mem>>) src(%dma_wait3A_61 : memref<20x256xi32, #tpu.memory_space<hbm>>) dst(%arg6 : memref<20x256xi32, #tpu.memory_space<vmem>>)
      tpu.yield
    }) : () -> ()
    "tpu.region"() ({
      %run_scoped3A = tpu.sem_alloc : memref<!tpu.dma_semaphore, #tpu.memory_space<semaphore_mem>>
      %dma_start3A_47 = arith.constant 20 : i32
      %dma_start3A_48 = arith.constant 0 : i32
      %dma_start3A_49 = tpu.memref_slice %arg4[%add3A, %dma_start3A_47, %dma_start3A_48] : memref<32x40x256xi32, #tpu.memory_space<hbm>> -> memref<1x20x256xi32, #tpu.memory_space<hbm>>
      %dma_start3A_50 = tpu.memref_squeeze %dma_start3A_49 : memref<1x20x256xi32, #tpu.memory_space<hbm>> -> memref<20x256xi32, #tpu.memory_space<hbm>>
      %dma_start3A_51 = arith.constant 20 : i32
      %dma_start3A_52 = arith.constant 0 : i32
      %dma_start3A_53 = tpu.memref_slice %arg4[%add3A, %dma_start3A_51, %dma_start3A_52] : memref<32x40x256xi32, #tpu.memory_space<hbm>> -> memref<1x20x256xi32, #tpu.memory_space<hbm>>
      %dma_start3A_54 = tpu.memref_squeeze %dma_start3A_53 : memref<1x20x256xi32, #tpu.memory_space<hbm>> -> memref<20x256xi32, #tpu.memory_space<hbm>>
      tpu.enqueue_dma source(%dma_start3A_54 : memref<20x256xi32, #tpu.memory_space<hbm>>) target(%arg7 : memref<20x256xi32, #tpu.memory_space<vmem>>) target_semaphore(%run_scoped3A : memref<!tpu.dma_semaphore, #tpu.memory_space<semaphore_mem>>)
      %dma_wait3A = arith.constant 20 : i32
      %dma_wait3A_55 = arith.constant 0 : i32
      %dma_wait3A_56 = tpu.memref_slice %arg4[%add3A, %dma_wait3A, %dma_wait3A_55] : memref<32x40x256xi32, #tpu.memory_space<hbm>> -> memref<1x20x256xi32, #tpu.memory_space<hbm>>
      %dma_wait3A_57 = tpu.memref_squeeze %dma_wait3A_56 : memref<1x20x256xi32, #tpu.memory_space<hbm>> -> memref<20x256xi32, #tpu.memory_space<hbm>>
      %dma_wait3A_58 = arith.constant 20 : i32
      %dma_wait3A_59 = arith.constant 0 : i32
      %dma_wait3A_60 = tpu.memref_slice %arg4[%add3A, %dma_wait3A_58, %dma_wait3A_59] : memref<32x40x256xi32, #tpu.memory_space<hbm>> -> memref<1x20x256xi32, #tpu.memory_space<hbm>>
      %dma_wait3A_61 = tpu.memref_squeeze %dma_wait3A_60 : memref<1x20x256xi32, #tpu.memory_space<hbm>> -> memref<20x256xi32, #tpu.memory_space<hbm>>
      tpu.wait_dma2 semaphore(%run_scoped3A : memref<!tpu.dma_semaphore, #tpu.memory_space<semaphore_mem>>) src(%dma_wait3A_61 : memref<20x256xi32, #tpu.memory_space<hbm>>) dst(%arg7 : memref<20x256xi32, #tpu.memory_space<vmem>>)
      tpu.yield
    }) : () -> ()
    %dma_start3A_28 = arith.constant 0 : i32
    %dma_start3A_29 = arith.constant 0 : i32
    %dma_start3A_30 = tpu.memref_slice %arg6[%dma_start3A_28, %dma_start3A_29] : memref<20x256xi32, #tpu.memory_space<vmem>> -> memref<1x256xi32, #tpu.memory_space<vmem>>
    %dma_start3A_31 = tpu.memref_squeeze %dma_start3A_30 : memref<1x256xi32, #tpu.memory_space<vmem>> -> memref<256xi32, #tpu.memory_space<vmem>>
    %dma_start3A_32 = arith.constant 0 : i32
    %dma_start3A_33 = arith.constant 0 : i32
    %dma_start3A_34 = tpu.memref_slice %arg2[%dma_start3A_32, %dma_start3A_33] : memref<10000x64xf32, #tpu.memory_space<hbm>> -> memref<10000x64xf32, #tpu.memory_space<hbm>>
    tpu.enqueue_indirect_dma source(%dma_start3A_34 : memref<10000x64xf32, #tpu.memory_space<hbm>>) target(%arg8 : memref<256x64xf32, #tpu.memory_space<vmem>>) offsets(%dma_start3A_31 : memref<256xi32, #tpu.memory_space<vmem>>) semaphore(%arg11 : memref<!tpu.dma_semaphore, #tpu.memory_space<semaphore_mem>>)
    %scan3A_35 = arith.constant 0 : i32
    %scan3A_36 = arith.constant 0 : i32
    %scan3A_37 = arith.constant 10 : i32
    %scan3A_38 = arith.addi %scan3A_36, %scan3A_37 : i32
    %scan3A_39 = arith.constant 1 : i32
    %scan3A_40 = scf.for %scan3A_47 = %scan3A_36 to %scan3A_38 step %scan3A_39 iter_args(%scan3A_48 = %scan3A_35) -> (i32)  : i32 {
      %mul3A_49 = arith.constant 2 : i32
      %mul3A_50 = arith.muli %mul3A_49, %scan3A_47 : i32
      %add3A_51 = arith.constant 1 : i32
      %add3A_52 = arith.addi %mul3A_50, %add3A_51 : i32
      %dma_start3A_53 = arith.constant 0 : i32
      %dma_start3A_54 = tpu.memref_slice %arg6[%add3A_52, %dma_start3A_53] : memref<20x256xi32, #tpu.memory_space<vmem>> -> memref<1x256xi32, #tpu.memory_space<vmem>>
      %dma_start3A_55 = tpu.memref_squeeze %dma_start3A_54 : memref<1x256xi32, #tpu.memory_space<vmem>> -> memref<256xi32, #tpu.memory_space<vmem>>
      %dma_start3A_56 = arith.constant 0 : i32
      %dma_start3A_57 = arith.constant 0 : i32
      %dma_start3A_58 = tpu.memref_slice %arg2[%dma_start3A_56, %dma_start3A_57] : memref<10000x64xf32, #tpu.memory_space<hbm>> -> memref<10000x64xf32, #tpu.memory_space<hbm>>
      tpu.enqueue_indirect_dma source(%dma_start3A_58 : memref<10000x64xf32, #tpu.memory_space<hbm>>) target(%arg9 : memref<256x64xf32, #tpu.memory_space<vmem>>) offsets(%dma_start3A_55 : memref<256xi32, #tpu.memory_space<vmem>>) semaphore(%arg12 : memref<!tpu.dma_semaphore, #tpu.memory_space<semaphore_mem>>)
      %dma_wait3A = arith.constant 0 : i32
      %dma_wait3A_59 = tpu.memref_slice %arg6[%mul3A_50, %dma_wait3A] : memref<20x256xi32, #tpu.memory_space<vmem>> -> memref<1x256xi32, #tpu.memory_space<vmem>>
      %dma_wait3A_60 = tpu.memref_squeeze %dma_wait3A_59 : memref<1x256xi32, #tpu.memory_space<vmem>> -> memref<256xi32, #tpu.memory_space<vmem>>
      %dma_wait3A_61 = arith.constant 0 : i32
      %dma_wait3A_62 = arith.constant 0 : i32
      %dma_wait3A_63 = tpu.memref_slice %arg2[%dma_wait3A_61, %dma_wait3A_62] : memref<10000x64xf32, #tpu.memory_space<hbm>> -> memref<10000x64xf32, #tpu.memory_space<hbm>>
      tpu.wait_indirect_dma semaphore(%arg11 : memref<!tpu.dma_semaphore, #tpu.memory_space<semaphore_mem>>) src(%dma_wait3A_63 : memref<10000x64xf32, #tpu.memory_space<hbm>>) dst(%arg8 : memref<256x64xf32, #tpu.memory_space<vmem>>)
      "tpu.region"() ({
        %run_scoped3A = tpu.sem_alloc : memref<!tpu.dma_semaphore, #tpu.memory_space<semaphore_mem>>
        %dma_start3A_79 = arith.constant 0 : i32
        %dma_start3A_80 = tpu.memref_slice %arg7[%mul3A_50, %dma_start3A_79] : memref<20x256xi32, #tpu.memory_space<vmem>> -> memref<1x256xi32, #tpu.memory_space<vmem>>
        %dma_start3A_81 = tpu.memref_squeeze %dma_start3A_80 : memref<1x256xi32, #tpu.memory_space<vmem>> -> memref<256xi32, #tpu.memory_space<vmem>>
        %dma_start3A_82 = arith.constant 0 : i32
        %dma_start3A_83 = arith.constant 0 : i32
        %dma_start3A_84 = tpu.memref_slice %arg10[%dma_start3A_82, %dma_start3A_83] : memref<10240x64xf32, #tpu.memory_space<vmem_shared>> -> memref<10240x64xf32, #tpu.memory_space<vmem_shared>>
        tpu.enqueue_indirect_dma source(%arg8 : memref<256x64xf32, #tpu.memory_space<vmem>>) target(%dma_start3A_84 : memref<10240x64xf32, #tpu.memory_space<vmem_shared>>) offsets(%dma_start3A_81 : memref<256xi32, #tpu.memory_space<vmem>>) semaphore(%run_scoped3A : memref<!tpu.dma_semaphore, #tpu.memory_space<semaphore_mem>>) {add = true}
        %dma_wait3A_85 = arith.constant 0 : i32
        %dma_wait3A_86 = tpu.memref_slice %arg7[%mul3A_50, %dma_wait3A_85] : memref<20x256xi32, #tpu.memory_space<vmem>> -> memref<1x256xi32, #tpu.memory_space<vmem>>
        %dma_wait3A_87 = tpu.memref_squeeze %dma_wait3A_86 : memref<1x256xi32, #tpu.memory_space<vmem>> -> memref<256xi32, #tpu.memory_space<vmem>>
        %dma_wait3A_88 = arith.constant 0 : i32
        %dma_wait3A_89 = arith.constant 0 : i32
        %dma_wait3A_90 = tpu.memref_slice %arg10[%dma_wait3A_88, %dma_wait3A_89] : memref<10240x64xf32, #tpu.memory_space<vmem_shared>> -> memref<10240x64xf32, #tpu.memory_space<vmem_shared>>
        tpu.wait_indirect_dma semaphore(%run_scoped3A : memref<!tpu.dma_semaphore, #tpu.memory_space<semaphore_mem>>) src(%arg8 : memref<256x64xf32, #tpu.memory_space<vmem>>) dst(%dma_wait3A_90 : memref<10240x64xf32, #tpu.memory_space<vmem_shared>>)
        tpu.yield
      }) : () -> ()
      %add3A_64 = arith.constant 2 : i32
      %add3A_65 = arith.addi %mul3A_50, %add3A_64 : i32
      %lt3A = arith.constant 20 : i32
      %lt3A_66 = arith.cmpi slt, %add3A_65, %lt3A : i32
      %convert_element_type3A = arith.extui %lt3A_66 : i1 to i32
      %cond3A = arith.constant 0 : i32
      %cond3A_67 = arith.cmpi ne, %convert_element_type3A, %cond3A : i32
      scf.if %cond3A_67 {
        %add3A_79 = arith.constant 2 : i32
        %add3A_80 = arith.addi %mul3A_50, %add3A_79 : i32
        %dma_start3A_81 = arith.constant 0 : i32
        %dma_start3A_82 = tpu.memref_slice %arg6[%add3A_80, %dma_start3A_81] : memref<20x256xi32, #tpu.memory_space<vmem>> -> memref<1x256xi32, #tpu.memory_space<vmem>>
        %dma_start3A_83 = tpu.memref_squeeze %dma_start3A_82 : memref<1x256xi32, #tpu.memory_space<vmem>> -> memref<256xi32, #tpu.memory_space<vmem>>
        %dma_start3A_84 = arith.constant 0 : i32
        %dma_start3A_85 = arith.constant 0 : i32
        %dma_start3A_86 = tpu.memref_slice %arg2[%dma_start3A_84, %dma_start3A_85] : memref<10000x64xf32, #tpu.memory_space<hbm>> -> memref<10000x64xf32, #tpu.memory_space<hbm>>
        tpu.enqueue_indirect_dma source(%dma_start3A_86 : memref<10000x64xf32, #tpu.memory_space<hbm>>) target(%arg8 : memref<256x64xf32, #tpu.memory_space<vmem>>) offsets(%dma_start3A_83 : memref<256xi32, #tpu.memory_space<vmem>>) semaphore(%arg11 : memref<!tpu.dma_semaphore, #tpu.memory_space<semaphore_mem>>)
      } else {
      }
      %add3A_68 = arith.constant 1 : i32
      %add3A_69 = arith.addi %mul3A_50, %add3A_68 : i32
      %dma_wait3A_70 = arith.constant 0 : i32
      %dma_wait3A_71 = tpu.memref_slice %arg6[%add3A_69, %dma_wait3A_70] : memref<20x256xi32, #tpu.memory_space<vmem>> -> memref<1x256xi32, #tpu.memory_space<vmem>>
      %dma_wait3A_72 = tpu.memref_squeeze %dma_wait3A_71 : memref<1x256xi32, #tpu.memory_space<vmem>> -> memref<256xi32, #tpu.memory_space<vmem>>
      %dma_wait3A_73 = arith.constant 0 : i32
      %dma_wait3A_74 = arith.constant 0 : i32
      %dma_wait3A_75 = tpu.memref_slice %arg2[%dma_wait3A_73, %dma_wait3A_74] : memref<10000x64xf32, #tpu.memory_space<hbm>> -> memref<10000x64xf32, #tpu.memory_space<hbm>>
      tpu.wait_indirect_dma semaphore(%arg12 : memref<!tpu.dma_semaphore, #tpu.memory_space<semaphore_mem>>) src(%dma_wait3A_75 : memref<10000x64xf32, #tpu.memory_space<hbm>>) dst(%arg9 : memref<256x64xf32, #tpu.memory_space<vmem>>)
      %add3A_76 = arith.constant 1 : i32
      %add3A_77 = arith.addi %mul3A_50, %add3A_76 : i32
      "tpu.region"() ({
        %run_scoped3A = tpu.sem_alloc : memref<!tpu.dma_semaphore, #tpu.memory_space<semaphore_mem>>
        %dma_start3A_79 = arith.constant 0 : i32
        %dma_start3A_80 = tpu.memref_slice %arg7[%add3A_77, %dma_start3A_79] : memref<20x256xi32, #tpu.memory_space<vmem>> -> memref<1x256xi32, #tpu.memory_space<vmem>>
        %dma_start3A_81 = tpu.memref_squeeze %dma_start3A_80 : memref<1x256xi32, #tpu.memory_space<vmem>> -> memref<256xi32, #tpu.memory_space<vmem>>
        %dma_start3A_82 = arith.constant 0 : i32
        %dma_start3A_83 = arith.constant 0 : i32
        %dma_start3A_84 = tpu.memref_slice %arg10[%dma_start3A_82, %dma_start3A_83] : memref<10240x64xf32, #tpu.memory_space<vmem_shared>> -> memref<10240x64xf32, #tpu.memory_space<vmem_shared>>
        tpu.enqueue_indirect_dma source(%arg9 : memref<256x64xf32, #tpu.memory_space<vmem>>) target(%dma_start3A_84 : memref<10240x64xf32, #tpu.memory_space<vmem_shared>>) offsets(%dma_start3A_81 : memref<256xi32, #tpu.memory_space<vmem>>) semaphore(%run_scoped3A : memref<!tpu.dma_semaphore, #tpu.memory_space<semaphore_mem>>) {add = true}
        %dma_wait3A_85 = arith.constant 0 : i32
        %dma_wait3A_86 = tpu.memref_slice %arg7[%add3A_77, %dma_wait3A_85] : memref<20x256xi32, #tpu.memory_space<vmem>> -> memref<1x256xi32, #tpu.memory_space<vmem>>
        %dma_wait3A_87 = tpu.memref_squeeze %dma_wait3A_86 : memref<1x256xi32, #tpu.memory_space<vmem>> -> memref<256xi32, #tpu.memory_space<vmem>>
        %dma_wait3A_88 = arith.constant 0 : i32
        %dma_wait3A_89 = arith.constant 0 : i32
        %dma_wait3A_90 = tpu.memref_slice %arg10[%dma_wait3A_88, %dma_wait3A_89] : memref<10240x64xf32, #tpu.memory_space<vmem_shared>> -> memref<10240x64xf32, #tpu.memory_space<vmem_shared>>
        tpu.wait_indirect_dma semaphore(%run_scoped3A : memref<!tpu.dma_semaphore, #tpu.memory_space<semaphore_mem>>) src(%arg9 : memref<256x64xf32, #tpu.memory_space<vmem>>) dst(%dma_wait3A_90 : memref<10240x64xf32, #tpu.memory_space<vmem_shared>>)
        tpu.yield
      }) : () -> ()
      %scan3A_78 = arith.constant 0 : i32
      scf.yield %scan3A_78 : i32
    }
    %scan3A_41 = arith.constant 10 : i32
    %barrier3A_42 = arith.constant 0 : index
    tpu.barrier barrier_id(%barrier3A_42)
    %mul3A_43 = arith.constant 640 : i32
    %mul3A_44 = arith.muli %arg1, %mul3A_43 : i32
    %mul3A_45 = arith.constant 640 : i32
    %mul3A_46 = arith.muli %arg1, %mul3A_45 : i32
    "tpu.region"() ({
      %run_scoped3A = tpu.sem_alloc : memref<!tpu.dma_semaphore, #tpu.memory_space<semaphore_mem>>
      %dma_start3A_47 = arith.constant 0 : i32
      %dma_start3A_48 = tpu.memref_slice %arg5[%arg0, %mul3A_46, %dma_start3A_47] : memref<2x10240x64xf32, #tpu.memory_space<hbm>> -> memref<1x640x64xf32, #tpu.memory_space<hbm>>
      %dma_start3A_49 = tpu.memref_squeeze %dma_start3A_48 : memref<1x640x64xf32, #tpu.memory_space<hbm>> -> memref<640x64xf32, #tpu.memory_space<hbm>>
      %dma_start3A_50 = arith.constant 0 : i32
      %dma_start3A_51 = tpu.memref_slice %arg10[%mul3A_44, %dma_start3A_50] : memref<10240x64xf32, #tpu.memory_space<vmem_shared>> -> memref<640x64xf32, #tpu.memory_space<vmem_shared>>
      tpu.enqueue_dma source(%dma_start3A_51 : memref<640x64xf32, #tpu.memory_space<vmem_shared>>) target(%dma_start3A_49 : memref<640x64xf32, #tpu.memory_space<hbm>>) target_semaphore(%run_scoped3A : memref<!tpu.dma_semaphore, #tpu.memory_space<semaphore_mem>>)
      %dma_wait3A = arith.constant 0 : i32
      %dma_wait3A_52 = tpu.memref_slice %arg5[%arg0, %mul3A_46, %dma_wait3A] : memref<2x10240x64xf32, #tpu.memory_space<hbm>> -> memref<1x640x64xf32, #tpu.memory_space<hbm>>
      %dma_wait3A_53 = tpu.memref_squeeze %dma_wait3A_52 : memref<1x640x64xf32, #tpu.memory_space<hbm>> -> memref<640x64xf32, #tpu.memory_space<hbm>>
      %dma_wait3A_54 = arith.constant 0 : i32
      %dma_wait3A_55 = tpu.memref_slice %arg10[%mul3A_44, %dma_wait3A_54] : memref<10240x64xf32, #tpu.memory_space<vmem_shared>> -> memref<640x64xf32, #tpu.memory_space<vmem_shared>>
      tpu.wait_dma2 semaphore(%run_scoped3A : memref<!tpu.dma_semaphore, #tpu.memory_space<semaphore_mem>>) src(%dma_wait3A_55 : memref<640x64xf32, #tpu.memory_space<vmem_shared>>) dst(%dma_wait3A_53 : memref<640x64xf32, #tpu.memory_space<hbm>>)
      tpu.yield
    }) : () -> ()
    return
  }
}

#map = affine_map<(d0, d1) -> (0, 0)>
#map1 = affine_map<(d0, d1) -> (0, 0, 0)>
module attributes {stable_mosaic.version = 14 : i64} {
  func.func @prop(%arg0: i32, %arg1: i32, %arg2: memref<10000x128xf32, #tpu.memory_space<hbm>>, %arg3: memref<32x80x128xi32, #tpu.memory_space<hbm>>, %arg4: memref<32x80x128xi32, #tpu.memory_space<hbm>>, %arg5: memref<32x16xi32, #tpu.memory_space<hbm>>, %arg6: memref<2x10240x128xf32, #tpu.memory_space<hbm>>, %arg7: memref<40x128xi32, #tpu.memory_space<vmem>>, %arg8: memref<40x128xi32, #tpu.memory_space<vmem>>, %arg9: memref<128x128xf32, #tpu.memory_space<vmem>>, %arg10: memref<128x128xf32, #tpu.memory_space<vmem>>, %arg11: memref<16xi32, #tpu.memory_space<vmem>>, %arg12: memref<10240x128xf32, #tpu.memory_space<vmem_shared>>, %arg13: memref<!tpu.dma_semaphore, #tpu.memory_space<semaphore_mem>>, %arg14: memref<!tpu.dma_semaphore, #tpu.memory_space<semaphore_mem>>) attributes {dimension_semantics = [#tpu.dimension_semantics<core_parallel>, #tpu.dimension_semantics<subcore_parallel>], iteration_bounds = array<i64: 2, 16>, scalar_prefetch = 0 : i64, scratch_operands = 8 : i64, tpu.core_type = #tpu.core_type<sc_vector_subcore>, window_params = [{transform_indices = #map}, {transform_indices = #map1}, {transform_indices = #map1}, {transform_indices = #map}, {transform_indices = #map1}]} {
    %mul3A = arith.constant 2 : i32
    %mul3A_0 = arith.muli %arg1, %mul3A : i32
    %add3A = arith.addi %mul3A_0, %arg0 : i32
    "tpu.region"() ({
      %run_scoped3A = tpu.sem_alloc : memref<!tpu.dma_semaphore, #tpu.memory_space<semaphore_mem>>
      %dma_start3A = arith.constant 0 : i32
      %dma_start3A_53 = tpu.memref_slice %arg5[%add3A, %dma_start3A] : memref<32x16xi32, #tpu.memory_space<hbm>> -> memref<1x16xi32, #tpu.memory_space<hbm>>
      %dma_start3A_54 = tpu.memref_squeeze %dma_start3A_53 : memref<1x16xi32, #tpu.memory_space<hbm>> -> memref<16xi32, #tpu.memory_space<hbm>>
      %dma_start3A_55 = arith.constant 0 : i32
      %dma_start3A_56 = tpu.memref_slice %arg5[%add3A, %dma_start3A_55] : memref<32x16xi32, #tpu.memory_space<hbm>> -> memref<1x16xi32, #tpu.memory_space<hbm>>
      %dma_start3A_57 = tpu.memref_squeeze %dma_start3A_56 : memref<1x16xi32, #tpu.memory_space<hbm>> -> memref<16xi32, #tpu.memory_space<hbm>>
      tpu.enqueue_dma source(%dma_start3A_57 : memref<16xi32, #tpu.memory_space<hbm>>) target(%arg11 : memref<16xi32, #tpu.memory_space<vmem>>) target_semaphore(%run_scoped3A : memref<!tpu.dma_semaphore, #tpu.memory_space<semaphore_mem>>)
      %dma_wait3A = arith.constant 0 : i32
      %dma_wait3A_58 = tpu.memref_slice %arg5[%add3A, %dma_wait3A] : memref<32x16xi32, #tpu.memory_space<hbm>> -> memref<1x16xi32, #tpu.memory_space<hbm>>
      %dma_wait3A_59 = tpu.memref_squeeze %dma_wait3A_58 : memref<1x16xi32, #tpu.memory_space<hbm>> -> memref<16xi32, #tpu.memory_space<hbm>>
      %dma_wait3A_60 = arith.constant 0 : i32
      %dma_wait3A_61 = tpu.memref_slice %arg5[%add3A, %dma_wait3A_60] : memref<32x16xi32, #tpu.memory_space<hbm>> -> memref<1x16xi32, #tpu.memory_space<hbm>>
      %dma_wait3A_62 = tpu.memref_squeeze %dma_wait3A_61 : memref<1x16xi32, #tpu.memory_space<hbm>> -> memref<16xi32, #tpu.memory_space<hbm>>
      tpu.wait_dma2 semaphore(%run_scoped3A : memref<!tpu.dma_semaphore, #tpu.memory_space<semaphore_mem>>) src(%dma_wait3A_62 : memref<16xi32, #tpu.memory_space<hbm>>) dst(%arg11 : memref<16xi32, #tpu.memory_space<vmem>>)
      tpu.yield
    }) : () -> ()
    %broadcast_in_dim3A = arith.constant 0.000000e+00 : f32
    %broadcast_in_dim3A_1 = vector.broadcast %broadcast_in_dim3A : f32 to vector<16xf32>
    %scan3A = arith.constant 0 : i32
    %scan3A_2 = arith.constant 0 : i32
    %scan3A_3 = arith.constant 128 : i32
    %scan3A_4 = arith.addi %scan3A_2, %scan3A_3 : i32
    %scan3A_5 = arith.constant 1 : i32
    %scan3A_6 = scf.for %scan3A_53 = %scan3A_2 to %scan3A_4 step %scan3A_5 iter_args(%scan3A_54 = %scan3A) -> (i32)  : i32 {
      %swap3A = arith.index_cast %scan3A_53 : i32 to index
      %swap3A_55 = arith.constant 0 : index
      %swap3A_56 = tpu.vector_load %arg9[%swap3A, %swap3A_55] {strides = array<i32>} : memref<128x128xf32, #tpu.memory_space<vmem>>, vector<1x16xf32>,
      %swap3A_57 = vector.shape_cast %swap3A_56 : vector<1x16xf32> to vector<16xf32>
      %swap3A_58 = vector.shape_cast %broadcast_in_dim3A_1 : vector<16xf32> to vector<1x16xf32>
      tpu.vector_store %arg9[%swap3A, %swap3A_55], %swap3A_58 {strides = array<i32>} : memref<128x128xf32, #tpu.memory_space<vmem>>, vector<1x16xf32>,
      %swap3A_59 = arith.index_cast %scan3A_53 : i32 to index
      %swap3A_60 = arith.constant 16 : index
      %swap3A_61 = tpu.vector_load %arg9[%swap3A_59, %swap3A_60] {strides = array<i32>} : memref<128x128xf32, #tpu.memory_space<vmem>>, vector<1x16xf32>,
      %swap3A_62 = vector.shape_cast %swap3A_61 : vector<1x16xf32> to vector<16xf32>
      %swap3A_63 = vector.shape_cast %broadcast_in_dim3A_1 : vector<16xf32> to vector<1x16xf32>
      tpu.vector_store %arg9[%swap3A_59, %swap3A_60], %swap3A_63 {strides = array<i32>} : memref<128x128xf32, #tpu.memory_space<vmem>>, vector<1x16xf32>,
      %swap3A_64 = arith.index_cast %scan3A_53 : i32 to index
      %swap3A_65 = arith.constant 32 : index
      %swap3A_66 = tpu.vector_load %arg9[%swap3A_64, %swap3A_65] {strides = array<i32>} : memref<128x128xf32, #tpu.memory_space<vmem>>, vector<1x16xf32>,
      %swap3A_67 = vector.shape_cast %swap3A_66 : vector<1x16xf32> to vector<16xf32>
      %swap3A_68 = vector.shape_cast %broadcast_in_dim3A_1 : vector<16xf32> to vector<1x16xf32>
      tpu.vector_store %arg9[%swap3A_64, %swap3A_65], %swap3A_68 {strides = array<i32>} : memref<128x128xf32, #tpu.memory_space<vmem>>, vector<1x16xf32>,
      %swap3A_69 = arith.index_cast %scan3A_53 : i32 to index
      %swap3A_70 = arith.constant 48 : index
      %swap3A_71 = tpu.vector_load %arg9[%swap3A_69, %swap3A_70] {strides = array<i32>} : memref<128x128xf32, #tpu.memory_space<vmem>>, vector<1x16xf32>,
      %swap3A_72 = vector.shape_cast %swap3A_71 : vector<1x16xf32> to vector<16xf32>
      %swap3A_73 = vector.shape_cast %broadcast_in_dim3A_1 : vector<16xf32> to vector<1x16xf32>
      tpu.vector_store %arg9[%swap3A_69, %swap3A_70], %swap3A_73 {strides = array<i32>} : memref<128x128xf32, #tpu.memory_space<vmem>>, vector<1x16xf32>,
      %swap3A_74 = arith.index_cast %scan3A_53 : i32 to index
      %swap3A_75 = arith.constant 64 : index
      %swap3A_76 = tpu.vector_load %arg9[%swap3A_74, %swap3A_75] {strides = array<i32>} : memref<128x128xf32, #tpu.memory_space<vmem>>, vector<1x16xf32>,
      %swap3A_77 = vector.shape_cast %swap3A_76 : vector<1x16xf32> to vector<16xf32>
      %swap3A_78 = vector.shape_cast %broadcast_in_dim3A_1 : vector<16xf32> to vector<1x16xf32>
      tpu.vector_store %arg9[%swap3A_74, %swap3A_75], %swap3A_78 {strides = array<i32>} : memref<128x128xf32, #tpu.memory_space<vmem>>, vector<1x16xf32>,
      %swap3A_79 = arith.index_cast %scan3A_53 : i32 to index
      %swap3A_80 = arith.constant 80 : index
      %swap3A_81 = tpu.vector_load %arg9[%swap3A_79, %swap3A_80] {strides = array<i32>} : memref<128x128xf32, #tpu.memory_space<vmem>>, vector<1x16xf32>,
      %swap3A_82 = vector.shape_cast %swap3A_81 : vector<1x16xf32> to vector<16xf32>
      %swap3A_83 = vector.shape_cast %broadcast_in_dim3A_1 : vector<16xf32> to vector<1x16xf32>
      tpu.vector_store %arg9[%swap3A_79, %swap3A_80], %swap3A_83 {strides = array<i32>} : memref<128x128xf32, #tpu.memory_space<vmem>>, vector<1x16xf32>,
      %swap3A_84 = arith.index_cast %scan3A_53 : i32 to index
      %swap3A_85 = arith.constant 96 : index
      %swap3A_86 = tpu.vector_load %arg9[%swap3A_84, %swap3A_85] {strides = array<i32>} : memref<128x128xf32, #tpu.memory_space<vmem>>, vector<1x16xf32>,
      %swap3A_87 = vector.shape_cast %swap3A_86 : vector<1x16xf32> to vector<16xf32>
      %swap3A_88 = vector.shape_cast %broadcast_in_dim3A_1 : vector<16xf32> to vector<1x16xf32>
      tpu.vector_store %arg9[%swap3A_84, %swap3A_85], %swap3A_88 {strides = array<i32>} : memref<128x128xf32, #tpu.memory_space<vmem>>, vector<1x16xf32>,
      %swap3A_89 = arith.index_cast %scan3A_53 : i32 to index
      %swap3A_90 = arith.constant 112 : index
      %swap3A_91 = tpu.vector_load %arg9[%swap3A_89, %swap3A_90] {strides = array<i32>} : memref<128x128xf32, #tpu.memory_space<vmem>>, vector<1x16xf32>,
      %swap3A_92 = vector.shape_cast %swap3A_91 : vector<1x16xf32> to vector<16xf32>
      %swap3A_93 = vector.shape_cast %broadcast_in_dim3A_1 : vector<16xf32> to vector<1x16xf32>
      tpu.vector_store %arg9[%swap3A_89, %swap3A_90], %swap3A_93 {strides = array<i32>} : memref<128x128xf32, #tpu.memory_space<vmem>>, vector<1x16xf32>,
      %scan3A_94 = arith.constant 0 : i32
      scf.yield %scan3A_94 : i32
    }
    %scan3A_7 = arith.constant 128 : i32
    %scan3A_8 = arith.constant 0 : i32
    %scan3A_9 = arith.constant 0 : i32
    %scan3A_10 = arith.constant 5 : i32
    %scan3A_11 = arith.addi %scan3A_9, %scan3A_10 : i32
    %scan3A_12 = arith.constant 1 : i32
    %scan3A_13 = scf.for %scan3A_53 = %scan3A_9 to %scan3A_11 step %scan3A_12 iter_args(%scan3A_54 = %scan3A_8) -> (i32)  : i32 {
      %mul3A_55 = arith.constant 640 : i32
      %mul3A_56 = arith.muli %arg1, %mul3A_55 : i32
      %mul3A_57 = arith.constant 128 : i32
      %mul3A_58 = arith.muli %scan3A_53, %mul3A_57 : i32
      %add3A_59 = arith.addi %mul3A_56, %mul3A_58 : i32
      "tpu.region"() ({
        %run_scoped3A = tpu.sem_alloc : memref<!tpu.dma_semaphore, #tpu.memory_space<semaphore_mem>>
        %dma_start3A = arith.constant 0 : i32
        %dma_start3A_61 = arith.constant 0 : i32
        %dma_start3A_62 = tpu.memref_slice %arg9[%dma_start3A, %dma_start3A_61] : memref<128x128xf32, #tpu.memory_space<vmem>> -> memref<128x128xf32, #tpu.memory_space<vmem>>
        %dma_start3A_63 = arith.constant 0 : i32
        %dma_start3A_64 = tpu.memref_slice %arg12[%add3A_59, %dma_start3A_63] : memref<10240x128xf32, #tpu.memory_space<vmem_shared>> -> memref<128x128xf32, #tpu.memory_space<vmem_shared>>
        %dma_start3A_65 = arith.constant 0 : i32
        %dma_start3A_66 = tpu.memref_slice %arg12[%add3A_59, %dma_start3A_65] : memref<10240x128xf32, #tpu.memory_space<vmem_shared>> -> memref<128x128xf32, #tpu.memory_space<vmem_shared>>
        %dma_start3A_67 = arith.constant 0 : i32
        %dma_start3A_68 = arith.constant 0 : i32
        %dma_start3A_69 = tpu.memref_slice %arg9[%dma_start3A_67, %dma_start3A_68] : memref<128x128xf32, #tpu.memory_space<vmem>> -> memref<128x128xf32, #tpu.memory_space<vmem>>
        tpu.enqueue_dma source(%dma_start3A_69 : memref<128x128xf32, #tpu.memory_space<vmem>>) target(%dma_start3A_66 : memref<128x128xf32, #tpu.memory_space<vmem_shared>>) target_semaphore(%run_scoped3A : memref<!tpu.dma_semaphore, #tpu.memory_space<semaphore_mem>>)
        %dma_wait3A = arith.constant 0 : i32
        %dma_wait3A_70 = arith.constant 0 : i32
        %dma_wait3A_71 = tpu.memref_slice %arg9[%dma_wait3A, %dma_wait3A_70] : memref<128x128xf32, #tpu.memory_space<vmem>> -> memref<128x128xf32, #tpu.memory_space<vmem>>
        %dma_wait3A_72 = arith.constant 0 : i32
        %dma_wait3A_73 = tpu.memref_slice %arg12[%add3A_59, %dma_wait3A_72] : memref<10240x128xf32, #tpu.memory_space<vmem_shared>> -> memref<128x128xf32, #tpu.memory_space<vmem_shared>>
        %dma_wait3A_74 = arith.constant 0 : i32
        %dma_wait3A_75 = tpu.memref_slice %arg12[%add3A_59, %dma_wait3A_74] : memref<10240x128xf32, #tpu.memory_space<vmem_shared>> -> memref<128x128xf32, #tpu.memory_space<vmem_shared>>
        %dma_wait3A_76 = arith.constant 0 : i32
        %dma_wait3A_77 = arith.constant 0 : i32
        %dma_wait3A_78 = tpu.memref_slice %arg9[%dma_wait3A_76, %dma_wait3A_77] : memref<128x128xf32, #tpu.memory_space<vmem>> -> memref<128x128xf32, #tpu.memory_space<vmem>>
        tpu.wait_dma2 semaphore(%run_scoped3A : memref<!tpu.dma_semaphore, #tpu.memory_space<semaphore_mem>>) src(%dma_wait3A_78 : memref<128x128xf32, #tpu.memory_space<vmem>>) dst(%dma_wait3A_75 : memref<128x128xf32, #tpu.memory_space<vmem_shared>>)
        tpu.yield
      }) : () -> ()
      %scan3A_60 = arith.constant 0 : i32
      scf.yield %scan3A_60 : i32
    }
    %scan3A_14 = arith.constant 5 : i32
    %barrier3A = arith.constant 0 : index
    tpu.barrier barrier_id(%barrier3A)
    %get3A = arith.constant 0 : index
    %get3A_15 = tpu.vector_load %arg11[%get3A] {strides = array<i32>} : memref<16xi32, #tpu.memory_space<vmem>>, vector<16xi32>,
    %get3A_16 = vector.shape_cast %get3A_15 : vector<16xi32> to vector<16xi32>
    %slice3A = vector.extract_strided_slice %get3A_16 {offsets = [0], sizes = [1], strides = [1]} : vector<16xi32> to vector<1xi32>
    %squeeze3A = vector.extract %slice3A[0] : i32 from vector<1xi32>
    %min3A = arith.constant 20 : i32
    %min3A_17 = arith.minsi %squeeze3A, %min3A : i32
    %sub3A = arith.subi %squeeze3A, %min3A_17 : i32
    "tpu.region"() ({
      %run_scoped3A = tpu.sem_alloc : memref<!tpu.dma_semaphore, #tpu.memory_space<semaphore_mem>>
      %dma_start3A = arith.constant 0 : i32
      %dma_start3A_53 = arith.constant 0 : i32
      %dma_start3A_54 = tpu.memref_slice %arg3[%add3A, %dma_start3A, %dma_start3A_53] : memref<32x80x128xi32, #tpu.memory_space<hbm>> -> memref<1x40x128xi32, #tpu.memory_space<hbm>>
      %dma_start3A_55 = tpu.memref_squeeze %dma_start3A_54 : memref<1x40x128xi32, #tpu.memory_space<hbm>> -> memref<40x128xi32, #tpu.memory_space<hbm>>
      %dma_start3A_56 = arith.constant 0 : i32
      %dma_start3A_57 = arith.constant 0 : i32
      %dma_start3A_58 = tpu.memref_slice %arg3[%add3A, %dma_start3A_56, %dma_start3A_57] : memref<32x80x128xi32, #tpu.memory_space<hbm>> -> memref<1x40x128xi32, #tpu.memory_space<hbm>>
      %dma_start3A_59 = tpu.memref_squeeze %dma_start3A_58 : memref<1x40x128xi32, #tpu.memory_space<hbm>> -> memref<40x128xi32, #tpu.memory_space<hbm>>
      tpu.enqueue_dma source(%dma_start3A_59 : memref<40x128xi32, #tpu.memory_space<hbm>>) target(%arg7 : memref<40x128xi32, #tpu.memory_space<vmem>>) target_semaphore(%run_scoped3A : memref<!tpu.dma_semaphore, #tpu.memory_space<semaphore_mem>>)
      %dma_wait3A = arith.constant 0 : i32
      %dma_wait3A_60 = arith.constant 0 : i32
      %dma_wait3A_61 = tpu.memref_slice %arg3[%add3A, %dma_wait3A, %dma_wait3A_60] : memref<32x80x128xi32, #tpu.memory_space<hbm>> -> memref<1x40x128xi32, #tpu.memory_space<hbm>>
      %dma_wait3A_62 = tpu.memref_squeeze %dma_wait3A_61 : memref<1x40x128xi32, #tpu.memory_space<hbm>> -> memref<40x128xi32, #tpu.memory_space<hbm>>
      %dma_wait3A_63 = arith.constant 0 : i32
      %dma_wait3A_64 = arith.constant 0 : i32
      %dma_wait3A_65 = tpu.memref_slice %arg3[%add3A, %dma_wait3A_63, %dma_wait3A_64] : memref<32x80x128xi32, #tpu.memory_space<hbm>> -> memref<1x40x128xi32, #tpu.memory_space<hbm>>
      %dma_wait3A_66 = tpu.memref_squeeze %dma_wait3A_65 : memref<1x40x128xi32, #tpu.memory_space<hbm>> -> memref<40x128xi32, #tpu.memory_space<hbm>>
      tpu.wait_dma2 semaphore(%run_scoped3A : memref<!tpu.dma_semaphore, #tpu.memory_space<semaphore_mem>>) src(%dma_wait3A_66 : memref<40x128xi32, #tpu.memory_space<hbm>>) dst(%arg7 : memref<40x128xi32, #tpu.memory_space<vmem>>)
      tpu.yield
    }) : () -> ()
    "tpu.region"() ({
      %run_scoped3A = tpu.sem_alloc : memref<!tpu.dma_semaphore, #tpu.memory_space<semaphore_mem>>
      %dma_start3A = arith.constant 0 : i32
      %dma_start3A_53 = arith.constant 0 : i32
      %dma_start3A_54 = tpu.memref_slice %arg4[%add3A, %dma_start3A, %dma_start3A_53] : memref<32x80x128xi32, #tpu.memory_space<hbm>> -> memref<1x40x128xi32, #tpu.memory_space<hbm>>
      %dma_start3A_55 = tpu.memref_squeeze %dma_start3A_54 : memref<1x40x128xi32, #tpu.memory_space<hbm>> -> memref<40x128xi32, #tpu.memory_space<hbm>>
      %dma_start3A_56 = arith.constant 0 : i32
      %dma_start3A_57 = arith.constant 0 : i32
      %dma_start3A_58 = tpu.memref_slice %arg4[%add3A, %dma_start3A_56, %dma_start3A_57] : memref<32x80x128xi32, #tpu.memory_space<hbm>> -> memref<1x40x128xi32, #tpu.memory_space<hbm>>
      %dma_start3A_59 = tpu.memref_squeeze %dma_start3A_58 : memref<1x40x128xi32, #tpu.memory_space<hbm>> -> memref<40x128xi32, #tpu.memory_space<hbm>>
      tpu.enqueue_dma source(%dma_start3A_59 : memref<40x128xi32, #tpu.memory_space<hbm>>) target(%arg8 : memref<40x128xi32, #tpu.memory_space<vmem>>) target_semaphore(%run_scoped3A : memref<!tpu.dma_semaphore, #tpu.memory_space<semaphore_mem>>)
      %dma_wait3A = arith.constant 0 : i32
      %dma_wait3A_60 = arith.constant 0 : i32
      %dma_wait3A_61 = tpu.memref_slice %arg4[%add3A, %dma_wait3A, %dma_wait3A_60] : memref<32x80x128xi32, #tpu.memory_space<hbm>> -> memref<1x40x128xi32, #tpu.memory_space<hbm>>
      %dma_wait3A_62 = tpu.memref_squeeze %dma_wait3A_61 : memref<1x40x128xi32, #tpu.memory_space<hbm>> -> memref<40x128xi32, #tpu.memory_space<hbm>>
      %dma_wait3A_63 = arith.constant 0 : i32
      %dma_wait3A_64 = arith.constant 0 : i32
      %dma_wait3A_65 = tpu.memref_slice %arg4[%add3A, %dma_wait3A_63, %dma_wait3A_64] : memref<32x80x128xi32, #tpu.memory_space<hbm>> -> memref<1x40x128xi32, #tpu.memory_space<hbm>>
      %dma_wait3A_66 = tpu.memref_squeeze %dma_wait3A_65 : memref<1x40x128xi32, #tpu.memory_space<hbm>> -> memref<40x128xi32, #tpu.memory_space<hbm>>
      tpu.wait_dma2 semaphore(%run_scoped3A : memref<!tpu.dma_semaphore, #tpu.memory_space<semaphore_mem>>) src(%dma_wait3A_66 : memref<40x128xi32, #tpu.memory_space<hbm>>) dst(%arg8 : memref<40x128xi32, #tpu.memory_space<vmem>>)
      tpu.yield
    }) : () -> ()
    %gt3A = arith.constant 0 : i32
    %gt3A_18 = arith.cmpi sgt, %min3A_17, %gt3A : i32
    %convert_element_type3A = arith.extui %gt3A_18 : i1 to i32
    %cond3A = arith.constant 0 : i32
    %cond3A_19 = arith.cmpi ne, %convert_element_type3A, %cond3A : i32
    scf.if %cond3A_19 {
      %dma_start3A = arith.constant 0 : i32
      %dma_start3A_53 = arith.constant 0 : i32
      %dma_start3A_54 = tpu.memref_slice %arg7[%dma_start3A, %dma_start3A_53] : memref<40x128xi32, #tpu.memory_space<vmem>> -> memref<1x128xi32, #tpu.memory_space<vmem>>
      %dma_start3A_55 = tpu.memref_squeeze %dma_start3A_54 : memref<1x128xi32, #tpu.memory_space<vmem>> -> memref<128xi32, #tpu.memory_space<vmem>>
      %dma_start3A_56 = arith.constant 0 : i32
      %dma_start3A_57 = arith.constant 0 : i32
      %dma_start3A_58 = tpu.memref_slice %arg2[%dma_start3A_56, %dma_start3A_57] : memref<10000x128xf32, #tpu.memory_space<hbm>> -> memref<10000x128xf32, #tpu.memory_space<hbm>>
      tpu.enqueue_indirect_dma source(%dma_start3A_58 : memref<10000x128xf32, #tpu.memory_space<hbm>>) target(%arg9 : memref<128x128xf32, #tpu.memory_space<vmem>>) offsets(%dma_start3A_55 : memref<128xi32, #tpu.memory_space<vmem>>) semaphore(%arg13 : memref<!tpu.dma_semaphore, #tpu.memory_space<semaphore_mem>>)
    } else {
    }
    %while3A = arith.constant 0 : i32
    %while3A_20 = arith.constant 0 : i32
    %while3A_21 = arith.subi %min3A_17, %while3A : i32
    %while3A_22 = arith.addi %while3A, %while3A_21 : i32
    %while3A_23 = arith.constant 1 : i32
    %while3A_24 = arith.divsi %while3A_21, %while3A_23 : i32
    %while3A_25 = arith.muli %while3A_24, %while3A_23 : i32
    %while3A_26 = arith.addi %while3A, %while3A_25 : i32
    %while3A_27 = arith.constant 1 : i32
    %while3A_28 = scf.for %while3A_53 = %while3A to %while3A_26 step %while3A_27 iter_args(%while3A_54 = %while3A_20) -> (i32)  : i32 {
      %mul3A_55 = arith.constant 2 : i32
      %mul3A_56 = arith.muli %mul3A_55, %while3A_53 : i32
      %add3A_57 = arith.constant 1 : i32
      %add3A_58 = arith.addi %mul3A_56, %add3A_57 : i32
      %dma_start3A = arith.constant 0 : i32
      %dma_start3A_59 = tpu.memref_slice %arg7[%add3A_58, %dma_start3A] : memref<40x128xi32, #tpu.memory_space<vmem>> -> memref<1x128xi32, #tpu.memory_space<vmem>>
      %dma_start3A_60 = tpu.memref_squeeze %dma_start3A_59 : memref<1x128xi32, #tpu.memory_space<vmem>> -> memref<128xi32, #tpu.memory_space<vmem>>
      %dma_start3A_61 = arith.constant 0 : i32
      %dma_start3A_62 = arith.constant 0 : i32
      %dma_start3A_63 = tpu.memref_slice %arg2[%dma_start3A_61, %dma_start3A_62] : memref<10000x128xf32, #tpu.memory_space<hbm>> -> memref<10000x128xf32, #tpu.memory_space<hbm>>
      tpu.enqueue_indirect_dma source(%dma_start3A_63 : memref<10000x128xf32, #tpu.memory_space<hbm>>) target(%arg10 : memref<128x128xf32, #tpu.memory_space<vmem>>) offsets(%dma_start3A_60 : memref<128xi32, #tpu.memory_space<vmem>>) semaphore(%arg14 : memref<!tpu.dma_semaphore, #tpu.memory_space<semaphore_mem>>)
      %dma_wait3A = arith.constant 0 : i32
      %dma_wait3A_64 = tpu.memref_slice %arg7[%mul3A_56, %dma_wait3A] : memref<40x128xi32, #tpu.memory_space<vmem>> -> memref<1x128xi32, #tpu.memory_space<vmem>>
      %dma_wait3A_65 = tpu.memref_squeeze %dma_wait3A_64 : memref<1x128xi32, #tpu.memory_space<vmem>> -> memref<128xi32, #tpu.memory_space<vmem>>
      %dma_wait3A_66 = arith.constant 0 : i32
      %dma_wait3A_67 = arith.constant 0 : i32
      %dma_wait3A_68 = tpu.memref_slice %arg2[%dma_wait3A_66, %dma_wait3A_67] : memref<10000x128xf32, #tpu.memory_space<hbm>> -> memref<10000x128xf32, #tpu.memory_space<hbm>>
      tpu.wait_indirect_dma semaphore(%arg13 : memref<!tpu.dma_semaphore, #tpu.memory_space<semaphore_mem>>) src(%dma_wait3A_68 : memref<10000x128xf32, #tpu.memory_space<hbm>>) dst(%arg9 : memref<128x128xf32, #tpu.memory_space<vmem>>)
      "tpu.region"() ({
        %run_scoped3A = tpu.sem_alloc : memref<!tpu.dma_semaphore, #tpu.memory_space<semaphore_mem>>
        %dma_start3A_87 = arith.constant 0 : i32
        %dma_start3A_88 = tpu.memref_slice %arg8[%mul3A_56, %dma_start3A_87] : memref<40x128xi32, #tpu.memory_space<vmem>> -> memref<1x128xi32, #tpu.memory_space<vmem>>
        %dma_start3A_89 = tpu.memref_squeeze %dma_start3A_88 : memref<1x128xi32, #tpu.memory_space<vmem>> -> memref<128xi32, #tpu.memory_space<vmem>>
        %dma_start3A_90 = arith.constant 0 : i32
        %dma_start3A_91 = arith.constant 0 : i32
        %dma_start3A_92 = tpu.memref_slice %arg12[%dma_start3A_90, %dma_start3A_91] : memref<10240x128xf32, #tpu.memory_space<vmem_shared>> -> memref<10240x128xf32, #tpu.memory_space<vmem_shared>>
        tpu.enqueue_indirect_dma source(%arg9 : memref<128x128xf32, #tpu.memory_space<vmem>>) target(%dma_start3A_92 : memref<10240x128xf32, #tpu.memory_space<vmem_shared>>) offsets(%dma_start3A_89 : memref<128xi32, #tpu.memory_space<vmem>>) semaphore(%run_scoped3A : memref<!tpu.dma_semaphore, #tpu.memory_space<semaphore_mem>>) {add = true}
        %dma_wait3A_93 = arith.constant 0 : i32
        %dma_wait3A_94 = tpu.memref_slice %arg8[%mul3A_56, %dma_wait3A_93] : memref<40x128xi32, #tpu.memory_space<vmem>> -> memref<1x128xi32, #tpu.memory_space<vmem>>
        %dma_wait3A_95 = tpu.memref_squeeze %dma_wait3A_94 : memref<1x128xi32, #tpu.memory_space<vmem>> -> memref<128xi32, #tpu.memory_space<vmem>>
        %dma_wait3A_96 = arith.constant 0 : i32
        %dma_wait3A_97 = arith.constant 0 : i32
        %dma_wait3A_98 = tpu.memref_slice %arg12[%dma_wait3A_96, %dma_wait3A_97] : memref<10240x128xf32, #tpu.memory_space<vmem_shared>> -> memref<10240x128xf32, #tpu.memory_space<vmem_shared>>
        tpu.wait_indirect_dma semaphore(%run_scoped3A : memref<!tpu.dma_semaphore, #tpu.memory_space<semaphore_mem>>) src(%arg9 : memref<128x128xf32, #tpu.memory_space<vmem>>) dst(%dma_wait3A_98 : memref<10240x128xf32, #tpu.memory_space<vmem_shared>>)
        tpu.yield
      }) : () -> ()
      %add3A_69 = arith.constant 2 : i32
      %add3A_70 = arith.addi %mul3A_56, %add3A_69 : i32
      %mul3A_71 = arith.constant 2 : i32
      %mul3A_72 = arith.muli %mul3A_71, %min3A_17 : i32
      %lt3A = arith.cmpi slt, %add3A_70, %mul3A_72 : i32
      %convert_element_type3A_73 = arith.extui %lt3A : i1 to i32
      %cond3A_74 = arith.constant 0 : i32
      %cond3A_75 = arith.cmpi ne, %convert_element_type3A_73, %cond3A_74 : i32
      scf.if %cond3A_75 {
        %add3A_87 = arith.constant 2 : i32
        %add3A_88 = arith.addi %mul3A_56, %add3A_87 : i32
        %dma_start3A_89 = arith.constant 0 : i32
        %dma_start3A_90 = tpu.memref_slice %arg7[%add3A_88, %dma_start3A_89] : memref<40x128xi32, #tpu.memory_space<vmem>> -> memref<1x128xi32, #tpu.memory_space<vmem>>
        %dma_start3A_91 = tpu.memref_squeeze %dma_start3A_90 : memref<1x128xi32, #tpu.memory_space<vmem>> -> memref<128xi32, #tpu.memory_space<vmem>>
        %dma_start3A_92 = arith.constant 0 : i32
        %dma_start3A_93 = arith.constant 0 : i32
        %dma_start3A_94 = tpu.memref_slice %arg2[%dma_start3A_92, %dma_start3A_93] : memref<10000x128xf32, #tpu.memory_space<hbm>> -> memref<10000x128xf32, #tpu.memory_space<hbm>>
        tpu.enqueue_indirect_dma source(%dma_start3A_94 : memref<10000x128xf32, #tpu.memory_space<hbm>>) target(%arg9 : memref<128x128xf32, #tpu.memory_space<vmem>>) offsets(%dma_start3A_91 : memref<128xi32, #tpu.memory_space<vmem>>) semaphore(%arg13 : memref<!tpu.dma_semaphore, #tpu.memory_space<semaphore_mem>>)
      } else {
      }
      %add3A_76 = arith.constant 1 : i32
      %add3A_77 = arith.addi %mul3A_56, %add3A_76 : i32
      %dma_wait3A_78 = arith.constant 0 : i32
      %dma_wait3A_79 = tpu.memref_slice %arg7[%add3A_77, %dma_wait3A_78] : memref<40x128xi32, #tpu.memory_space<vmem>> -> memref<1x128xi32, #tpu.memory_space<vmem>>
      %dma_wait3A_80 = tpu.memref_squeeze %dma_wait3A_79 : memref<1x128xi32, #tpu.memory_space<vmem>> -> memref<128xi32, #tpu.memory_space<vmem>>
      %dma_wait3A_81 = arith.constant 0 : i32
      %dma_wait3A_82 = arith.constant 0 : i32
      %dma_wait3A_83 = tpu.memref_slice %arg2[%dma_wait3A_81, %dma_wait3A_82] : memref<10000x128xf32, #tpu.memory_space<hbm>> -> memref<10000x128xf32, #tpu.memory_space<hbm>>
      tpu.wait_indirect_dma semaphore(%arg14 : memref<!tpu.dma_semaphore, #tpu.memory_space<semaphore_mem>>) src(%dma_wait3A_83 : memref<10000x128xf32, #tpu.memory_space<hbm>>) dst(%arg10 : memref<128x128xf32, #tpu.memory_space<vmem>>)
      %add3A_84 = arith.constant 1 : i32
      %add3A_85 = arith.addi %mul3A_56, %add3A_84 : i32
      "tpu.region"() ({
        %run_scoped3A = tpu.sem_alloc : memref<!tpu.dma_semaphore, #tpu.memory_space<semaphore_mem>>
        %dma_start3A_87 = arith.constant 0 : i32
        %dma_start3A_88 = tpu.memref_slice %arg8[%add3A_85, %dma_start3A_87] : memref<40x128xi32, #tpu.memory_space<vmem>> -> memref<1x128xi32, #tpu.memory_space<vmem>>
        %dma_start3A_89 = tpu.memref_squeeze %dma_start3A_88 : memref<1x128xi32, #tpu.memory_space<vmem>> -> memref<128xi32, #tpu.memory_space<vmem>>
        %dma_start3A_90 = arith.constant 0 : i32
        %dma_start3A_91 = arith.constant 0 : i32
        %dma_start3A_92 = tpu.memref_slice %arg12[%dma_start3A_90, %dma_start3A_91] : memref<10240x128xf32, #tpu.memory_space<vmem_shared>> -> memref<10240x128xf32, #tpu.memory_space<vmem_shared>>
        tpu.enqueue_indirect_dma source(%arg10 : memref<128x128xf32, #tpu.memory_space<vmem>>) target(%dma_start3A_92 : memref<10240x128xf32, #tpu.memory_space<vmem_shared>>) offsets(%dma_start3A_89 : memref<128xi32, #tpu.memory_space<vmem>>) semaphore(%run_scoped3A : memref<!tpu.dma_semaphore, #tpu.memory_space<semaphore_mem>>) {add = true}
        %dma_wait3A_93 = arith.constant 0 : i32
        %dma_wait3A_94 = tpu.memref_slice %arg8[%add3A_85, %dma_wait3A_93] : memref<40x128xi32, #tpu.memory_space<vmem>> -> memref<1x128xi32, #tpu.memory_space<vmem>>
        %dma_wait3A_95 = tpu.memref_squeeze %dma_wait3A_94 : memref<1x128xi32, #tpu.memory_space<vmem>> -> memref<128xi32, #tpu.memory_space<vmem>>
        %dma_wait3A_96 = arith.constant 0 : i32
        %dma_wait3A_97 = arith.constant 0 : i32
        %dma_wait3A_98 = tpu.memref_slice %arg12[%dma_wait3A_96, %dma_wait3A_97] : memref<10240x128xf32, #tpu.memory_space<vmem_shared>> -> memref<10240x128xf32, #tpu.memory_space<vmem_shared>>
        tpu.wait_indirect_dma semaphore(%run_scoped3A : memref<!tpu.dma_semaphore, #tpu.memory_space<semaphore_mem>>) src(%arg10 : memref<128x128xf32, #tpu.memory_space<vmem>>) dst(%dma_wait3A_98 : memref<10240x128xf32, #tpu.memory_space<vmem_shared>>)
        tpu.yield
      }) : () -> ()
      %while3A_86 = arith.constant 0 : i32
      scf.yield %while3A_86 : i32
    }
    %while3A_29 = arith.constant 1 : i32
    %while3A_30 = scf.for %while3A_53 = %while3A_26 to %while3A_22 step %while3A_29 iter_args(%while3A_54 = %while3A_28) -> (i32)  : i32 {
      %mul3A_55 = arith.constant 2 : i32
      %mul3A_56 = arith.muli %mul3A_55, %while3A_53 : i32
      %add3A_57 = arith.constant 1 : i32
      %add3A_58 = arith.addi %mul3A_56, %add3A_57 : i32
      %dma_start3A = arith.constant 0 : i32
      %dma_start3A_59 = tpu.memref_slice %arg7[%add3A_58, %dma_start3A] : memref<40x128xi32, #tpu.memory_space<vmem>> -> memref<1x128xi32, #tpu.memory_space<vmem>>
      %dma_start3A_60 = tpu.memref_squeeze %dma_start3A_59 : memref<1x128xi32, #tpu.memory_space<vmem>> -> memref<128xi32, #tpu.memory_space<vmem>>
      %dma_start3A_61 = arith.constant 0 : i32
      %dma_start3A_62 = arith.constant 0 : i32
      %dma_start3A_63 = tpu.memref_slice %arg2[%dma_start3A_61, %dma_start3A_62] : memref<10000x128xf32, #tpu.memory_space<hbm>> -> memref<10000x128xf32, #tpu.memory_space<hbm>>
      tpu.enqueue_indirect_dma source(%dma_start3A_63 : memref<10000x128xf32, #tpu.memory_space<hbm>>) target(%arg10 : memref<128x128xf32, #tpu.memory_space<vmem>>) offsets(%dma_start3A_60 : memref<128xi32, #tpu.memory_space<vmem>>) semaphore(%arg14 : memref<!tpu.dma_semaphore, #tpu.memory_space<semaphore_mem>>)
      %dma_wait3A = arith.constant 0 : i32
      %dma_wait3A_64 = tpu.memref_slice %arg7[%mul3A_56, %dma_wait3A] : memref<40x128xi32, #tpu.memory_space<vmem>> -> memref<1x128xi32, #tpu.memory_space<vmem>>
      %dma_wait3A_65 = tpu.memref_squeeze %dma_wait3A_64 : memref<1x128xi32, #tpu.memory_space<vmem>> -> memref<128xi32, #tpu.memory_space<vmem>>
      %dma_wait3A_66 = arith.constant 0 : i32
      %dma_wait3A_67 = arith.constant 0 : i32
      %dma_wait3A_68 = tpu.memref_slice %arg2[%dma_wait3A_66, %dma_wait3A_67] : memref<10000x128xf32, #tpu.memory_space<hbm>> -> memref<10000x128xf32, #tpu.memory_space<hbm>>
      tpu.wait_indirect_dma semaphore(%arg13 : memref<!tpu.dma_semaphore, #tpu.memory_space<semaphore_mem>>) src(%dma_wait3A_68 : memref<10000x128xf32, #tpu.memory_space<hbm>>) dst(%arg9 : memref<128x128xf32, #tpu.memory_space<vmem>>)
      "tpu.region"() ({
        %run_scoped3A = tpu.sem_alloc : memref<!tpu.dma_semaphore, #tpu.memory_space<semaphore_mem>>
        %dma_start3A_87 = arith.constant 0 : i32
        %dma_start3A_88 = tpu.memref_slice %arg8[%mul3A_56, %dma_start3A_87] : memref<40x128xi32, #tpu.memory_space<vmem>> -> memref<1x128xi32, #tpu.memory_space<vmem>>
        %dma_start3A_89 = tpu.memref_squeeze %dma_start3A_88 : memref<1x128xi32, #tpu.memory_space<vmem>> -> memref<128xi32, #tpu.memory_space<vmem>>
        %dma_start3A_90 = arith.constant 0 : i32
        %dma_start3A_91 = arith.constant 0 : i32
        %dma_start3A_92 = tpu.memref_slice %arg12[%dma_start3A_90, %dma_start3A_91] : memref<10240x128xf32, #tpu.memory_space<vmem_shared>> -> memref<10240x128xf32, #tpu.memory_space<vmem_shared>>
        tpu.enqueue_indirect_dma source(%arg9 : memref<128x128xf32, #tpu.memory_space<vmem>>) target(%dma_start3A_92 : memref<10240x128xf32, #tpu.memory_space<vmem_shared>>) offsets(%dma_start3A_89 : memref<128xi32, #tpu.memory_space<vmem>>) semaphore(%run_scoped3A : memref<!tpu.dma_semaphore, #tpu.memory_space<semaphore_mem>>) {add = true}
        %dma_wait3A_93 = arith.constant 0 : i32
        %dma_wait3A_94 = tpu.memref_slice %arg8[%mul3A_56, %dma_wait3A_93] : memref<40x128xi32, #tpu.memory_space<vmem>> -> memref<1x128xi32, #tpu.memory_space<vmem>>
        %dma_wait3A_95 = tpu.memref_squeeze %dma_wait3A_94 : memref<1x128xi32, #tpu.memory_space<vmem>> -> memref<128xi32, #tpu.memory_space<vmem>>
        %dma_wait3A_96 = arith.constant 0 : i32
        %dma_wait3A_97 = arith.constant 0 : i32
        %dma_wait3A_98 = tpu.memref_slice %arg12[%dma_wait3A_96, %dma_wait3A_97] : memref<10240x128xf32, #tpu.memory_space<vmem_shared>> -> memref<10240x128xf32, #tpu.memory_space<vmem_shared>>
        tpu.wait_indirect_dma semaphore(%run_scoped3A : memref<!tpu.dma_semaphore, #tpu.memory_space<semaphore_mem>>) src(%arg9 : memref<128x128xf32, #tpu.memory_space<vmem>>) dst(%dma_wait3A_98 : memref<10240x128xf32, #tpu.memory_space<vmem_shared>>)
        tpu.yield
      }) : () -> ()
      %add3A_69 = arith.constant 2 : i32
      %add3A_70 = arith.addi %mul3A_56, %add3A_69 : i32
      %mul3A_71 = arith.constant 2 : i32
      %mul3A_72 = arith.muli %mul3A_71, %min3A_17 : i32
      %lt3A = arith.cmpi slt, %add3A_70, %mul3A_72 : i32
      %convert_element_type3A_73 = arith.extui %lt3A : i1 to i32
      %cond3A_74 = arith.constant 0 : i32
      %cond3A_75 = arith.cmpi ne, %convert_element_type3A_73, %cond3A_74 : i32
      scf.if %cond3A_75 {
        %add3A_87 = arith.constant 2 : i32
        %add3A_88 = arith.addi %mul3A_56, %add3A_87 : i32
        %dma_start3A_89 = arith.constant 0 : i32
        %dma_start3A_90 = tpu.memref_slice %arg7[%add3A_88, %dma_start3A_89] : memref<40x128xi32, #tpu.memory_space<vmem>> -> memref<1x128xi32, #tpu.memory_space<vmem>>
        %dma_start3A_91 = tpu.memref_squeeze %dma_start3A_90 : memref<1x128xi32, #tpu.memory_space<vmem>> -> memref<128xi32, #tpu.memory_space<vmem>>
        %dma_start3A_92 = arith.constant 0 : i32
        %dma_start3A_93 = arith.constant 0 : i32
        %dma_start3A_94 = tpu.memref_slice %arg2[%dma_start3A_92, %dma_start3A_93] : memref<10000x128xf32, #tpu.memory_space<hbm>> -> memref<10000x128xf32, #tpu.memory_space<hbm>>
        tpu.enqueue_indirect_dma source(%dma_start3A_94 : memref<10000x128xf32, #tpu.memory_space<hbm>>) target(%arg9 : memref<128x128xf32, #tpu.memory_space<vmem>>) offsets(%dma_start3A_91 : memref<128xi32, #tpu.memory_space<vmem>>) semaphore(%arg13 : memref<!tpu.dma_semaphore, #tpu.memory_space<semaphore_mem>>)
      } else {
      }
      %add3A_76 = arith.constant 1 : i32
      %add3A_77 = arith.addi %mul3A_56, %add3A_76 : i32
      %dma_wait3A_78 = arith.constant 0 : i32
      %dma_wait3A_79 = tpu.memref_slice %arg7[%add3A_77, %dma_wait3A_78] : memref<40x128xi32, #tpu.memory_space<vmem>> -> memref<1x128xi32, #tpu.memory_space<vmem>>
      %dma_wait3A_80 = tpu.memref_squeeze %dma_wait3A_79 : memref<1x128xi32, #tpu.memory_space<vmem>> -> memref<128xi32, #tpu.memory_space<vmem>>
      %dma_wait3A_81 = arith.constant 0 : i32
      %dma_wait3A_82 = arith.constant 0 : i32
      %dma_wait3A_83 = tpu.memref_slice %arg2[%dma_wait3A_81, %dma_wait3A_82] : memref<10000x128xf32, #tpu.memory_space<hbm>> -> memref<10000x128xf32, #tpu.memory_space<hbm>>
      tpu.wait_indirect_dma semaphore(%arg14 : memref<!tpu.dma_semaphore, #tpu.memory_space<semaphore_mem>>) src(%dma_wait3A_83 : memref<10000x128xf32, #tpu.memory_space<hbm>>) dst(%arg10 : memref<128x128xf32, #tpu.memory_space<vmem>>)
      %add3A_84 = arith.constant 1 : i32
      %add3A_85 = arith.addi %mul3A_56, %add3A_84 : i32
      "tpu.region"() ({
        %run_scoped3A = tpu.sem_alloc : memref<!tpu.dma_semaphore, #tpu.memory_space<semaphore_mem>>
        %dma_start3A_87 = arith.constant 0 : i32
        %dma_start3A_88 = tpu.memref_slice %arg8[%add3A_85, %dma_start3A_87] : memref<40x128xi32, #tpu.memory_space<vmem>> -> memref<1x128xi32, #tpu.memory_space<vmem>>
        %dma_start3A_89 = tpu.memref_squeeze %dma_start3A_88 : memref<1x128xi32, #tpu.memory_space<vmem>> -> memref<128xi32, #tpu.memory_space<vmem>>
        %dma_start3A_90 = arith.constant 0 : i32
        %dma_start3A_91 = arith.constant 0 : i32
        %dma_start3A_92 = tpu.memref_slice %arg12[%dma_start3A_90, %dma_start3A_91] : memref<10240x128xf32, #tpu.memory_space<vmem_shared>> -> memref<10240x128xf32, #tpu.memory_space<vmem_shared>>
        tpu.enqueue_indirect_dma source(%arg10 : memref<128x128xf32, #tpu.memory_space<vmem>>) target(%dma_start3A_92 : memref<10240x128xf32, #tpu.memory_space<vmem_shared>>) offsets(%dma_start3A_89 : memref<128xi32, #tpu.memory_space<vmem>>) semaphore(%run_scoped3A : memref<!tpu.dma_semaphore, #tpu.memory_space<semaphore_mem>>) {add = true}
        %dma_wait3A_93 = arith.constant 0 : i32
        %dma_wait3A_94 = tpu.memref_slice %arg8[%add3A_85, %dma_wait3A_93] : memref<40x128xi32, #tpu.memory_space<vmem>> -> memref<1x128xi32, #tpu.memory_space<vmem>>
        %dma_wait3A_95 = tpu.memref_squeeze %dma_wait3A_94 : memref<1x128xi32, #tpu.memory_space<vmem>> -> memref<128xi32, #tpu.memory_space<vmem>>
        %dma_wait3A_96 = arith.constant 0 : i32
        %dma_wait3A_97 = arith.constant 0 : i32
        %dma_wait3A_98 = tpu.memref_slice %arg12[%dma_wait3A_96, %dma_wait3A_97] : memref<10240x128xf32, #tpu.memory_space<vmem_shared>> -> memref<10240x128xf32, #tpu.memory_space<vmem_shared>>
        tpu.wait_indirect_dma semaphore(%run_scoped3A : memref<!tpu.dma_semaphore, #tpu.memory_space<semaphore_mem>>) src(%arg10 : memref<128x128xf32, #tpu.memory_space<vmem>>) dst(%dma_wait3A_98 : memref<10240x128xf32, #tpu.memory_space<vmem_shared>>)
        tpu.yield
      }) : () -> ()
      %while3A_86 = arith.constant 0 : i32
      scf.yield %while3A_86 : i32
    }
    "tpu.region"() ({
      %run_scoped3A = tpu.sem_alloc : memref<!tpu.dma_semaphore, #tpu.memory_space<semaphore_mem>>
      %dma_start3A = arith.constant 40 : i32
      %dma_start3A_53 = arith.constant 0 : i32
      %dma_start3A_54 = tpu.memref_slice %arg3[%add3A, %dma_start3A, %dma_start3A_53] : memref<32x80x128xi32, #tpu.memory_space<hbm>> -> memref<1x40x128xi32, #tpu.memory_space<hbm>>
      %dma_start3A_55 = tpu.memref_squeeze %dma_start3A_54 : memref<1x40x128xi32, #tpu.memory_space<hbm>> -> memref<40x128xi32, #tpu.memory_space<hbm>>
      %dma_start3A_56 = arith.constant 40 : i32
      %dma_start3A_57 = arith.constant 0 : i32
      %dma_start3A_58 = tpu.memref_slice %arg3[%add3A, %dma_start3A_56, %dma_start3A_57] : memref<32x80x128xi32, #tpu.memory_space<hbm>> -> memref<1x40x128xi32, #tpu.memory_space<hbm>>
      %dma_start3A_59 = tpu.memref_squeeze %dma_start3A_58 : memref<1x40x128xi32, #tpu.memory_space<hbm>> -> memref<40x128xi32, #tpu.memory_space<hbm>>
      tpu.enqueue_dma source(%dma_start3A_59 : memref<40x128xi32, #tpu.memory_space<hbm>>) target(%arg7 : memref<40x128xi32, #tpu.memory_space<vmem>>) target_semaphore(%run_scoped3A : memref<!tpu.dma_semaphore, #tpu.memory_space<semaphore_mem>>)
      %dma_wait3A = arith.constant 40 : i32
      %dma_wait3A_60 = arith.constant 0 : i32
      %dma_wait3A_61 = tpu.memref_slice %arg3[%add3A, %dma_wait3A, %dma_wait3A_60] : memref<32x80x128xi32, #tpu.memory_space<hbm>> -> memref<1x40x128xi32, #tpu.memory_space<hbm>>
      %dma_wait3A_62 = tpu.memref_squeeze %dma_wait3A_61 : memref<1x40x128xi32, #tpu.memory_space<hbm>> -> memref<40x128xi32, #tpu.memory_space<hbm>>
      %dma_wait3A_63 = arith.constant 40 : i32
      %dma_wait3A_64 = arith.constant 0 : i32
      %dma_wait3A_65 = tpu.memref_slice %arg3[%add3A, %dma_wait3A_63, %dma_wait3A_64] : memref<32x80x128xi32, #tpu.memory_space<hbm>> -> memref<1x40x128xi32, #tpu.memory_space<hbm>>
      %dma_wait3A_66 = tpu.memref_squeeze %dma_wait3A_65 : memref<1x40x128xi32, #tpu.memory_space<hbm>> -> memref<40x128xi32, #tpu.memory_space<hbm>>
      tpu.wait_dma2 semaphore(%run_scoped3A : memref<!tpu.dma_semaphore, #tpu.memory_space<semaphore_mem>>) src(%dma_wait3A_66 : memref<40x128xi32, #tpu.memory_space<hbm>>) dst(%arg7 : memref<40x128xi32, #tpu.memory_space<vmem>>)
      tpu.yield
    }) : () -> ()
    "tpu.region"() ({
      %run_scoped3A = tpu.sem_alloc : memref<!tpu.dma_semaphore, #tpu.memory_space<semaphore_mem>>
      %dma_start3A = arith.constant 40 : i32
      %dma_start3A_53 = arith.constant 0 : i32
      %dma_start3A_54 = tpu.memref_slice %arg4[%add3A, %dma_start3A, %dma_start3A_53] : memref<32x80x128xi32, #tpu.memory_space<hbm>> -> memref<1x40x128xi32, #tpu.memory_space<hbm>>
      %dma_start3A_55 = tpu.memref_squeeze %dma_start3A_54 : memref<1x40x128xi32, #tpu.memory_space<hbm>> -> memref<40x128xi32, #tpu.memory_space<hbm>>
      %dma_start3A_56 = arith.constant 40 : i32
      %dma_start3A_57 = arith.constant 0 : i32
      %dma_start3A_58 = tpu.memref_slice %arg4[%add3A, %dma_start3A_56, %dma_start3A_57] : memref<32x80x128xi32, #tpu.memory_space<hbm>> -> memref<1x40x128xi32, #tpu.memory_space<hbm>>
      %dma_start3A_59 = tpu.memref_squeeze %dma_start3A_58 : memref<1x40x128xi32, #tpu.memory_space<hbm>> -> memref<40x128xi32, #tpu.memory_space<hbm>>
      tpu.enqueue_dma source(%dma_start3A_59 : memref<40x128xi32, #tpu.memory_space<hbm>>) target(%arg8 : memref<40x128xi32, #tpu.memory_space<vmem>>) target_semaphore(%run_scoped3A : memref<!tpu.dma_semaphore, #tpu.memory_space<semaphore_mem>>)
      %dma_wait3A = arith.constant 40 : i32
      %dma_wait3A_60 = arith.constant 0 : i32
      %dma_wait3A_61 = tpu.memref_slice %arg4[%add3A, %dma_wait3A, %dma_wait3A_60] : memref<32x80x128xi32, #tpu.memory_space<hbm>> -> memref<1x40x128xi32, #tpu.memory_space<hbm>>
      %dma_wait3A_62 = tpu.memref_squeeze %dma_wait3A_61 : memref<1x40x128xi32, #tpu.memory_space<hbm>> -> memref<40x128xi32, #tpu.memory_space<hbm>>
      %dma_wait3A_63 = arith.constant 40 : i32
      %dma_wait3A_64 = arith.constant 0 : i32
      %dma_wait3A_65 = tpu.memref_slice %arg4[%add3A, %dma_wait3A_63, %dma_wait3A_64] : memref<32x80x128xi32, #tpu.memory_space<hbm>> -> memref<1x40x128xi32, #tpu.memory_space<hbm>>
      %dma_wait3A_66 = tpu.memref_squeeze %dma_wait3A_65 : memref<1x40x128xi32, #tpu.memory_space<hbm>> -> memref<40x128xi32, #tpu.memory_space<hbm>>
      tpu.wait_dma2 semaphore(%run_scoped3A : memref<!tpu.dma_semaphore, #tpu.memory_space<semaphore_mem>>) src(%dma_wait3A_66 : memref<40x128xi32, #tpu.memory_space<hbm>>) dst(%arg8 : memref<40x128xi32, #tpu.memory_space<vmem>>)
      tpu.yield
    }) : () -> ()
    %gt3A_31 = arith.constant 0 : i32
    %gt3A_32 = arith.cmpi sgt, %sub3A, %gt3A_31 : i32
    %convert_element_type3A_33 = arith.extui %gt3A_32 : i1 to i32
    %cond3A_34 = arith.constant 0 : i32
    %cond3A_35 = arith.cmpi ne, %convert_element_type3A_33, %cond3A_34 : i32
    scf.if %cond3A_35 {
      %dma_start3A = arith.constant 0 : i32
      %dma_start3A_53 = arith.constant 0 : i32
      %dma_start3A_54 = tpu.memref_slice %arg7[%dma_start3A, %dma_start3A_53] : memref<40x128xi32, #tpu.memory_space<vmem>> -> memref<1x128xi32, #tpu.memory_space<vmem>>
      %dma_start3A_55 = tpu.memref_squeeze %dma_start3A_54 : memref<1x128xi32, #tpu.memory_space<vmem>> -> memref<128xi32, #tpu.memory_space<vmem>>
      %dma_start3A_56 = arith.constant 0 : i32
      %dma_start3A_57 = arith.constant 0 : i32
      %dma_start3A_58 = tpu.memref_slice %arg2[%dma_start3A_56, %dma_start3A_57] : memref<10000x128xf32, #tpu.memory_space<hbm>> -> memref<10000x128xf32, #tpu.memory_space<hbm>>
      tpu.enqueue_indirect_dma source(%dma_start3A_58 : memref<10000x128xf32, #tpu.memory_space<hbm>>) target(%arg9 : memref<128x128xf32, #tpu.memory_space<vmem>>) offsets(%dma_start3A_55 : memref<128xi32, #tpu.memory_space<vmem>>) semaphore(%arg13 : memref<!tpu.dma_semaphore, #tpu.memory_space<semaphore_mem>>)
    } else {
    }
    %while3A_36 = arith.constant 0 : i32
    %while3A_37 = arith.constant 0 : i32
    %while3A_38 = arith.subi %sub3A, %while3A_36 : i32
    %while3A_39 = arith.addi %while3A_36, %while3A_38 : i32
    %while3A_40 = arith.constant 1 : i32
    %while3A_41 = arith.divsi %while3A_38, %while3A_40 : i32
    %while3A_42 = arith.muli %while3A_41, %while3A_40 : i32
    %while3A_43 = arith.addi %while3A_36, %while3A_42 : i32
    %while3A_44 = arith.constant 1 : i32
    %while3A_45 = scf.for %while3A_53 = %while3A_36 to %while3A_43 step %while3A_44 iter_args(%while3A_54 = %while3A_37) -> (i32)  : i32 {
      %mul3A_55 = arith.constant 2 : i32
      %mul3A_56 = arith.muli %mul3A_55, %while3A_53 : i32
      %add3A_57 = arith.constant 1 : i32
      %add3A_58 = arith.addi %mul3A_56, %add3A_57 : i32
      %dma_start3A = arith.constant 0 : i32
      %dma_start3A_59 = tpu.memref_slice %arg7[%add3A_58, %dma_start3A] : memref<40x128xi32, #tpu.memory_space<vmem>> -> memref<1x128xi32, #tpu.memory_space<vmem>>
      %dma_start3A_60 = tpu.memref_squeeze %dma_start3A_59 : memref<1x128xi32, #tpu.memory_space<vmem>> -> memref<128xi32, #tpu.memory_space<vmem>>
      %dma_start3A_61 = arith.constant 0 : i32
      %dma_start3A_62 = arith.constant 0 : i32
      %dma_start3A_63 = tpu.memref_slice %arg2[%dma_start3A_61, %dma_start3A_62] : memref<10000x128xf32, #tpu.memory_space<hbm>> -> memref<10000x128xf32, #tpu.memory_space<hbm>>
      tpu.enqueue_indirect_dma source(%dma_start3A_63 : memref<10000x128xf32, #tpu.memory_space<hbm>>) target(%arg10 : memref<128x128xf32, #tpu.memory_space<vmem>>) offsets(%dma_start3A_60 : memref<128xi32, #tpu.memory_space<vmem>>) semaphore(%arg14 : memref<!tpu.dma_semaphore, #tpu.memory_space<semaphore_mem>>)
      %dma_wait3A = arith.constant 0 : i32
      %dma_wait3A_64 = tpu.memref_slice %arg7[%mul3A_56, %dma_wait3A] : memref<40x128xi32, #tpu.memory_space<vmem>> -> memref<1x128xi32, #tpu.memory_space<vmem>>
      %dma_wait3A_65 = tpu.memref_squeeze %dma_wait3A_64 : memref<1x128xi32, #tpu.memory_space<vmem>> -> memref<128xi32, #tpu.memory_space<vmem>>
      %dma_wait3A_66 = arith.constant 0 : i32
      %dma_wait3A_67 = arith.constant 0 : i32
      %dma_wait3A_68 = tpu.memref_slice %arg2[%dma_wait3A_66, %dma_wait3A_67] : memref<10000x128xf32, #tpu.memory_space<hbm>> -> memref<10000x128xf32, #tpu.memory_space<hbm>>
      tpu.wait_indirect_dma semaphore(%arg13 : memref<!tpu.dma_semaphore, #tpu.memory_space<semaphore_mem>>) src(%dma_wait3A_68 : memref<10000x128xf32, #tpu.memory_space<hbm>>) dst(%arg9 : memref<128x128xf32, #tpu.memory_space<vmem>>)
      "tpu.region"() ({
        %run_scoped3A = tpu.sem_alloc : memref<!tpu.dma_semaphore, #tpu.memory_space<semaphore_mem>>
        %dma_start3A_87 = arith.constant 0 : i32
        %dma_start3A_88 = tpu.memref_slice %arg8[%mul3A_56, %dma_start3A_87] : memref<40x128xi32, #tpu.memory_space<vmem>> -> memref<1x128xi32, #tpu.memory_space<vmem>>
        %dma_start3A_89 = tpu.memref_squeeze %dma_start3A_88 : memref<1x128xi32, #tpu.memory_space<vmem>> -> memref<128xi32, #tpu.memory_space<vmem>>
        %dma_start3A_90 = arith.constant 0 : i32
        %dma_start3A_91 = arith.constant 0 : i32
        %dma_start3A_92 = tpu.memref_slice %arg12[%dma_start3A_90, %dma_start3A_91] : memref<10240x128xf32, #tpu.memory_space<vmem_shared>> -> memref<10240x128xf32, #tpu.memory_space<vmem_shared>>
        tpu.enqueue_indirect_dma source(%arg9 : memref<128x128xf32, #tpu.memory_space<vmem>>) target(%dma_start3A_92 : memref<10240x128xf32, #tpu.memory_space<vmem_shared>>) offsets(%dma_start3A_89 : memref<128xi32, #tpu.memory_space<vmem>>) semaphore(%run_scoped3A : memref<!tpu.dma_semaphore, #tpu.memory_space<semaphore_mem>>) {add = true}
        %dma_wait3A_93 = arith.constant 0 : i32
        %dma_wait3A_94 = tpu.memref_slice %arg8[%mul3A_56, %dma_wait3A_93] : memref<40x128xi32, #tpu.memory_space<vmem>> -> memref<1x128xi32, #tpu.memory_space<vmem>>
        %dma_wait3A_95 = tpu.memref_squeeze %dma_wait3A_94 : memref<1x128xi32, #tpu.memory_space<vmem>> -> memref<128xi32, #tpu.memory_space<vmem>>
        %dma_wait3A_96 = arith.constant 0 : i32
        %dma_wait3A_97 = arith.constant 0 : i32
        %dma_wait3A_98 = tpu.memref_slice %arg12[%dma_wait3A_96, %dma_wait3A_97] : memref<10240x128xf32, #tpu.memory_space<vmem_shared>> -> memref<10240x128xf32, #tpu.memory_space<vmem_shared>>
        tpu.wait_indirect_dma semaphore(%run_scoped3A : memref<!tpu.dma_semaphore, #tpu.memory_space<semaphore_mem>>) src(%arg9 : memref<128x128xf32, #tpu.memory_space<vmem>>) dst(%dma_wait3A_98 : memref<10240x128xf32, #tpu.memory_space<vmem_shared>>)
        tpu.yield
      }) : () -> ()
      %add3A_69 = arith.constant 2 : i32
      %add3A_70 = arith.addi %mul3A_56, %add3A_69 : i32
      %mul3A_71 = arith.constant 2 : i32
      %mul3A_72 = arith.muli %mul3A_71, %sub3A : i32
      %lt3A = arith.cmpi slt, %add3A_70, %mul3A_72 : i32
      %convert_element_type3A_73 = arith.extui %lt3A : i1 to i32
      %cond3A_74 = arith.constant 0 : i32
      %cond3A_75 = arith.cmpi ne, %convert_element_type3A_73, %cond3A_74 : i32
      scf.if %cond3A_75 {
        %add3A_87 = arith.constant 2 : i32
        %add3A_88 = arith.addi %mul3A_56, %add3A_87 : i32
        %dma_start3A_89 = arith.constant 0 : i32
        %dma_start3A_90 = tpu.memref_slice %arg7[%add3A_88, %dma_start3A_89] : memref<40x128xi32, #tpu.memory_space<vmem>> -> memref<1x128xi32, #tpu.memory_space<vmem>>
        %dma_start3A_91 = tpu.memref_squeeze %dma_start3A_90 : memref<1x128xi32, #tpu.memory_space<vmem>> -> memref<128xi32, #tpu.memory_space<vmem>>
        %dma_start3A_92 = arith.constant 0 : i32
        %dma_start3A_93 = arith.constant 0 : i32
        %dma_start3A_94 = tpu.memref_slice %arg2[%dma_start3A_92, %dma_start3A_93] : memref<10000x128xf32, #tpu.memory_space<hbm>> -> memref<10000x128xf32, #tpu.memory_space<hbm>>
        tpu.enqueue_indirect_dma source(%dma_start3A_94 : memref<10000x128xf32, #tpu.memory_space<hbm>>) target(%arg9 : memref<128x128xf32, #tpu.memory_space<vmem>>) offsets(%dma_start3A_91 : memref<128xi32, #tpu.memory_space<vmem>>) semaphore(%arg13 : memref<!tpu.dma_semaphore, #tpu.memory_space<semaphore_mem>>)
      } else {
      }
      %add3A_76 = arith.constant 1 : i32
      %add3A_77 = arith.addi %mul3A_56, %add3A_76 : i32
      %dma_wait3A_78 = arith.constant 0 : i32
      %dma_wait3A_79 = tpu.memref_slice %arg7[%add3A_77, %dma_wait3A_78] : memref<40x128xi32, #tpu.memory_space<vmem>> -> memref<1x128xi32, #tpu.memory_space<vmem>>
      %dma_wait3A_80 = tpu.memref_squeeze %dma_wait3A_79 : memref<1x128xi32, #tpu.memory_space<vmem>> -> memref<128xi32, #tpu.memory_space<vmem>>
      %dma_wait3A_81 = arith.constant 0 : i32
      %dma_wait3A_82 = arith.constant 0 : i32
      %dma_wait3A_83 = tpu.memref_slice %arg2[%dma_wait3A_81, %dma_wait3A_82] : memref<10000x128xf32, #tpu.memory_space<hbm>> -> memref<10000x128xf32, #tpu.memory_space<hbm>>
      tpu.wait_indirect_dma semaphore(%arg14 : memref<!tpu.dma_semaphore, #tpu.memory_space<semaphore_mem>>) src(%dma_wait3A_83 : memref<10000x128xf32, #tpu.memory_space<hbm>>) dst(%arg10 : memref<128x128xf32, #tpu.memory_space<vmem>>)
      %add3A_84 = arith.constant 1 : i32
      %add3A_85 = arith.addi %mul3A_56, %add3A_84 : i32
      "tpu.region"() ({
        %run_scoped3A = tpu.sem_alloc : memref<!tpu.dma_semaphore, #tpu.memory_space<semaphore_mem>>
        %dma_start3A_87 = arith.constant 0 : i32
        %dma_start3A_88 = tpu.memref_slice %arg8[%add3A_85, %dma_start3A_87] : memref<40x128xi32, #tpu.memory_space<vmem>> -> memref<1x128xi32, #tpu.memory_space<vmem>>
        %dma_start3A_89 = tpu.memref_squeeze %dma_start3A_88 : memref<1x128xi32, #tpu.memory_space<vmem>> -> memref<128xi32, #tpu.memory_space<vmem>>
        %dma_start3A_90 = arith.constant 0 : i32
        %dma_start3A_91 = arith.constant 0 : i32
        %dma_start3A_92 = tpu.memref_slice %arg12[%dma_start3A_90, %dma_start3A_91] : memref<10240x128xf32, #tpu.memory_space<vmem_shared>> -> memref<10240x128xf32, #tpu.memory_space<vmem_shared>>
        tpu.enqueue_indirect_dma source(%arg10 : memref<128x128xf32, #tpu.memory_space<vmem>>) target(%dma_start3A_92 : memref<10240x128xf32, #tpu.memory_space<vmem_shared>>) offsets(%dma_start3A_89 : memref<128xi32, #tpu.memory_space<vmem>>) semaphore(%run_scoped3A : memref<!tpu.dma_semaphore, #tpu.memory_space<semaphore_mem>>) {add = true}
        %dma_wait3A_93 = arith.constant 0 : i32
        %dma_wait3A_94 = tpu.memref_slice %arg8[%add3A_85, %dma_wait3A_93] : memref<40x128xi32, #tpu.memory_space<vmem>> -> memref<1x128xi32, #tpu.memory_space<vmem>>
        %dma_wait3A_95 = tpu.memref_squeeze %dma_wait3A_94 : memref<1x128xi32, #tpu.memory_space<vmem>> -> memref<128xi32, #tpu.memory_space<vmem>>
        %dma_wait3A_96 = arith.constant 0 : i32
        %dma_wait3A_97 = arith.constant 0 : i32
        %dma_wait3A_98 = tpu.memref_slice %arg12[%dma_wait3A_96, %dma_wait3A_97] : memref<10240x128xf32, #tpu.memory_space<vmem_shared>> -> memref<10240x128xf32, #tpu.memory_space<vmem_shared>>
        tpu.wait_indirect_dma semaphore(%run_scoped3A : memref<!tpu.dma_semaphore, #tpu.memory_space<semaphore_mem>>) src(%arg10 : memref<128x128xf32, #tpu.memory_space<vmem>>) dst(%dma_wait3A_98 : memref<10240x128xf32, #tpu.memory_space<vmem_shared>>)
        tpu.yield
      }) : () -> ()
      %while3A_86 = arith.constant 0 : i32
      scf.yield %while3A_86 : i32
    }
    %while3A_46 = arith.constant 1 : i32
    %while3A_47 = scf.for %while3A_53 = %while3A_43 to %while3A_39 step %while3A_46 iter_args(%while3A_54 = %while3A_45) -> (i32)  : i32 {
      %mul3A_55 = arith.constant 2 : i32
      %mul3A_56 = arith.muli %mul3A_55, %while3A_53 : i32
      %add3A_57 = arith.constant 1 : i32
      %add3A_58 = arith.addi %mul3A_56, %add3A_57 : i32
      %dma_start3A = arith.constant 0 : i32
      %dma_start3A_59 = tpu.memref_slice %arg7[%add3A_58, %dma_start3A] : memref<40x128xi32, #tpu.memory_space<vmem>> -> memref<1x128xi32, #tpu.memory_space<vmem>>
      %dma_start3A_60 = tpu.memref_squeeze %dma_start3A_59 : memref<1x128xi32, #tpu.memory_space<vmem>> -> memref<128xi32, #tpu.memory_space<vmem>>
      %dma_start3A_61 = arith.constant 0 : i32
      %dma_start3A_62 = arith.constant 0 : i32
      %dma_start3A_63 = tpu.memref_slice %arg2[%dma_start3A_61, %dma_start3A_62] : memref<10000x128xf32, #tpu.memory_space<hbm>> -> memref<10000x128xf32, #tpu.memory_space<hbm>>
      tpu.enqueue_indirect_dma source(%dma_start3A_63 : memref<10000x128xf32, #tpu.memory_space<hbm>>) target(%arg10 : memref<128x128xf32, #tpu.memory_space<vmem>>) offsets(%dma_start3A_60 : memref<128xi32, #tpu.memory_space<vmem>>) semaphore(%arg14 : memref<!tpu.dma_semaphore, #tpu.memory_space<semaphore_mem>>)
      %dma_wait3A = arith.constant 0 : i32
      %dma_wait3A_64 = tpu.memref_slice %arg7[%mul3A_56, %dma_wait3A] : memref<40x128xi32, #tpu.memory_space<vmem>> -> memref<1x128xi32, #tpu.memory_space<vmem>>
      %dma_wait3A_65 = tpu.memref_squeeze %dma_wait3A_64 : memref<1x128xi32, #tpu.memory_space<vmem>> -> memref<128xi32, #tpu.memory_space<vmem>>
      %dma_wait3A_66 = arith.constant 0 : i32
      %dma_wait3A_67 = arith.constant 0 : i32
      %dma_wait3A_68 = tpu.memref_slice %arg2[%dma_wait3A_66, %dma_wait3A_67] : memref<10000x128xf32, #tpu.memory_space<hbm>> -> memref<10000x128xf32, #tpu.memory_space<hbm>>
      tpu.wait_indirect_dma semaphore(%arg13 : memref<!tpu.dma_semaphore, #tpu.memory_space<semaphore_mem>>) src(%dma_wait3A_68 : memref<10000x128xf32, #tpu.memory_space<hbm>>) dst(%arg9 : memref<128x128xf32, #tpu.memory_space<vmem>>)
      "tpu.region"() ({
        %run_scoped3A = tpu.sem_alloc : memref<!tpu.dma_semaphore, #tpu.memory_space<semaphore_mem>>
        %dma_start3A_87 = arith.constant 0 : i32
        %dma_start3A_88 = tpu.memref_slice %arg8[%mul3A_56, %dma_start3A_87] : memref<40x128xi32, #tpu.memory_space<vmem>> -> memref<1x128xi32, #tpu.memory_space<vmem>>
        %dma_start3A_89 = tpu.memref_squeeze %dma_start3A_88 : memref<1x128xi32, #tpu.memory_space<vmem>> -> memref<128xi32, #tpu.memory_space<vmem>>
        %dma_start3A_90 = arith.constant 0 : i32
        %dma_start3A_91 = arith.constant 0 : i32
        %dma_start3A_92 = tpu.memref_slice %arg12[%dma_start3A_90, %dma_start3A_91] : memref<10240x128xf32, #tpu.memory_space<vmem_shared>> -> memref<10240x128xf32, #tpu.memory_space<vmem_shared>>
        tpu.enqueue_indirect_dma source(%arg9 : memref<128x128xf32, #tpu.memory_space<vmem>>) target(%dma_start3A_92 : memref<10240x128xf32, #tpu.memory_space<vmem_shared>>) offsets(%dma_start3A_89 : memref<128xi32, #tpu.memory_space<vmem>>) semaphore(%run_scoped3A : memref<!tpu.dma_semaphore, #tpu.memory_space<semaphore_mem>>) {add = true}
        %dma_wait3A_93 = arith.constant 0 : i32
        %dma_wait3A_94 = tpu.memref_slice %arg8[%mul3A_56, %dma_wait3A_93] : memref<40x128xi32, #tpu.memory_space<vmem>> -> memref<1x128xi32, #tpu.memory_space<vmem>>
        %dma_wait3A_95 = tpu.memref_squeeze %dma_wait3A_94 : memref<1x128xi32, #tpu.memory_space<vmem>> -> memref<128xi32, #tpu.memory_space<vmem>>
        %dma_wait3A_96 = arith.constant 0 : i32
        %dma_wait3A_97 = arith.constant 0 : i32
        %dma_wait3A_98 = tpu.memref_slice %arg12[%dma_wait3A_96, %dma_wait3A_97] : memref<10240x128xf32, #tpu.memory_space<vmem_shared>> -> memref<10240x128xf32, #tpu.memory_space<vmem_shared>>
        tpu.wait_indirect_dma semaphore(%run_scoped3A : memref<!tpu.dma_semaphore, #tpu.memory_space<semaphore_mem>>) src(%arg9 : memref<128x128xf32, #tpu.memory_space<vmem>>) dst(%dma_wait3A_98 : memref<10240x128xf32, #tpu.memory_space<vmem_shared>>)
        tpu.yield
      }) : () -> ()
      %add3A_69 = arith.constant 2 : i32
      %add3A_70 = arith.addi %mul3A_56, %add3A_69 : i32
      %mul3A_71 = arith.constant 2 : i32
      %mul3A_72 = arith.muli %mul3A_71, %sub3A : i32
      %lt3A = arith.cmpi slt, %add3A_70, %mul3A_72 : i32
      %convert_element_type3A_73 = arith.extui %lt3A : i1 to i32
      %cond3A_74 = arith.constant 0 : i32
      %cond3A_75 = arith.cmpi ne, %convert_element_type3A_73, %cond3A_74 : i32
      scf.if %cond3A_75 {
        %add3A_87 = arith.constant 2 : i32
        %add3A_88 = arith.addi %mul3A_56, %add3A_87 : i32
        %dma_start3A_89 = arith.constant 0 : i32
        %dma_start3A_90 = tpu.memref_slice %arg7[%add3A_88, %dma_start3A_89] : memref<40x128xi32, #tpu.memory_space<vmem>> -> memref<1x128xi32, #tpu.memory_space<vmem>>
        %dma_start3A_91 = tpu.memref_squeeze %dma_start3A_90 : memref<1x128xi32, #tpu.memory_space<vmem>> -> memref<128xi32, #tpu.memory_space<vmem>>
        %dma_start3A_92 = arith.constant 0 : i32
        %dma_start3A_93 = arith.constant 0 : i32
        %dma_start3A_94 = tpu.memref_slice %arg2[%dma_start3A_92, %dma_start3A_93] : memref<10000x128xf32, #tpu.memory_space<hbm>> -> memref<10000x128xf32, #tpu.memory_space<hbm>>
        tpu.enqueue_indirect_dma source(%dma_start3A_94 : memref<10000x128xf32, #tpu.memory_space<hbm>>) target(%arg9 : memref<128x128xf32, #tpu.memory_space<vmem>>) offsets(%dma_start3A_91 : memref<128xi32, #tpu.memory_space<vmem>>) semaphore(%arg13 : memref<!tpu.dma_semaphore, #tpu.memory_space<semaphore_mem>>)
      } else {
      }
      %add3A_76 = arith.constant 1 : i32
      %add3A_77 = arith.addi %mul3A_56, %add3A_76 : i32
      %dma_wait3A_78 = arith.constant 0 : i32
      %dma_wait3A_79 = tpu.memref_slice %arg7[%add3A_77, %dma_wait3A_78] : memref<40x128xi32, #tpu.memory_space<vmem>> -> memref<1x128xi32, #tpu.memory_space<vmem>>
      %dma_wait3A_80 = tpu.memref_squeeze %dma_wait3A_79 : memref<1x128xi32, #tpu.memory_space<vmem>> -> memref<128xi32, #tpu.memory_space<vmem>>
      %dma_wait3A_81 = arith.constant 0 : i32
      %dma_wait3A_82 = arith.constant 0 : i32
      %dma_wait3A_83 = tpu.memref_slice %arg2[%dma_wait3A_81, %dma_wait3A_82] : memref<10000x128xf32, #tpu.memory_space<hbm>> -> memref<10000x128xf32, #tpu.memory_space<hbm>>
      tpu.wait_indirect_dma semaphore(%arg14 : memref<!tpu.dma_semaphore, #tpu.memory_space<semaphore_mem>>) src(%dma_wait3A_83 : memref<10000x128xf32, #tpu.memory_space<hbm>>) dst(%arg10 : memref<128x128xf32, #tpu.memory_space<vmem>>)
      %add3A_84 = arith.constant 1 : i32
      %add3A_85 = arith.addi %mul3A_56, %add3A_84 : i32
      "tpu.region"() ({
        %run_scoped3A = tpu.sem_alloc : memref<!tpu.dma_semaphore, #tpu.memory_space<semaphore_mem>>
        %dma_start3A_87 = arith.constant 0 : i32
        %dma_start3A_88 = tpu.memref_slice %arg8[%add3A_85, %dma_start3A_87] : memref<40x128xi32, #tpu.memory_space<vmem>> -> memref<1x128xi32, #tpu.memory_space<vmem>>
        %dma_start3A_89 = tpu.memref_squeeze %dma_start3A_88 : memref<1x128xi32, #tpu.memory_space<vmem>> -> memref<128xi32, #tpu.memory_space<vmem>>
        %dma_start3A_90 = arith.constant 0 : i32
        %dma_start3A_91 = arith.constant 0 : i32
        %dma_start3A_92 = tpu.memref_slice %arg12[%dma_start3A_90, %dma_start3A_91] : memref<10240x128xf32, #tpu.memory_space<vmem_shared>> -> memref<10240x128xf32, #tpu.memory_space<vmem_shared>>
        tpu.enqueue_indirect_dma source(%arg10 : memref<128x128xf32, #tpu.memory_space<vmem>>) target(%dma_start3A_92 : memref<10240x128xf32, #tpu.memory_space<vmem_shared>>) offsets(%dma_start3A_89 : memref<128xi32, #tpu.memory_space<vmem>>) semaphore(%run_scoped3A : memref<!tpu.dma_semaphore, #tpu.memory_space<semaphore_mem>>) {add = true}
        %dma_wait3A_93 = arith.constant 0 : i32
        %dma_wait3A_94 = tpu.memref_slice %arg8[%add3A_85, %dma_wait3A_93] : memref<40x128xi32, #tpu.memory_space<vmem>> -> memref<1x128xi32, #tpu.memory_space<vmem>>
        %dma_wait3A_95 = tpu.memref_squeeze %dma_wait3A_94 : memref<1x128xi32, #tpu.memory_space<vmem>> -> memref<128xi32, #tpu.memory_space<vmem>>
        %dma_wait3A_96 = arith.constant 0 : i32
        %dma_wait3A_97 = arith.constant 0 : i32
        %dma_wait3A_98 = tpu.memref_slice %arg12[%dma_wait3A_96, %dma_wait3A_97] : memref<10240x128xf32, #tpu.memory_space<vmem_shared>> -> memref<10240x128xf32, #tpu.memory_space<vmem_shared>>
        tpu.wait_indirect_dma semaphore(%run_scoped3A : memref<!tpu.dma_semaphore, #tpu.memory_space<semaphore_mem>>) src(%arg10 : memref<128x128xf32, #tpu.memory_space<vmem>>) dst(%dma_wait3A_98 : memref<10240x128xf32, #tpu.memory_space<vmem_shared>>)
        tpu.yield
      }) : () -> ()
      %while3A_86 = arith.constant 0 : i32
      scf.yield %while3A_86 : i32
    }
    %barrier3A_48 = arith.constant 0 : index
    tpu.barrier barrier_id(%barrier3A_48)
    %mul3A_49 = arith.constant 640 : i32
    %mul3A_50 = arith.muli %arg1, %mul3A_49 : i32
    %mul3A_51 = arith.constant 640 : i32
    %mul3A_52 = arith.muli %arg1, %mul3A_51 : i32
    "tpu.region"() ({
      %run_scoped3A = tpu.sem_alloc : memref<!tpu.dma_semaphore, #tpu.memory_space<semaphore_mem>>
      %dma_start3A = arith.constant 0 : i32
      %dma_start3A_53 = tpu.memref_slice %arg6[%arg0, %mul3A_52, %dma_start3A] : memref<2x10240x128xf32, #tpu.memory_space<hbm>> -> memref<1x640x128xf32, #tpu.memory_space<hbm>>
      %dma_start3A_54 = tpu.memref_squeeze %dma_start3A_53 : memref<1x640x128xf32, #tpu.memory_space<hbm>> -> memref<640x128xf32, #tpu.memory_space<hbm>>
      %dma_start3A_55 = arith.constant 0 : i32
      %dma_start3A_56 = tpu.memref_slice %arg12[%mul3A_50, %dma_start3A_55] : memref<10240x128xf32, #tpu.memory_space<vmem_shared>> -> memref<640x128xf32, #tpu.memory_space<vmem_shared>>
      tpu.enqueue_dma source(%dma_start3A_56 : memref<640x128xf32, #tpu.memory_space<vmem_shared>>) target(%dma_start3A_54 : memref<640x128xf32, #tpu.memory_space<hbm>>) target_semaphore(%run_scoped3A : memref<!tpu.dma_semaphore, #tpu.memory_space<semaphore_mem>>)
      %dma_wait3A = arith.constant 0 : i32
      %dma_wait3A_57 = tpu.memref_slice %arg6[%arg0, %mul3A_52, %dma_wait3A] : memref<2x10240x128xf32, #tpu.memory_space<hbm>> -> memref<1x640x128xf32, #tpu.memory_space<hbm>>
      %dma_wait3A_58 = tpu.memref_squeeze %dma_wait3A_57 : memref<1x640x128xf32, #tpu.memory_space<hbm>> -> memref<640x128xf32, #tpu.memory_space<hbm>>
      %dma_wait3A_59 = arith.constant 0 : i32
      %dma_wait3A_60 = tpu.memref_slice %arg12[%mul3A_50, %dma_wait3A_59] : memref<10240x128xf32, #tpu.memory_space<vmem_shared>> -> memref<640x128xf32, #tpu.memory_space<vmem_shared>>
      tpu.wait_dma2 semaphore(%run_scoped3A : memref<!tpu.dma_semaphore, #tpu.memory_space<semaphore_mem>>) src(%dma_wait3A_60 : memref<640x128xf32, #tpu.memory_space<vmem_shared>>) dst(%dma_wait3A_58 : memref<640x128xf32, #tpu.memory_space<hbm>>)
      tpu.yield
    }) : () -> ()
    return
  }
}

module attributes {stable_mosaic.version = 14 : i64} {
  func.func @body(%arg0: i32, %arg1: memref<2x1280xf32, #tpu.memory_space<vmem>>, %arg2: memref<1280x1xf32, #tpu.memory_space<vmem>>) attributes {dimension_semantics = [#tpu.dimension_semantics<arbitrary>], iteration_bounds = array<i64: 8>, scalar_prefetch = 0 : i64, scratch_operands = 0 : i64, tpu.core_type = #tpu.core_type<tc>, window_params = [{transform_indices = @transform_0, window_bounds = array<i64: 2, 1280>}, {transform_indices = @transform_1, window_bounds = array<i64: 1280, 1>}]} {
    %get3A = arith.constant 0 : index
    %get3A_0 = arith.constant 0 : index
    %get3A_1 = vector.load %arg1[%get3A, %get3A_0] : memref<2x1280xf32, #tpu.memory_space<vmem>>, vector<1x1280xf32>
    %get3A_2 = vector.shape_cast %get3A_1 : vector<1x1280xf32> to vector<1280xf32>
    %get3A_3 = arith.constant 1 : index
    %get3A_4 = arith.constant 0 : index
    %get3A_5 = vector.load %arg1[%get3A_3, %get3A_4] : memref<2x1280xf32, #tpu.memory_space<vmem>>, vector<1x1280xf32>
    %get3A_6 = vector.shape_cast %get3A_5 : vector<1x1280xf32> to vector<1280xf32>
    %add3A = arith.addf %get3A_2, %get3A_6 : vector<1280xf32>
    %add3A_7 = arith.constant 1.000000e+00 : f32
    %add3A_8 = vector.broadcast %add3A_7 : f32 to vector<1280xf32>
    %add3A_9 = arith.addf %add3A, %add3A_8 : vector<1280xf32>
    %sqrt3A = math.sqrt %add3A_9 : vector<1280xf32>
    %div3A = arith.constant 1.000000e+00 : f32
    %div3A_10 = vector.broadcast %div3A : f32 to vector<1280xf32>
    %div3A_11 = arith.divf %div3A_10, %sqrt3A : vector<1280xf32>
    %broadcast_in_dim3A = vector.shape_cast %div3A_11 : vector<1280xf32> to vector<1280x1xf32>
    %swap3A = arith.constant 0 : index
    %swap3A_12 = arith.constant 0 : index
    %swap3A_13 = vector.load %arg2[%swap3A, %swap3A_12] : memref<1280x1xf32, #tpu.memory_space<vmem>>, vector<1280x1xf32>
    tpu.vector_store %arg2[%swap3A, %swap3A_12], %broadcast_in_dim3A {strides = array<i32>} : memref<1280x1xf32, #tpu.memory_space<vmem>>, vector<1280x1xf32>,
    return
  }
  func.func @transform_0(%arg0: i32) -> (i32, i32) {
    %c0_i32 = arith.constant 0 : i32
    %c0_i32_0 = arith.constant 0 : i32
    return %c0_i32, %arg0 : i32, i32
  }
  func.func @transform_1(%arg0: i32) -> (i32, i32) {
    %c0_i32 = arith.constant 0 : i32
    %c0_i32_0 = arith.constant 0 : i32
    return %arg0, %c0_i32 : i32, i32
  }
}

module attributes {stable_mosaic.version = 14 : i64} {
  func.func @body(%arg0: i32, %arg1: memref<1000x1xf32, #tpu.memory_space<vmem>>, %arg2: memref<1000x128xf32, #tpu.memory_space<vmem>>, %arg3: memref<1000x1xf32, #tpu.memory_space<vmem>>, %arg4: memref<1x128xf32, #tpu.memory_space<vmem>>, %arg5: memref<128x128xf32, #tpu.memory_space<vmem>>, %arg6: memref<1000x128xf32, #tpu.memory_space<vmem>>) attributes {dimension_semantics = [#tpu.dimension_semantics<arbitrary>], iteration_bounds = array<i64: 10>, scalar_prefetch = 0 : i64, scratch_operands = 0 : i64, tpu.core_type = #tpu.core_type<tc>, window_params = [{transform_indices = @transform_0, window_bounds = array<i64: 1000, 1>}, {transform_indices = @transform_1, window_bounds = array<i64: 1000, 128>}, {transform_indices = @transform_2, window_bounds = array<i64: 1000, 1>}, {pipeline_mode = #tpu.pipeline_mode<synchronous>, transform_indices = @transform_3, window_bounds = array<i64: 1, 128>}, {pipeline_mode = #tpu.pipeline_mode<synchronous>, transform_indices = @transform_4, window_bounds = array<i64: 128, 128>}, {transform_indices = @transform_5, window_bounds = array<i64: 1000, 128>}]} {
    %get3A = arith.constant 0 : index
    %get3A_0 = arith.constant 0 : index
    %get3A_1 = vector.load %arg2[%get3A, %get3A_0] : memref<1000x128xf32, #tpu.memory_space<vmem>>, vector<1000x128xf32>
    %get3A_2 = arith.constant 0 : index
    %get3A_3 = arith.constant 0 : index
    %get3A_4 = vector.load %arg3[%get3A_2, %get3A_3] : memref<1000x1xf32, #tpu.memory_space<vmem>>, vector<1000x1xf32>
    %get3A_5 = arith.constant 0 : index
    %get3A_6 = arith.constant 0 : index
    %get3A_7 = vector.load %arg4[%get3A_5, %get3A_6] : memref<1x128xf32, #tpu.memory_space<vmem>>, vector<1x128xf32>
    %mul3A = vector.broadcast %get3A_4 : vector<1000x1xf32> to vector<1000x128xf32>
    %mul3A_8 = vector.broadcast %get3A_7 : vector<1x128xf32> to vector<1000x128xf32>
    %mul3A_9 = arith.mulf %mul3A, %mul3A_8 : vector<1000x128xf32>
    %add3A = arith.addf %get3A_1, %mul3A_9 : vector<1000x128xf32>
    %get3A_10 = arith.constant 0 : index
    %get3A_11 = arith.constant 0 : index
    %get3A_12 = vector.load %arg5[%get3A_10, %get3A_11] : memref<128x128xf32, #tpu.memory_space<vmem>>, vector<128x128xf32>
    %dot_general3A = arith.constant dense<0.000000e+00> : vector<1000x128xf32>
    %dot_general3A_13 = tpu.matmul %add3A, %get3A_12, %dot_general3A {dimension_numbers = #tpu.dot_dimension_numbers<[1], [0], [0], [1], [0, 0, 1, 1], [], []>, transpose_lhs_hint = false} : vector<1000x128xf32>, vector<128x128xf32>, vector<1000x128xf32> -> vector<1000x128xf32>
    %get3A_14 = arith.constant 0 : index
    %get3A_15 = arith.constant 0 : index
    %get3A_16 = vector.load %arg1[%get3A_14, %get3A_15] : memref<1000x1xf32, #tpu.memory_space<vmem>>, vector<1000x1xf32>
    %mul3A_17 = vector.broadcast %get3A_16 : vector<1000x1xf32> to vector<1000x128xf32>
    %mul3A_18 = arith.mulf %dot_general3A_13, %mul3A_17 : vector<1000x128xf32>
    %swap3A = arith.constant 0 : index
    %swap3A_19 = arith.constant 0 : index
    %swap3A_20 = vector.load %arg6[%swap3A, %swap3A_19] : memref<1000x128xf32, #tpu.memory_space<vmem>>, vector<1000x128xf32>
    tpu.vector_store %arg6[%swap3A, %swap3A_19], %mul3A_18 {strides = array<i32>} : memref<1000x128xf32, #tpu.memory_space<vmem>>, vector<1000x128xf32>,
    return
  }
  func.func @transform_0(%arg0: i32) -> (i32, i32) {
    %c0_i32 = arith.constant 0 : i32
    %c0_i32_0 = arith.constant 0 : i32
    return %arg0, %c0_i32 : i32, i32
  }
  func.func @transform_1(%arg0: i32) -> (i32, i32) {
    %c0_i32 = arith.constant 0 : i32
    %c0_i32_0 = arith.constant 0 : i32
    return %arg0, %c0_i32 : i32, i32
  }
  func.func @transform_2(%arg0: i32) -> (i32, i32) {
    %c0_i32 = arith.constant 0 : i32
    %c0_i32_0 = arith.constant 0 : i32
    return %arg0, %c0_i32 : i32, i32
  }
  func.func @transform_3(%arg0: i32) -> (i32, i32) {
    %c0_i32 = arith.constant 0 : i32
    %c0_i32_0 = arith.constant 0 : i32
    %c0_i32_1 = arith.constant 0 : i32
    return %c0_i32, %c0_i32_0 : i32, i32
  }
  func.func @transform_4(%arg0: i32) -> (i32, i32) {
    %c0_i32 = arith.constant 0 : i32
    %c0_i32_0 = arith.constant 0 : i32
    %c0_i32_1 = arith.constant 0 : i32
    return %c0_i32, %c0_i32_0 : i32, i32
  }
  func.func @transform_5(%arg0: i32) -> (i32, i32) {
    %c0_i32 = arith.constant 0 : i32
    %c0_i32_0 = arith.constant 0 : i32
    return %arg0, %c0_i32 : i32, i32
  }
}

module attributes {stable_mosaic.version = 14 : i64} {
  func.func @body(%arg0: i32, %arg1: memref<1000x128xf32, #tpu.memory_space<vmem>>, %arg2: memref<1000x128xf32, #tpu.memory_space<vmem>>, %arg3: memref<1000x128xf32, #tpu.memory_space<vmem>>, %arg4: memref<1000x1xf32, #tpu.memory_space<vmem>>, %arg5: memref<1x128xf32, #tpu.memory_space<vmem>>, %arg6: memref<1x1xf32, #tpu.memory_space<vmem>>, %arg7: memref<128x64xf32, #tpu.memory_space<vmem>>, %arg8: memref<1000x64xf32, #tpu.memory_space<vmem>>) attributes {dimension_semantics = [#tpu.dimension_semantics<arbitrary>], iteration_bounds = array<i64: 10>, scalar_prefetch = 0 : i64, scratch_operands = 0 : i64, tpu.core_type = #tpu.core_type<tc>, window_params = [{transform_indices = @transform_0, window_bounds = array<i64: 1000, 128>}, {transform_indices = @transform_1, window_bounds = array<i64: 1000, 128>}, {transform_indices = @transform_2, window_bounds = array<i64: 1000, 128>}, {transform_indices = @transform_3, window_bounds = array<i64: 1000, 1>}, {pipeline_mode = #tpu.pipeline_mode<synchronous>, transform_indices = @transform_4, window_bounds = array<i64: 1, 128>}, {pipeline_mode = #tpu.pipeline_mode<synchronous>, transform_indices = @transform_5, window_bounds = array<i64: 1, 1>}, {pipeline_mode = #tpu.pipeline_mode<synchronous>, transform_indices = @transform_6, window_bounds = array<i64: 128, 64>}, {transform_indices = @transform_7, window_bounds = array<i64: 1000, 64>}]} {
    %get3A = arith.constant 0 : index
    %get3A_0 = arith.constant 0 : index
    %get3A_1 = vector.load %arg6[%get3A, %get3A_0] : memref<1x1xf32, #tpu.memory_space<vmem>>, vector<1x1xf32>
    %get3A_2 = vector.extract %get3A_1[0, 0] : f32 from vector<1x1xf32>
    %get3A_3 = arith.constant 0 : index
    %get3A_4 = arith.constant 0 : index
    %get3A_5 = vector.load %arg4[%get3A_3, %get3A_4] : memref<1000x1xf32, #tpu.memory_space<vmem>>, vector<1000x1xf32>
    %get3A_6 = arith.constant 0 : index
    %get3A_7 = arith.constant 0 : index
    %get3A_8 = vector.load %arg1[%get3A_6, %get3A_7] : memref<1000x128xf32, #tpu.memory_space<vmem>>, vector<1000x128xf32>
    %get3A_9 = arith.constant 0 : index
    %get3A_10 = arith.constant 0 : index
    %get3A_11 = vector.load %arg2[%get3A_9, %get3A_10] : memref<1000x128xf32, #tpu.memory_space<vmem>>, vector<1000x128xf32>
    %add3A = arith.addf %get3A_8, %get3A_11 : vector<1000x128xf32>
    %get3A_12 = arith.constant 0 : index
    %get3A_13 = arith.constant 0 : index
    %get3A_14 = vector.load %arg3[%get3A_12, %get3A_13] : memref<1000x128xf32, #tpu.memory_space<vmem>>, vector<1000x128xf32>
    %add3A_15 = arith.addf %add3A, %get3A_14 : vector<1000x128xf32>
    %mul3A = vector.broadcast %get3A_5 : vector<1000x1xf32> to vector<1000x128xf32>
    %mul3A_16 = arith.mulf %mul3A, %add3A_15 : vector<1000x128xf32>
    %get3A_17 = arith.constant 0 : index
    %get3A_18 = arith.constant 0 : index
    %get3A_19 = vector.load %arg5[%get3A_17, %get3A_18] : memref<1x128xf32, #tpu.memory_space<vmem>>, vector<1x128xf32>
    %add3A_20 = vector.broadcast %get3A_19 : vector<1x128xf32> to vector<1000x128xf32>
    %add3A_21 = arith.addf %mul3A_16, %add3A_20 : vector<1000x128xf32>
    %ge3A = arith.constant 0.000000e+00 : f32
    %ge3A_22 = vector.broadcast %ge3A : f32 to vector<1000x128xf32>
    %ge3A_23 = arith.cmpf oge, %add3A_21, %ge3A_22 : vector<1000x128xf32>
    %mul3A_24 = vector.broadcast %get3A_2 : f32 to vector<1000x128xf32>
    %mul3A_25 = arith.mulf %mul3A_24, %add3A_21 : vector<1000x128xf32>
    %select_n3A = arith.select %ge3A_23, %add3A_21, %mul3A_25 : vector<1000x128xi1>, vector<1000x128xf32>
    %get3A_26 = arith.constant 0 : index
    %get3A_27 = arith.constant 0 : index
    %get3A_28 = vector.load %arg7[%get3A_26, %get3A_27] : memref<128x64xf32, #tpu.memory_space<vmem>>, vector<128x64xf32>
    %dot_general3A = arith.constant dense<0.000000e+00> : vector<1000x64xf32>
    %dot_general3A_29 = tpu.matmul %select_n3A, %get3A_28, %dot_general3A {dimension_numbers = #tpu.dot_dimension_numbers<[1], [0], [0], [1], [0, 0, 1, 1], [], []>, transpose_lhs_hint = false} : vector<1000x128xf32>, vector<128x64xf32>, vector<1000x64xf32> -> vector<1000x64xf32>
    %mul3A_30 = vector.broadcast %get3A_5 : vector<1000x1xf32> to vector<1000x64xf32>
    %mul3A_31 = arith.mulf %mul3A_30, %dot_general3A_29 : vector<1000x64xf32>
    %swap3A = arith.constant 0 : index
    %swap3A_32 = arith.constant 0 : index
    %swap3A_33 = vector.load %arg8[%swap3A, %swap3A_32] : memref<1000x64xf32, #tpu.memory_space<vmem>>, vector<1000x64xf32>
    tpu.vector_store %arg8[%swap3A, %swap3A_32], %mul3A_31 {strides = array<i32>} : memref<1000x64xf32, #tpu.memory_space<vmem>>, vector<1000x64xf32>,
    return
  }
  func.func @transform_0(%arg0: i32) -> (i32, i32) {
    %c0_i32 = arith.constant 0 : i32
    %c0_i32_0 = arith.constant 0 : i32
    return %arg0, %c0_i32 : i32, i32
  }
  func.func @transform_1(%arg0: i32) -> (i32, i32) {
    %c0_i32 = arith.constant 0 : i32
    %c0_i32_0 = arith.constant 0 : i32
    return %arg0, %c0_i32 : i32, i32
  }
  func.func @transform_2(%arg0: i32) -> (i32, i32) {
    %c0_i32 = arith.constant 0 : i32
    %c0_i32_0 = arith.constant 0 : i32
    return %arg0, %c0_i32 : i32, i32
  }
  func.func @transform_3(%arg0: i32) -> (i32, i32) {
    %c0_i32 = arith.constant 0 : i32
    %c0_i32_0 = arith.constant 0 : i32
    return %arg0, %c0_i32 : i32, i32
  }
  func.func @transform_4(%arg0: i32) -> (i32, i32) {
    %c0_i32 = arith.constant 0 : i32
    %c0_i32_0 = arith.constant 0 : i32
    %c0_i32_1 = arith.constant 0 : i32
    return %c0_i32, %c0_i32_0 : i32, i32
  }
  func.func @transform_5(%arg0: i32) -> (i32, i32) {
    %c0_i32 = arith.constant 0 : i32
    %c0_i32_0 = arith.constant 0 : i32
    %c0_i32_1 = arith.constant 0 : i32
    return %c0_i32, %c0_i32_0 : i32, i32
  }
  func.func @transform_6(%arg0: i32) -> (i32, i32) {
    %c0_i32 = arith.constant 0 : i32
    %c0_i32_0 = arith.constant 0 : i32
    %c0_i32_1 = arith.constant 0 : i32
    return %c0_i32, %c0_i32_0 : i32, i32
  }
  func.func @transform_7(%arg0: i32) -> (i32, i32) {
    %c0_i32 = arith.constant 0 : i32
    %c0_i32_0 = arith.constant 0 : i32
    return %arg0, %c0_i32 : i32, i32
  }
}

module attributes {stable_mosaic.version = 14 : i64} {
  func.func @body(%arg0: i32, %arg1: memref<1000x64xf32, #tpu.memory_space<vmem>>, %arg2: memref<1000x64xf32, #tpu.memory_space<vmem>>, %arg3: memref<1000x64xf32, #tpu.memory_space<vmem>>, %arg4: memref<1000x1xf32, #tpu.memory_space<vmem>>, %arg5: memref<1x64xf32, #tpu.memory_space<vmem>>, %arg6: memref<1x1xf32, #tpu.memory_space<vmem>>, %arg7: memref<64x64xf32, #tpu.memory_space<vmem>>, %arg8: memref<64x128xf32, #tpu.memory_space<vmem>>, %arg9: memref<1000x1xf32, #tpu.memory_space<vmem>>, %arg10: memref<1000x128xf32, #tpu.memory_space<vmem>>) attributes {dimension_semantics = [#tpu.dimension_semantics<arbitrary>], iteration_bounds = array<i64: 10>, scalar_prefetch = 0 : i64, scratch_operands = 0 : i64, tpu.core_type = #tpu.core_type<tc>, window_params = [{transform_indices = @transform_0, window_bounds = array<i64: 1000, 64>}, {transform_indices = @transform_1, window_bounds = array<i64: 1000, 64>}, {transform_indices = @transform_2, window_bounds = array<i64: 1000, 64>}, {transform_indices = @transform_3, window_bounds = array<i64: 1000, 1>}, {pipeline_mode = #tpu.pipeline_mode<synchronous>, transform_indices = @transform_4, window_bounds = array<i64: 1, 64>}, {pipeline_mode = #tpu.pipeline_mode<synchronous>, transform_indices = @transform_5, window_bounds = array<i64: 1, 1>}, {pipeline_mode = #tpu.pipeline_mode<synchronous>, transform_indices = @transform_6, window_bounds = array<i64: 64, 64>}, {pipeline_mode = #tpu.pipeline_mode<synchronous>, transform_indices = @transform_7, window_bounds = array<i64: 64, 128>}, {transform_indices = @transform_8, window_bounds = array<i64: 1000, 1>}, {transform_indices = @transform_9, window_bounds = array<i64: 1000, 128>}]} {
    %get3A = arith.constant 0 : index
    %get3A_0 = arith.constant 0 : index
    %get3A_1 = vector.load %arg6[%get3A, %get3A_0] : memref<1x1xf32, #tpu.memory_space<vmem>>, vector<1x1xf32>
    %get3A_2 = vector.extract %get3A_1[0, 0] : f32 from vector<1x1xf32>
    %get3A_3 = arith.constant 0 : index
    %get3A_4 = arith.constant 0 : index
    %get3A_5 = vector.load %arg4[%get3A_3, %get3A_4] : memref<1000x1xf32, #tpu.memory_space<vmem>>, vector<1000x1xf32>
    %get3A_6 = arith.constant 0 : index
    %get3A_7 = arith.constant 0 : index
    %get3A_8 = vector.load %arg1[%get3A_6, %get3A_7] : memref<1000x64xf32, #tpu.memory_space<vmem>>, vector<1000x64xf32>
    %get3A_9 = arith.constant 0 : index
    %get3A_10 = arith.constant 0 : index
    %get3A_11 = vector.load %arg2[%get3A_9, %get3A_10] : memref<1000x64xf32, #tpu.memory_space<vmem>>, vector<1000x64xf32>
    %add3A = arith.addf %get3A_8, %get3A_11 : vector<1000x64xf32>
    %get3A_12 = arith.constant 0 : index
    %get3A_13 = arith.constant 0 : index
    %get3A_14 = vector.load %arg3[%get3A_12, %get3A_13] : memref<1000x64xf32, #tpu.memory_space<vmem>>, vector<1000x64xf32>
    %add3A_15 = arith.addf %add3A, %get3A_14 : vector<1000x64xf32>
    %mul3A = vector.broadcast %get3A_5 : vector<1000x1xf32> to vector<1000x64xf32>
    %mul3A_16 = arith.mulf %mul3A, %add3A_15 : vector<1000x64xf32>
    %get3A_17 = arith.constant 0 : index
    %get3A_18 = arith.constant 0 : index
    %get3A_19 = vector.load %arg5[%get3A_17, %get3A_18] : memref<1x64xf32, #tpu.memory_space<vmem>>, vector<1x64xf32>
    %add3A_20 = vector.broadcast %get3A_19 : vector<1x64xf32> to vector<1000x64xf32>
    %add3A_21 = arith.addf %mul3A_16, %add3A_20 : vector<1000x64xf32>
    %ge3A = arith.constant 0.000000e+00 : f32
    %ge3A_22 = vector.broadcast %ge3A : f32 to vector<1000x64xf32>
    %ge3A_23 = arith.cmpf oge, %add3A_21, %ge3A_22 : vector<1000x64xf32>
    %mul3A_24 = vector.broadcast %get3A_2 : f32 to vector<1000x64xf32>
    %mul3A_25 = arith.mulf %mul3A_24, %add3A_21 : vector<1000x64xf32>
    %select_n3A = arith.select %ge3A_23, %add3A_21, %mul3A_25 : vector<1000x64xi1>, vector<1000x64xf32>
    %get3A_26 = arith.constant 0 : index
    %get3A_27 = arith.constant 0 : index
    %get3A_28 = vector.load %arg7[%get3A_26, %get3A_27] : memref<64x64xf32, #tpu.memory_space<vmem>>, vector<64x64xf32>
    %dot_general3A = arith.constant dense<0.000000e+00> : vector<1000x64xf32>
    %dot_general3A_29 = tpu.matmul %select_n3A, %get3A_28, %dot_general3A {dimension_numbers = #tpu.dot_dimension_numbers<[1], [1], [0], [0], [0, 0, 1, 0], [], []>, transpose_lhs_hint = false} : vector<1000x64xf32>, vector<64x64xf32>, vector<1000x64xf32> -> vector<1000x64xf32>
    %get3A_30 = arith.constant 0 : index
    %get3A_31 = arith.constant 0 : index
    %get3A_32 = vector.load %arg9[%get3A_30, %get3A_31] : memref<1000x1xf32, #tpu.memory_space<vmem>>, vector<1000x1xf32>
    %sub3A = arith.constant 1.000000e+00 : f32
    %sub3A_33 = vector.broadcast %sub3A : f32 to vector<1000x1xf32>
    %sub3A_34 = arith.subf %sub3A_33, %get3A_32 : vector<1000x1xf32>
    %mul3A_35 = vector.broadcast %sub3A_34 : vector<1000x1xf32> to vector<1000x64xf32>
    %mul3A_36 = arith.mulf %dot_general3A_29, %mul3A_35 : vector<1000x64xf32>
    %get3A_37 = arith.constant 0 : index
    %get3A_38 = arith.constant 0 : index
    %get3A_39 = vector.load %arg8[%get3A_37, %get3A_38] : memref<64x128xf32, #tpu.memory_space<vmem>>, vector<64x128xf32>
    %dot_general3A_40 = arith.constant dense<0.000000e+00> : vector<1000x128xf32>
    %dot_general3A_41 = tpu.matmul %mul3A_36, %get3A_39, %dot_general3A_40 {dimension_numbers = #tpu.dot_dimension_numbers<[1], [0], [0], [1], [0, 0, 1, 1], [], []>, transpose_lhs_hint = false} : vector<1000x64xf32>, vector<64x128xf32>, vector<1000x128xf32> -> vector<1000x128xf32>
    %mul3A_42 = vector.broadcast %get3A_5 : vector<1000x1xf32> to vector<1000x128xf32>
    %mul3A_43 = arith.mulf %mul3A_42, %dot_general3A_41 : vector<1000x128xf32>
    %swap3A = arith.constant 0 : index
    %swap3A_44 = arith.constant 0 : index
    %swap3A_45 = vector.load %arg10[%swap3A, %swap3A_44] : memref<1000x128xf32, #tpu.memory_space<vmem>>, vector<1000x128xf32>
    tpu.vector_store %arg10[%swap3A, %swap3A_44], %mul3A_43 {strides = array<i32>} : memref<1000x128xf32, #tpu.memory_space<vmem>>, vector<1000x128xf32>,
    return
  }
  func.func @transform_0(%arg0: i32) -> (i32, i32) {
    %c0_i32 = arith.constant 0 : i32
    %c0_i32_0 = arith.constant 0 : i32
    return %arg0, %c0_i32 : i32, i32
  }
  func.func @transform_1(%arg0: i32) -> (i32, i32) {
    %c0_i32 = arith.constant 0 : i32
    %c0_i32_0 = arith.constant 0 : i32
    return %arg0, %c0_i32 : i32, i32
  }
  func.func @transform_2(%arg0: i32) -> (i32, i32) {
    %c0_i32 = arith.constant 0 : i32
    %c0_i32_0 = arith.constant 0 : i32
    return %arg0, %c0_i32 : i32, i32
  }
  func.func @transform_3(%arg0: i32) -> (i32, i32) {
    %c0_i32 = arith.constant 0 : i32
    %c0_i32_0 = arith.constant 0 : i32
    return %arg0, %c0_i32 : i32, i32
  }
  func.func @transform_4(%arg0: i32) -> (i32, i32) {
    %c0_i32 = arith.constant 0 : i32
    %c0_i32_0 = arith.constant 0 : i32
    %c0_i32_1 = arith.constant 0 : i32
    return %c0_i32, %c0_i32_0 : i32, i32
  }
  func.func @transform_5(%arg0: i32) -> (i32, i32) {
    %c0_i32 = arith.constant 0 : i32
    %c0_i32_0 = arith.constant 0 : i32
    %c0_i32_1 = arith.constant 0 : i32
    return %c0_i32, %c0_i32_0 : i32, i32
  }
  func.func @transform_6(%arg0: i32) -> (i32, i32) {
    %c0_i32 = arith.constant 0 : i32
    %c0_i32_0 = arith.constant 0 : i32
    %c0_i32_1 = arith.constant 0 : i32
    return %c0_i32, %c0_i32_0 : i32, i32
  }
  func.func @transform_7(%arg0: i32) -> (i32, i32) {
    %c0_i32 = arith.constant 0 : i32
    %c0_i32_0 = arith.constant 0 : i32
    %c0_i32_1 = arith.constant 0 : i32
    return %c0_i32, %c0_i32_0 : i32, i32
  }
  func.func @transform_8(%arg0: i32) -> (i32, i32) {
    %c0_i32 = arith.constant 0 : i32
    %c0_i32_0 = arith.constant 0 : i32
    return %arg0, %c0_i32 : i32, i32
  }
  func.func @transform_9(%arg0: i32) -> (i32, i32) {
    %c0_i32 = arith.constant 0 : i32
    %c0_i32_0 = arith.constant 0 : i32
    return %arg0, %c0_i32 : i32, i32
  }
}

module attributes {stable_mosaic.version = 14 : i64} {
  func.func @body(%arg0: i32, %arg1: memref<1000x128xf32, #tpu.memory_space<vmem>>, %arg2: memref<1000x128xf32, #tpu.memory_space<vmem>>, %arg3: memref<1000x128xf32, #tpu.memory_space<vmem>>, %arg4: memref<1000x1xf32, #tpu.memory_space<vmem>>, %arg5: memref<1x128xf32, #tpu.memory_space<vmem>>, %arg6: memref<1x1xf32, #tpu.memory_space<vmem>>, %arg7: memref<1000x128xf32, #tpu.memory_space<vmem>>, %arg8: memref<1000x1xf32, #tpu.memory_space<vmem>>, %arg9: memref<1x1xf32, #tpu.memory_space<vmem>>) attributes {dimension_semantics = [#tpu.dimension_semantics<arbitrary>], iteration_bounds = array<i64: 10>, scalar_prefetch = 0 : i64, scratch_operands = 0 : i64, tpu.core_type = #tpu.core_type<tc>, window_params = [{transform_indices = @transform_0, window_bounds = array<i64: 1000, 128>}, {transform_indices = @transform_1, window_bounds = array<i64: 1000, 128>}, {transform_indices = @transform_2, window_bounds = array<i64: 1000, 128>}, {transform_indices = @transform_3, window_bounds = array<i64: 1000, 1>}, {pipeline_mode = #tpu.pipeline_mode<synchronous>, transform_indices = @transform_4, window_bounds = array<i64: 1, 128>}, {pipeline_mode = #tpu.pipeline_mode<synchronous>, transform_indices = @transform_5, window_bounds = array<i64: 1, 1>}, {transform_indices = @transform_6, window_bounds = array<i64: 1000, 128>}, {transform_indices = @transform_7, window_bounds = array<i64: 1000, 1>}, {pipeline_mode = #tpu.pipeline_mode<synchronous>, transform_indices = @transform_8, window_bounds = array<i64: 1, 1>}]} {
    %get3A = arith.constant 0 : index
    %get3A_0 = arith.constant 0 : index
    %get3A_1 = vector.load %arg6[%get3A, %get3A_0] : memref<1x1xf32, #tpu.memory_space<vmem>>, vector<1x1xf32>
    %get3A_2 = vector.extract %get3A_1[0, 0] : f32 from vector<1x1xf32>
    %get3A_3 = arith.constant 0 : index
    %get3A_4 = arith.constant 0 : index
    %get3A_5 = vector.load %arg4[%get3A_3, %get3A_4] : memref<1000x1xf32, #tpu.memory_space<vmem>>, vector<1000x1xf32>
    %get3A_6 = arith.constant 0 : index
    %get3A_7 = arith.constant 0 : index
    %get3A_8 = vector.load %arg1[%get3A_6, %get3A_7] : memref<1000x128xf32, #tpu.memory_space<vmem>>, vector<1000x128xf32>
    %get3A_9 = arith.constant 0 : index
    %get3A_10 = arith.constant 0 : index
    %get3A_11 = vector.load %arg2[%get3A_9, %get3A_10] : memref<1000x128xf32, #tpu.memory_space<vmem>>, vector<1000x128xf32>
    %add3A = arith.addf %get3A_8, %get3A_11 : vector<1000x128xf32>
    %get3A_12 = arith.constant 0 : index
    %get3A_13 = arith.constant 0 : index
    %get3A_14 = vector.load %arg3[%get3A_12, %get3A_13] : memref<1000x128xf32, #tpu.memory_space<vmem>>, vector<1000x128xf32>
    %add3A_15 = arith.addf %add3A, %get3A_14 : vector<1000x128xf32>
    %mul3A = vector.broadcast %get3A_5 : vector<1000x1xf32> to vector<1000x128xf32>
    %mul3A_16 = arith.mulf %mul3A, %add3A_15 : vector<1000x128xf32>
    %get3A_17 = arith.constant 0 : index
    %get3A_18 = arith.constant 0 : index
    %get3A_19 = vector.load %arg5[%get3A_17, %get3A_18] : memref<1x128xf32, #tpu.memory_space<vmem>>, vector<1x128xf32>
    %add3A_20 = vector.broadcast %get3A_19 : vector<1x128xf32> to vector<1000x128xf32>
    %add3A_21 = arith.addf %mul3A_16, %add3A_20 : vector<1000x128xf32>
    %ge3A = arith.constant 0.000000e+00 : f32
    %ge3A_22 = vector.broadcast %ge3A : f32 to vector<1000x128xf32>
    %ge3A_23 = arith.cmpf oge, %add3A_21, %ge3A_22 : vector<1000x128xf32>
    %mul3A_24 = vector.broadcast %get3A_2 : f32 to vector<1000x128xf32>
    %mul3A_25 = arith.mulf %mul3A_24, %add3A_21 : vector<1000x128xf32>
    %select_n3A = arith.select %ge3A_23, %add3A_21, %mul3A_25 : vector<1000x128xi1>, vector<1000x128xf32>
    %get3A_26 = arith.constant 0 : index
    %get3A_27 = arith.constant 0 : index
    %get3A_28 = vector.load %arg7[%get3A_26, %get3A_27] : memref<1000x128xf32, #tpu.memory_space<vmem>>, vector<1000x128xf32>
    %mul3A_29 = arith.mulf %get3A_28, %get3A_28 : vector<1000x128xf32>
    %reduce_sum3A = arith.constant dense<0.000000e+00> : vector<1000xf32>
    %reduce_sum3A_30 = vector.multi_reduction <add>, %mul3A_29, %reduce_sum3A [1] : vector<1000x128xf32> to vector<1000xf32>
    %broadcast_in_dim3A = vector.shape_cast %reduce_sum3A_30 : vector<1000xf32> to vector<1000x1xf32>
    %sqrt3A = math.sqrt %broadcast_in_dim3A : vector<1000x1xf32>
    %max3A = arith.constant 9.99999996E-13 : f32
    %max3A_31 = vector.broadcast %max3A : f32 to vector<1000x1xf32>
    %max3A_32 = arith.maximumf %sqrt3A, %max3A_31 : vector<1000x1xf32>
    %div3A = vector.broadcast %max3A_32 : vector<1000x1xf32> to vector<1000x128xf32>
    %div3A_33 = arith.divf %get3A_28, %div3A : vector<1000x128xf32>
    %mul3A_34 = arith.mulf %select_n3A, %select_n3A : vector<1000x128xf32>
    %reduce_sum3A_35 = arith.constant dense<0.000000e+00> : vector<1000xf32>
    %reduce_sum3A_36 = vector.multi_reduction <add>, %mul3A_34, %reduce_sum3A_35 [1] : vector<1000x128xf32> to vector<1000xf32>
    %broadcast_in_dim3A_37 = vector.shape_cast %reduce_sum3A_36 : vector<1000xf32> to vector<1000x1xf32>
    %sqrt3A_38 = math.sqrt %broadcast_in_dim3A_37 : vector<1000x1xf32>
    %max3A_39 = arith.constant 9.99999996E-13 : f32
    %max3A_40 = vector.broadcast %max3A_39 : f32 to vector<1000x1xf32>
    %max3A_41 = arith.maximumf %sqrt3A_38, %max3A_40 : vector<1000x1xf32>
    %div3A_42 = vector.broadcast %max3A_41 : vector<1000x1xf32> to vector<1000x128xf32>
    %div3A_43 = arith.divf %select_n3A, %div3A_42 : vector<1000x128xf32>
    %mul3A_44 = arith.mulf %div3A_33, %div3A_43 : vector<1000x128xf32>
    %reduce_sum3A_45 = arith.constant dense<0.000000e+00> : vector<1000xf32>
    %reduce_sum3A_46 = vector.multi_reduction <add>, %mul3A_44, %reduce_sum3A_45 [1] : vector<1000x128xf32> to vector<1000xf32>
    %sub3A = arith.constant 1.000000e+00 : f32
    %sub3A_47 = vector.broadcast %sub3A : f32 to vector<1000xf32>
    %sub3A_48 = arith.subf %sub3A_47, %reduce_sum3A_46 : vector<1000xf32>
    %get3A_49 = arith.constant 0 : index
    %get3A_50 = arith.constant 0 : index
    %get3A_51 = vector.load %arg8[%get3A_49, %get3A_50] : memref<1000x1xf32, #tpu.memory_space<vmem>>, vector<1000x1xf32>
    %get3A_52 = vector.shape_cast %get3A_51 : vector<1000x1xf32> to vector<1000xf32>
    %mul3A_53 = arith.mulf %get3A_52, %sub3A_48 : vector<1000xf32>
    %mul3A_54 = arith.mulf %mul3A_53, %sub3A_48 : vector<1000xf32>
    %reduce_sum3A_55 = vector.shape_cast %mul3A_54 : vector<1000xf32> to vector<1x1000xf32>
    %reduce_sum3A_56 = arith.constant dense<0.000000e+00> : vector<1xf32>
    %reduce_sum3A_57 = vector.multi_reduction <add>, %reduce_sum3A_55, %reduce_sum3A_56 [1] : vector<1x1000xf32> to vector<1xf32>
    %reduce_sum3A_58 = vector.shape_cast %reduce_sum3A_57 : vector<1xf32> to vector<1x1xf32>
    %reduce_sum3A_59 = vector.extract %reduce_sum3A_58[0, 0] : f32 from vector<1x1xf32>
    %mul3A_60 = arith.constant 3.3333333E-4 : f32
    %mul3A_61 = arith.mulf %reduce_sum3A_59, %mul3A_60 : f32
    %eq3A = arith.constant 0 : i32
    %eq3A_62 = arith.cmpi eq, %arg0, %eq3A : i32
    %convert_element_type3A = arith.extui %eq3A_62 : i1 to i32
    %cond3A = arith.constant 0 : i32
    %cond3A_63 = arith.cmpi ne, %convert_element_type3A, %cond3A : i32
    scf.if %cond3A_63 {
      %broadcast_in_dim3A_70 = arith.constant 0.000000e+00 : f32
      %broadcast_in_dim3A_71 = vector.broadcast %broadcast_in_dim3A_70 : f32 to vector<1x1xf32>
      %swap3A_72 = arith.constant 0 : index
      %swap3A_73 = arith.constant 0 : index
      %swap3A_74 = vector.load %arg9[%swap3A_72, %swap3A_73] : memref<1x1xf32, #tpu.memory_space<vmem>>, vector<1x1xf32>
      tpu.vector_store %arg9[%swap3A_72, %swap3A_73], %broadcast_in_dim3A_71 {strides = array<i32>} : memref<1x1xf32, #tpu.memory_space<vmem>>, vector<1x1xf32>,
    } else {
    }
    %get3A_64 = arith.constant 0 : index
    %get3A_65 = arith.constant 0 : index
    %get3A_66 = vector.load %arg9[%get3A_64, %get3A_65] : memref<1x1xf32, #tpu.memory_space<vmem>>, vector<1x1xf32>
    %reshape3A = vector.broadcast %mul3A_61 : f32 to vector<1x1xf32>
    %add3A_67 = arith.addf %get3A_66, %reshape3A : vector<1x1xf32>
    %swap3A = arith.constant 0 : index
    %swap3A_68 = arith.constant 0 : index
    %swap3A_69 = vector.load %arg9[%swap3A, %swap3A_68] : memref<1x1xf32, #tpu.memory_space<vmem>>, vector<1x1xf32>
    tpu.vector_store %arg9[%swap3A, %swap3A_68], %add3A_67 {strides = array<i32>} : memref<1x1xf32, #tpu.memory_space<vmem>>, vector<1x1xf32>,
    return
  }
  func.func @transform_0(%arg0: i32) -> (i32, i32) {
    %c0_i32 = arith.constant 0 : i32
    %c0_i32_0 = arith.constant 0 : i32
    return %arg0, %c0_i32 : i32, i32
  }
  func.func @transform_1(%arg0: i32) -> (i32, i32) {
    %c0_i32 = arith.constant 0 : i32
    %c0_i32_0 = arith.constant 0 : i32
    return %arg0, %c0_i32 : i32, i32
  }
  func.func @transform_2(%arg0: i32) -> (i32, i32) {
    %c0_i32 = arith.constant 0 : i32
    %c0_i32_0 = arith.constant 0 : i32
    return %arg0, %c0_i32 : i32, i32
  }
  func.func @transform_3(%arg0: i32) -> (i32, i32) {
    %c0_i32 = arith.constant 0 : i32
    %c0_i32_0 = arith.constant 0 : i32
    return %arg0, %c0_i32 : i32, i32
  }
  func.func @transform_4(%arg0: i32) -> (i32, i32) {
    %c0_i32 = arith.constant 0 : i32
    %c0_i32_0 = arith.constant 0 : i32
    %c0_i32_1 = arith.constant 0 : i32
    return %c0_i32, %c0_i32_0 : i32, i32
  }
  func.func @transform_5(%arg0: i32) -> (i32, i32) {
    %c0_i32 = arith.constant 0 : i32
    %c0_i32_0 = arith.constant 0 : i32
    %c0_i32_1 = arith.constant 0 : i32
    return %c0_i32, %c0_i32_0 : i32, i32
  }
  func.func @transform_6(%arg0: i32) -> (i32, i32) {
    %c0_i32 = arith.constant 0 : i32
    %c0_i32_0 = arith.constant 0 : i32
    return %arg0, %c0_i32 : i32, i32
  }
  func.func @transform_7(%arg0: i32) -> (i32, i32) {
    %c0_i32 = arith.constant 0 : i32
    %c0_i32_0 = arith.constant 0 : i32
    return %arg0, %c0_i32 : i32, i32
  }
  func.func @transform_8(%arg0: i32) -> (i32, i32) {
    %c0_i32 = arith.constant 0 : i32
    %c0_i32_0 = arith.constant 0 : i32
    %c0_i32_1 = arith.constant 0 : i32
    return %c0_i32, %c0_i32_0 : i32, i32
  }
}

</mosaic_0001>

<sc_bundles>
// kernel: kernel.11.cloned.1.call-start
scs
__scs_entry_jumppad:
0x0: {  	(pc) =	sbr.rel $0x88, $3  }
0x1: {  	(tag) =	ssettag $0x0;
	lr =	simm.s32 $0x1  }
0x2: {  	[smem:$0x3F95] =	sst lr;
	_ =	strace $0xD0000000  }
0x3: {  	_ = 	snop  }
0x4: {  	_ = 	snop  }
0x5: {  	_ = 	snop  }
0x6: {  	_ = 	snop  }
0x7: {  	_ = 	snop  }
__scs_overlays_trampoline_lowered:
0x8: {  	[smem:$0x3FA4] =	sst s0  }
0x9: {  	[smem:$0x3FA5] =	sst s1  }
0xa: {  	[smem:$0x3FA6] =	sst s2  }
0xb: {  	[smem:$0x3FA7] =	sst s3  }
0xc: {  	[smem:$0x3FA8] =	sst s4  }
0xd: {  	[smem:$0x3FA9] =	sst s5  }
0xe: {  	[smem:$0x3FAA] =	sst s6  }
0xf: {  	[smem:$0x3FAB] =	sst s7  }
0x10: {  	[smem:$0x3FAC] =	sst s8  }
0x11: {  	[smem:$0x3FAD] =	sst s9;
	s0 =	simm.s32 @!p0 $0x0  }
0x12: {  	s1 =	sld [smem:$0x3F93];
	s0 =	simm.s32 @p0 $0x1  }
0x13: {  	[smem:$0x3FAE] =	sst s0;
	s0 =	simm.s32 @!p1 $0x0  }
0x14: {  	s2 =	sld [smem:$0x3F92];
	s0 =	simm.s32 @p1 $0x1  }
0x15: {  	[smem:$0x3FAF] =	sst s0;
	s0 =	simm.s32 @!p2 $0x0  }
0x16: {  	s3 =	sld [smem:$0x3FDB];
	s0 =	simm.s32 @p2 $0x1  }
0x17: {  	s4 =	simm.s32 $0x1BF5;
	[smem:$0x3FB1] =	sst s0  }
0x18: {  	s0 =	sld [smem:$0x3F94];
	_ =	swait.ge [sflag:s4], $0x0  }
0x19: {  	s7 =	sld [smem:$0x3F95]  }
0x1a: {  	s8 =	sadd.s32 $0xFFFFE003, lr  }
0x1b: {  	s9 =	sadd.s32 $0xFFFFFEF7, lr;
	s5 =	simm.s32 $0xFFFFFFFF;
	p2 =	slt.u32 s8, $0xFFFFF086  }
0x1c: {  	p1 =	slt.u32 s9, $0xF7A;
	s5 =	simm.s32 @!p2 $0x0  }
0x1d: {  	s5 =	simm.s32 @p1 $0x1;
	p0 =	seq.s32 s7, s2  }
0x1e: {  	s7 =	smul.u32 @!p0 $0xF7A, s2;
	p2 =	seq.s32 @!p0 s5, $0x0  }
0x1f: {  	s9 =	smul.u32 $0xF7A, s1;
	s8 =	simm.s32 @!p0 $0x1BF5;
	p2 =	por !p2, p0  }
0x20: {  	[sflag:s8] =	ssyncset.s32 @!p0 $0xFFFFF086;
	s6 =	sadd.s32 @!p0 s3, s7;
	s7 =	simm.s32 @!p0 $0x108  }
0x21: {  	s3 =	sadd.s32 s3, s9;
	s6 =	sadd.s32 @!p0 $0x88, s6;
	s7 =	simm.s32 @p2 $0x1082  }
0x22: {  	[simem:s7], [sflag:s8] =	dma.local @!p0 [hbm:s6], $0xF7A  }
0x23: {  	s9 =	sor.u32 $0xD0000000, s2;
	s6 =	simm.s32 $0x108;
	_ =	swait.ge @!p0 [sflag:s8], $0x0  }
0x24: {  	s3 =	sadd.s32 $0x88, s3;
	s6 =	simm.s32 @!p1 $0x1082;
	[sflag:s4] =	ssyncset.s32 $0xFFFFF086  }
0x25: {  	[simem:s6], [sflag:s4] =	dma.local [hbm:s3], $0xF7A  }
0x26: {  	[smem:$0x3F95] =	sst s1;
	(tag) =	ssettag s2;
	_ =	strace s9  }
0x27: {  	s1 =	sld [smem:$0x3FA5]  }
0x28: {  	s2 =	sld [smem:$0x3FA6]  }
0x29: {  	s4 =	sld [smem:$0x3FA8]  }
0x2a: {  	p0 =	seq.s32 s5, $0x0;
	s5 =	sld [smem:$0x3FA9]  }
0x2b: {  	s6 =	sld [smem:$0x3FAA]  }
0x2c: {  	s7 =	sld [smem:$0x3FAB]  }
0x2d: {  	s3 =	simm.s32 $0x108;
	s8 =	sld [smem:$0x3FAC]  }
0x2e: {  	s3 =	simm.s32 @!p0 $0x1082;
	s9 =	sld [smem:$0x3FAD]  }
0x2f: {  	lr =	sadd.s32 s0, s3;
	s0 =	sld [smem:$0x3FA4]  }
0x30: {  	s3 =	sld [smem:$0x3FA7]  }
0x31: {  	[smem:$0x3FB0] =	sst s10  }
0x32: {  	s10 =	sld [smem:$0x3FAE];
	_ =	sdelay $0x3  }
0x33: {  	p0 =	seq.s32 s10, $0x1;
	s10 =	sld [smem:$0x3FB0];
	_ =	sdelay $0x3  }
0x34: {  	[smem:$0x3FB0] =	sst s10  }
0x35: {  	s10 =	sld [smem:$0x3FAF];
	_ =	sdelay $0x3  }
0x36: {  	p1 =	seq.s32 s10, $0x1;
	s10 =	sld [smem:$0x3FB0];
	_ =	sdelay $0x3  }
0x37: {  	[smem:$0x3FB0] =	sst s10  }
0x38: {  	s10 =	sld [smem:$0x3FB1]  }
0x39: {  	_ = 	snop;
	(pc) =	sbr.ind lr, $3  }
0x3a: {  	_ = 	snop  }
0x3b: {  	_ = 	snop  }
0x3c: {  	p2 =	seq.s32 s10, $0x1;
	s10 =	sld [smem:$0x3FB0]  }
0x3d: {  	_ =	shalt  }
0x3e: {  	_ =	shalt  }
0x3f: {  	_ =	shalt  }
0x40: {  	_ =	shalt  }
0x41: {  	_ =	shalt  }
0x42: {  	_ =	shalt  }
0x43: {  	_ =	shalt  }
0x44: {  	_ =	shalt  }
0x45: {  	_ =	shalt  }
0x46: {  	_ =	shalt  }
0x47: {  	_ =	shalt  }
0x48: {  	_ =	shalt  }
0x49: {  	_ =	shalt  }
0x4a: {  	_ =	shalt  }
0x4b: {  	_ =	shalt  }
0x4c: {  	_ =	shalt  }
0x4d: {  	_ =	shalt  }
0x4e: {  	_ =	shalt  }
0x4f: {  	_ =	shalt  }
0x50: {  	_ =	shalt  }
0x51: {  	_ =	shalt  }
0x52: {  	_ =	shalt  }
0x53: {  	_ =	shalt  }
0x54: {  	_ =	shalt  }
0x55: {  	_ =	shalt  }
0x56: {  	_ =	shalt  }
0x57: {  	_ =	shalt  }
0x58: {  	_ =	shalt  }
0x59: {  	_ =	shalt  }
0x5a: {  	_ =	shalt  }
0x5b: {  	_ =	shalt  }
0x5c: {  	_ =	shalt  }
0x5d: {  	_ =	shalt  }
0x5e: {  	_ =	shalt  }
0x5f: {  	_ =	shalt  }
0x60: {  	_ =	shalt  }
0x61: {  	_ =	shalt  }
0x62: {  	_ =	shalt  }
0x63: {  	_ =	shalt  }
0x64: {  	_ =	shalt  }
0x65: {  	_ =	shalt  }
0x66: {  	_ =	shalt  }
0x67: {  	_ =	shalt  }
0x68: {  	_ =	shalt  }
0x69: {  	_ =	shalt  }
0x6a: {  	_ =	shalt  }
0x6b: {  	_ =	shalt  }
0x6c: {  	_ =	shalt  }
0x6d: {  	_ =	shalt  }
0x6e: {  	_ =	shalt  }
0x6f: {  	_ =	shalt  }
0x70: {  	_ =	shalt  }
0x71: {  	_ =	shalt  }
0x72: {  	_ =	shalt  }
0x73: {  	_ =	shalt  }
0x74: {  	_ =	shalt  }
0x75: {  	_ =	shalt  }
0x76: {  	_ =	shalt  }
0x77: {  	_ =	shalt  }
0x78: {  	_ =	shalt  }
0x79: {  	_ =	shalt  }
0x7a: {  	_ =	shalt  }
0x7b: {  	_ =	shalt  }
0x7c: {  	_ =	shalt  }
0x7d: {  	_ =	shalt  }
0x7e: {  	_ =	shalt  }
0x7f: {  	_ =	shalt  }
0x80: {  	_ =	shalt  }
0x81: {  	_ =	shalt  }
0x82: {  	_ =	shalt  }
0x83: {  	_ =	shalt  }
0x84: {  	_ =	shalt  }
0x85: {  	_ =	shalt  }
0x86: {  	_ =	shalt  }
0x87: {  	_ =	shalt  }
.Lfunc_end0:
.L_simem_size_0:
called_computation_lowered:
.L_overlay_start_0:
0x88: {  	s2 =	sld [smem:$0x3FD9]  }
0x89: {  	s3 =	sld [smem:$0x3FFE];
	_ =	sdelay $0x1  }
0x8a: {  	s1 =	srdreg.scid  }
0x8b: {  	s0 =	sand.u32 $0x1, s1  }
0x8c: {  	s16 =	sshll.u32 s0, $0xA;
	s2 =	sadd.s32 s3, s2  }
0x8d: {  	s2 =	sadd.s32 s2, s16  }
0x8e: {  	[smem:$0x3FBC] =	sst s2  }
0x8f: {  	_ = 	snop  }
0x90: {  	(tm) =	ssettm $0x1  }
0x91: {  	s17 =	sld [smem:$0x3FFB];
	_ =	sdelay $0x3  }
0x92: {  	_ =	strace s17  }
0x93: {  	s2 =	sld [smem:$0x3FFC];
	_ =	sdelay $0x3  }
0x94: {  	_ =	strace s2  }
0x95: {  	s2 =	sld [smem:$0x3FFD];
	_ =	sdelay $0x3  }
0x96: {  	_ =	strace s2  }
0x97: {  	_ =	strace $0x8FFFFFFF  }
0x98: {  	s18 =	sld [smem:$0x3FDB];
	_ =	sdelay $0x1  }
0x99: {  	s19 =	simm.s32 $_scs_section_size  }
0x9a: {  	s4 =	simm.s32 $_size__tile_overlayer_lowered;
	s5 =	simm.s32 $_tile_overlayer_lowered  }
0x9b: {  	s22 =	simm.s32 $0x1BFF;
	s21 =	sshll.u32 s5, $0x1;
	s2 =	sadd.s32 s19, s18  }
0x9c: {  	s6 =	simm.s32 $0x0;
	s20 =	sshll.u32 s4, $0x1;
	s4 =	sadd.s32 s21, s2  }
0x9d: {  	[timem:s6], [sflag:s22] =	dma.local [hbm:s4], s20  }
0x9e: {  	_ =	swait.ge [sflag:s22], s20  }
0x9f: {  	s3 =	ssub.s32 $0x0, s20;
	[sflag:s22] =	ssyncset.done $0x0  }
0xa0: {  	[sflag:s22] =	ssyncadd.s32 s3;
	_ =	sdelay $0x1  }
0xa1: {  	s23 =	simm.s32 $0x1B8B  }
0xa2: {  	_ =	swait.ge [sflag:s23], $0x1  }
0xa3: {  	[sflag:s23] =	ssyncset.done $0x0  }
0xa4: {  	s25 =	simm.s32 $0x1B8E;
	s24 =	sld [smem:$0x3FFE];
	[sflag:s23] =	ssyncadd.s32 $0xFFFFFFFF  }
0xa5: {  	s26 =	simm.s32 $execute0_lowered;
	[smem:$0x3FD2] =	sst s25  }
0xa6: {  	s4 =	sshll.u32 s26, $0x1;
	_ =	strace $0x80000046;
	[dreg:$0x1] =	wrdreg $0xFFFFFFFF  }
0xa7: {  	s28 =	simm.s32 $_size_execute0_lowered;
	s2 =	sadd.s32 s2, s4;
	[dreg:$0x0] =	wrdreg $0x0  }
0xa8: {  	s4 =	sshll.u32 s28, $0x1;
	[dreg:$0x2] =	wrdreg s2  }
0xa9: {  	[dreg:$0x3] =	wrdreg s4  }
0xaa: {  	[dreg:$0x4] =	wrdreg $0xC0  }
0xab: {  	_ =	task [dreg:s6], $0x5FFFF  }
0xac: {  	[dreg:$0x1] =	wrdreg $0xFFFFFFFF  }
0xad: {  	[dreg:$0x0] =	wrdreg $0x60  }
0xae: {  	[dreg:$0x2] =	wrdreg s24  }
0xaf: {  	[dreg:$0x3] =	wrdreg $0x118800  }
0xb0: {  	[dreg:$0x4] =	wrdreg $0x9  }
0xb1: {  	_ =	task.clear_ibuf [dreg:s6], $0x5FFFF;
	_ =	strace $0x90000046  }
0xb2: {  	s29 =	simm.s32 $0x9;
	_ =	strace $0x80000048  }
0xb3: {  	_ =	swait.ge [sflag:s29], $0x1  }
0xb4: {  	[sflag:s29] =	ssyncadd.s32 $0xFFFFFFFF  }
0xb5: {  	_ =	strace $0x90000048  }
0xb6: {  	_ =	sfence  }
0xb7: {  	s30 =	sld [smem:$0x0];
	_ =	sdelay $0x2  }
0xb8: {  	s31 =	sshll.u32 s1, $0xD;
	s1 =	sshrl.u32 s1, $0x2  }
0xb9: {  	s3 =	sand.u32 $0x4000, s31;
	s1 =	sadd.s32 s1, s30  }
0xba: {  	s0 =	sor.u32 s3, s0;
	s1 =	sshll.u32 s1, $0x11  }
0xbb: {  	s0 =	sor.u32 s1, s0  }
0xbc: {  	s0 =	sadd.s32 $0x8F2B, s0  }
0xbd: {  	[sflag:s0] =	ssyncadd.remote.s32 $0x1  }
0xbe: {  	_ =	sfence.sel $0xFFFF  }
0xbf: {  	[dreg:$0x0] =	wrdreg $0xFFFFFFFF;
	(pc) =	sbr.abs _section_cstart, $3  }
0xc0: {  	[dreg:$0x1] =	wrdreg $0xFFFFFFFF  }
0xc1: {  	_ =	task.clear_ibuf [dreg:s6], $0x2FFFF;
	_ =	strace $0x9FFFFFFF  }
0xc2: {  	(tm) =	ssettm $0x7FFFFFFF  }
0xc3: {  	_ =	shalt  }
tec
execute0_lowered:
.L_overlay_start_1:
0x0: {  	(tag) =	ssettag $0x1  }
0x1: {  	s4 =	rddreg [dreg:$0x0]  }
0x2: {  	s10 =	rddreg [dreg:$0x1]  }
0x3: {  	s0 =	rddreg [dreg:$0x2]  }
0x4: {  	s2 =	simm.s32 $0x0;
	s3 =	srdreg.scid;
	s1 =	stileid.u32  }
0x5: {  	s16 =	simm.s32 $0x2800;
	s17 =	simm.s32 $0x5000;
	s18 =	simm.s32 $0xC880  }
0x6: {  	s19 =	simm.s32 $0x7800;
	s20 =	simm.s32 $0xA000;
	s21 =	simm.s32 $0xC800  }
0x7: {  	[smem:$0x7FF] =	sst s2;
	s5 =	sand.u32 $0x1, s3;
	s6 =	smul.u32 $0x500, s1  }
0x8: {  	s7 =	sshrl.u32 s1, $0x2;
	s22 =	sshll.u32 s1, $0x8;
	s3 =	sadd.s32 $0x3400, s4  }
0x9: {  	s30 =	sshrl.u32 s1, $0x3;
	s14 =	smul.u32 $0x5000, s1;
	s31 =	sshll.u32 s1, $0x7  }
0xa: {  	_ =	strace $0x80000047;
	s8 =	sshll.u32 s5, $0x7;
	s9 =	sand.u32 $0x300, s22  }
0xb: {  	s11 =	smul.u32 $0x14000, s7;
	s7 =	sshll.u32 s7, $0xA;
	s5 =	ssub.s32 $0x2, s5  }
0xc: {  	s13 =	smul.u32 $0x50000, s30;
	s15 =	sand.u32 $0x380, s31;
	s22 =	simm.s32 $0x1400  }
0xd: {  	s6 =	sor.u32 s8, s6;
	s8 =	sor.u32 s8, s9;
	s29 =	sshrl.u32 s5, $0x1  }
0xe: {  	s14 =	sshrl.u32 s14, $0x2;
	s6 =	sshrl.u32 s6, $0x3;
	s9 =	sor.u32 s11, s8  }
0xf: {  	s7 =	sor.u32 s7, s8;
	s12 =	ssub.s32 s5, s29;
	s13 =	sshrl.u32 s13, $0x2  }
0x10: {  	v0 =	vimm.f32 $0.0e+00;
	v1 =	vlaneseq.u32;
	s23 =	sadd.s32 s6, s4;
	s24 =	sshrl.u32 s9, $0x3;
	s26 =	sshrl.u32 s7, $0x3  }
0x11: {  	v2 =	vimm.f32 $1.000000000e+00;
	v3 =	vimm.s32 $0x0;
	v4 =	vor.u32 $0x2710, v1;
	s13 =	sadd.s32 s13, s10;
	s10 =	sadd.s32 s14, s10;
	s12 =	smax.u32 s12, $0x1  }
0x12: {  	v5 =	vor.u32 $0x10, v1;
	v6 =	vor.u32 $0x20, v1;
	v7 =	vor.u32 $0x30, v1;
	s14 =	simm.s32 $0x400;
	s25 =	sadd.s32 s24, s4;
	s28 =	sadd.s32 s26, s4  }
0x13: {  	v8 =	vor.u32 $0x40, v1;
	v9 =	vor.u32 $0x50, v1;
	v10 =	vor.u32 $0x60, v1;
	s9 =	sadd.s32 s15, s13;
	s11 =	sadd.s32 $0x2BA00, s23;
	s13 =	simm.s32 $0x80  }
0x14: {  	v11 =	vor.u32 $0x70, v1;
	v12 =	vor.u32 $0x80, v1;
	v13 =	vor.u32 $0x90, v1;
	s15 =	simm.s32 $0x1;
	s23 =	simm.s32 $0x14000;
	s24 =	simm.s32 $0xF080  }
0x15: {  	v14 =	vor.u32 $0xA0, v1;
	v15 =	vor.u32 $0xB0, v1;
	v16 =	vor.u32 $0xC0, v1;
	s4 =	sadd.s32 $0x17A00, s25;
	s5 =	sadd.s32 $0x21A00, s25;
	s6 =	sadd.s32 $0x2C400, s25  }
0x16: {  	v17 =	vor.u32 $0xD0, v1;
	v18 =	vor.u32 $0xE0, v1;
	v19 =	vor.u32 $0xF0, v1;
	s7 =	sadd.s32 $0x36400, s25;
	s8 =	sadd.s32 $0x40400, s28;
	s25 =	simm.s32 $0x100  }
.LBB2_1:
0x17: {  	s26 =	simm.s32 $0x40;
	s28 =	simm.s32 $0x0  }
.LBB2_2:
0x18: {  	p0 =	sne.s32 s26, $0x9FC0;
	[tilespmem:s28+$0xC880] =	vst v0;
	s28 =	smov.u32 s26;
	s26 =	sadd.s32 $0x40, s26  }
.Ltmp0:
0x19: {  	(pc) =	sbr.rel @p0 .LBB2_2-.Ltmp0, $2  }
0x1a: {  	_ =	sdelay $0x2  }
0x1b: {  	s28 =	sshra.s32 s28, $0x2  }
0x1c: {  	[tilespmem:s28+$0xC880] =	vst v0;
	s26 =	simm.s32 $0x0  }
0x1d: {  	[tilespmem:s26], [sflag:$0x1] =	stream.strided.gather [hbm4b:s4+s13], $0x2800, s14, s13, $0x38;
	[tilespmem:$0x14080] =	vst v63  }
0x1e: {  	_ =	swait.ge [sflag:s15], $0x2800  }
0x1f: {  	[sflag:s15] =	ssyncset.done $0x0  }
0x20: {  	[sflag:s15] =	ssyncadd.s32 $0xFFFFD800  }
0x21: {  	[tilespmem:s16], [sflag:$0x1] =	stream.strided.gather [hbm4b:s5+s13], $0x2800, s14, s13, $0x38;
	[tilespmem:$0x14080] =	vst v63  }
0x22: {  	_ =	swait.ge [sflag:s15], $0x2800  }
0x23: {  	[sflag:s15] =	ssyncset.done $0x0  }
0x24: {  	[sflag:s15] =	ssyncadd.s32 $0xFFFFD800  }
0x25: {  	[tilespmem:s17], [sflag:$0x1] =	stream.linear.gather [hbm4b:s3+s26], $0x2800, $0x38;
	[tilespmem:$0x14080] =	vst v63  }
0x26: {  	_ =	swait.ge [sflag:s15], $0x2800  }
0x27: {  	[sflag:s15] =	ssyncset.done $0x0  }
0x28: {  	v20 =	vimm.s32 $0x0;
	[sflag:s15] =	ssyncadd.s32 $0xFFFFD800  }
.LBB2_4:
0x29: {  	s28 =	sshra.s32 s26, $0x2  }
0x2a: {  	v21 =	vld [tilespmem:s28+$0x0];
	_ =	sdelay $0x7  }
0x2b: {  	[tilespmem:v21+s18+$0x0] =	vst.idx.add.f32.msk $0xffff, v2  }
0x2c: {  	v22 =	vld.idx.msk [tilespmem:v21+s17+$0x0], $0xffff;
	_ =	sdelay $0x4  }
0x2d: {  	vm0 =	vgt.f32 v22, $0.0e+00  }
0x2e: {  	v22 =	vsel vm0, $0x1, v3  }
0x2f: {  	(xrf0) =	vadd.scan.msk.s32 $0xffff, v22;
	_ =	sdelay $0x5  }
0x30: {  	v22, _, _ =	vpop (xrf0)  }
0x31: {  	v22 =	vadd.s32 v22, v20  }
0x32: {  	v22 =	vadd.s32 $0xFFFFFFFF, v22  }
0x33: {  	p0 =	sne.s32 s26, $0x9FC0;
	v23 =	vld [tilespmem:s28+$0x2800]  }
.Ltmp1:
0x34: {  	_ = 	snop;
	(pc) =	sbr.rel @p0 .LBB2_4-.Ltmp1, $4  }
0x35: {  	_ = 	snop  }
0x36: {  	v24 =	vmpcnt.ones.xlane vm0  }
0x37: {  	[tilespmem:v22+s19+$0x0] =	vst.idx.msk vm0, v21  }
0x38: {  	s26 =	sadd.s32 $0x40, s26;
	v20 =	vadd.s32 v20, v24;
	[tilespmem:v22+s20+$0x0] =	vst.idx.msk vm0, v23  }
0x39: {  	v21 =	vadd.s32 $0xFF, v20  }
0x3a: {  	v22 =	vshra.s32 v21, $0x1F;
	v23 =	vand.u32 $0xFF, v21  }
0x3b: {  	vm0 =	vlt.s32 v21, $0x1;
	v22 =	vshrl.u32 v22, $0x18;
	vm1 =	vne.s32 v23, $0x0  }
0x3c: {  	v21 =	vadd.s32 v22, v21;
	vm0 =	vmand vm0, vm1  }
0x3d: {  	v21 =	vshrl.u32 v21, $0x8;
	v22 =	vsel vm0, $0xFFFFFFFF, v3  }
0x3e: {  	v21 =	vadd.s32 v22, v21  }
0x3f: {  	v22 =	vadd.s32 v1, v20;
	v21 =	vshll.u32 v21, $0x8  }
0x40: {  	vm12 =	vlt.s32 v22, v21  }
0x41: {  	v23 =	vadd.s32 v5, v20  }
0x42: {  	vm13 =	vlt.s32 v23, v21  }
0x43: {  	v24 =	vadd.s32 v6, v20  }
0x44: {  	vm2 =	vlt.s32 v24, v21  }
0x45: {  	v25 =	vadd.s32 v7, v20  }
0x46: {  	vm3 =	vlt.s32 v25, v21;
	[tilespmem:v22+s19+$0x0] =	vst.idx.msk vm12, v4  }
0x47: {  	[tilespmem:v22+s20+$0x0] =	vst.idx.msk vm12, v1;
	v22 =	vadd.s32 v8, v20  }
0x48: {  	[tilespmem:v23+s19+$0x0] =	vst.idx.msk vm13, v4;
	vm14 =	vlt.s32 v22, v21  }
0x49: {  	[tilespmem:v23+s20+$0x0] =	vst.idx.msk vm13, v1;
	v23 =	vadd.s32 v9, v20  }
0x4a: {  	[tilespmem:v24+s19+$0x0] =	vst.idx.msk vm2, v4;
	vm15 =	vlt.s32 v23, v21  }
0x4b: {  	v59 =	vadd.s32 v10, v20;
	[tilespmem:v24+s20+$0x0] =	vst.idx.msk vm2, v1  }
0x4c: {  	vm6 =	vlt.s32 v59, v21;
	[tilespmem:v25+s19+$0x0] =	vst.idx.msk vm3, v4  }
0x4d: {  	v60 =	vadd.s32 v11, v20;
	[tilespmem:v25+s20+$0x0] =	vst.idx.msk vm3, v1  }
0x4e: {  	vm7 =	vlt.s32 v60, v21;
	[tilespmem:v22+s19+$0x0] =	vst.idx.msk vm14, v4  }
0x4f: {  	[tilespmem:v22+s20+$0x0] =	vst.idx.msk vm14, v1;
	v22 =	vadd.s32 v12, v20  }
0x50: {  	[tilespmem:v23+s19+$0x0] =	vst.idx.msk vm15, v4;
	vm8 =	vlt.s32 v22, v21  }
0x51: {  	[tilespmem:v23+s20+$0x0] =	vst.idx.msk vm15, v1;
	v23 =	vadd.s32 v13, v20  }
0x52: {  	[tilespmem:v59+s19+$0x0] =	vst.idx.msk vm6, v4;
	vm9 =	vlt.s32 v23, v21  }
0x53: {  	v61 =	vadd.s32 v14, v20;
	[tilespmem:v59+s20+$0x0] =	vst.idx.msk vm6, v1  }
0x54: {  	vm10 =	vlt.s32 v61, v21;
	[tilespmem:v60+s19+$0x0] =	vst.idx.msk vm7, v4  }
0x55: {  	v62 =	vadd.s32 v15, v20;
	[tilespmem:v60+s20+$0x0] =	vst.idx.msk vm7, v1  }
0x56: {  	vm11 =	vlt.s32 v62, v21;
	[tilespmem:v22+s19+$0x0] =	vst.idx.msk vm8, v4  }
0x57: {  	[tilespmem:v22+s20+$0x0] =	vst.idx.msk vm8, v1;
	v22 =	vadd.s32 v16, v20  }
0x58: {  	[tilespmem:v23+s19+$0x0] =	vst.idx.msk vm9, v4;
	vm12 =	vlt.s32 v22, v21  }
0x59: {  	[tilespmem:v23+s20+$0x0] =	vst.idx.msk vm9, v1;
	v23 =	vadd.s32 v17, v20  }
0x5a: {  	[tilespmem:v61+s19+$0x0] =	vst.idx.msk vm10, v4;
	vm13 =	vlt.s32 v23, v21  }
0x5b: {  	v63 =	vadd.s32 v18, v20;
	[tilespmem:v61+s20+$0x0] =	vst.idx.msk vm10, v1  }
0x5c: {  	vm14 =	vlt.s32 v63, v21;
	[tilespmem:v62+s19+$0x0] =	vst.idx.msk vm11, v4  }
0x5d: {  	v20 =	vadd.s32 v19, v20;
	[tilespmem:v62+s20+$0x0] =	vst.idx.msk vm11, v1  }
0x5e: {  	vm15 =	vlt.s32 v20, v21;
	[tilespmem:v22+s19+$0x0] =	vst.idx.msk vm12, v4  }
0x5f: {  	[tilespmem:v22+s20+$0x0] =	vst.idx.msk vm12, v1  }
0x60: {  	[tilespmem:v23+s19+$0x0] =	vst.idx.msk vm13, v4  }
0x61: {  	[tilespmem:v23+s20+$0x0] =	vst.idx.msk vm13, v1  }
0x62: {  	[tilespmem:v63+s19+$0x0] =	vst.idx.msk vm14, v4  }
0x63: {  	[tilespmem:v63+s20+$0x0] =	vst.idx.msk vm14, v1  }
0x64: {  	[tilespmem:v20+s19+$0x0] =	vst.idx.msk vm15, v4  }
0x65: {  	[tilespmem:v20+s20+$0x0] =	vst.idx.msk vm15, v1;
	v20 =	vshra.s32 v21, $0x8  }
0x66: {  	[tilespmem:$0xC800] =	vst v20  }
0x67: {  	[hbm4b:s6+s13] =	stream.strided.scatter [tilespmem:s20], [sflag:$0x1], $0x2800, s14, s13, $0x38;
	[tilespmem:$0x14080] =	vst v63  }
0x68: {  	_ =	swait.ge [sflag:s15], $0x2800  }
0x69: {  	[sflag:s15] =	ssyncset.done $0x0  }
0x6a: {  	[sflag:s15] =	ssyncadd.s32 $0xFFFFD800  }
0x6b: {  	[hbm4b:s7+s13] =	stream.strided.scatter [tilespmem:s19], [sflag:$0x1], $0x2800, s14, s13, $0x38;
	[tilespmem:$0x14080] =	vst v63  }
0x6c: {  	_ =	swait.ge [sflag:s15], $0x2800  }
0x6d: {  	[sflag:s15] =	ssyncset.done $0x0  }
0x6e: {  	s28 =	simm.s32 $0x0;
	[sflag:s15] =	ssyncadd.s32 $0xFFFFD800  }
0x6f: {  	[hbm4b:s8+s28] =	stream.linear.scatter [tilespmem:s21], [sflag:$0x1], $0x80, $0x38;
	[tilespmem:$0x14080] =	vst v63  }
0x70: {  	_ =	swait.ge [sflag:s15], $0x80  }
0x71: {  	[sflag:s15] =	ssyncset.done $0x0  }
0x72: {  	s26 =	simm.s32 $0xC880;
	[sflag:s15] =	ssyncadd.s32 $0xFFFFFF80  }
0x73: {  	[spmem:s9] =	stream.strided.scatter [tilespmem:s26], [sflag:$0x1], $0x2800, s14, s13, $0x38;
	[tilespmem:$0x14080] =	vst v63  }
0x74: {  	_ =	swait.ge [sflag:s15], $0x2800  }
0x75: {  	[sflag:s15] =	ssyncset.done $0x0  }
0x76: {  	[sflag:s15] =	ssyncadd.s32 $0xFFFFD800  }
0x77: {  	[bflag:$0x0] =	sbarrier.arrive $0xFFFF  }
0x78: {  	[tilespmem:s24], [sflag:$0x1] =	stream.strided.gather [spmem:s10], $0x2800, s23, s22, $0x38;
	[tilespmem:$0x14080] =	vst v63  }
0x79: {  	_ =	swait.ge [sflag:s15], $0x2800  }
0x7a: {  	s29 =	sand.u32 $0x70, s28;
	s28 =	sand.u32 $0x1C00, s28;
	[sflag:s15] =	ssyncset.done $0x0  }
0x7b: {  	s28 =	sor.u32 s29, s28;
	[sflag:s15] =	ssyncadd.s32 $0xFFFFD800  }
0x7c: {  	v20 =	vld [tilespmem:s28+$0xF080];
	_ =	sdelay $0x1  }
0x7d: {  	v21 =	vld [tilespmem:s28+$0xF100];
	_ =	sdelay $0x1  }
0x7e: {  	v22 =	vld [tilespmem:s28+$0xF180]  }
0x7f: {  	v20 =	vadd.f32 $0.0e+00, v20  }
0x80: {  	v23 =	vld [tilespmem:s28+$0xF200]  }
0x81: {  	v20 =	vadd.f32 v21, v20  }
0x82: {  	v21 =	vld [tilespmem:s28+$0xF280]  }
0x83: {  	v20 =	vadd.f32 v22, v20  }
0x84: {  	v22 =	vld [tilespmem:s28+$0xF300]  }
0x85: {  	v20 =	vadd.f32 v23, v20  }
0x86: {  	v23 =	vld [tilespmem:s28+$0xF380]  }
0x87: {  	v20 =	vadd.f32 v21, v20  }
0x88: {  	v21 =	vld [tilespmem:s28+$0xF400]  }
0x89: {  	v20 =	vadd.f32 v22, v20  }
0x8a: {  	v22 =	vld [tilespmem:s28+$0x10480]  }
0x8b: {  	v20 =	vadd.f32 v23, v20  }
0x8c: {  	v23 =	vld [tilespmem:s28+$0x10500]  }
0x8d: {  	v20 =	vadd.f32 v21, v20  }
0x8e: {  	v21 =	vld [tilespmem:s28+$0x10580]  }
0x8f: {  	v20 =	vadd.f32 v22, v20  }
0x90: {  	v22 =	vld [tilespmem:s28+$0x10600]  }
0x91: {  	v20 =	vadd.f32 v23, v20  }
0x92: {  	v23 =	vld [tilespmem:s28+$0x10680]  }
0x93: {  	v20 =	vadd.f32 v21, v20  }
0x94: {  	v21 =	vld [tilespmem:s28+$0x10700]  }
0x95: {  	v20 =	vadd.f32 v22, v20  }
0x96: {  	v22 =	vld [tilespmem:s28+$0x10780]  }
0x97: {  	v20 =	vadd.f32 v23, v20  }
0x98: {  	v23 =	vld [tilespmem:s28+$0x10800]  }
0x99: {  	v20 =	vadd.f32 v21, v20;
	_ =	sdelay $0x1  }
0x9a: {  	v20 =	vadd.f32 v22, v20;
	_ =	sdelay $0x1  }
0x9b: {  	s29 =	simm.s32 $0x10;
	s28 =	simm.s32 $0x80;
	v20 =	vadd.f32 v23, v20  }
0x9c: {  	s30 =	sand.u32 $0x70, s29;
	s29 =	simm.s32 $0x20;
	s31 =	sand.u32 $0x1C00, s28  }
.LBB2_6:
0x9d: {  	p0 =	sne.s32 s29, $0x270;
	s30 =	sor.u32 s30, s31;
	[tilespmem:s26+$0x0] =	vst v20  }
0x9e: {  	v20 =	vld [tilespmem:s30+$0xF080];
	_ =	sdelay $0x1  }
0x9f: {  	v21 =	vld [tilespmem:s30+$0xF100];
	_ =	sdelay $0x1  }
0xa0: {  	v22 =	vld [tilespmem:s30+$0xF180]  }
0xa1: {  	v20 =	vadd.f32 $0.0e+00, v20  }
0xa2: {  	v23 =	vld [tilespmem:s30+$0xF200]  }
0xa3: {  	v20 =	vadd.f32 v21, v20  }
0xa4: {  	v21 =	vld [tilespmem:s30+$0xF280]  }
0xa5: {  	v20 =	vadd.f32 v22, v20  }
0xa6: {  	v22 =	vld [tilespmem:s30+$0xF300]  }
0xa7: {  	v20 =	vadd.f32 v23, v20  }
0xa8: {  	v23 =	vld [tilespmem:s30+$0xF380]  }
0xa9: {  	v20 =	vadd.f32 v21, v20  }
0xaa: {  	v21 =	vld [tilespmem:s30+$0xF400]  }
0xab: {  	v20 =	vadd.f32 v22, v20  }
0xac: {  	v22 =	vld [tilespmem:s30+$0x10480]  }
0xad: {  	v20 =	vadd.f32 v23, v20  }
0xae: {  	v23 =	vld [tilespmem:s30+$0x10500]  }
0xaf: {  	v20 =	vadd.f32 v21, v20  }
0xb0: {  	v21 =	vld [tilespmem:s30+$0x10580]  }
0xb1: {  	v20 =	vadd.f32 v22, v20  }
0xb2: {  	v22 =	vld [tilespmem:s30+$0x10600]  }
0xb3: {  	v20 =	vadd.f32 v23, v20  }
0xb4: {  	v23 =	vld [tilespmem:s30+$0x10680]  }
0xb5: {  	v20 =	vadd.f32 v21, v20  }
0xb6: {  	v21 =	vld [tilespmem:s30+$0x10700]  }
0xb7: {  	v20 =	vadd.f32 v22, v20  }
0xb8: {  	v22 =	vld [tilespmem:s30+$0x10780]  }
0xb9: {  	v20 =	vadd.f32 v23, v20  }
0xba: {  	v23 =	vld [tilespmem:s30+$0x10800]  }
0xbb: {  	v20 =	vadd.f32 v21, v20  }
.Ltmp2:
0xbc: {  	(pc) =	sbr.rel @p0 .LBB2_6-.Ltmp2, $3  }
0xbd: {  	v20 =	vadd.f32 v22, v20;
	_ =	sdelay $0x1  }
0xbe: {  	s28 =	sadd.s32 $0x80, s28;
	s26 =	sadd.s32 $0x10, s26;
	v20 =	vadd.f32 v23, v20  }
0xbf: {  	s31 =	sand.u32 $0x1C00, s28;
	s30 =	sand.u32 $0x70, s29;
	s29 =	sadd.s32 $0x10, s29  }
0xc0: {  	s28 =	sor.u32 s30, s31;
	[tilespmem:s26+$0x0] =	vst v20  }
0xc1: {  	v20 =	vld [tilespmem:s28+$0xF080];
	_ =	sdelay $0x1  }
0xc2: {  	v21 =	vld [tilespmem:s28+$0xF100];
	_ =	sdelay $0x1  }
0xc3: {  	v22 =	vld [tilespmem:s28+$0xF180]  }
0xc4: {  	v20 =	vadd.f32 $0.0e+00, v20  }
0xc5: {  	v23 =	vld [tilespmem:s28+$0xF200]  }
0xc6: {  	v20 =	vadd.f32 v21, v20  }
0xc7: {  	v52 =	vld [tilespmem:s28+$0xF280]  }
0xc8: {  	v20 =	vadd.f32 v22, v20  }
0xc9: {  	v53 =	vld [tilespmem:s28+$0xF300]  }
0xca: {  	v20 =	vadd.f32 v23, v20  }
0xcb: {  	v54 =	vld [tilespmem:s28+$0xF380]  }
0xcc: {  	v20 =	vadd.f32 v52, v20  }
0xcd: {  	v55 =	vld [tilespmem:s28+$0xF400]  }
0xce: {  	v20 =	vadd.f32 v53, v20  }
0xcf: {  	v56 =	vld [tilespmem:s28+$0x10480]  }
0xd0: {  	v20 =	vadd.f32 v54, v20  }
0xd1: {  	v57 =	vld [tilespmem:s28+$0x10500]  }
0xd2: {  	v20 =	vadd.f32 v55, v20  }
0xd3: {  	v58 =	vld [tilespmem:s28+$0x10580]  }
0xd4: {  	v20 =	vadd.f32 v56, v20  }
0xd5: {  	v59 =	vld [tilespmem:s28+$0x10600]  }
0xd6: {  	v20 =	vadd.f32 v57, v20  }
0xd7: {  	v60 =	vld [tilespmem:s28+$0x10680]  }
0xd8: {  	v20 =	vadd.f32 v58, v20  }
0xd9: {  	v61 =	vld [tilespmem:s28+$0x10700]  }
0xda: {  	v20 =	vadd.f32 v59, v20  }
0xdb: {  	v62 =	vld [tilespmem:s28+$0x10780]  }
0xdc: {  	v20 =	vadd.f32 v60, v20  }
0xdd: {  	v63 =	vld [tilespmem:s28+$0x10800]  }
0xde: {  	v20 =	vadd.f32 v61, v20;
	_ =	sdelay $0x1  }
0xdf: {  	v20 =	vadd.f32 v62, v20;
	_ =	sdelay $0x1  }
0xe0: {  	s2 =	sadd.s32 $0x1, s2;
	v20 =	vadd.f32 v63, v20  }
0xe1: {  	s31 =	sadd.s32 $0x10, s26;
	p0 =	sne.s32 s2, s12  }
.Ltmp3:
0xe2: {  	[tilespmem:s31+$0x0] =	vst v20;
	(pc) =	sbr.rel @p0 .LBB2_1-.Ltmp3, $4  }
0xe3: {  	[hbm4b:s11+s13] =	stream.strided.scatter [tilespmem:s18], [sflag:$0x1], $0x280, s25, s13, $0x38;
	[tilespmem:$0x14080] =	vst v63  }
0xe4: {  	_ =	swait.ge [sflag:s15], $0x280  }
0xe5: {  	[sflag:s15] =	ssyncset.done $0x0  }
0xe6: {  	[sflag:s15] =	ssyncadd.s32 $0xFFFFFD80  }
0xe7: {  	_ =	sfence.sel $0x180000  }
0xe8: {  	[bflag:$0x0] =	sbarrier.arrive $0xFFFF  }
0xe9: {  	p0 =	sne.s32 s1, $0x0;
	_ =	strace $0x90000047  }
0xea: {  	s0 =	sadd.s32 @!p0 $0x100000, s0;
	[bflag:$0x2] =	sbarrier.arrive $0xFFFF  }
0xeb: {  	[sflag:s0] =	ssyncadd.tile.s32 @!p0 $0x1;
	_ =	shalt  }
.Lfunc_end2:
_tile_overlayer_lowered:
.L_overlay_start_2:
0xec: {  	(tag) =	ssettag $0x2  }
0xed: {  	s0 =	rddreg [dreg:$0x0];
	s2 =	stileid.u32  }
0xee: {  	s1 =	rddreg [dreg:$0x1];
	p0 =	sne.s32 s2, $0x0  }
0xef: {  	s3 =	rddreg [dreg:$0x2];
	[bflag:$0x3] =	sbarrier.arrive $0xFFFF;
	s2 =	simm.s32 @!p0 $0x1C01  }
0xf0: {  	[timem:s3], [sflag:s2] =	dma.local @!p0 [hbm:s0], s1  }
0xf1: {  	s0 =	simm.s32 @!p0 $0x1  }
0xf2: {  	_ =	swait.ge @!p0 [sflag:s0], s1  }
0xf3: {  	s1 =	ssub.s32 @!p0 $0x0, s1;
	[sflag:s0] =	ssyncset.done @!p0 $0x0  }
0xf4: {  	[sflag:s0] =	ssyncadd.s32 @!p0 s1  }
0xf5: {  	[bflag:$0x3] =	sbarrier.arrive $0xFFFF  }
0xf6: {  	_ =	shalt  }

// kernel: kernel.14.cloned.1.call-start
scs
__scs_entry_jumppad:
0x0: {  	(pc) =	sbr.rel $0x88, $3  }
0x1: {  	(tag) =	ssettag $0x0;
	lr =	simm.s32 $0x1  }
0x2: {  	[smem:$0x3F95] =	sst lr;
	_ =	strace $0xD0000000  }
0x3: {  	_ = 	snop  }
0x4: {  	_ = 	snop  }
0x5: {  	_ = 	snop  }
0x6: {  	_ = 	snop  }
0x7: {  	_ = 	snop  }
__scs_overlays_trampoline_lowered:
0x8: {  	[smem:$0x3FA4] =	sst s0  }
0x9: {  	[smem:$0x3FA5] =	sst s1  }
0xa: {  	[smem:$0x3FA6] =	sst s2  }
0xb: {  	[smem:$0x3FA7] =	sst s3  }
0xc: {  	[smem:$0x3FA8] =	sst s4  }
0xd: {  	[smem:$0x3FA9] =	sst s5  }
0xe: {  	[smem:$0x3FAA] =	sst s6  }
0xf: {  	[smem:$0x3FAB] =	sst s7  }
0x10: {  	[smem:$0x3FAC] =	sst s8  }
0x11: {  	[smem:$0x3FAD] =	sst s9;
	s0 =	simm.s32 @!p0 $0x0  }
0x12: {  	s1 =	sld [smem:$0x3F93];
	s0 =	simm.s32 @p0 $0x1  }
0x13: {  	[smem:$0x3FAE] =	sst s0;
	s0 =	simm.s32 @!p1 $0x0  }
0x14: {  	s2 =	sld [smem:$0x3F92];
	s0 =	simm.s32 @p1 $0x1  }
0x15: {  	[smem:$0x3FAF] =	sst s0;
	s0 =	simm.s32 @!p2 $0x0  }
0x16: {  	s3 =	sld [smem:$0x3FDB];
	s0 =	simm.s32 @p2 $0x1  }
0x17: {  	s4 =	simm.s32 $0x1BF5;
	[smem:$0x3FB1] =	sst s0  }
0x18: {  	s0 =	sld [smem:$0x3F94];
	_ =	swait.ge [sflag:s4], $0x0  }
0x19: {  	s7 =	sld [smem:$0x3F95]  }
0x1a: {  	s8 =	sadd.s32 $0xFFFFE003, lr  }
0x1b: {  	s9 =	sadd.s32 $0xFFFFFEF7, lr;
	s5 =	simm.s32 $0xFFFFFFFF;
	p2 =	slt.u32 s8, $0xFFFFF086  }
0x1c: {  	p1 =	slt.u32 s9, $0xF7A;
	s5 =	simm.s32 @!p2 $0x0  }
0x1d: {  	s5 =	simm.s32 @p1 $0x1;
	p0 =	seq.s32 s7, s2  }
0x1e: {  	s7 =	smul.u32 @!p0 $0xF7A, s2;
	p2 =	seq.s32 @!p0 s5, $0x0  }
0x1f: {  	s9 =	smul.u32 $0xF7A, s1;
	s8 =	simm.s32 @!p0 $0x1BF5;
	p2 =	por !p2, p0  }
0x20: {  	[sflag:s8] =	ssyncset.s32 @!p0 $0xFFFFF086;
	s6 =	sadd.s32 @!p0 s3, s7;
	s7 =	simm.s32 @!p0 $0x108  }
0x21: {  	s3 =	sadd.s32 s3, s9;
	s6 =	sadd.s32 @!p0 $0x88, s6;
	s7 =	simm.s32 @p2 $0x1082  }
0x22: {  	[simem:s7], [sflag:s8] =	dma.local @!p0 [hbm:s6], $0xF7A  }
0x23: {  	s9 =	sor.u32 $0xD0000000, s2;
	s6 =	simm.s32 $0x108;
	_ =	swait.ge @!p0 [sflag:s8], $0x0  }
0x24: {  	s3 =	sadd.s32 $0x88, s3;
	s6 =	simm.s32 @!p1 $0x1082;
	[sflag:s4] =	ssyncset.s32 $0xFFFFF086  }
0x25: {  	[simem:s6], [sflag:s4] =	dma.local [hbm:s3], $0xF7A  }
0x26: {  	[smem:$0x3F95] =	sst s1;
	(tag) =	ssettag s2;
	_ =	strace s9  }
0x27: {  	s1 =	sld [smem:$0x3FA5]  }
0x28: {  	s2 =	sld [smem:$0x3FA6]  }
0x29: {  	s4 =	sld [smem:$0x3FA8]  }
0x2a: {  	p0 =	seq.s32 s5, $0x0;
	s5 =	sld [smem:$0x3FA9]  }
0x2b: {  	s6 =	sld [smem:$0x3FAA]  }
0x2c: {  	s7 =	sld [smem:$0x3FAB]  }
0x2d: {  	s3 =	simm.s32 $0x108;
	s8 =	sld [smem:$0x3FAC]  }
0x2e: {  	s3 =	simm.s32 @!p0 $0x1082;
	s9 =	sld [smem:$0x3FAD]  }
0x2f: {  	lr =	sadd.s32 s0, s3;
	s0 =	sld [smem:$0x3FA4]  }
0x30: {  	s3 =	sld [smem:$0x3FA7]  }
0x31: {  	[smem:$0x3FB0] =	sst s10  }
0x32: {  	s10 =	sld [smem:$0x3FAE];
	_ =	sdelay $0x3  }
0x33: {  	p0 =	seq.s32 s10, $0x1;
	s10 =	sld [smem:$0x3FB0];
	_ =	sdelay $0x3  }
0x34: {  	[smem:$0x3FB0] =	sst s10  }
0x35: {  	s10 =	sld [smem:$0x3FAF];
	_ =	sdelay $0x3  }
0x36: {  	p1 =	seq.s32 s10, $0x1;
	s10 =	sld [smem:$0x3FB0];
	_ =	sdelay $0x3  }
0x37: {  	[smem:$0x3FB0] =	sst s10  }
0x38: {  	s10 =	sld [smem:$0x3FB1]  }
0x39: {  	_ = 	snop;
	(pc) =	sbr.ind lr, $3  }
0x3a: {  	_ = 	snop  }
0x3b: {  	_ = 	snop  }
0x3c: {  	p2 =	seq.s32 s10, $0x1;
	s10 =	sld [smem:$0x3FB0]  }
0x3d: {  	_ =	shalt  }
0x3e: {  	_ =	shalt  }
0x3f: {  	_ =	shalt  }
0x40: {  	_ =	shalt  }
0x41: {  	_ =	shalt  }
0x42: {  	_ =	shalt  }
0x43: {  	_ =	shalt  }
0x44: {  	_ =	shalt  }
0x45: {  	_ =	shalt  }
0x46: {  	_ =	shalt  }
0x47: {  	_ =	shalt  }
0x48: {  	_ =	shalt  }
0x49: {  	_ =	shalt  }
0x4a: {  	_ =	shalt  }
0x4b: {  	_ =	shalt  }
0x4c: {  	_ =	shalt  }
0x4d: {  	_ =	shalt  }
0x4e: {  	_ =	shalt  }
0x4f: {  	_ =	shalt  }
0x50: {  	_ =	shalt  }
0x51: {  	_ =	shalt  }
0x52: {  	_ =	shalt  }
0x53: {  	_ =	shalt  }
0x54: {  	_ =	shalt  }
0x55: {  	_ =	shalt  }
0x56: {  	_ =	shalt  }
0x57: {  	_ =	shalt  }
0x58: {  	_ =	shalt  }
0x59: {  	_ =	shalt  }
0x5a: {  	_ =	shalt  }
0x5b: {  	_ =	shalt  }
0x5c: {  	_ =	shalt  }
0x5d: {  	_ =	shalt  }
0x5e: {  	_ =	shalt  }
0x5f: {  	_ =	shalt  }
0x60: {  	_ =	shalt  }
0x61: {  	_ =	shalt  }
0x62: {  	_ =	shalt  }
0x63: {  	_ =	shalt  }
0x64: {  	_ =	shalt  }
0x65: {  	_ =	shalt  }
0x66: {  	_ =	shalt  }
0x67: {  	_ =	shalt  }
0x68: {  	_ =	shalt  }
0x69: {  	_ =	shalt  }
0x6a: {  	_ =	shalt  }
0x6b: {  	_ =	shalt  }
0x6c: {  	_ =	shalt  }
0x6d: {  	_ =	shalt  }
0x6e: {  	_ =	shalt  }
0x6f: {  	_ =	shalt  }
0x70: {  	_ =	shalt  }
0x71: {  	_ =	shalt  }
0x72: {  	_ =	shalt  }
0x73: {  	_ =	shalt  }
0x74: {  	_ =	shalt  }
0x75: {  	_ =	shalt  }
0x76: {  	_ =	shalt  }
0x77: {  	_ =	shalt  }
0x78: {  	_ =	shalt  }
0x79: {  	_ =	shalt  }
0x7a: {  	_ =	shalt  }
0x7b: {  	_ =	shalt  }
0x7c: {  	_ =	shalt  }
0x7d: {  	_ =	shalt  }
0x7e: {  	_ =	shalt  }
0x7f: {  	_ =	shalt  }
0x80: {  	_ =	shalt  }
0x81: {  	_ =	shalt  }
0x82: {  	_ =	shalt  }
0x83: {  	_ =	shalt  }
0x84: {  	_ =	shalt  }
0x85: {  	_ =	shalt  }
0x86: {  	_ =	shalt  }
0x87: {  	_ =	shalt  }
.Lfunc_end0:
.L_simem_size_0:
called_computation.1_lowered:
.L_overlay_start_0:
0x88: {  	s2 =	sld [smem:$0x3FD9]  }
0x89: {  	s3 =	sld [smem:$0x3FFE];
	_ =	sdelay $0x1  }
0x8a: {  	s1 =	srdreg.scid  }
0x8b: {  	s0 =	sand.u32 $0x1, s1  }
0x8c: {  	s16 =	sshll.u32 s0, $0xA;
	s2 =	sadd.s32 s3, s2  }
0x8d: {  	s2 =	sadd.s32 s2, s16  }
0x8e: {  	[smem:$0x3FBC] =	sst s2  }
0x8f: {  	_ = 	snop  }
0x90: {  	(tm) =	ssettm $0x1  }
0x91: {  	s17 =	sld [smem:$0x3FFB];
	_ =	sdelay $0x3  }
0x92: {  	_ =	strace s17  }
0x93: {  	s2 =	sld [smem:$0x3FFC];
	_ =	sdelay $0x3  }
0x94: {  	_ =	strace s2  }
0x95: {  	s2 =	sld [smem:$0x3FFD];
	_ =	sdelay $0x3  }
0x96: {  	_ =	strace s2  }
0x97: {  	_ =	strace $0x8FFFFFFF  }
0x98: {  	s18 =	sld [smem:$0x3FDB];
	_ =	sdelay $0x1  }
0x99: {  	s19 =	simm.s32 $_scs_section_size  }
0x9a: {  	s4 =	simm.s32 $_size__tile_overlayer_lowered;
	s5 =	simm.s32 $_tile_overlayer_lowered  }
0x9b: {  	s22 =	simm.s32 $0x1BFF;
	s21 =	sshll.u32 s5, $0x1;
	s2 =	sadd.s32 s19, s18  }
0x9c: {  	s6 =	simm.s32 $0x0;
	s20 =	sshll.u32 s4, $0x1;
	s4 =	sadd.s32 s21, s2  }
0x9d: {  	[timem:s6], [sflag:s22] =	dma.local [hbm:s4], s20  }
0x9e: {  	_ =	swait.ge [sflag:s22], s20  }
0x9f: {  	s3 =	ssub.s32 $0x0, s20;
	[sflag:s22] =	ssyncset.done $0x0  }
0xa0: {  	[sflag:s22] =	ssyncadd.s32 s3;
	_ =	sdelay $0x1  }
0xa1: {  	s23 =	simm.s32 $0x1B8B  }
0xa2: {  	_ =	swait.ge [sflag:s23], $0x1  }
0xa3: {  	[sflag:s23] =	ssyncset.done $0x0  }
0xa4: {  	s25 =	simm.s32 $0x1B8E;
	s24 =	sld [smem:$0x3FFE];
	[sflag:s23] =	ssyncadd.s32 $0xFFFFFFFF  }
0xa5: {  	s26 =	simm.s32 $execute0_lowered;
	[smem:$0x3FD2] =	sst s25  }
0xa6: {  	s4 =	sshll.u32 s26, $0x1;
	_ =	strace $0x80000049;
	[dreg:$0x1] =	wrdreg $0xFFFFFFFF  }
0xa7: {  	s28 =	simm.s32 $_size_execute0_lowered;
	s2 =	sadd.s32 s2, s4;
	[dreg:$0x0] =	wrdreg $0x0  }
0xa8: {  	s4 =	sshll.u32 s28, $0x1;
	[dreg:$0x2] =	wrdreg s2  }
0xa9: {  	[dreg:$0x3] =	wrdreg s4  }
0xaa: {  	[dreg:$0x4] =	wrdreg $0xC0  }
0xab: {  	_ =	task [dreg:s6], $0x5FFFF  }
0xac: {  	[dreg:$0x1] =	wrdreg $0xFFFFFFFF  }
0xad: {  	[dreg:$0x0] =	wrdreg $0x60  }
0xae: {  	[dreg:$0x2] =	wrdreg s24  }
0xaf: {  	[dreg:$0x3] =	wrdreg $0xA8000  }
0xb0: {  	[dreg:$0x4] =	wrdreg $0x9  }
0xb1: {  	_ =	task.clear_ibuf [dreg:s6], $0x5FFFF;
	_ =	strace $0x90000049  }
0xb2: {  	s29 =	simm.s32 $0x9;
	_ =	strace $0x8000004B  }
0xb3: {  	_ =	swait.ge [sflag:s29], $0x1  }
0xb4: {  	[sflag:s29] =	ssyncadd.s32 $0xFFFFFFFF  }
0xb5: {  	_ =	strace $0x9000004B  }
0xb6: {  	_ =	sfence  }
0xb7: {  	s30 =	sld [smem:$0x0];
	_ =	sdelay $0x2  }
0xb8: {  	s31 =	sshll.u32 s1, $0xD;
	s1 =	sshrl.u32 s1, $0x2  }
0xb9: {  	s3 =	sand.u32 $0x4000, s31;
	s1 =	sadd.s32 s1, s30  }
0xba: {  	s0 =	sor.u32 s3, s0;
	s1 =	sshll.u32 s1, $0x11  }
0xbb: {  	s0 =	sor.u32 s1, s0  }
0xbc: {  	s0 =	sadd.s32 $0x8F2B, s0  }
0xbd: {  	[sflag:s0] =	ssyncadd.remote.s32 $0x1  }
0xbe: {  	_ =	sfence.sel $0xFFFF  }
0xbf: {  	[dreg:$0x0] =	wrdreg $0xFFFFFFFF;
	(pc) =	sbr.abs _section_cstart, $3  }
0xc0: {  	[dreg:$0x1] =	wrdreg $0xFFFFFFFF  }
0xc1: {  	_ =	task.clear_ibuf [dreg:s6], $0x2FFFF;
	_ =	strace $0x9FFFFFFF  }
0xc2: {  	(tm) =	ssettm $0x7FFFFFFF  }
0xc3: {  	_ =	shalt  }
tec
execute0_lowered:
.L_overlay_start_1:
0x0: {  	(tag) =	ssettag $0x1  }
0x1: {  	s5 =	rddreg [dreg:$0x0]  }
0x2: {  	s1 =	rddreg [dreg:$0x1]  }
0x3: {  	s0 =	rddreg [dreg:$0x2]  }
0x4: {  	s3 =	simm.s32 $0x0;
	s2 =	srdreg.scid;
	s16 =	simm.s32 $0x2800  }
0x5: {  	s17 =	simm.s32 $0x3;
	s18 =	simm.s32 $0x1400;
	s19 =	simm.s32 $0x80  }
0x6: {  	s20 =	simm.s32 $0x6800;
	s21 =	simm.s32 $0x1;
	s22 =	simm.s32 $0x2  }
0x7: {  	s23 =	simm.s32 $0x1380;
	s24 =	simm.s32 $0x2700;
	s25 =	simm.s32 $0x2780  }
0x8: {  	[smem:$0x7FF] =	sst s3;
	s6 =	sand.u32 $0x1, s2;
	s2 =	stileid.u32  }
0x9: {  	s4 =	sadd.s32 $0x68600, s5;
	s9 =	sadd.s32 $0xDA00, s5;
	s7 =	smul.u32 $0x140000, s6  }
0xa: {  	s10 =	sadd.s32 $0x3A00, s5;
	s8 =	smul.u32 $0x14000, s2;
	s11 =	sshll.u32 s2, $0x1  }
0xb: {  	_ =	strace $0x8000004A;
	s28 =	smul.u32 $0x50000, s2;
	s26 =	sor.u32 s6, s11  }
0xc: {  	s6 =	ssub.s32 $0x2, s6;
	s7 =	sadd.s32 s8, s7;
	s8 =	smul.u32 $0x2800, s26  }
0xd: {  	s29 =	sshrl.u32 s6, $0x1;
	s30 =	sshrl.u32 s28, $0x2;
	s7 =	sshrl.u32 s7, $0x3  }
0xe: {  	s31 =	ssub.s32 s6, s29;
	s12 =	sadd.s32 s7, s5;
	s8 =	sshrl.u32 s8, $0x3  }
0xf: {  	s5 =	sadd.s32 s30, s1;
	s11 =	smax.u32 s31, $0x1;
	s6 =	sadd.s32 s9, s8  }
0x10: {  	s7 =	sadd.s32 s10, s8;
	s13 =	sadd.s32 $0x280, s8;
	s14 =	sadd.s32 $0xC000, s5  }
0x11: {  	s15 =	sadd.s32 $0x10000, s5;
	s8 =	sadd.s32 s9, s13;
	s9 =	sadd.s32 s10, s13  }
0x12: {  	v0 =	vimm.f32 $0.0e+00;
	s10 =	sadd.s32 $0x8F800, s12;
	s12 =	sadd.s32 $0x4000, s5;
	s13 =	sadd.s32 $0x8000, s5  }
.LBB2_1:
0x13: {  	s26 =	simm.s32 $0x0;
	s28 =	simm.s32 $0x200  }
.LBB2_2:
0x14: {  	p0 =	sne.s32 s28, $0xFE00;
	[tilespmem:s26+$0x2870] =	vst v0  }
0x15: {  	[tilespmem:s26+$0x2800] =	vst v0  }
0x16: {  	[tilespmem:s26+$0x2810] =	vst v0  }
.Ltmp0:
0x17: {  	[tilespmem:s26+$0x2820] =	vst v0;
	(pc) =	sbr.rel @p0 .LBB2_2-.Ltmp0, $4  }
0x18: {  	[tilespmem:s26+$0x2830] =	vst v0  }
0x19: {  	[tilespmem:s26+$0x2840] =	vst v0  }
0x1a: {  	[tilespmem:s26+$0x2850] =	vst v0  }
0x1b: {  	[tilespmem:s26+$0x2860] =	vst v0;
	s26 =	sshra.s32 s28, $0x2;
	s28 =	sadd.s32 $0x200, s28  }
0x1c: {  	[tilespmem:s26+$0x2870] =	vst v0  }
0x1d: {  	[tilespmem:s26+$0x2800] =	vst v0  }
0x1e: {  	[tilespmem:s26+$0x2810] =	vst v0  }
0x1f: {  	[tilespmem:s26+$0x2820] =	vst v0  }
0x20: {  	[tilespmem:s26+$0x2830] =	vst v0  }
0x21: {  	[tilespmem:s26+$0x2840] =	vst v0  }
0x22: {  	[tilespmem:s26+$0x2850] =	vst v0  }
0x23: {  	[tilespmem:s26+$0x2860] =	vst v0  }
0x24: {  	[spmem:s5] =	stream.linear.scatter [tilespmem:s16], [sflag:$0x3], $0x4000, $0x38;
	[tilespmem:$0x1E800] =	vst v63  }
0x25: {  	_ =	swait.ge [sflag:s17], $0x4000  }
0x26: {  	[sflag:s17] =	ssyncset.done $0x0  }
0x27: {  	[sflag:s17] =	ssyncadd.s32 $0xFFFFC000  }
0x28: {  	[spmem:s12] =	stream.linear.scatter [tilespmem:s16], [sflag:$0x3], $0x4000, $0x38;
	[tilespmem:$0x1E800] =	vst v63  }
0x29: {  	_ =	swait.ge [sflag:s17], $0x4000  }
0x2a: {  	[sflag:s17] =	ssyncset.done $0x0  }
0x2b: {  	[sflag:s17] =	ssyncadd.s32 $0xFFFFC000  }
0x2c: {  	[spmem:s13] =	stream.linear.scatter [tilespmem:s16], [sflag:$0x3], $0x4000, $0x38;
	[tilespmem:$0x1E800] =	vst v63  }
0x2d: {  	_ =	swait.ge [sflag:s17], $0x4000  }
0x2e: {  	[sflag:s17] =	ssyncset.done $0x0  }
0x2f: {  	[sflag:s17] =	ssyncadd.s32 $0xFFFFC000  }
0x30: {  	[spmem:s14] =	stream.linear.scatter [tilespmem:s16], [sflag:$0x3], $0x4000, $0x38;
	[tilespmem:$0x1E800] =	vst v63  }
0x31: {  	_ =	swait.ge [sflag:s17], $0x4000  }
0x32: {  	[sflag:s17] =	ssyncset.done $0x0  }
0x33: {  	[sflag:s17] =	ssyncadd.s32 $0xFFFFC000  }
0x34: {  	[spmem:s15] =	stream.linear.scatter [tilespmem:s16], [sflag:$0x3], $0x4000, $0x38;
	[tilespmem:$0x1E800] =	vst v63  }
0x35: {  	_ =	swait.ge [sflag:s17], $0x4000  }
0x36: {  	[sflag:s17] =	ssyncset.done $0x0  }
0x37: {  	[sflag:s17] =	ssyncadd.s32 $0xFFFFC000  }
0x38: {  	s30 =	simm.s32 $0x0;
	[bflag:$0x0] =	sbarrier.arrive $0xFFFF  }
0x39: {  	[tilespmem:s30], [sflag:$0x3] =	stream.linear.gather [hbm4b:s6+s30], $0x1400, $0x38;
	[tilespmem:$0x1E800] =	vst v63  }
0x3a: {  	_ =	swait.ge [sflag:s17], $0x1400  }
0x3b: {  	[sflag:s17] =	ssyncset.done $0x0  }
0x3c: {  	[sflag:s17] =	ssyncadd.s32 $0xFFFFEC00  }
0x3d: {  	[tilespmem:s18], [sflag:$0x3] =	stream.linear.gather [hbm4b:s7+s30], $0x1400, $0x38;
	[tilespmem:$0x1E800] =	vst v63  }
0x3e: {  	_ =	swait.ge [sflag:s17], $0x1400  }
0x3f: {  	[sflag:s17] =	ssyncset.done $0x0  }
0x40: {  	[sflag:s17] =	ssyncadd.s32 $0xFFFFEC00  }
0x41: {  	[tilespmem:s16], [sflag:$0x1] =	stream.indirect.gather [hbm4b:s4+s19], $0x80, s30, s19, $0xb8;
	[tilespmem:$0x1E800] =	vst v63  }
0x42: {  	s31 =	simm.s32 $0x80  }
0x43: {  	[tilespmem:s20], [sflag:$0x2] =	stream.indirect.gather [hbm4b:s4+s19], $0x80, s31, s19, $0xb8;
	[tilespmem:$0x1E800] =	vst v63  }
0x44: {  	_ =	swait.ge [sflag:s21], $0x4000  }
0x45: {  	[sflag:s21] =	ssyncset.done $0x0  }
0x46: {  	s29 =	simm.s32 $0x1400;
	[sflag:s21] =	ssyncadd.s32 $0xFFFFC000  }
0x47: {  	[spmem:s1] =	stream.indirect.scatter.add.f32 [tilespmem:s16], [sflag:$0x3], $0x80, s29, s19, $0xb8;
	[tilespmem:$0x1E800] =	vst v63  }
0x48: {  	_ =	swait.ge [sflag:s17], $0x4000  }
0x49: {  	[sflag:s17] =	ssyncset.done $0x0  }
0x4a: {  	s30 =	simm.s32 $0x100;
	[sflag:s17] =	ssyncadd.s32 $0xFFFFC000  }
0x4b: {  	[tilespmem:s16], [sflag:$0x1] =	stream.indirect.gather [hbm4b:s4+s19], $0x80, s30, s19, $0xb8;
	[tilespmem:$0x1E800] =	vst v63  }
0x4c: {  	_ =	swait.ge [sflag:s22], $0x4000  }
0x4d: {  	[sflag:s22] =	ssyncset.done $0x0  }
0x4e: {  	s31 =	simm.s32 $0x1480;
	[sflag:s22] =	ssyncadd.s32 $0xFFFFC000  }
0x4f: {  	[spmem:s1] =	stream.indirect.scatter.add.f32 [tilespmem:s20], [sflag:$0x3], $0x80, s31, s19, $0xb8;
	[tilespmem:$0x1E800] =	vst v63  }
0x50: {  	_ =	swait.ge [sflag:s17], $0x4000  }
0x51: {  	s28 =	simm.s32 $0x800;
	s26 =	simm.s32 $0x100;
	[sflag:s17] =	ssyncset.done $0x0  }
.LBB2_4:
0x52: {  	s29 =	sadd.s32 $0x80, s26  }
0x53: {  	[sflag:s17] =	ssyncadd.s32 $0xFFFFC000;
	s30 =	smov.u32 s28;
	s31 =	sadd.s32 $0x400, s28  }
0x54: {  	[tilespmem:s20], [sflag:$0x2] =	stream.indirect.gather [hbm4b:s4+s19], $0x80, s29, s19, $0xb8;
	[tilespmem:$0x1E800] =	vst v63  }
0x55: {  	p0 =	sne.s32 s28, $0x4800;
	_ =	swait.ge [sflag:s21], $0x4000  }
0x56: {  	[sflag:s21] =	ssyncset.done $0x0  }
0x57: {  	s28 =	sadd.s32 $0x1400, s26;
	[sflag:s21] =	ssyncadd.s32 $0xFFFFC000  }
0x58: {  	[spmem:s1] =	stream.indirect.scatter.add.f32 [tilespmem:s16], [sflag:$0x3], $0x80, s28, s19, $0xb8;
	[tilespmem:$0x1E800] =	vst v63  }
0x59: {  	_ =	swait.ge [sflag:s17], $0x4000  }
0x5a: {  	[sflag:s17] =	ssyncset.done $0x0  }
0x5b: {  	s28 =	sadd.s32 $0x100, s26;
	[sflag:s17] =	ssyncadd.s32 $0xFFFFC000  }
0x5c: {  	[tilespmem:s16], [sflag:$0x1] =	stream.indirect.gather [hbm4b:s4+s19], $0x80, s28, s19, $0xb8;
	[tilespmem:$0x1E800] =	vst v63  }
0x5d: {  	_ =	swait.ge [sflag:s22], $0x4000  }
.Ltmp1:
0x5e: {  	[sflag:s22] =	ssyncset.done $0x0;
	(pc) =	sbr.rel @p0 .LBB2_4-.Ltmp1, $4  }
0x5f: {  	s26 =	sadd.s32 $0x1480, s26;
	[sflag:s22] =	ssyncadd.s32 $0xFFFFC000  }
0x60: {  	[spmem:s1] =	stream.indirect.scatter.add.f32 [tilespmem:s20], [sflag:$0x3], $0x80, s26, s19, $0xb8;
	[tilespmem:$0x1E800] =	vst v63  }
0x61: {  	_ =	swait.ge [sflag:s17], $0x4000  }
0x62: {  	s28 =	smov.u32 s31;
	s26 =	sshra.s32 s30, $0x2;
	[sflag:s17] =	ssyncset.done $0x0  }
0x63: {  	s28 =	sadd.s32 $0x80, s26;
	[sflag:s17] =	ssyncadd.s32 $0xFFFFC000  }
0x64: {  	[tilespmem:s20], [sflag:$0x2] =	stream.indirect.gather [hbm4b:s4+s19], $0x80, s28, s19, $0xb8;
	[tilespmem:$0x1E800] =	vst v63  }
0x65: {  	_ =	swait.ge [sflag:s21], $0x4000  }
0x66: {  	[sflag:s21] =	ssyncset.done $0x0  }
0x67: {  	s28 =	sadd.s32 $0x1400, s26;
	[sflag:s21] =	ssyncadd.s32 $0xFFFFC000  }
0x68: {  	[spmem:s1] =	stream.indirect.scatter.add.f32 [tilespmem:s16], [sflag:$0x3], $0x80, s28, s19, $0xb8;
	[tilespmem:$0x1E800] =	vst v63  }
0x69: {  	_ =	swait.ge [sflag:s17], $0x4000  }
0x6a: {  	[sflag:s17] =	ssyncset.done $0x0  }
0x6b: {  	s28 =	sadd.s32 $0x100, s26;
	[sflag:s17] =	ssyncadd.s32 $0xFFFFC000  }
0x6c: {  	[tilespmem:s16], [sflag:$0x1] =	stream.indirect.gather [hbm4b:s4+s19], $0x80, s28, s19, $0xb8;
	[tilespmem:$0x1E800] =	vst v63  }
0x6d: {  	_ =	swait.ge [sflag:s22], $0x4000  }
0x6e: {  	[sflag:s22] =	ssyncset.done $0x0  }
0x6f: {  	s29 =	sadd.s32 $0x1480, s26;
	[sflag:s22] =	ssyncadd.s32 $0xFFFFC000  }
0x70: {  	[spmem:s1] =	stream.indirect.scatter.add.f32 [tilespmem:s20], [sflag:$0x3], $0x80, s29, s19, $0xb8;
	[tilespmem:$0x1E800] =	vst v63  }
0x71: {  	_ =	swait.ge [sflag:s17], $0x4000  }
0x72: {  	[sflag:s17] =	ssyncset.done $0x0  }
0x73: {  	[sflag:s17] =	ssyncadd.s32 $0xFFFFC000  }
0x74: {  	[tilespmem:s20], [sflag:$0x2] =	stream.indirect.gather [hbm4b:s4+s19], $0x80, s23, s19, $0xb8;
	[tilespmem:$0x1E800] =	vst v63  }
0x75: {  	_ =	swait.ge [sflag:s21], $0x4000  }
0x76: {  	[sflag:s21] =	ssyncset.done $0x0  }
0x77: {  	[sflag:s21] =	ssyncadd.s32 $0xFFFFC000  }
0x78: {  	[spmem:s1] =	stream.indirect.scatter.add.f32 [tilespmem:s16], [sflag:$0x3], $0x80, s24, s19, $0xb8;
	[tilespmem:$0x1E800] =	vst v63  }
0x79: {  	_ =	swait.ge [sflag:s17], $0x4000  }
0x7a: {  	[sflag:s17] =	ssyncset.done $0x0  }
0x7b: {  	[sflag:s17] =	ssyncadd.s32 $0xFFFFC000  }
0x7c: {  	_ =	swait.ge [sflag:s22], $0x4000  }
0x7d: {  	[sflag:s22] =	ssyncset.done $0x0  }
0x7e: {  	[sflag:s22] =	ssyncadd.s32 $0xFFFFC000  }
0x7f: {  	[spmem:s1] =	stream.indirect.scatter.add.f32 [tilespmem:s20], [sflag:$0x3], $0x80, s25, s19, $0xb8;
	[tilespmem:$0x1E800] =	vst v63  }
0x80: {  	_ =	swait.ge [sflag:s17], $0x4000  }
0x81: {  	[sflag:s17] =	ssyncset.done $0x0  }
0x82: {  	s30 =	simm.s32 $0x0;
	[sflag:s17] =	ssyncadd.s32 $0xFFFFC000  }
0x83: {  	[tilespmem:s30], [sflag:$0x3] =	stream.linear.gather [hbm4b:s8+s30], $0x1400, $0x38;
	[tilespmem:$0x1E800] =	vst v63  }
0x84: {  	_ =	swait.ge [sflag:s17], $0x1400  }
0x85: {  	[sflag:s17] =	ssyncset.done $0x0  }
0x86: {  	[sflag:s17] =	ssyncadd.s32 $0xFFFFEC00  }
0x87: {  	[tilespmem:s18], [sflag:$0x3] =	stream.linear.gather [hbm4b:s9+s30], $0x1400, $0x38;
	[tilespmem:$0x1E800] =	vst v63  }
0x88: {  	_ =	swait.ge [sflag:s17], $0x1400  }
0x89: {  	[sflag:s17] =	ssyncset.done $0x0  }
0x8a: {  	[sflag:s17] =	ssyncadd.s32 $0xFFFFEC00  }
0x8b: {  	[tilespmem:s16], [sflag:$0x1] =	stream.indirect.gather [hbm4b:s4+s19], $0x80, s30, s19, $0xb8;
	[tilespmem:$0x1E800] =	vst v63  }
0x8c: {  	s31 =	simm.s32 $0x80  }
0x8d: {  	[tilespmem:s20], [sflag:$0x2] =	stream.indirect.gather [hbm4b:s4+s19], $0x80, s31, s19, $0xb8;
	[tilespmem:$0x1E800] =	vst v63  }
0x8e: {  	_ =	swait.ge [sflag:s21], $0x4000  }
0x8f: {  	[sflag:s21] =	ssyncset.done $0x0  }
0x90: {  	s29 =	simm.s32 $0x1400;
	[sflag:s21] =	ssyncadd.s32 $0xFFFFC000  }
0x91: {  	[spmem:s1] =	stream.indirect.scatter.add.f32 [tilespmem:s16], [sflag:$0x3], $0x80, s29, s19, $0xb8;
	[tilespmem:$0x1E800] =	vst v63  }
0x92: {  	_ =	swait.ge [sflag:s17], $0x4000  }
0x93: {  	[sflag:s17] =	ssyncset.done $0x0  }
0x94: {  	s30 =	simm.s32 $0x100;
	[sflag:s17] =	ssyncadd.s32 $0xFFFFC000  }
0x95: {  	[tilespmem:s16], [sflag:$0x1] =	stream.indirect.gather [hbm4b:s4+s19], $0x80, s30, s19, $0xb8;
	[tilespmem:$0x1E800] =	vst v63  }
0x96: {  	_ =	swait.ge [sflag:s22], $0x4000  }
0x97: {  	[sflag:s22] =	ssyncset.done $0x0  }
0x98: {  	s31 =	simm.s32 $0x1480;
	[sflag:s22] =	ssyncadd.s32 $0xFFFFC000  }
0x99: {  	[spmem:s1] =	stream.indirect.scatter.add.f32 [tilespmem:s20], [sflag:$0x3], $0x80, s31, s19, $0xb8;
	[tilespmem:$0x1E800] =	vst v63  }
0x9a: {  	_ =	swait.ge [sflag:s17], $0x4000  }
0x9b: {  	s26 =	simm.s32 $0x100;
	s28 =	simm.s32 $0x800;
	[sflag:s17] =	ssyncset.done $0x0  }
.LBB2_6:
0x9c: {  	s29 =	sadd.s32 $0x80, s26  }
0x9d: {  	[sflag:s17] =	ssyncadd.s32 $0xFFFFC000;
	s30 =	smov.u32 s28;
	s31 =	sadd.s32 $0x400, s28  }
0x9e: {  	[tilespmem:s20], [sflag:$0x2] =	stream.indirect.gather [hbm4b:s4+s19], $0x80, s29, s19, $0xb8;
	[tilespmem:$0x1E800] =	vst v63  }
0x9f: {  	p0 =	sne.s32 s28, $0x4800;
	_ =	swait.ge [sflag:s21], $0x4000  }
0xa0: {  	[sflag:s21] =	ssyncset.done $0x0  }
0xa1: {  	s28 =	sadd.s32 $0x1400, s26;
	[sflag:s21] =	ssyncadd.s32 $0xFFFFC000  }
0xa2: {  	[spmem:s1] =	stream.indirect.scatter.add.f32 [tilespmem:s16], [sflag:$0x3], $0x80, s28, s19, $0xb8;
	[tilespmem:$0x1E800] =	vst v63  }
0xa3: {  	_ =	swait.ge [sflag:s17], $0x4000  }
0xa4: {  	[sflag:s17] =	ssyncset.done $0x0  }
0xa5: {  	s28 =	sadd.s32 $0x100, s26;
	[sflag:s17] =	ssyncadd.s32 $0xFFFFC000  }
0xa6: {  	[tilespmem:s16], [sflag:$0x1] =	stream.indirect.gather [hbm4b:s4+s19], $0x80, s28, s19, $0xb8;
	[tilespmem:$0x1E800] =	vst v63  }
0xa7: {  	_ =	swait.ge [sflag:s22], $0x4000  }
.Ltmp2:
0xa8: {  	[sflag:s22] =	ssyncset.done $0x0;
	(pc) =	sbr.rel @p0 .LBB2_6-.Ltmp2, $4  }
0xa9: {  	s26 =	sadd.s32 $0x1480, s26;
	[sflag:s22] =	ssyncadd.s32 $0xFFFFC000  }
0xaa: {  	[spmem:s1] =	stream.indirect.scatter.add.f32 [tilespmem:s20], [sflag:$0x3], $0x80, s26, s19, $0xb8;
	[tilespmem:$0x1E800] =	vst v63  }
0xab: {  	_ =	swait.ge [sflag:s17], $0x4000  }
0xac: {  	s28 =	smov.u32 s31;
	s26 =	sshra.s32 s30, $0x2;
	[sflag:s17] =	ssyncset.done $0x0  }
0xad: {  	s28 =	sadd.s32 $0x80, s26;
	[sflag:s17] =	ssyncadd.s32 $0xFFFFC000  }
0xae: {  	[tilespmem:s20], [sflag:$0x2] =	stream.indirect.gather [hbm4b:s4+s19], $0x80, s28, s19, $0xb8;
	[tilespmem:$0x1E800] =	vst v63  }
0xaf: {  	_ =	swait.ge [sflag:s21], $0x4000  }
0xb0: {  	[sflag:s21] =	ssyncset.done $0x0  }
0xb1: {  	s30 =	sadd.s32 $0x1400, s26;
	[sflag:s21] =	ssyncadd.s32 $0xFFFFC000  }
0xb2: {  	[spmem:s1] =	stream.indirect.scatter.add.f32 [tilespmem:s16], [sflag:$0x3], $0x80, s30, s19, $0xb8;
	[tilespmem:$0x1E800] =	vst v63  }
0xb3: {  	_ =	swait.ge [sflag:s17], $0x4000  }
0xb4: {  	[sflag:s17] =	ssyncset.done $0x0  }
0xb5: {  	s31 =	sadd.s32 $0x100, s26;
	[sflag:s17] =	ssyncadd.s32 $0xFFFFC000  }
0xb6: {  	[tilespmem:s16], [sflag:$0x1] =	stream.indirect.gather [hbm4b:s4+s19], $0x80, s31, s19, $0xb8;
	[tilespmem:$0x1E800] =	vst v63  }
0xb7: {  	_ =	swait.ge [sflag:s22], $0x4000  }
0xb8: {  	[sflag:s22] =	ssyncset.done $0x0  }
0xb9: {  	s29 =	sadd.s32 $0x1480, s26;
	[sflag:s22] =	ssyncadd.s32 $0xFFFFC000  }
0xba: {  	[spmem:s1] =	stream.indirect.scatter.add.f32 [tilespmem:s20], [sflag:$0x3], $0x80, s29, s19, $0xb8;
	[tilespmem:$0x1E800] =	vst v63  }
0xbb: {  	_ =	swait.ge [sflag:s17], $0x4000  }
0xbc: {  	[sflag:s17] =	ssyncset.done $0x0  }
0xbd: {  	[sflag:s17] =	ssyncadd.s32 $0xFFFFC000  }
0xbe: {  	[tilespmem:s20], [sflag:$0x2] =	stream.indirect.gather [hbm4b:s4+s19], $0x80, s23, s19, $0xb8;
	[tilespmem:$0x1E800] =	vst v63  }
0xbf: {  	_ =	swait.ge [sflag:s21], $0x4000  }
0xc0: {  	[sflag:s21] =	ssyncset.done $0x0  }
0xc1: {  	[sflag:s21] =	ssyncadd.s32 $0xFFFFC000  }
0xc2: {  	[spmem:s1] =	stream.indirect.scatter.add.f32 [tilespmem:s16], [sflag:$0x3], $0x80, s24, s19, $0xb8;
	[tilespmem:$0x1E800] =	vst v63  }
0xc3: {  	_ =	swait.ge [sflag:s17], $0x4000  }
0xc4: {  	[sflag:s17] =	ssyncset.done $0x0  }
0xc5: {  	[sflag:s17] =	ssyncadd.s32 $0xFFFFC000  }
0xc6: {  	_ =	swait.ge [sflag:s22], $0x4000  }
0xc7: {  	[sflag:s22] =	ssyncset.done $0x0  }
0xc8: {  	[sflag:s22] =	ssyncadd.s32 $0xFFFFC000  }
0xc9: {  	[spmem:s1] =	stream.indirect.scatter.add.f32 [tilespmem:s20], [sflag:$0x3], $0x80, s25, s19, $0xb8;
	[tilespmem:$0x1E800] =	vst v63  }
0xca: {  	_ =	swait.ge [sflag:s17], $0x4000  }
0xcb: {  	s3 =	sadd.s32 $0x1, s3;
	s30 =	sshll.u32 s2, $0x6;
	[sflag:s17] =	ssyncset.done $0x0  }
0xcc: {  	p0 =	sne.s32 s3, s11;
	s26 =	sor.u32 $0x1C03, s30;
	[sflag:s17] =	ssyncadd.s32 $0xFFFFC000  }
.Ltmp3:
0xcd: {  	s31 =	sshrl.u32 s5, $0x3;
	[bflag:$0x0] =	sbarrier.arrive $0xFFFF;
	(pc) =	sbr.rel @p0 .LBB2_1-.Ltmp3, $4  }
0xce: {  	[hbm:s10], [sflag:s26] =	dma.local [spmem:s31], $0x2800  }
0xcf: {  	_ =	swait.ge [sflag:s17], $0x2800  }
0xd0: {  	[sflag:s17] =	ssyncset.done $0x0  }
0xd1: {  	[sflag:s17] =	ssyncadd.s32 $0xFFFFD800  }
0xd2: {  	_ =	sfence.sel $0x180000  }
0xd3: {  	[bflag:$0x0] =	sbarrier.arrive $0xFFFF  }
0xd4: {  	p0 =	sne.s32 s2, $0x0;
	_ =	strace $0x9000004A  }
0xd5: {  	s0 =	sadd.s32 @!p0 $0x100000, s0;
	[bflag:$0x2] =	sbarrier.arrive $0xFFFF  }
0xd6: {  	[sflag:s0] =	ssyncadd.tile.s32 @!p0 $0x1;
	_ =	shalt  }
.Lfunc_end2:
_tile_overlayer_lowered:
.L_overlay_start_2:
0xd7: {  	(tag) =	ssettag $0x2  }
0xd8: {  	s0 =	rddreg [dreg:$0x0];
	s2 =	stileid.u32  }
0xd9: {  	s1 =	rddreg [dreg:$0x1];
	p0 =	sne.s32 s2, $0x0  }
0xda: {  	s3 =	rddreg [dreg:$0x2];
	[bflag:$0x3] =	sbarrier.arrive $0xFFFF;
	s2 =	simm.s32 @!p0 $0x1C03  }
0xdb: {  	[timem:s3], [sflag:s2] =	dma.local @!p0 [hbm:s0], s1  }
0xdc: {  	s0 =	simm.s32 @!p0 $0x3  }
0xdd: {  	_ =	swait.ge @!p0 [sflag:s0], s1  }
0xde: {  	s1 =	ssub.s32 @!p0 $0x0, s1;
	[sflag:s0] =	ssyncset.done @!p0 $0x0  }
0xdf: {  	[sflag:s0] =	ssyncadd.s32 @!p0 s1  }
0xe0: {  	[bflag:$0x3] =	sbarrier.arrive $0xFFFF  }
0xe1: {  	_ =	shalt  }

// kernel: kernel.17.cloned.1.call-start
scs
__scs_entry_jumppad:
0x0: {  	(pc) =	sbr.rel $0x88, $3  }
0x1: {  	(tag) =	ssettag $0x0;
	lr =	simm.s32 $0x1  }
0x2: {  	[smem:$0x3F95] =	sst lr;
	_ =	strace $0xD0000000  }
0x3: {  	_ = 	snop  }
0x4: {  	_ = 	snop  }
0x5: {  	_ = 	snop  }
0x6: {  	_ = 	snop  }
0x7: {  	_ = 	snop  }
__scs_overlays_trampoline_lowered:
0x8: {  	[smem:$0x3FA4] =	sst s0  }
0x9: {  	[smem:$0x3FA5] =	sst s1  }
0xa: {  	[smem:$0x3FA6] =	sst s2  }
0xb: {  	[smem:$0x3FA7] =	sst s3  }
0xc: {  	[smem:$0x3FA8] =	sst s4  }
0xd: {  	[smem:$0x3FA9] =	sst s5  }
0xe: {  	[smem:$0x3FAA] =	sst s6  }
0xf: {  	[smem:$0x3FAB] =	sst s7  }
0x10: {  	[smem:$0x3FAC] =	sst s8  }
0x11: {  	[smem:$0x3FAD] =	sst s9;
	s0 =	simm.s32 @!p0 $0x0  }
0x12: {  	s1 =	sld [smem:$0x3F93];
	s0 =	simm.s32 @p0 $0x1  }
0x13: {  	[smem:$0x3FAE] =	sst s0;
	s0 =	simm.s32 @!p1 $0x0  }
0x14: {  	s2 =	sld [smem:$0x3F92];
	s0 =	simm.s32 @p1 $0x1  }
0x15: {  	[smem:$0x3FAF] =	sst s0;
	s0 =	simm.s32 @!p2 $0x0  }
0x16: {  	s3 =	sld [smem:$0x3FDB];
	s0 =	simm.s32 @p2 $0x1  }
0x17: {  	s4 =	simm.s32 $0x1BF5;
	[smem:$0x3FB1] =	sst s0  }
0x18: {  	s0 =	sld [smem:$0x3F94];
	_ =	swait.ge [sflag:s4], $0x0  }
0x19: {  	s7 =	sld [smem:$0x3F95]  }
0x1a: {  	s8 =	sadd.s32 $0xFFFFE003, lr  }
0x1b: {  	s9 =	sadd.s32 $0xFFFFFEF7, lr;
	s5 =	simm.s32 $0xFFFFFFFF;
	p2 =	slt.u32 s8, $0xFFFFF086  }
0x1c: {  	p1 =	slt.u32 s9, $0xF7A;
	s5 =	simm.s32 @!p2 $0x0  }
0x1d: {  	s5 =	simm.s32 @p1 $0x1;
	p0 =	seq.s32 s7, s2  }
0x1e: {  	s7 =	smul.u32 @!p0 $0xF7A, s2;
	p2 =	seq.s32 @!p0 s5, $0x0  }
0x1f: {  	s9 =	smul.u32 $0xF7A, s1;
	s8 =	simm.s32 @!p0 $0x1BF5;
	p2 =	por !p2, p0  }
0x20: {  	[sflag:s8] =	ssyncset.s32 @!p0 $0xFFFFF086;
	s6 =	sadd.s32 @!p0 s3, s7;
	s7 =	simm.s32 @!p0 $0x108  }
0x21: {  	s3 =	sadd.s32 s3, s9;
	s6 =	sadd.s32 @!p0 $0x88, s6;
	s7 =	simm.s32 @p2 $0x1082  }
0x22: {  	[simem:s7], [sflag:s8] =	dma.local @!p0 [hbm:s6], $0xF7A  }
0x23: {  	s9 =	sor.u32 $0xD0000000, s2;
	s6 =	simm.s32 $0x108;
	_ =	swait.ge @!p0 [sflag:s8], $0x0  }
0x24: {  	s3 =	sadd.s32 $0x88, s3;
	s6 =	simm.s32 @!p1 $0x1082;
	[sflag:s4] =	ssyncset.s32 $0xFFFFF086  }
0x25: {  	[simem:s6], [sflag:s4] =	dma.local [hbm:s3], $0xF7A  }
0x26: {  	[smem:$0x3F95] =	sst s1;
	(tag) =	ssettag s2;
	_ =	strace s9  }
0x27: {  	s1 =	sld [smem:$0x3FA5]  }
0x28: {  	s2 =	sld [smem:$0x3FA6]  }
0x29: {  	s4 =	sld [smem:$0x3FA8]  }
0x2a: {  	p0 =	seq.s32 s5, $0x0;
	s5 =	sld [smem:$0x3FA9]  }
0x2b: {  	s6 =	sld [smem:$0x3FAA]  }
0x2c: {  	s7 =	sld [smem:$0x3FAB]  }
0x2d: {  	s3 =	simm.s32 $0x108;
	s8 =	sld [smem:$0x3FAC]  }
0x2e: {  	s3 =	simm.s32 @!p0 $0x1082;
	s9 =	sld [smem:$0x3FAD]  }
0x2f: {  	lr =	sadd.s32 s0, s3;
	s0 =	sld [smem:$0x3FA4]  }
0x30: {  	s3 =	sld [smem:$0x3FA7]  }
0x31: {  	[smem:$0x3FB0] =	sst s10  }
0x32: {  	s10 =	sld [smem:$0x3FAE];
	_ =	sdelay $0x3  }
0x33: {  	p0 =	seq.s32 s10, $0x1;
	s10 =	sld [smem:$0x3FB0];
	_ =	sdelay $0x3  }
0x34: {  	[smem:$0x3FB0] =	sst s10  }
0x35: {  	s10 =	sld [smem:$0x3FAF];
	_ =	sdelay $0x3  }
0x36: {  	p1 =	seq.s32 s10, $0x1;
	s10 =	sld [smem:$0x3FB0];
	_ =	sdelay $0x3  }
0x37: {  	[smem:$0x3FB0] =	sst s10  }
0x38: {  	s10 =	sld [smem:$0x3FB1]  }
0x39: {  	_ = 	snop;
	(pc) =	sbr.ind lr, $3  }
0x3a: {  	_ = 	snop  }
0x3b: {  	_ = 	snop  }
0x3c: {  	p2 =	seq.s32 s10, $0x1;
	s10 =	sld [smem:$0x3FB0]  }
0x3d: {  	_ =	shalt  }
0x3e: {  	_ =	shalt  }
0x3f: {  	_ =	shalt  }
0x40: {  	_ =	shalt  }
0x41: {  	_ =	shalt  }
0x42: {  	_ =	shalt  }
0x43: {  	_ =	shalt  }
0x44: {  	_ =	shalt  }
0x45: {  	_ =	shalt  }
0x46: {  	_ =	shalt  }
0x47: {  	_ =	shalt  }
0x48: {  	_ =	shalt  }
0x49: {  	_ =	shalt  }
0x4a: {  	_ =	shalt  }
0x4b: {  	_ =	shalt  }
0x4c: {  	_ =	shalt  }
0x4d: {  	_ =	shalt  }
0x4e: {  	_ =	shalt  }
0x4f: {  	_ =	shalt  }
0x50: {  	_ =	shalt  }
0x51: {  	_ =	shalt  }
0x52: {  	_ =	shalt  }
0x53: {  	_ =	shalt  }
0x54: {  	_ =	shalt  }
0x55: {  	_ =	shalt  }
0x56: {  	_ =	shalt  }
0x57: {  	_ =	shalt  }
0x58: {  	_ =	shalt  }
0x59: {  	_ =	shalt  }
0x5a: {  	_ =	shalt  }
0x5b: {  	_ =	shalt  }
0x5c: {  	_ =	shalt  }
0x5d: {  	_ =	shalt  }
0x5e: {  	_ =	shalt  }
0x5f: {  	_ =	shalt  }
0x60: {  	_ =	shalt  }
0x61: {  	_ =	shalt  }
0x62: {  	_ =	shalt  }
0x63: {  	_ =	shalt  }
0x64: {  	_ =	shalt  }
0x65: {  	_ =	shalt  }
0x66: {  	_ =	shalt  }
0x67: {  	_ =	shalt  }
0x68: {  	_ =	shalt  }
0x69: {  	_ =	shalt  }
0x6a: {  	_ =	shalt  }
0x6b: {  	_ =	shalt  }
0x6c: {  	_ =	shalt  }
0x6d: {  	_ =	shalt  }
0x6e: {  	_ =	shalt  }
0x6f: {  	_ =	shalt  }
0x70: {  	_ =	shalt  }
0x71: {  	_ =	shalt  }
0x72: {  	_ =	shalt  }
0x73: {  	_ =	shalt  }
0x74: {  	_ =	shalt  }
0x75: {  	_ =	shalt  }
0x76: {  	_ =	shalt  }
0x77: {  	_ =	shalt  }
0x78: {  	_ =	shalt  }
0x79: {  	_ =	shalt  }
0x7a: {  	_ =	shalt  }
0x7b: {  	_ =	shalt  }
0x7c: {  	_ =	shalt  }
0x7d: {  	_ =	shalt  }
0x7e: {  	_ =	shalt  }
0x7f: {  	_ =	shalt  }
0x80: {  	_ =	shalt  }
0x81: {  	_ =	shalt  }
0x82: {  	_ =	shalt  }
0x83: {  	_ =	shalt  }
0x84: {  	_ =	shalt  }
0x85: {  	_ =	shalt  }
0x86: {  	_ =	shalt  }
0x87: {  	_ =	shalt  }
.Lfunc_end0:
.L_simem_size_0:
called_computation.2_lowered:
.L_overlay_start_0:
0x88: {  	s2 =	sld [smem:$0x3FD9]  }
0x89: {  	s3 =	sld [smem:$0x3FFE];
	_ =	sdelay $0x1  }
0x8a: {  	s1 =	srdreg.scid  }
0x8b: {  	s0 =	sand.u32 $0x1, s1  }
0x8c: {  	s16 =	sshll.u32 s0, $0xA;
	s2 =	sadd.s32 s3, s2  }
0x8d: {  	s2 =	sadd.s32 s2, s16  }
0x8e: {  	[smem:$0x3FBC] =	sst s2  }
0x8f: {  	_ = 	snop  }
0x90: {  	(tm) =	ssettm $0x1  }
0x91: {  	s17 =	sld [smem:$0x3FFB];
	_ =	sdelay $0x3  }
0x92: {  	_ =	strace s17  }
0x93: {  	s2 =	sld [smem:$0x3FFC];
	_ =	sdelay $0x3  }
0x94: {  	_ =	strace s2  }
0x95: {  	s2 =	sld [smem:$0x3FFD];
	_ =	sdelay $0x3  }
0x96: {  	_ =	strace s2  }
0x97: {  	_ =	strace $0x8FFFFFFF  }
0x98: {  	s18 =	sld [smem:$0x3FDB];
	_ =	sdelay $0x1  }
0x99: {  	s19 =	simm.s32 $_scs_section_size  }
0x9a: {  	s4 =	simm.s32 $_size__tile_overlayer_lowered;
	s5 =	simm.s32 $_tile_overlayer_lowered  }
0x9b: {  	s22 =	simm.s32 $0x1BFF;
	s21 =	sshll.u32 s5, $0x1;
	s2 =	sadd.s32 s19, s18  }
0x9c: {  	s6 =	simm.s32 $0x0;
	s20 =	sshll.u32 s4, $0x1;
	s4 =	sadd.s32 s21, s2  }
0x9d: {  	[timem:s6], [sflag:s22] =	dma.local [hbm:s4], s20  }
0x9e: {  	_ =	swait.ge [sflag:s22], s20  }
0x9f: {  	s3 =	ssub.s32 $0x0, s20;
	[sflag:s22] =	ssyncset.done $0x0  }
0xa0: {  	[sflag:s22] =	ssyncadd.s32 s3;
	_ =	sdelay $0x1  }
0xa1: {  	s23 =	simm.s32 $0x1B8B  }
0xa2: {  	_ =	swait.ge [sflag:s23], $0x1  }
0xa3: {  	[sflag:s23] =	ssyncset.done $0x0  }
0xa4: {  	s25 =	simm.s32 $0x1B8E;
	s24 =	sld [smem:$0x3FFE];
	[sflag:s23] =	ssyncadd.s32 $0xFFFFFFFF  }
0xa5: {  	s26 =	simm.s32 $execute0_lowered;
	[smem:$0x3FD2] =	sst s25  }
0xa6: {  	s4 =	sshll.u32 s26, $0x1;
	_ =	strace $0x8000004C;
	[dreg:$0x1] =	wrdreg $0xFFFFFFFF  }
0xa7: {  	s28 =	simm.s32 $_size_execute0_lowered;
	s2 =	sadd.s32 s2, s4;
	[dreg:$0x0] =	wrdreg $0x0  }
0xa8: {  	s4 =	sshll.u32 s28, $0x1;
	[dreg:$0x2] =	wrdreg s2  }
0xa9: {  	[dreg:$0x3] =	wrdreg s4  }
0xaa: {  	[dreg:$0x4] =	wrdreg $0xC0  }
0xab: {  	_ =	task [dreg:s6], $0x5FFFF  }
0xac: {  	[dreg:$0x1] =	wrdreg $0xFFFFFFFF  }
0xad: {  	[dreg:$0x0] =	wrdreg $0x60  }
0xae: {  	[dreg:$0x2] =	wrdreg s24  }
0xaf: {  	[dreg:$0x3] =	wrdreg $0xA8000  }
0xb0: {  	[dreg:$0x4] =	wrdreg $0x9  }
0xb1: {  	_ =	task.clear_ibuf [dreg:s6], $0x5FFFF;
	_ =	strace $0x9000004C  }
0xb2: {  	s29 =	simm.s32 $0x9;
	_ =	strace $0x8000004E  }
0xb3: {  	_ =	swait.ge [sflag:s29], $0x1  }
0xb4: {  	[sflag:s29] =	ssyncadd.s32 $0xFFFFFFFF  }
0xb5: {  	_ =	strace $0x9000004E  }
0xb6: {  	_ =	sfence  }
0xb7: {  	s30 =	sld [smem:$0x0];
	_ =	sdelay $0x2  }
0xb8: {  	s31 =	sshll.u32 s1, $0xD;
	s1 =	sshrl.u32 s1, $0x2  }
0xb9: {  	s3 =	sand.u32 $0x4000, s31;
	s1 =	sadd.s32 s1, s30  }
0xba: {  	s0 =	sor.u32 s3, s0;
	s1 =	sshll.u32 s1, $0x11  }
0xbb: {  	s0 =	sor.u32 s1, s0  }
0xbc: {  	s0 =	sadd.s32 $0x8F2B, s0  }
0xbd: {  	[sflag:s0] =	ssyncadd.remote.s32 $0x1  }
0xbe: {  	_ =	sfence.sel $0xFFFF  }
0xbf: {  	[dreg:$0x0] =	wrdreg $0xFFFFFFFF;
	(pc) =	sbr.abs _section_cstart, $3  }
0xc0: {  	[dreg:$0x1] =	wrdreg $0xFFFFFFFF  }
0xc1: {  	_ =	task.clear_ibuf [dreg:s6], $0x2FFFF;
	_ =	strace $0x9FFFFFFF  }
0xc2: {  	(tm) =	ssettm $0x7FFFFFFF  }
0xc3: {  	_ =	shalt  }
tec
execute0_lowered:
.L_overlay_start_1:
0x0: {  	(tag) =	ssettag $0x1  }
0x1: {  	s0 =	rddreg [dreg:$0x0]  }
0x2: {  	s1 =	rddreg [dreg:$0x1];
	s2 =	srdreg.scid  }
0x3: {  	s3 =	simm.s32 $0x0;
	s8 =	stileid.u32;
	s16 =	simm.s32 $0x2800  }
0x4: {  	s14 =	simm.s32 $0x0;
	s28 =	simm.s32 $0x1600;
	s29 =	simm.s32 $0x400  }
0x5: {  	s30 =	simm.s32 $0x1700;
	s31 =	simm.s32 $0x500;
	s12 =	simm.s32 $0xA00  }
0x6: {  	s13 =	simm.s32 $0x1D00;
	s2 =	sand.u32 $0x1, s2;
	[smem:$0x7FF] =	sst s3  }
0x7: {  	s6 =	smul.u32 $0xA000, s8;
	s4 =	sadd.s32 $0x17A00, s0;
	s7 =	sshll.u32 s8, $0x1  }
0x8: {  	s8 =	smul.u32 $0x28000, s8;
	s9 =	sadd.s32 $0xDA00, s0;
	s10 =	sadd.s32 $0x3A00, s0  }
0x9: {  	s3 =	simm.s32 $0x1400;
	s5 =	smul.u32 $0xA0000, s2;
	s7 =	sor.u32 s2, s7  }
0xa: {  	_ =	strace $0x8000004D;
	s2 =	ssub.s32 $0x2, s2;
	s7 =	smul.u32 $0x2800, s7  }
0xb: {  	s17 =	sshrl.u32 s2, $0x1;
	s8 =	sshrl.u32 s8, $0x2;
	s22 =	sadd.s32 s6, s1  }
0xc: {  	s5 =	sadd.s32 s6, s5;
	s2 =	ssub.s32 s2, s17;
	s18 =	sadd.s32 s8, s1  }
0xd: {  	s17 =	simm.s32 $0x3;
	s6 =	simm.s32 $0x700;
	s8 =	simm.s32 $0x800  }
0xe: {  	s5 =	sshrl.u32 s5, $0x3;
	s2 =	smax.u32 s2, $0x1;
	[dreg:$0xe] =	wrdreg s18  }
0xf: {  	s7 =	sshrl.u32 s7, $0x3;
	s23 =	sadd.s32 $0x2000, s18;
	[dreg:$0x8] =	wrdreg s2  }
0x10: {  	s24 =	sadd.s32 $0x4000, s18;
	s25 =	sadd.s32 $0x6000, s18;
	[dreg:$0x9] =	wrdreg s23  }
0x11: {  	s26 =	sadd.s32 $0x8000, s18;
	s18 =	simm.s32 $0x1E00;
	[dreg:$0xa] =	wrdreg s24  }
0x12: {  	s0 =	sadd.s32 s5, s0;
	s19 =	sadd.s32 $0x280, s7;
	[dreg:$0xb] =	wrdreg s25  }
0x13: {  	s11 =	sadd.s32 s9, s7;
	s7 =	sadd.s32 s10, s7;
	[dreg:$0xc] =	wrdreg s26  }
0x14: {  	s23 =	simm.s32 $0x2;
	s26 =	simm.s32 $0x300;
	[dreg:$0x3] =	wrdreg s11  }
0x15: {  	s25 =	simm.s32 $0x600;
	s5 =	simm.s32 $0xB00;
	[dreg:$0x4] =	wrdreg s7  }
0x16: {  	s20 =	sadd.s32 s9, s19;
	s21 =	sadd.s32 s10, s19;
	s0 =	sadd.s32 $0x68600, s0  }
0x17: {  	s19 =	simm.s32 $0x100;
	s7 =	simm.s32 $0x1A00;
	[dreg:$0x5] =	wrdreg s20  }
0x18: {  	s9 =	simm.s32 $0x1B00;
	s10 =	simm.s32 $0x900;
	[dreg:$0x6] =	wrdreg s21  }
0x19: {  	s11 =	simm.s32 $0x1C00;
	[dreg:$0x7] =	wrdreg s0;
	s0 =	sshrl.u32 s22, $0x3  }
0x1a: {  	v0 =	vimm.f32 $0.0e+00;
	s20 =	simm.s32 $0x6800;
	s21 =	simm.s32 $0x1;
	[dreg:$0xd] =	wrdreg s0  }
.LBB2_1:
0x1b: {  	s15 =	simm.s32 $0x100;
	s22 =	simm.s32 $0x0  }
.LBB2_2:
0x1c: {  	p0 =	sne.s32 s15, $0xFF00;
	[tilespmem:s22+$0x2830] =	vst v0;
	s24 =	smov.u32 s15;
	s15 =	sadd.s32 $0x100, s15  }
.Ltmp0:
0x1d: {  	[tilespmem:s22+$0x2820] =	vst v0;
	(pc) =	sbr.rel @p0 .LBB2_2-.Ltmp0, $3  }
0x1e: {  	[tilespmem:s22+$0x2800] =	vst v0  }
0x1f: {  	[tilespmem:s22+$0x2810] =	vst v0;
	_ =	sdelay $0x1  }
0x20: {  	s22 =	sshra.s32 s24, $0x2  }
0x21: {  	[tilespmem:s22+$0x2830] =	vst v0  }
0x22: {  	[tilespmem:s22+$0x2820] =	vst v0  }
0x23: {  	[tilespmem:s22+$0x2800] =	vst v0  }
0x24: {  	[tilespmem:s22+$0x2810] =	vst v0;
	s0 =	rddreg [dreg:$0xe]  }
0x25: {  	[spmem:s0] =	stream.linear.scatter [tilespmem:s16], [sflag:$0x3], $0x2000, $0x38;
	[tilespmem:$0x14800] =	vst v63  }
0x26: {  	_ =	swait.ge [sflag:s17], $0x2000  }
0x27: {  	[sflag:s17] =	ssyncset.done $0x0  }
0x28: {  	s15 =	rddreg [dreg:$0x9];
	[sflag:s17] =	ssyncadd.s32 $0xFFFFE000  }
0x29: {  	[spmem:s15] =	stream.linear.scatter [tilespmem:s16], [sflag:$0x3], $0x2000, $0x38;
	[tilespmem:$0x14800] =	vst v63  }
0x2a: {  	_ =	swait.ge [sflag:s17], $0x2000  }
0x2b: {  	[sflag:s17] =	ssyncset.done $0x0  }
0x2c: {  	s0 =	rddreg [dreg:$0xa];
	[sflag:s17] =	ssyncadd.s32 $0xFFFFE000  }
0x2d: {  	[spmem:s0] =	stream.linear.scatter [tilespmem:s16], [sflag:$0x3], $0x2000, $0x38;
	[tilespmem:$0x14800] =	vst v63  }
0x2e: {  	_ =	swait.ge [sflag:s17], $0x2000  }
0x2f: {  	[sflag:s17] =	ssyncset.done $0x0  }
0x30: {  	s2 =	rddreg [dreg:$0xb];
	[sflag:s17] =	ssyncadd.s32 $0xFFFFE000  }
0x31: {  	[spmem:s2] =	stream.linear.scatter [tilespmem:s16], [sflag:$0x3], $0x2000, $0x38;
	[tilespmem:$0x14800] =	vst v63  }
0x32: {  	_ =	swait.ge [sflag:s17], $0x2000  }
0x33: {  	[sflag:s17] =	ssyncset.done $0x0  }
0x34: {  	s22 =	rddreg [dreg:$0xc];
	[sflag:s17] =	ssyncadd.s32 $0xFFFFE000  }
0x35: {  	[spmem:s22] =	stream.linear.scatter [tilespmem:s16], [sflag:$0x3], $0x2000, $0x38;
	[tilespmem:$0x14800] =	vst v63  }
0x36: {  	_ =	swait.ge [sflag:s17], $0x2000  }
0x37: {  	[sflag:s17] =	ssyncset.done $0x0  }
0x38: {  	[sflag:s17] =	ssyncadd.s32 $0xFFFFE000  }
0x39: {  	[bflag:$0x0] =	sbarrier.arrive $0xFFFF  }
0x3a: {  	s0 =	simm.s32 $0x0;
	s24 =	rddreg [dreg:$0x3]  }
0x3b: {  	[tilespmem:s0], [sflag:$0x3] =	stream.linear.gather [hbm4b:s24+s0], $0x1400, $0x38;
	[tilespmem:$0x14800] =	vst v63  }
0x3c: {  	_ =	swait.ge [sflag:s17], $0x1400  }
0x3d: {  	[sflag:s17] =	ssyncset.done $0x0  }
0x3e: {  	s2 =	rddreg [dreg:$0x4];
	[sflag:s17] =	ssyncadd.s32 $0xFFFFEC00  }
0x3f: {  	[tilespmem:s3], [sflag:$0x3] =	stream.linear.gather [hbm4b:s2+s0], $0x1400, $0x38;
	[tilespmem:$0x14800] =	vst v63  }
0x40: {  	_ =	swait.ge [sflag:s17], $0x1400  }
0x41: {  	[sflag:s17] =	ssyncset.done $0x0  }
0x42: {  	[sflag:s17] =	ssyncadd.s32 $0xFFFFEC00  }
0x43: {  	[tilespmem:s16], [sflag:$0x1] =	stream.indirect.gather [hbm4b:s4+s19], $0x40, s0, s19, $0xb8;
	[tilespmem:$0x14800] =	vst v63  }
0x44: {  	_ = 	snop  }
0x45: {  	[tilespmem:s20], [sflag:$0x2] =	stream.indirect.gather [hbm4b:s4+s19], $0x40, s19, s19, $0xb8;
	[tilespmem:$0x14800] =	vst v63  }
0x46: {  	_ =	swait.ge [sflag:s21], $0x4000  }
0x47: {  	[sflag:s21] =	ssyncset.done $0x0  }
0x48: {  	[sflag:s21] =	ssyncadd.s32 $0xFFFFC000  }
0x49: {  	[spmem:s1] =	stream.indirect.scatter.add.f32 [tilespmem:s16], [sflag:$0x3], $0x40, s3, s19, $0xb8;
	[tilespmem:$0x14800] =	vst v63  }
0x4a: {  	_ =	swait.ge [sflag:s17], $0x4000  }
0x4b: {  	[sflag:s17] =	ssyncset.done $0x0  }
0x4c: {  	s22 =	simm.s32 $0x200;
	[sflag:s17] =	ssyncadd.s32 $0xFFFFC000  }
0x4d: {  	[tilespmem:s16], [sflag:$0x1] =	stream.indirect.gather [hbm4b:s4+s19], $0x40, s22, s19, $0xb8;
	[tilespmem:$0x14800] =	vst v63  }
0x4e: {  	_ =	swait.ge [sflag:s23], $0x4000  }
0x4f: {  	[sflag:s23] =	ssyncset.done $0x0  }
0x50: {  	s24 =	simm.s32 $0x1500;
	[sflag:s23] =	ssyncadd.s32 $0xFFFFC000  }
0x51: {  	[spmem:s1] =	stream.indirect.scatter.add.f32 [tilespmem:s20], [sflag:$0x3], $0x40, s24, s19, $0xb8;
	[tilespmem:$0x14800] =	vst v63  }
0x52: {  	_ =	swait.ge [sflag:s17], $0x4000  }
0x53: {  	[sflag:s17] =	ssyncset.done $0x0  }
0x54: {  	[sflag:s17] =	ssyncadd.s32 $0xFFFFC000  }
0x55: {  	[tilespmem:s20], [sflag:$0x2] =	stream.indirect.gather [hbm4b:s4+s19], $0x40, s26, s19, $0xb8;
	[tilespmem:$0x14800] =	vst v63  }
0x56: {  	_ =	swait.ge [sflag:s21], $0x4000  }
0x57: {  	[sflag:s21] =	ssyncset.done $0x0  }
0x58: {  	[sflag:s21] =	ssyncadd.s32 $0xFFFFC000  }
0x59: {  	[spmem:s1] =	stream.indirect.scatter.add.f32 [tilespmem:s16], [sflag:$0x3], $0x40, s28, s19, $0xb8;
	[tilespmem:$0x14800] =	vst v63  }
0x5a: {  	_ =	swait.ge [sflag:s17], $0x4000  }
0x5b: {  	[sflag:s17] =	ssyncset.done $0x0  }
0x5c: {  	[sflag:s17] =	ssyncadd.s32 $0xFFFFC000  }
0x5d: {  	[tilespmem:s16], [sflag:$0x1] =	stream.indirect.gather [hbm4b:s4+s19], $0x40, s29, s19, $0xb8;
	[tilespmem:$0x14800] =	vst v63  }
0x5e: {  	_ =	swait.ge [sflag:s23], $0x4000  }
0x5f: {  	[sflag:s23] =	ssyncset.done $0x0  }
0x60: {  	[sflag:s23] =	ssyncadd.s32 $0xFFFFC000  }
0x61: {  	[spmem:s1] =	stream.indirect.scatter.add.f32 [tilespmem:s20], [sflag:$0x3], $0x40, s30, s19, $0xb8;
	[tilespmem:$0x14800] =	vst v63  }
0x62: {  	_ =	swait.ge [sflag:s17], $0x4000  }
0x63: {  	[sflag:s17] =	ssyncset.done $0x0  }
0x64: {  	[sflag:s17] =	ssyncadd.s32 $0xFFFFC000  }
0x65: {  	[tilespmem:s20], [sflag:$0x2] =	stream.indirect.gather [hbm4b:s4+s19], $0x40, s31, s19, $0xb8;
	[tilespmem:$0x14800] =	vst v63  }
0x66: {  	_ =	swait.ge [sflag:s21], $0x4000  }
0x67: {  	[sflag:s21] =	ssyncset.done $0x0  }
0x68: {  	s2 =	simm.s32 $0x1800;
	[sflag:s21] =	ssyncadd.s32 $0xFFFFC000  }
0x69: {  	[spmem:s1] =	stream.indirect.scatter.add.f32 [tilespmem:s16], [sflag:$0x3], $0x40, s2, s19, $0xb8;
	[tilespmem:$0x14800] =	vst v63  }
0x6a: {  	_ =	swait.ge [sflag:s17], $0x4000  }
0x6b: {  	[sflag:s17] =	ssyncset.done $0x0  }
0x6c: {  	[sflag:s17] =	ssyncadd.s32 $0xFFFFC000  }
0x6d: {  	[tilespmem:s16], [sflag:$0x1] =	stream.indirect.gather [hbm4b:s4+s19], $0x40, s25, s19, $0xb8;
	[tilespmem:$0x14800] =	vst v63  }
0x6e: {  	_ =	swait.ge [sflag:s23], $0x4000  }
0x6f: {  	[sflag:s23] =	ssyncset.done $0x0  }
0x70: {  	s2 =	simm.s32 $0x1900;
	[sflag:s23] =	ssyncadd.s32 $0xFFFFC000  }
0x71: {  	[spmem:s1] =	stream.indirect.scatter.add.f32 [tilespmem:s20], [sflag:$0x3], $0x40, s2, s19, $0xb8;
	[tilespmem:$0x14800] =	vst v63  }
0x72: {  	_ =	swait.ge [sflag:s17], $0x4000  }
0x73: {  	[sflag:s17] =	ssyncset.done $0x0  }
0x74: {  	[sflag:s17] =	ssyncadd.s32 $0xFFFFC000  }
0x75: {  	[tilespmem:s20], [sflag:$0x2] =	stream.indirect.gather [hbm4b:s4+s19], $0x40, s6, s19, $0xb8;
	[tilespmem:$0x14800] =	vst v63  }
0x76: {  	_ =	swait.ge [sflag:s21], $0x4000  }
0x77: {  	[sflag:s21] =	ssyncset.done $0x0  }
0x78: {  	[sflag:s21] =	ssyncadd.s32 $0xFFFFC000  }
0x79: {  	[spmem:s1] =	stream.indirect.scatter.add.f32 [tilespmem:s16], [sflag:$0x3], $0x40, s7, s19, $0xb8;
	[tilespmem:$0x14800] =	vst v63  }
0x7a: {  	_ =	swait.ge [sflag:s17], $0x4000  }
0x7b: {  	[sflag:s17] =	ssyncset.done $0x0  }
0x7c: {  	[sflag:s17] =	ssyncadd.s32 $0xFFFFC000  }
0x7d: {  	[tilespmem:s16], [sflag:$0x1] =	stream.indirect.gather [hbm4b:s4+s19], $0x40, s8, s19, $0xb8;
	[tilespmem:$0x14800] =	vst v63  }
0x7e: {  	_ =	swait.ge [sflag:s23], $0x4000  }
0x7f: {  	[sflag:s23] =	ssyncset.done $0x0  }
0x80: {  	[sflag:s23] =	ssyncadd.s32 $0xFFFFC000  }
0x81: {  	[spmem:s1] =	stream.indirect.scatter.add.f32 [tilespmem:s20], [sflag:$0x3], $0x40, s9, s19, $0xb8;
	[tilespmem:$0x14800] =	vst v63  }
0x82: {  	_ =	swait.ge [sflag:s17], $0x4000  }
0x83: {  	[sflag:s17] =	ssyncset.done $0x0  }
0x84: {  	[sflag:s17] =	ssyncadd.s32 $0xFFFFC000  }
0x85: {  	[tilespmem:s20], [sflag:$0x2] =	stream.indirect.gather [hbm4b:s4+s19], $0x40, s10, s19, $0xb8;
	[tilespmem:$0x14800] =	vst v63  }
0x86: {  	_ =	swait.ge [sflag:s21], $0x4000  }
0x87: {  	[sflag:s21] =	ssyncset.done $0x0  }
0x88: {  	[sflag:s21] =	ssyncadd.s32 $0xFFFFC000  }
0x89: {  	[spmem:s1] =	stream.indirect.scatter.add.f32 [tilespmem:s16], [sflag:$0x3], $0x40, s11, s19, $0xb8;
	[tilespmem:$0x14800] =	vst v63  }
0x8a: {  	_ =	swait.ge [sflag:s17], $0x4000  }
0x8b: {  	[sflag:s17] =	ssyncset.done $0x0  }
0x8c: {  	[sflag:s17] =	ssyncadd.s32 $0xFFFFC000  }
0x8d: {  	[tilespmem:s16], [sflag:$0x1] =	stream.indirect.gather [hbm4b:s4+s19], $0x40, s12, s19, $0xb8;
	[tilespmem:$0x14800] =	vst v63  }
0x8e: {  	_ =	swait.ge [sflag:s23], $0x4000  }
0x8f: {  	[sflag:s23] =	ssyncset.done $0x0  }
0x90: {  	[sflag:s23] =	ssyncadd.s32 $0xFFFFC000  }
0x91: {  	[spmem:s1] =	stream.indirect.scatter.add.f32 [tilespmem:s20], [sflag:$0x3], $0x40, s13, s19, $0xb8;
	[tilespmem:$0x14800] =	vst v63  }
0x92: {  	_ =	swait.ge [sflag:s17], $0x4000  }
0x93: {  	[sflag:s17] =	ssyncset.done $0x0  }
0x94: {  	[sflag:s17] =	ssyncadd.s32 $0xFFFFC000  }
0x95: {  	[tilespmem:s20], [sflag:$0x2] =	stream.indirect.gather [hbm4b:s4+s19], $0x40, s5, s19, $0xb8;
	[tilespmem:$0x14800] =	vst v63  }
0x96: {  	_ =	swait.ge [sflag:s21], $0x4000  }
0x97: {  	[sflag:s21] =	ssyncset.done $0x0  }
0x98: {  	[sflag:s21] =	ssyncadd.s32 $0xFFFFC000  }
0x99: {  	[spmem:s1] =	stream.indirect.scatter.add.f32 [tilespmem:s16], [sflag:$0x3], $0x40, s18, s19, $0xb8;
	[tilespmem:$0x14800] =	vst v63  }
0x9a: {  	_ =	swait.ge [sflag:s17], $0x4000  }
0x9b: {  	[sflag:s17] =	ssyncset.done $0x0  }
0x9c: {  	s15 =	simm.s32 $0xC00;
	[sflag:s17] =	ssyncadd.s32 $0xFFFFC000  }
0x9d: {  	[tilespmem:s16], [sflag:$0x1] =	stream.indirect.gather [hbm4b:s4+s19], $0x40, s15, s19, $0xb8;
	[tilespmem:$0x14800] =	vst v63  }
0x9e: {  	_ =	swait.ge [sflag:s23], $0x4000  }
0x9f: {  	[sflag:s23] =	ssyncset.done $0x0  }
0xa0: {  	s15 =	simm.s32 $0x1F00;
	[sflag:s23] =	ssyncadd.s32 $0xFFFFC000  }
0xa1: {  	[spmem:s1] =	stream.indirect.scatter.add.f32 [tilespmem:s20], [sflag:$0x3], $0x40, s15, s19, $0xb8;
	[tilespmem:$0x14800] =	vst v63  }
0xa2: {  	_ =	swait.ge [sflag:s17], $0x4000  }
0xa3: {  	[sflag:s17] =	ssyncset.done $0x0  }
0xa4: {  	s15 =	simm.s32 $0xD00;
	[sflag:s17] =	ssyncadd.s32 $0xFFFFC000  }
0xa5: {  	[tilespmem:s20], [sflag:$0x2] =	stream.indirect.gather [hbm4b:s4+s19], $0x40, s15, s19, $0xb8;
	[tilespmem:$0x14800] =	vst v63  }
0xa6: {  	_ =	swait.ge [sflag:s21], $0x4000  }
0xa7: {  	[sflag:s21] =	ssyncset.done $0x0  }
0xa8: {  	s15 =	simm.s32 $0x2000;
	[sflag:s21] =	ssyncadd.s32 $0xFFFFC000  }
0xa9: {  	[spmem:s1] =	stream.indirect.scatter.add.f32 [tilespmem:s16], [sflag:$0x3], $0x40, s15, s19, $0xb8;
	[tilespmem:$0x14800] =	vst v63  }
0xaa: {  	_ =	swait.ge [sflag:s17], $0x4000  }
0xab: {  	[sflag:s17] =	ssyncset.done $0x0  }
0xac: {  	s15 =	simm.s32 $0xE00;
	[sflag:s17] =	ssyncadd.s32 $0xFFFFC000  }
0xad: {  	[tilespmem:s16], [sflag:$0x1] =	stream.indirect.gather [hbm4b:s4+s19], $0x40, s15, s19, $0xb8;
	[tilespmem:$0x14800] =	vst v63  }
0xae: {  	_ =	swait.ge [sflag:s23], $0x4000  }
0xaf: {  	[sflag:s23] =	ssyncset.done $0x0  }
0xb0: {  	s15 =	simm.s32 $0x2100;
	[sflag:s23] =	ssyncadd.s32 $0xFFFFC000  }
0xb1: {  	[spmem:s1] =	stream.indirect.scatter.add.f32 [tilespmem:s20], [sflag:$0x3], $0x40, s15, s19, $0xb8;
	[tilespmem:$0x14800] =	vst v63  }
0xb2: {  	_ =	swait.ge [sflag:s17], $0x4000  }
0xb3: {  	[sflag:s17] =	ssyncset.done $0x0  }
0xb4: {  	s15 =	simm.s32 $0xF00;
	[sflag:s17] =	ssyncadd.s32 $0xFFFFC000  }
0xb5: {  	[tilespmem:s20], [sflag:$0x2] =	stream.indirect.gather [hbm4b:s4+s19], $0x40, s15, s19, $0xb8;
	[tilespmem:$0x14800] =	vst v63  }
0xb6: {  	_ =	swait.ge [sflag:s21], $0x4000  }
0xb7: {  	[sflag:s21] =	ssyncset.done $0x0  }
0xb8: {  	s15 =	simm.s32 $0x2200;
	[sflag:s21] =	ssyncadd.s32 $0xFFFFC000  }
0xb9: {  	[spmem:s1] =	stream.indirect.scatter.add.f32 [tilespmem:s16], [sflag:$0x3], $0x40, s15, s19, $0xb8;
	[tilespmem:$0x14800] =	vst v63  }
0xba: {  	_ =	swait.ge [sflag:s17], $0x4000  }
0xbb: {  	[sflag:s17] =	ssyncset.done $0x0  }
0xbc: {  	s15 =	simm.s32 $0x1000;
	[sflag:s17] =	ssyncadd.s32 $0xFFFFC000  }
0xbd: {  	[tilespmem:s16], [sflag:$0x1] =	stream.indirect.gather [hbm4b:s4+s19], $0x40, s15, s19, $0xb8;
	[tilespmem:$0x14800] =	vst v63  }
0xbe: {  	_ =	swait.ge [sflag:s23], $0x4000  }
0xbf: {  	[sflag:s23] =	ssyncset.done $0x0  }
0xc0: {  	s15 =	simm.s32 $0x2300;
	[sflag:s23] =	ssyncadd.s32 $0xFFFFC000  }
0xc1: {  	[spmem:s1] =	stream.indirect.scatter.add.f32 [tilespmem:s20], [sflag:$0x3], $0x40, s15, s19, $0xb8;
	[tilespmem:$0x14800] =	vst v63  }
0xc2: {  	_ =	swait.ge [sflag:s17], $0x4000  }
0xc3: {  	[sflag:s17] =	ssyncset.done $0x0  }
0xc4: {  	s15 =	simm.s32 $0x1100;
	[sflag:s17] =	ssyncadd.s32 $0xFFFFC000  }
0xc5: {  	[tilespmem:s20], [sflag:$0x2] =	stream.indirect.gather [hbm4b:s4+s19], $0x40, s15, s19, $0xb8;
	[tilespmem:$0x14800] =	vst v63  }
0xc6: {  	_ =	swait.ge [sflag:s21], $0x4000  }
0xc7: {  	[sflag:s21] =	ssyncset.done $0x0  }
0xc8: {  	s15 =	simm.s32 $0x2400;
	[sflag:s21] =	ssyncadd.s32 $0xFFFFC000  }
0xc9: {  	[spmem:s1] =	stream.indirect.scatter.add.f32 [tilespmem:s16], [sflag:$0x3], $0x40, s15, s19, $0xb8;
	[tilespmem:$0x14800] =	vst v63  }
0xca: {  	_ =	swait.ge [sflag:s17], $0x4000  }
0xcb: {  	[sflag:s17] =	ssyncset.done $0x0  }
0xcc: {  	s15 =	simm.s32 $0x1200;
	[sflag:s17] =	ssyncadd.s32 $0xFFFFC000  }
0xcd: {  	[tilespmem:s16], [sflag:$0x1] =	stream.indirect.gather [hbm4b:s4+s19], $0x40, s15, s19, $0xb8;
	[tilespmem:$0x14800] =	vst v63  }
0xce: {  	_ =	swait.ge [sflag:s23], $0x4000  }
0xcf: {  	[sflag:s23] =	ssyncset.done $0x0  }
0xd0: {  	s15 =	simm.s32 $0x2500;
	[sflag:s23] =	ssyncadd.s32 $0xFFFFC000  }
0xd1: {  	[spmem:s1] =	stream.indirect.scatter.add.f32 [tilespmem:s20], [sflag:$0x3], $0x40, s15, s19, $0xb8;
	[tilespmem:$0x14800] =	vst v63  }
0xd2: {  	_ =	swait.ge [sflag:s17], $0x4000  }
0xd3: {  	[sflag:s17] =	ssyncset.done $0x0  }
0xd4: {  	s15 =	simm.s32 $0x1300;
	[sflag:s17] =	ssyncadd.s32 $0xFFFFC000  }
0xd5: {  	[tilespmem:s20], [sflag:$0x2] =	stream.indirect.gather [hbm4b:s4+s19], $0x40, s15, s19, $0xb8;
	[tilespmem:$0x14800] =	vst v63  }
0xd6: {  	_ =	swait.ge [sflag:s21], $0x4000  }
0xd7: {  	[sflag:s21] =	ssyncset.done $0x0  }
0xd8: {  	s15 =	simm.s32 $0x2600;
	[sflag:s21] =	ssyncadd.s32 $0xFFFFC000  }
0xd9: {  	[spmem:s1] =	stream.indirect.scatter.add.f32 [tilespmem:s16], [sflag:$0x3], $0x40, s15, s19, $0xb8;
	[tilespmem:$0x14800] =	vst v63  }
0xda: {  	_ =	swait.ge [sflag:s17], $0x4000  }
0xdb: {  	[sflag:s17] =	ssyncset.done $0x0  }
0xdc: {  	[sflag:s17] =	ssyncadd.s32 $0xFFFFC000  }
0xdd: {  	_ =	swait.ge [sflag:s23], $0x4000  }
0xde: {  	[sflag:s23] =	ssyncset.done $0x0  }
0xdf: {  	s15 =	simm.s32 $0x2700;
	[sflag:s23] =	ssyncadd.s32 $0xFFFFC000  }
0xe0: {  	[spmem:s1] =	stream.indirect.scatter.add.f32 [tilespmem:s20], [sflag:$0x3], $0x40, s15, s19, $0xb8;
	[tilespmem:$0x14800] =	vst v63  }
0xe1: {  	_ =	swait.ge [sflag:s17], $0x4000  }
0xe2: {  	[sflag:s17] =	ssyncset.done $0x0  }
0xe3: {  	s15 =	rddreg [dreg:$0x5];
	[sflag:s17] =	ssyncadd.s32 $0xFFFFC000  }
0xe4: {  	[tilespmem:s0], [sflag:$0x3] =	stream.linear.gather [hbm4b:s15+s0], $0x1400, $0x38;
	[tilespmem:$0x14800] =	vst v63  }
0xe5: {  	_ =	swait.ge [sflag:s17], $0x1400  }
0xe6: {  	[sflag:s17] =	ssyncset.done $0x0  }
0xe7: {  	s15 =	rddreg [dreg:$0x6];
	[sflag:s17] =	ssyncadd.s32 $0xFFFFEC00  }
0xe8: {  	[tilespmem:s3], [sflag:$0x3] =	stream.linear.gather [hbm4b:s15+s0], $0x1400, $0x38;
	[tilespmem:$0x14800] =	vst v63  }
0xe9: {  	_ =	swait.ge [sflag:s17], $0x1400  }
0xea: {  	[sflag:s17] =	ssyncset.done $0x0  }
0xeb: {  	[sflag:s17] =	ssyncadd.s32 $0xFFFFEC00  }
0xec: {  	[tilespmem:s16], [sflag:$0x1] =	stream.indirect.gather [hbm4b:s4+s19], $0x40, s0, s19, $0xb8;
	[tilespmem:$0x14800] =	vst v63  }
0xed: {  	_ = 	snop  }
0xee: {  	[tilespmem:s20], [sflag:$0x2] =	stream.indirect.gather [hbm4b:s4+s19], $0x40, s19, s19, $0xb8;
	[tilespmem:$0x14800] =	vst v63  }
0xef: {  	_ =	swait.ge [sflag:s21], $0x4000  }
0xf0: {  	[sflag:s21] =	ssyncset.done $0x0  }
0xf1: {  	[sflag:s21] =	ssyncadd.s32 $0xFFFFC000  }
0xf2: {  	[spmem:s1] =	stream.indirect.scatter.add.f32 [tilespmem:s16], [sflag:$0x3], $0x40, s3, s19, $0xb8;
	[tilespmem:$0x14800] =	vst v63  }
0xf3: {  	_ =	swait.ge [sflag:s17], $0x4000  }
0xf4: {  	[sflag:s17] =	ssyncset.done $0x0  }
0xf5: {  	[sflag:s17] =	ssyncadd.s32 $0xFFFFC000  }
0xf6: {  	[tilespmem:s16], [sflag:$0x1] =	stream.indirect.gather [hbm4b:s4+s19], $0x40, s22, s19, $0xb8;
	[tilespmem:$0x14800] =	vst v63  }
0xf7: {  	_ =	swait.ge [sflag:s23], $0x4000  }
0xf8: {  	[sflag:s23] =	ssyncset.done $0x0  }
0xf9: {  	[sflag:s23] =	ssyncadd.s32 $0xFFFFC000  }
0xfa: {  	[spmem:s1] =	stream.indirect.scatter.add.f32 [tilespmem:s20], [sflag:$0x3], $0x40, s24, s19, $0xb8;
	[tilespmem:$0x14800] =	vst v63  }
0xfb: {  	_ =	swait.ge [sflag:s17], $0x4000  }
0xfc: {  	[sflag:s17] =	ssyncset.done $0x0  }
0xfd: {  	[sflag:s17] =	ssyncadd.s32 $0xFFFFC000  }
0xfe: {  	[tilespmem:s20], [sflag:$0x2] =	stream.indirect.gather [hbm4b:s4+s19], $0x40, s26, s19, $0xb8;
	[tilespmem:$0x14800] =	vst v63  }
0xff: {  	_ =	swait.ge [sflag:s21], $0x4000  }
0x100: {  	[sflag:s21] =	ssyncset.done $0x0  }
0x101: {  	[sflag:s21] =	ssyncadd.s32 $0xFFFFC000  }
0x102: {  	[spmem:s1] =	stream.indirect.scatter.add.f32 [tilespmem:s16], [sflag:$0x3], $0x40, s28, s19, $0xb8;
	[tilespmem:$0x14800] =	vst v63  }
0x103: {  	_ =	swait.ge [sflag:s17], $0x4000  }
0x104: {  	[sflag:s17] =	ssyncset.done $0x0  }
0x105: {  	[sflag:s17] =	ssyncadd.s32 $0xFFFFC000  }
0x106: {  	[tilespmem:s16], [sflag:$0x1] =	stream.indirect.gather [hbm4b:s4+s19], $0x40, s29, s19, $0xb8;
	[tilespmem:$0x14800] =	vst v63  }
0x107: {  	_ =	swait.ge [sflag:s23], $0x4000  }
0x108: {  	[sflag:s23] =	ssyncset.done $0x0  }
0x109: {  	[sflag:s23] =	ssyncadd.s32 $0xFFFFC000  }
0x10a: {  	[spmem:s1] =	stream.indirect.scatter.add.f32 [tilespmem:s20], [sflag:$0x3], $0x40, s30, s19, $0xb8;
	[tilespmem:$0x14800] =	vst v63  }
0x10b: {  	_ =	swait.ge [sflag:s17], $0x4000  }
0x10c: {  	[sflag:s17] =	ssyncset.done $0x0  }
0x10d: {  	[sflag:s17] =	ssyncadd.s32 $0xFFFFC000  }
0x10e: {  	[tilespmem:s20], [sflag:$0x2] =	stream.indirect.gather [hbm4b:s4+s19], $0x40, s31, s19, $0xb8;
	[tilespmem:$0x14800] =	vst v63  }
0x10f: {  	_ =	swait.ge [sflag:s21], $0x4000  }
0x110: {  	[sflag:s21] =	ssyncset.done $0x0  }
0x111: {  	s15 =	simm.s32 $0x1800;
	[sflag:s21] =	ssyncadd.s32 $0xFFFFC000  }
0x112: {  	[spmem:s1] =	stream.indirect.scatter.add.f32 [tilespmem:s16], [sflag:$0x3], $0x40, s15, s19, $0xb8;
	[tilespmem:$0x14800] =	vst v63  }
0x113: {  	_ =	swait.ge [sflag:s17], $0x4000  }
0x114: {  	[sflag:s17] =	ssyncset.done $0x0  }
0x115: {  	[sflag:s17] =	ssyncadd.s32 $0xFFFFC000  }
0x116: {  	[tilespmem:s16], [sflag:$0x1] =	stream.indirect.gather [hbm4b:s4+s19], $0x40, s25, s19, $0xb8;
	[tilespmem:$0x14800] =	vst v63  }
0x117: {  	_ =	swait.ge [sflag:s23], $0x4000  }
0x118: {  	[sflag:s23] =	ssyncset.done $0x0  }
0x119: {  	[sflag:s23] =	ssyncadd.s32 $0xFFFFC000  }
0x11a: {  	[spmem:s1] =	stream.indirect.scatter.add.f32 [tilespmem:s20], [sflag:$0x3], $0x40, s2, s19, $0xb8;
	[tilespmem:$0x14800] =	vst v63  }
0x11b: {  	_ =	swait.ge [sflag:s17], $0x4000  }
0x11c: {  	[sflag:s17] =	ssyncset.done $0x0  }
0x11d: {  	[sflag:s17] =	ssyncadd.s32 $0xFFFFC000  }
0x11e: {  	[tilespmem:s20], [sflag:$0x2] =	stream.indirect.gather [hbm4b:s4+s19], $0x40, s6, s19, $0xb8;
	[tilespmem:$0x14800] =	vst v63  }
0x11f: {  	_ =	swait.ge [sflag:s21], $0x4000  }
0x120: {  	[sflag:s21] =	ssyncset.done $0x0  }
0x121: {  	[sflag:s21] =	ssyncadd.s32 $0xFFFFC000  }
0x122: {  	[spmem:s1] =	stream.indirect.scatter.add.f32 [tilespmem:s16], [sflag:$0x3], $0x40, s7, s19, $0xb8;
	[tilespmem:$0x14800] =	vst v63  }
0x123: {  	_ =	swait.ge [sflag:s17], $0x4000  }
0x124: {  	[sflag:s17] =	ssyncset.done $0x0  }
0x125: {  	[sflag:s17] =	ssyncadd.s32 $0xFFFFC000  }
0x126: {  	[tilespmem:s16], [sflag:$0x1] =	stream.indirect.gather [hbm4b:s4+s19], $0x40, s8, s19, $0xb8;
	[tilespmem:$0x14800] =	vst v63  }
0x127: {  	_ =	swait.ge [sflag:s23], $0x4000  }
0x128: {  	[sflag:s23] =	ssyncset.done $0x0  }
0x129: {  	[sflag:s23] =	ssyncadd.s32 $0xFFFFC000  }
0x12a: {  	[spmem:s1] =	stream.indirect.scatter.add.f32 [tilespmem:s20], [sflag:$0x3], $0x40, s9, s19, $0xb8;
	[tilespmem:$0x14800] =	vst v63  }
0x12b: {  	_ =	swait.ge [sflag:s17], $0x4000  }
0x12c: {  	[sflag:s17] =	ssyncset.done $0x0  }
0x12d: {  	[sflag:s17] =	ssyncadd.s32 $0xFFFFC000  }
0x12e: {  	[tilespmem:s20], [sflag:$0x2] =	stream.indirect.gather [hbm4b:s4+s19], $0x40, s10, s19, $0xb8;
	[tilespmem:$0x14800] =	vst v63  }
0x12f: {  	_ =	swait.ge [sflag:s21], $0x4000  }
0x130: {  	[sflag:s21] =	ssyncset.done $0x0  }
0x131: {  	[sflag:s21] =	ssyncadd.s32 $0xFFFFC000  }
0x132: {  	[spmem:s1] =	stream.indirect.scatter.add.f32 [tilespmem:s16], [sflag:$0x3], $0x40, s11, s19, $0xb8;
	[tilespmem:$0x14800] =	vst v63  }
0x133: {  	_ =	swait.ge [sflag:s17], $0x4000  }
0x134: {  	[sflag:s17] =	ssyncset.done $0x0  }
0x135: {  	[sflag:s17] =	ssyncadd.s32 $0xFFFFC000  }
0x136: {  	[tilespmem:s16], [sflag:$0x1] =	stream.indirect.gather [hbm4b:s4+s19], $0x40, s12, s19, $0xb8;
	[tilespmem:$0x14800] =	vst v63  }
0x137: {  	_ =	swait.ge [sflag:s23], $0x4000  }
0x138: {  	[sflag:s23] =	ssyncset.done $0x0  }
0x139: {  	[sflag:s23] =	ssyncadd.s32 $0xFFFFC000  }
0x13a: {  	[spmem:s1] =	stream.indirect.scatter.add.f32 [tilespmem:s20], [sflag:$0x3], $0x40, s13, s19, $0xb8;
	[tilespmem:$0x14800] =	vst v63  }
0x13b: {  	_ =	swait.ge [sflag:s17], $0x4000  }
0x13c: {  	[sflag:s17] =	ssyncset.done $0x0  }
0x13d: {  	[sflag:s17] =	ssyncadd.s32 $0xFFFFC000  }
0x13e: {  	[tilespmem:s20], [sflag:$0x2] =	stream.indirect.gather [hbm4b:s4+s19], $0x40, s5, s19, $0xb8;
	[tilespmem:$0x14800] =	vst v63  }
0x13f: {  	_ =	swait.ge [sflag:s21], $0x4000  }
0x140: {  	[sflag:s21] =	ssyncset.done $0x0  }
0x141: {  	[sflag:s21] =	ssyncadd.s32 $0xFFFFC000  }
0x142: {  	[spmem:s1] =	stream.indirect.scatter.add.f32 [tilespmem:s16], [sflag:$0x3], $0x40, s18, s19, $0xb8;
	[tilespmem:$0x14800] =	vst v63  }
0x143: {  	_ =	swait.ge [sflag:s17], $0x4000  }
0x144: {  	[sflag:s17] =	ssyncset.done $0x0  }
0x145: {  	s22 =	simm.s32 $0xC00;
	[sflag:s17] =	ssyncadd.s32 $0xFFFFC000  }
0x146: {  	[tilespmem:s16], [sflag:$0x1] =	stream.indirect.gather [hbm4b:s4+s19], $0x40, s22, s19, $0xb8;
	[tilespmem:$0x14800] =	vst v63  }
0x147: {  	_ =	swait.ge [sflag:s23], $0x4000  }
0x148: {  	[sflag:s23] =	ssyncset.done $0x0  }
0x149: {  	s24 =	simm.s32 $0x1F00;
	[sflag:s23] =	ssyncadd.s32 $0xFFFFC000  }
0x14a: {  	[spmem:s1] =	stream.indirect.scatter.add.f32 [tilespmem:s20], [sflag:$0x3], $0x40, s24, s19, $0xb8;
	[tilespmem:$0x14800] =	vst v63  }
0x14b: {  	_ =	swait.ge [sflag:s17], $0x4000  }
0x14c: {  	[sflag:s17] =	ssyncset.done $0x0  }
0x14d: {  	s2 =	simm.s32 $0xD00;
	[sflag:s17] =	ssyncadd.s32 $0xFFFFC000  }
0x14e: {  	[tilespmem:s20], [sflag:$0x2] =	stream.indirect.gather [hbm4b:s4+s19], $0x40, s2, s19, $0xb8;
	[tilespmem:$0x14800] =	vst v63  }
0x14f: {  	_ =	swait.ge [sflag:s21], $0x4000  }
0x150: {  	[sflag:s21] =	ssyncset.done $0x0  }
0x151: {  	s15 =	simm.s32 $0x2000;
	[sflag:s21] =	ssyncadd.s32 $0xFFFFC000  }
0x152: {  	[spmem:s1] =	stream.indirect.scatter.add.f32 [tilespmem:s16], [sflag:$0x3], $0x40, s15, s19, $0xb8;
	[tilespmem:$0x14800] =	vst v63  }
0x153: {  	_ =	swait.ge [sflag:s17], $0x4000  }
0x154: {  	[sflag:s17] =	ssyncset.done $0x0  }
0x155: {  	s22 =	simm.s32 $0xE00;
	[sflag:s17] =	ssyncadd.s32 $0xFFFFC000  }
0x156: {  	[tilespmem:s16], [sflag:$0x1] =	stream.indirect.gather [hbm4b:s4+s19], $0x40, s22, s19, $0xb8;
	[tilespmem:$0x14800] =	vst v63  }
0x157: {  	_ =	swait.ge [sflag:s23], $0x4000  }
0x158: {  	[sflag:s23] =	ssyncset.done $0x0  }
0x159: {  	s24 =	simm.s32 $0x2100;
	[sflag:s23] =	ssyncadd.s32 $0xFFFFC000  }
0x15a: {  	[spmem:s1] =	stream.indirect.scatter.add.f32 [tilespmem:s20], [sflag:$0x3], $0x40, s24, s19, $0xb8;
	[tilespmem:$0x14800] =	vst v63  }
0x15b: {  	_ =	swait.ge [sflag:s17], $0x4000  }
0x15c: {  	[sflag:s17] =	ssyncset.done $0x0  }
0x15d: {  	s2 =	simm.s32 $0xF00;
	[sflag:s17] =	ssyncadd.s32 $0xFFFFC000  }
0x15e: {  	[tilespmem:s20], [sflag:$0x2] =	stream.indirect.gather [hbm4b:s4+s19], $0x40, s2, s19, $0xb8;
	[tilespmem:$0x14800] =	vst v63  }
0x15f: {  	_ =	swait.ge [sflag:s21], $0x4000  }
0x160: {  	[sflag:s21] =	ssyncset.done $0x0  }
0x161: {  	s15 =	simm.s32 $0x2200;
	[sflag:s21] =	ssyncadd.s32 $0xFFFFC000  }
0x162: {  	[spmem:s1] =	stream.indirect.scatter.add.f32 [tilespmem:s16], [sflag:$0x3], $0x40, s15, s19, $0xb8;
	[tilespmem:$0x14800] =	vst v63  }
0x163: {  	_ =	swait.ge [sflag:s17], $0x4000  }
0x164: {  	[sflag:s17] =	ssyncset.done $0x0  }
0x165: {  	s22 =	simm.s32 $0x1000;
	[sflag:s17] =	ssyncadd.s32 $0xFFFFC000  }
0x166: {  	[tilespmem:s16], [sflag:$0x1] =	stream.indirect.gather [hbm4b:s4+s19], $0x40, s22, s19, $0xb8;
	[tilespmem:$0x14800] =	vst v63  }
0x167: {  	_ =	swait.ge [sflag:s23], $0x4000  }
0x168: {  	[sflag:s23] =	ssyncset.done $0x0  }
0x169: {  	s24 =	simm.s32 $0x2300;
	[sflag:s23] =	ssyncadd.s32 $0xFFFFC000  }
0x16a: {  	[spmem:s1] =	stream.indirect.scatter.add.f32 [tilespmem:s20], [sflag:$0x3], $0x40, s24, s19, $0xb8;
	[tilespmem:$0x14800] =	vst v63  }
0x16b: {  	_ =	swait.ge [sflag:s17], $0x4000  }
0x16c: {  	[sflag:s17] =	ssyncset.done $0x0  }
0x16d: {  	s2 =	simm.s32 $0x1100;
	[sflag:s17] =	ssyncadd.s32 $0xFFFFC000  }
0x16e: {  	[tilespmem:s20], [sflag:$0x2] =	stream.indirect.gather [hbm4b:s4+s19], $0x40, s2, s19, $0xb8;
	[tilespmem:$0x14800] =	vst v63  }
0x16f: {  	_ =	swait.ge [sflag:s21], $0x4000  }
0x170: {  	[sflag:s21] =	ssyncset.done $0x0  }
0x171: {  	s15 =	simm.s32 $0x2400;
	[sflag:s21] =	ssyncadd.s32 $0xFFFFC000  }
0x172: {  	[spmem:s1] =	stream.indirect.scatter.add.f32 [tilespmem:s16], [sflag:$0x3], $0x40, s15, s19, $0xb8;
	[tilespmem:$0x14800] =	vst v63  }
0x173: {  	_ =	swait.ge [sflag:s17], $0x4000  }
0x174: {  	[sflag:s17] =	ssyncset.done $0x0  }
0x175: {  	s22 =	simm.s32 $0x1200;
	[sflag:s17] =	ssyncadd.s32 $0xFFFFC000  }
0x176: {  	[tilespmem:s16], [sflag:$0x1] =	stream.indirect.gather [hbm4b:s4+s19], $0x40, s22, s19, $0xb8;
	[tilespmem:$0x14800] =	vst v63  }
0x177: {  	_ =	swait.ge [sflag:s23], $0x4000  }
0x178: {  	[sflag:s23] =	ssyncset.done $0x0  }
0x179: {  	s24 =	simm.s32 $0x2500;
	[sflag:s23] =	ssyncadd.s32 $0xFFFFC000  }
0x17a: {  	[spmem:s1] =	stream.indirect.scatter.add.f32 [tilespmem:s20], [sflag:$0x3], $0x40, s24, s19, $0xb8;
	[tilespmem:$0x14800] =	vst v63  }
0x17b: {  	_ =	swait.ge [sflag:s17], $0x4000  }
0x17c: {  	[sflag:s17] =	ssyncset.done $0x0  }
0x17d: {  	s2 =	simm.s32 $0x1300;
	[sflag:s17] =	ssyncadd.s32 $0xFFFFC000  }
0x17e: {  	[tilespmem:s20], [sflag:$0x2] =	stream.indirect.gather [hbm4b:s4+s19], $0x40, s2, s19, $0xb8;
	[tilespmem:$0x14800] =	vst v63  }
0x17f: {  	_ =	swait.ge [sflag:s21], $0x4000  }
0x180: {  	[sflag:s21] =	ssyncset.done $0x0  }
0x181: {  	s15 =	simm.s32 $0x2600;
	[sflag:s21] =	ssyncadd.s32 $0xFFFFC000  }
0x182: {  	[spmem:s1] =	stream.indirect.scatter.add.f32 [tilespmem:s16], [sflag:$0x3], $0x40, s15, s19, $0xb8;
	[tilespmem:$0x14800] =	vst v63  }
0x183: {  	_ =	swait.ge [sflag:s17], $0x4000  }
0x184: {  	[sflag:s17] =	ssyncset.done $0x0  }
0x185: {  	[sflag:s17] =	ssyncadd.s32 $0xFFFFC000  }
0x186: {  	_ =	swait.ge [sflag:s23], $0x4000  }
0x187: {  	[sflag:s23] =	ssyncset.done $0x0  }
0x188: {  	s22 =	simm.s32 $0x2700;
	[sflag:s23] =	ssyncadd.s32 $0xFFFFC000  }
0x189: {  	[spmem:s1] =	stream.indirect.scatter.add.f32 [tilespmem:s20], [sflag:$0x3], $0x40, s22, s19, $0xb8;
	[tilespmem:$0x14800] =	vst v63  }
0x18a: {  	_ =	swait.ge [sflag:s17], $0x4000  }
0x18b: {  	[sflag:s17] =	ssyncset.done $0x0  }
0x18c: {  	[sflag:s17] =	ssyncadd.s32 $0xFFFFC000  }
0x18d: {  	s24 =	stileid.u32;
	[bflag:$0x0] =	sbarrier.arrive $0xFFFF  }
0x18e: {  	s15 =	sshll.u32 s24, $0x6;
	s0 =	rddreg [dreg:$0x7]  }
0x18f: {  	s15 =	sor.u32 $0x1C03, s15;
	s2 =	rddreg [dreg:$0xd]  }
0x190: {  	[hbm:s0], [sflag:s15] =	dma.local [spmem:s2], $0x1400  }
0x191: {  	_ =	swait.ge [sflag:s17], $0x1400  }
0x192: {  	s14 =	sadd.s32 $0x1, s14;
	s24 =	rddreg [dreg:$0x8]  }
0x193: {  	p0 =	sne.s32 s14, s24  }
.Ltmp1:
0x194: {  	_ = 	snop;
	(pc) =	sbr.rel @p0 .LBB2_1-.Ltmp1, $3  }
0x195: {  	_ =	sdelay $0x1  }
0x196: {  	[sflag:s17] =	ssyncset.done $0x0  }
0x197: {  	[sflag:s17] =	ssyncadd.s32 $0xFFFFEC00  }
0x198: {  	_ =	sfence.sel $0x180000  }
0x199: {  	[bflag:$0x0] =	sbarrier.arrive $0xFFFF  }
0x19a: {  	_ =	strace $0x9000004D  }
0x19b: {  	s0 =	stileid.u32;
	[bflag:$0x2] =	sbarrier.arrive $0xFFFF  }
0x19c: {  	p0 =	sne.s32 s0, $0x0;
	s0 =	rddreg [dreg:$0x2]  }
0x19d: {  	s0 =	sadd.s32 @!p0 $0x100000, s0  }
0x19e: {  	[sflag:s0] =	ssyncadd.tile.s32 @!p0 $0x1;
	_ =	shalt  }
.Lfunc_end2:
_tile_overlayer_lowered:
.L_overlay_start_2:
0x19f: {  	(tag) =	ssettag $0x2  }
0x1a0: {  	s0 =	rddreg [dreg:$0x0];
	s2 =	stileid.u32  }
0x1a1: {  	s1 =	rddreg [dreg:$0x1];
	p0 =	sne.s32 s2, $0x0  }
0x1a2: {  	s3 =	rddreg [dreg:$0x2];
	[bflag:$0x3] =	sbarrier.arrive $0xFFFF;
	s2 =	simm.s32 @!p0 $0x1C03  }
0x1a3: {  	[timem:s3], [sflag:s2] =	dma.local @!p0 [hbm:s0], s1  }
0x1a4: {  	s0 =	simm.s32 @!p0 $0x3  }
0x1a5: {  	_ =	swait.ge @!p0 [sflag:s0], s1  }
0x1a6: {  	s1 =	ssub.s32 @!p0 $0x0, s1;
	[sflag:s0] =	ssyncset.done @!p0 $0x0  }
0x1a7: {  	[sflag:s0] =	ssyncadd.s32 @!p0 s1  }
0x1a8: {  	[bflag:$0x3] =	sbarrier.arrive $0xFFFF  }
0x1a9: {  	_ =	shalt  }

// kernel: kernel.20.cloned.1.call-start
scs
__scs_entry_jumppad:
0x0: {  	(pc) =	sbr.rel $0x88, $3  }
0x1: {  	(tag) =	ssettag $0x0;
	lr =	simm.s32 $0x1  }
0x2: {  	[smem:$0x3F95] =	sst lr;
	_ =	strace $0xD0000000  }
0x3: {  	_ = 	snop  }
0x4: {  	_ = 	snop  }
0x5: {  	_ = 	snop  }
0x6: {  	_ = 	snop  }
0x7: {  	_ = 	snop  }
__scs_overlays_trampoline_lowered:
0x8: {  	[smem:$0x3FA4] =	sst s0  }
0x9: {  	[smem:$0x3FA5] =	sst s1  }
0xa: {  	[smem:$0x3FA6] =	sst s2  }
0xb: {  	[smem:$0x3FA7] =	sst s3  }
0xc: {  	[smem:$0x3FA8] =	sst s4  }
0xd: {  	[smem:$0x3FA9] =	sst s5  }
0xe: {  	[smem:$0x3FAA] =	sst s6  }
0xf: {  	[smem:$0x3FAB] =	sst s7  }
0x10: {  	[smem:$0x3FAC] =	sst s8  }
0x11: {  	[smem:$0x3FAD] =	sst s9;
	s0 =	simm.s32 @!p0 $0x0  }
0x12: {  	s1 =	sld [smem:$0x3F93];
	s0 =	simm.s32 @p0 $0x1  }
0x13: {  	[smem:$0x3FAE] =	sst s0;
	s0 =	simm.s32 @!p1 $0x0  }
0x14: {  	s2 =	sld [smem:$0x3F92];
	s0 =	simm.s32 @p1 $0x1  }
0x15: {  	[smem:$0x3FAF] =	sst s0;
	s0 =	simm.s32 @!p2 $0x0  }
0x16: {  	s3 =	sld [smem:$0x3FDB];
	s0 =	simm.s32 @p2 $0x1  }
0x17: {  	s4 =	simm.s32 $0x1BF5;
	[smem:$0x3FB1] =	sst s0  }
0x18: {  	s0 =	sld [smem:$0x3F94];
	_ =	swait.ge [sflag:s4], $0x0  }
0x19: {  	s7 =	sld [smem:$0x3F95]  }
0x1a: {  	s8 =	sadd.s32 $0xFFFFE003, lr  }
0x1b: {  	s9 =	sadd.s32 $0xFFFFFEF7, lr;
	s5 =	simm.s32 $0xFFFFFFFF;
	p2 =	slt.u32 s8, $0xFFFFF086  }
0x1c: {  	p1 =	slt.u32 s9, $0xF7A;
	s5 =	simm.s32 @!p2 $0x0  }
0x1d: {  	s5 =	simm.s32 @p1 $0x1;
	p0 =	seq.s32 s7, s2  }
0x1e: {  	s7 =	smul.u32 @!p0 $0xF7A, s2;
	p2 =	seq.s32 @!p0 s5, $0x0  }
0x1f: {  	s9 =	smul.u32 $0xF7A, s1;
	s8 =	simm.s32 @!p0 $0x1BF5;
	p2 =	por !p2, p0  }
0x20: {  	[sflag:s8] =	ssyncset.s32 @!p0 $0xFFFFF086;
	s6 =	sadd.s32 @!p0 s3, s7;
	s7 =	simm.s32 @!p0 $0x108  }
0x21: {  	s3 =	sadd.s32 s3, s9;
	s6 =	sadd.s32 @!p0 $0x88, s6;
	s7 =	simm.s32 @p2 $0x1082  }
0x22: {  	[simem:s7], [sflag:s8] =	dma.local @!p0 [hbm:s6], $0xF7A  }
0x23: {  	s9 =	sor.u32 $0xD0000000, s2;
	s6 =	simm.s32 $0x108;
	_ =	swait.ge @!p0 [sflag:s8], $0x0  }
0x24: {  	s3 =	sadd.s32 $0x88, s3;
	s6 =	simm.s32 @!p1 $0x1082;
	[sflag:s4] =	ssyncset.s32 $0xFFFFF086  }
0x25: {  	[simem:s6], [sflag:s4] =	dma.local [hbm:s3], $0xF7A  }
0x26: {  	[smem:$0x3F95] =	sst s1;
	(tag) =	ssettag s2;
	_ =	strace s9  }
0x27: {  	s1 =	sld [smem:$0x3FA5]  }
0x28: {  	s2 =	sld [smem:$0x3FA6]  }
0x29: {  	s4 =	sld [smem:$0x3FA8]  }
0x2a: {  	p0 =	seq.s32 s5, $0x0;
	s5 =	sld [smem:$0x3FA9]  }
0x2b: {  	s6 =	sld [smem:$0x3FAA]  }
0x2c: {  	s7 =	sld [smem:$0x3FAB]  }
0x2d: {  	s3 =	simm.s32 $0x108;
	s8 =	sld [smem:$0x3FAC]  }
0x2e: {  	s3 =	simm.s32 @!p0 $0x1082;
	s9 =	sld [smem:$0x3FAD]  }
0x2f: {  	lr =	sadd.s32 s0, s3;
	s0 =	sld [smem:$0x3FA4]  }
0x30: {  	s3 =	sld [smem:$0x3FA7]  }
0x31: {  	[smem:$0x3FB0] =	sst s10  }
0x32: {  	s10 =	sld [smem:$0x3FAE];
	_ =	sdelay $0x3  }
0x33: {  	p0 =	seq.s32 s10, $0x1;
	s10 =	sld [smem:$0x3FB0];
	_ =	sdelay $0x3  }
0x34: {  	[smem:$0x3FB0] =	sst s10  }
0x35: {  	s10 =	sld [smem:$0x3FAF];
	_ =	sdelay $0x3  }
0x36: {  	p1 =	seq.s32 s10, $0x1;
	s10 =	sld [smem:$0x3FB0];
	_ =	sdelay $0x3  }
0x37: {  	[smem:$0x3FB0] =	sst s10  }
0x38: {  	s10 =	sld [smem:$0x3FB1]  }
0x39: {  	_ = 	snop;
	(pc) =	sbr.ind lr, $3  }
0x3a: {  	_ = 	snop  }
0x3b: {  	_ = 	snop  }
0x3c: {  	p2 =	seq.s32 s10, $0x1;
	s10 =	sld [smem:$0x3FB0]  }
0x3d: {  	_ =	shalt  }
0x3e: {  	_ =	shalt  }
0x3f: {  	_ =	shalt  }
0x40: {  	_ =	shalt  }
0x41: {  	_ =	shalt  }
0x42: {  	_ =	shalt  }
0x43: {  	_ =	shalt  }
0x44: {  	_ =	shalt  }
0x45: {  	_ =	shalt  }
0x46: {  	_ =	shalt  }
0x47: {  	_ =	shalt  }
0x48: {  	_ =	shalt  }
0x49: {  	_ =	shalt  }
0x4a: {  	_ =	shalt  }
0x4b: {  	_ =	shalt  }
0x4c: {  	_ =	shalt  }
0x4d: {  	_ =	shalt  }
0x4e: {  	_ =	shalt  }
0x4f: {  	_ =	shalt  }
0x50: {  	_ =	shalt  }
0x51: {  	_ =	shalt  }
0x52: {  	_ =	shalt  }
0x53: {  	_ =	shalt  }
0x54: {  	_ =	shalt  }
0x55: {  	_ =	shalt  }
0x56: {  	_ =	shalt  }
0x57: {  	_ =	shalt  }
0x58: {  	_ =	shalt  }
0x59: {  	_ =	shalt  }
0x5a: {  	_ =	shalt  }
0x5b: {  	_ =	shalt  }
0x5c: {  	_ =	shalt  }
0x5d: {  	_ =	shalt  }
0x5e: {  	_ =	shalt  }
0x5f: {  	_ =	shalt  }
0x60: {  	_ =	shalt  }
0x61: {  	_ =	shalt  }
0x62: {  	_ =	shalt  }
0x63: {  	_ =	shalt  }
0x64: {  	_ =	shalt  }
0x65: {  	_ =	shalt  }
0x66: {  	_ =	shalt  }
0x67: {  	_ =	shalt  }
0x68: {  	_ =	shalt  }
0x69: {  	_ =	shalt  }
0x6a: {  	_ =	shalt  }
0x6b: {  	_ =	shalt  }
0x6c: {  	_ =	shalt  }
0x6d: {  	_ =	shalt  }
0x6e: {  	_ =	shalt  }
0x6f: {  	_ =	shalt  }
0x70: {  	_ =	shalt  }
0x71: {  	_ =	shalt  }
0x72: {  	_ =	shalt  }
0x73: {  	_ =	shalt  }
0x74: {  	_ =	shalt  }
0x75: {  	_ =	shalt  }
0x76: {  	_ =	shalt  }
0x77: {  	_ =	shalt  }
0x78: {  	_ =	shalt  }
0x79: {  	_ =	shalt  }
0x7a: {  	_ =	shalt  }
0x7b: {  	_ =	shalt  }
0x7c: {  	_ =	shalt  }
0x7d: {  	_ =	shalt  }
0x7e: {  	_ =	shalt  }
0x7f: {  	_ =	shalt  }
0x80: {  	_ =	shalt  }
0x81: {  	_ =	shalt  }
0x82: {  	_ =	shalt  }
0x83: {  	_ =	shalt  }
0x84: {  	_ =	shalt  }
0x85: {  	_ =	shalt  }
0x86: {  	_ =	shalt  }
0x87: {  	_ =	shalt  }
.Lfunc_end0:
.L_simem_size_0:
called_computation.3_lowered:
.L_overlay_start_0:
0x88: {  	s2 =	sld [smem:$0x3FD9]  }
0x89: {  	s3 =	sld [smem:$0x3FFE];
	_ =	sdelay $0x1  }
0x8a: {  	s1 =	srdreg.scid  }
0x8b: {  	s0 =	sand.u32 $0x1, s1  }
0x8c: {  	s16 =	sshll.u32 s0, $0xA;
	s2 =	sadd.s32 s3, s2  }
0x8d: {  	s2 =	sadd.s32 s2, s16  }
0x8e: {  	[smem:$0x3FBC] =	sst s2  }
0x8f: {  	_ = 	snop  }
0x90: {  	(tm) =	ssettm $0x1  }
0x91: {  	s17 =	sld [smem:$0x3FFB];
	_ =	sdelay $0x3  }
0x92: {  	_ =	strace s17  }
0x93: {  	s2 =	sld [smem:$0x3FFC];
	_ =	sdelay $0x3  }
0x94: {  	_ =	strace s2  }
0x95: {  	s2 =	sld [smem:$0x3FFD];
	_ =	sdelay $0x3  }
0x96: {  	_ =	strace s2  }
0x97: {  	_ =	strace $0x8FFFFFFF  }
0x98: {  	s18 =	sld [smem:$0x3FDB];
	_ =	sdelay $0x1  }
0x99: {  	s19 =	simm.s32 $_scs_section_size  }
0x9a: {  	s4 =	simm.s32 $_size__tile_overlayer_lowered;
	s5 =	simm.s32 $_tile_overlayer_lowered  }
0x9b: {  	s22 =	simm.s32 $0x1BFF;
	s21 =	sshll.u32 s5, $0x1;
	s2 =	sadd.s32 s19, s18  }
0x9c: {  	s6 =	simm.s32 $0x0;
	s20 =	sshll.u32 s4, $0x1;
	s4 =	sadd.s32 s21, s2  }
0x9d: {  	[timem:s6], [sflag:s22] =	dma.local [hbm:s4], s20  }
0x9e: {  	_ =	swait.ge [sflag:s22], s20  }
0x9f: {  	s3 =	ssub.s32 $0x0, s20;
	[sflag:s22] =	ssyncset.done $0x0  }
0xa0: {  	[sflag:s22] =	ssyncadd.s32 s3;
	_ =	sdelay $0x1  }
0xa1: {  	s23 =	simm.s32 $0x1B8B  }
0xa2: {  	_ =	swait.ge [sflag:s23], $0x1  }
0xa3: {  	[sflag:s23] =	ssyncset.done $0x0  }
0xa4: {  	s25 =	simm.s32 $0x1B8E;
	s24 =	sld [smem:$0x3FFE];
	[sflag:s23] =	ssyncadd.s32 $0xFFFFFFFF  }
0xa5: {  	s26 =	simm.s32 $execute0_lowered;
	[smem:$0x3FD2] =	sst s25  }
0xa6: {  	s4 =	sshll.u32 s26, $0x1;
	_ =	strace $0x8000004F;
	[dreg:$0x1] =	wrdreg $0xFFFFFFFF  }
0xa7: {  	s28 =	simm.s32 $_size_execute0_lowered;
	s2 =	sadd.s32 s2, s4;
	[dreg:$0x0] =	wrdreg $0x0  }
0xa8: {  	s4 =	sshll.u32 s28, $0x1;
	[dreg:$0x2] =	wrdreg s2  }
0xa9: {  	[dreg:$0x3] =	wrdreg s4  }
0xaa: {  	[dreg:$0x4] =	wrdreg $0xC0  }
0xab: {  	_ =	task [dreg:s6], $0x5FFFF  }
0xac: {  	[dreg:$0x1] =	wrdreg $0xFFFFFFFF  }
0xad: {  	[dreg:$0x0] =	wrdreg $0x60  }
0xae: {  	[dreg:$0x2] =	wrdreg s24  }
0xaf: {  	[dreg:$0x3] =	wrdreg $0xA8800  }
0xb0: {  	[dreg:$0x4] =	wrdreg $0x9  }
0xb1: {  	_ =	task.clear_ibuf [dreg:s6], $0x5FFFF;
	_ =	strace $0x9000004F  }
0xb2: {  	s29 =	simm.s32 $0x9;
	_ =	strace $0x80000051  }
0xb3: {  	_ =	swait.ge [sflag:s29], $0x1  }
0xb4: {  	[sflag:s29] =	ssyncadd.s32 $0xFFFFFFFF  }
0xb5: {  	_ =	strace $0x90000051  }
0xb6: {  	_ =	sfence  }
0xb7: {  	s30 =	sld [smem:$0x0];
	_ =	sdelay $0x2  }
0xb8: {  	s31 =	sshll.u32 s1, $0xD;
	s1 =	sshrl.u32 s1, $0x2  }
0xb9: {  	s3 =	sand.u32 $0x4000, s31;
	s1 =	sadd.s32 s1, s30  }
0xba: {  	s0 =	sor.u32 s3, s0;
	s1 =	sshll.u32 s1, $0x11  }
0xbb: {  	s0 =	sor.u32 s1, s0  }
0xbc: {  	s0 =	sadd.s32 $0x8F2B, s0  }
0xbd: {  	[sflag:s0] =	ssyncadd.remote.s32 $0x1  }
0xbe: {  	_ =	sfence.sel $0xFFFF  }
0xbf: {  	[dreg:$0x0] =	wrdreg $0xFFFFFFFF;
	(pc) =	sbr.abs _section_cstart, $3  }
0xc0: {  	[dreg:$0x1] =	wrdreg $0xFFFFFFFF  }
0xc1: {  	_ =	task.clear_ibuf [dreg:s6], $0x2FFFF;
	_ =	strace $0x9FFFFFFF  }
0xc2: {  	(tm) =	ssettm $0x7FFFFFFF  }
0xc3: {  	_ =	shalt  }
tec
execute0_lowered:
.L_overlay_start_1:
0x0: {  	(tag) =	ssettag $0x1  }
0x1: {  	s0 =	rddreg [dreg:$0x0]  }
0x2: {  	s1 =	rddreg [dreg:$0x1];
	s3 =	simm.s32 $0x0  }
0x3: {  	s2 =	srdreg.scid;
	s11 =	stileid.u32;
	s18 =	simm.s32 $0x3  }
0x4: {  	s19 =	simm.s32 $0x2800;
	s20 =	simm.s32 $0x1400;
	s21 =	simm.s32 $0x80  }
0x5: {  	s22 =	simm.s32 $0x6800;
	s23 =	simm.s32 $0x1;
	[smem:$0x7FF] =	sst s3  }
0x6: {  	s2 =	sand.u32 $0x1, s2;
	s5 =	sshll.u32 s11, $0x1;
	s4 =	sadd.s32 $0x3400, s0  }
0x7: {  	s7 =	smul.u32 $0x14000, s11;
	s9 =	sadd.s32 $0x2B400, s0;
	s10 =	sadd.s32 $0x35400, s0  }
0x8: {  	s24 =	smul.u32 $0x50000, s11;
	_ =	strace $0x80000050;
	s5 =	sor.u32 s2, s5  }
0x9: {  	s6 =	smul.u32 $0x140000, s2;
	s2 =	ssub.s32 $0x2, s2;
	s8 =	sshll.u32 s5, $0x4  }
0xa: {  	s25 =	sshrl.u32 s2, $0x1;
	s12 =	smul.u32 $0x2800, s5;
	s28 =	sshrl.u32 s24, $0x2  }
0xb: {  	s24 =	simm.s32 $0x2;
	s6 =	sadd.s32 s7, s6;
	s26 =	sadd.s32 s8, s0  }
0xc: {  	s2 =	ssub.s32 s2, s25;
	s25 =	simm.s32 $0x0;
	s6 =	sshrl.u32 s6, $0x3  }
0xd: {  	s5 =	sadd.s32 $0x40400, s26;
	s29 =	sshrl.u32 s12, $0x3;
	s12 =	smax.u32 s2, $0x1  }
.Ltmp0:
0xe: {  	s0 =	sadd.s32 s6, s0;
	[dreg:$0x3] =	wrdreg s5;
	(pc) =	sbr.rel .LBB2_1-.Ltmp0, $4  }
0xf: {  	s6 =	sadd.s32 s28, s1;
	s30 =	sadd.s32 s9, s29;
	s31 =	sadd.s32 $0x280, s29  }
0x10: {  	s8 =	sadd.s32 s10, s29;
	[dreg:$0x4] =	wrdreg s30;
	s9 =	sadd.s32 s9, s31  }
0x11: {  	s10 =	sadd.s32 s10, s31;
	s11 =	sadd.s32 $0x68600, s0;
	s13 =	sadd.s32 $0x4000, s6  }
0x12: {  	v0 =	vimm.f32 $0.0e+00;
	s14 =	sadd.s32 $0x8000, s6;
	s15 =	sadd.s32 $0xC000, s6;
	s16 =	sadd.s32 $0x10000, s6  }
.LBB2_10:
0x13: {  	[sflag:s18] =	ssyncset.done $0x0  }
0x14: {  	[sflag:s18] =	ssyncadd.s32 $0xFFFFC000  }
.LBB2_11:
0x15: {  	s0 =	stileid.u32;
	s25 =	sadd.s32 $0x1, s25  }
0x16: {  	[bflag:$0x0] =	sbarrier.arrive $0xFFFF;
	s0 =	sshll.u32 s0, $0x6;
	p0 =	sne.s32 s25, s12  }
.Ltmp1:
0x17: {  	s2 =	sshrl.u32 s6, $0x3;
	s0 =	sor.u32 $0x1C03, s0;
	(pc) =	sbr.rel @!p0 .LBB2_12-.Ltmp1, $4  }
0x18: {  	[hbm:s11], [sflag:s0] =	dma.local [spmem:s2], $0x2800  }
0x19: {  	_ =	swait.ge [sflag:s18], $0x2800  }
0x1a: {  	[sflag:s18] =	ssyncset.done $0x0  }
0x1b: {  	[sflag:s18] =	ssyncadd.s32 $0xFFFFD800  }
.LBB2_1:
0x1c: {  	s0 =	rddreg [dreg:$0x3];
	s2 =	simm.s32 $0xA800  }
0x1d: {  	[tilespmem:s2], [sflag:$0x3] =	stream.linear.gather [hbm4b:s0+s3], $0x80, $0x38;
	[tilespmem:$0x1E880] =	vst v63  }
0x1e: {  	_ =	swait.ge [sflag:s18], $0x80  }
0x1f: {  	[sflag:s18] =	ssyncset.done $0x0  }
0x20: {  	s0 =	simm.s32 $0x0;
	s2 =	simm.s32 $0x200;
	[sflag:s18] =	ssyncadd.s32 $0xFFFFFF80  }
.LBB2_2:
0x21: {  	p0 =	sne.s32 s2, $0xFE00;
	[tilespmem:s0+$0x2870] =	vst v0  }
0x22: {  	[tilespmem:s0+$0x2800] =	vst v0  }
0x23: {  	[tilespmem:s0+$0x2810] =	vst v0  }
.Ltmp2:
0x24: {  	[tilespmem:s0+$0x2820] =	vst v0;
	(pc) =	sbr.rel @p0 .LBB2_2-.Ltmp2, $4  }
0x25: {  	[tilespmem:s0+$0x2830] =	vst v0  }
0x26: {  	[tilespmem:s0+$0x2840] =	vst v0  }
0x27: {  	[tilespmem:s0+$0x2850] =	vst v0  }
0x28: {  	[tilespmem:s0+$0x2860] =	vst v0;
	s0 =	sshra.s32 s2, $0x2;
	s2 =	sadd.s32 $0x200, s2  }
0x29: {  	[tilespmem:s0+$0x2870] =	vst v0  }
0x2a: {  	[tilespmem:s0+$0x2800] =	vst v0  }
0x2b: {  	[tilespmem:s0+$0x2810] =	vst v0  }
0x2c: {  	[tilespmem:s0+$0x2820] =	vst v0  }
0x2d: {  	[tilespmem:s0+$0x2830] =	vst v0  }
0x2e: {  	[tilespmem:s0+$0x2840] =	vst v0  }
0x2f: {  	[tilespmem:s0+$0x2850] =	vst v0  }
0x30: {  	[tilespmem:s0+$0x2860] =	vst v0  }
0x31: {  	[spmem:s6] =	stream.linear.scatter [tilespmem:s19], [sflag:$0x3], $0x4000, $0x38;
	[tilespmem:$0x1E880] =	vst v63  }
0x32: {  	_ =	swait.ge [sflag:s18], $0x4000  }
0x33: {  	[sflag:s18] =	ssyncset.done $0x0  }
0x34: {  	[sflag:s18] =	ssyncadd.s32 $0xFFFFC000  }
0x35: {  	[spmem:s13] =	stream.linear.scatter [tilespmem:s19], [sflag:$0x3], $0x4000, $0x38;
	[tilespmem:$0x1E880] =	vst v63  }
0x36: {  	_ =	swait.ge [sflag:s18], $0x4000  }
0x37: {  	[sflag:s18] =	ssyncset.done $0x0  }
0x38: {  	[sflag:s18] =	ssyncadd.s32 $0xFFFFC000  }
0x39: {  	[spmem:s14] =	stream.linear.scatter [tilespmem:s19], [sflag:$0x3], $0x4000, $0x38;
	[tilespmem:$0x1E880] =	vst v63  }
0x3a: {  	_ =	swait.ge [sflag:s18], $0x4000  }
0x3b: {  	[sflag:s18] =	ssyncset.done $0x0  }
0x3c: {  	[sflag:s18] =	ssyncadd.s32 $0xFFFFC000  }
0x3d: {  	[spmem:s15] =	stream.linear.scatter [tilespmem:s19], [sflag:$0x3], $0x4000, $0x38;
	[tilespmem:$0x1E880] =	vst v63  }
0x3e: {  	_ =	swait.ge [sflag:s18], $0x4000  }
0x3f: {  	[sflag:s18] =	ssyncset.done $0x0  }
0x40: {  	[sflag:s18] =	ssyncadd.s32 $0xFFFFC000  }
0x41: {  	[spmem:s16] =	stream.linear.scatter [tilespmem:s19], [sflag:$0x3], $0x4000, $0x38;
	[tilespmem:$0x1E880] =	vst v63  }
0x42: {  	_ =	swait.ge [sflag:s18], $0x4000  }
0x43: {  	[sflag:s18] =	ssyncset.done $0x0  }
0x44: {  	[sflag:s18] =	ssyncadd.s32 $0xFFFFC000  }
0x45: {  	[bflag:$0x0] =	sbarrier.arrive $0xFFFF  }
0x46: {  	v1 =	vld [tilespmem:$0xA800];
	_ =	sdelay $0x4  }
0x47: {  	(v2sf) =	vpush v1, $0x0;
	_ =	sdelay $0xc  }
0x48: {  	s31 =	rddreg [dreg:$0x4]  }
0x49: {  	[tilespmem:s3], [sflag:$0x3] =	stream.linear.gather [hbm4b:s31+s3], $0x1400, $0x38;
	[tilespmem:$0x1E880] =	vst v63  }
0x4a: {  	s26 =	spop (v2sf)  }
0x4b: {  	_ =	swait.ge [sflag:s18], $0x1400  }
0x4c: {  	p1 =	slt.s32 s26, $0x1;
	[sflag:s18] =	ssyncset.done $0x0  }
.Ltmp3:
0x4d: {  	[sflag:s18] =	ssyncadd.s32 $0xFFFFEC00;
	(pc) =	sbr.rel @p1 .LBB2_7-.Ltmp3, $4  }
0x4e: {  	[tilespmem:s20], [sflag:$0x3] =	stream.linear.gather [hbm4b:s8+s3], $0x1400, $0x38;
	[tilespmem:$0x1E880] =	vst v63  }
0x4f: {  	_ =	swait.ge [sflag:s18], $0x1400  }
0x50: {  	p0 =	slt.s32 s26, $0x14;
	s28 =	smov.u32 s26;
	[sflag:s18] =	ssyncset.done $0x0  }
0x51: {  	s28 =	simm.s32 @!p0 $0x14;
	[sflag:s18] =	ssyncadd.s32 $0xFFFFEC00  }
0x52: {  	s0 =	simm.s32 $0x80  }
0x53: {  	[tilespmem:s19], [sflag:$0x1] =	stream.indirect.gather [hbm4b:s4+s0], $0x80, s3, s0, $0xb8;
	[tilespmem:$0x1E880] =	vst v63  }
0x54: {  	_ = 	snop  }
0x55: {  	[tilespmem:s22], [sflag:$0x2] =	stream.indirect.gather [hbm4b:s4+s21], $0x80, s0, s21, $0xb8;
	[tilespmem:$0x1E880] =	vst v63  }
0x56: {  	_ =	swait.ge [sflag:s23], $0x4000  }
0x57: {  	[sflag:s23] =	ssyncset.done $0x0  }
0x58: {  	s29 =	sshll.u32 s28, $0x1;
	s30 =	simm.s32 $0x1400;
	[sflag:s23] =	ssyncadd.s32 $0xFFFFC000  }
0x59: {  	[spmem:s1] =	stream.indirect.scatter.add.f32 [tilespmem:s19], [sflag:$0x3], $0x80, s30, s21, $0xb8;
	[tilespmem:$0x1E880] =	vst v63  }
0x5a: {  	p0 =	sle.s32 s29, $0x2;
	_ =	swait.ge [sflag:s18], $0x4000  }
0x5b: {  	s2 =	simm.s32 @!p0 $0x80;
	[sflag:s18] =	ssyncset.done $0x0  }
0x5c: {  	s31 =	simm.s32 @!p0 $0x2800;
	s0 =	simm.s32 @!p0 $0x100;
	[sflag:s18] =	ssyncadd.s32 $0xFFFFC000  }
0x5d: {  	[tilespmem:s31], [sflag:$0x1] =	stream.indirect.gather @!p0 [hbm4b:s4+s2], $0x80, s0, s2, $0xb8;
	[tilespmem:$0x1E880] =	vst v63  }
0x5e: {  	s31 =	sadd.s32 $0xFFFFFFFF, s28  }
0x5f: {  	p0 =	sne.s32 s31, $0x0  }
.Ltmp4:
0x60: {  	_ =	swait.ge [sflag:s24], $0x4000;
	(pc) =	sbr.rel @!p0 .LBB2_6-.Ltmp4, $4  }
0x61: {  	[sflag:s24] =	ssyncset.done $0x0  }
0x62: {  	s17 =	simm.s32 $0x1480;
	[sflag:s24] =	ssyncadd.s32 $0xFFFFC000  }
0x63: {  	[spmem:s1] =	stream.indirect.scatter.add.f32 [tilespmem:s22], [sflag:$0x3], $0x80, s17, s21, $0xb8;
	[tilespmem:$0x1E880] =	vst v63  }
0x64: {  	s0 =	simm.s32 $0x180;
	s2 =	simm.s32 $0x4;
	_ =	swait.ge [sflag:s18], $0x4000  }
.LBB2_5:
0x65: {  	s31 =	sadd.s32 $0xFFFFFFFF, s31;
	[sflag:s18] =	ssyncset.done $0x0;
	s30 =	sadd.s32 $0x100, s30  }
0x66: {  	p0 =	sne.s32 s31, $0x0;
	[sflag:s18] =	ssyncadd.s32 $0xFFFFC000  }
0x67: {  	[tilespmem:s22], [sflag:$0x2] =	stream.indirect.gather [hbm4b:s4+s21], $0x80, s0, s21, $0xb8;
	[tilespmem:$0x1E880] =	vst v63  }
0x68: {  	_ =	swait.ge [sflag:s23], $0x4000  }
0x69: {  	[sflag:s23] =	ssyncset.done $0x0  }
0x6a: {  	[sflag:s23] =	ssyncadd.s32 $0xFFFFC000  }
0x6b: {  	[spmem:s1] =	stream.indirect.scatter.add.f32 [tilespmem:s19], [sflag:$0x3], $0x80, s30, s21, $0xb8;
	[tilespmem:$0x1E880] =	vst v63  }
0x6c: {  	p1 =	sge.s32 s2, s29;
	_ =	swait.ge [sflag:s18], $0x4000  }
0x6d: {  	s17 =	sadd.s32 @!p1 $0x80, s0;
	s5 =	simm.s32 @!p1 $0x80;
	[sflag:s18] =	ssyncset.done $0x0  }
0x6e: {  	s7 =	simm.s32 @!p1 $0x2800;
	[sflag:s18] =	ssyncadd.s32 $0xFFFFC000  }
0x6f: {  	[tilespmem:s7], [sflag:$0x1] =	stream.indirect.gather @!p1 [hbm4b:s4+s5], $0x80, s17, s5, $0xb8;
	[tilespmem:$0x1E880] =	vst v63  }
.Ltmp5:
0x70: {  	_ =	swait.ge [sflag:s24], $0x4000;
	(pc) =	sbr.rel @p0 .LBB2_5-.Ltmp5, $4  }
0x71: {  	s5 =	sadd.s32 $0x80, s30;
	[sflag:s24] =	ssyncset.done $0x0  }
0x72: {  	[sflag:s24] =	ssyncadd.s32 $0xFFFFC000  }
0x73: {  	[spmem:s1] =	stream.indirect.scatter.add.f32 [tilespmem:s22], [sflag:$0x3], $0x80, s5, s21, $0xb8;
	[tilespmem:$0x1E880] =	vst v63  }
0x74: {  	s2 =	sadd.s32 $0x2, s2;
	s0 =	sadd.s32 $0x100, s0;
	_ =	swait.ge [sflag:s18], $0x4000  }
.LBB2_6:
0x75: {  	[sflag:s18] =	ssyncset.done $0x0  }
0x76: {  	[sflag:s18] =	ssyncadd.s32 $0xFFFFC000  }
.LBB2_7:
0x77: {  	[tilespmem:s3], [sflag:$0x3] =	stream.linear.gather [hbm4b:s9+s3], $0x1400, $0x38;
	[tilespmem:$0x1E880] =	vst v63  }
0x78: {  	s0 =	ssub.s32 s26, s28;
	_ =	swait.ge [sflag:s18], $0x1400  }
0x79: {  	p0 =	slt.s32 s0, $0x1;
	[sflag:s18] =	ssyncset.done $0x0  }
.Ltmp6:
0x7a: {  	[sflag:s18] =	ssyncadd.s32 $0xFFFFEC00;
	(pc) =	sbr.rel @p0 .LBB2_11-.Ltmp6, $4  }
0x7b: {  	[tilespmem:s20], [sflag:$0x3] =	stream.linear.gather [hbm4b:s10+s3], $0x1400, $0x38;
	[tilespmem:$0x1E880] =	vst v63  }
0x7c: {  	_ =	swait.ge [sflag:s18], $0x1400  }
0x7d: {  	[sflag:s18] =	ssyncset.done $0x0  }
0x7e: {  	[sflag:s18] =	ssyncadd.s32 $0xFFFFEC00  }
0x7f: {  	s2 =	simm.s32 $0x80  }
0x80: {  	[tilespmem:s19], [sflag:$0x1] =	stream.indirect.gather [hbm4b:s4+s2], $0x80, s3, s2, $0xb8;
	[tilespmem:$0x1E880] =	vst v63  }
0x81: {  	_ = 	snop  }
0x82: {  	[tilespmem:s22], [sflag:$0x2] =	stream.indirect.gather [hbm4b:s4+s21], $0x80, s2, s21, $0xb8;
	[tilespmem:$0x1E880] =	vst v63  }
0x83: {  	_ =	swait.ge [sflag:s23], $0x4000  }
0x84: {  	[sflag:s23] =	ssyncset.done $0x0  }
0x85: {  	s26 =	sshll.u32 s0, $0x1;
	s28 =	simm.s32 $0x1400;
	[sflag:s23] =	ssyncadd.s32 $0xFFFFC000  }
0x86: {  	[spmem:s1] =	stream.indirect.scatter.add.f32 [tilespmem:s19], [sflag:$0x3], $0x80, s28, s21, $0xb8;
	[tilespmem:$0x1E880] =	vst v63  }
0x87: {  	p0 =	sle.s32 s26, $0x2;
	_ =	swait.ge [sflag:s18], $0x4000  }
0x88: {  	s29 =	sadd.s32 $0xFFFFFFFF, s0;
	s5 =	simm.s32 @!p0 $0x80;
	[sflag:s18] =	ssyncset.done $0x0  }
0x89: {  	s7 =	simm.s32 @!p0 $0x2800;
	s2 =	simm.s32 @!p0 $0x100;
	[sflag:s18] =	ssyncadd.s32 $0xFFFFC000  }
0x8a: {  	[tilespmem:s7], [sflag:$0x1] =	stream.indirect.gather @!p0 [hbm4b:s4+s5], $0x80, s2, s5, $0xb8;
	[tilespmem:$0x1E880] =	vst v63  }
0x8b: {  	p0 =	sne.s32 s29, $0x0  }
.Ltmp7:
0x8c: {  	_ =	swait.ge [sflag:s24], $0x4000;
	(pc) =	sbr.rel @!p0 .LBB2_10-.Ltmp7, $4  }
0x8d: {  	[sflag:s24] =	ssyncset.done $0x0  }
0x8e: {  	s31 =	simm.s32 $0x1480;
	[sflag:s24] =	ssyncadd.s32 $0xFFFFC000  }
0x8f: {  	[spmem:s1] =	stream.indirect.scatter.add.f32 [tilespmem:s22], [sflag:$0x3], $0x80, s31, s21, $0xb8;
	[tilespmem:$0x1E880] =	vst v63  }
0x90: {  	s0 =	simm.s32 $0x180;
	s2 =	simm.s32 $0x4;
	_ =	swait.ge [sflag:s18], $0x4000  }
.LBB2_9:
0x91: {  	s29 =	sadd.s32 $0xFFFFFFFF, s29;
	[sflag:s18] =	ssyncset.done $0x0;
	s28 =	sadd.s32 $0x100, s28  }
0x92: {  	p0 =	sne.s32 s29, $0x0;
	[sflag:s18] =	ssyncadd.s32 $0xFFFFC000  }
0x93: {  	[tilespmem:s22], [sflag:$0x2] =	stream.indirect.gather [hbm4b:s4+s21], $0x80, s0, s21, $0xb8;
	[tilespmem:$0x1E880] =	vst v63  }
0x94: {  	_ =	swait.ge [sflag:s23], $0x4000  }
0x95: {  	[sflag:s23] =	ssyncset.done $0x0  }
0x96: {  	[sflag:s23] =	ssyncadd.s32 $0xFFFFC000  }
0x97: {  	[spmem:s1] =	stream.indirect.scatter.add.f32 [tilespmem:s19], [sflag:$0x3], $0x80, s28, s21, $0xb8;
	[tilespmem:$0x1E880] =	vst v63  }
0x98: {  	p1 =	sge.s32 s2, s26;
	_ =	swait.ge [sflag:s18], $0x4000  }
0x99: {  	s5 =	sadd.s32 @!p1 $0x80, s0;
	s7 =	simm.s32 @!p1 $0x80;
	[sflag:s18] =	ssyncset.done $0x0  }
0x9a: {  	s17 =	simm.s32 @!p1 $0x2800;
	[sflag:s18] =	ssyncadd.s32 $0xFFFFC000  }
0x9b: {  	[tilespmem:s17], [sflag:$0x1] =	stream.indirect.gather @!p1 [hbm4b:s4+s7], $0x80, s5, s7, $0xb8;
	[tilespmem:$0x1E880] =	vst v63  }
.Ltmp8:
0x9c: {  	_ =	swait.ge [sflag:s24], $0x4000;
	(pc) =	sbr.rel @p0 .LBB2_9-.Ltmp8, $4  }
0x9d: {  	s5 =	sadd.s32 $0x80, s28;
	[sflag:s24] =	ssyncset.done $0x0  }
0x9e: {  	[sflag:s24] =	ssyncadd.s32 $0xFFFFC000  }
0x9f: {  	[spmem:s1] =	stream.indirect.scatter.add.f32 [tilespmem:s22], [sflag:$0x3], $0x80, s5, s21, $0xb8;
	[tilespmem:$0x1E880] =	vst v63  }
0xa0: {  	s2 =	sadd.s32 $0x2, s2;
	s0 =	sadd.s32 $0x100, s0;
	_ =	swait.ge [sflag:s18], $0x4000  }
.Ltmp9:
0xa1: {  	_ = 	snop;
	(pc) =	sbr.rel .LBB2_10-.Ltmp9, $1  }
0xa2: {  	_ =	sdelay $0x3  }
.LBB2_12:
0xa3: {  	_ =	sfence.sel $0x180000  }
0xa4: {  	[bflag:$0x0] =	sbarrier.arrive $0xFFFF  }
0xa5: {  	_ =	strace $0x90000050  }
0xa6: {  	s0 =	stileid.u32;
	[bflag:$0x2] =	sbarrier.arrive $0xFFFF  }
0xa7: {  	p0 =	sne.s32 s0, $0x0;
	s0 =	rddreg [dreg:$0x2]  }
0xa8: {  	s0 =	sadd.s32 @!p0 $0x100000, s0  }
0xa9: {  	[sflag:s0] =	ssyncadd.tile.s32 @!p0 $0x1;
	_ =	shalt  }
.Lfunc_end2:
_tile_overlayer_lowered:
.L_overlay_start_2:
0xaa: {  	(tag) =	ssettag $0x2  }
0xab: {  	s0 =	rddreg [dreg:$0x0];
	s2 =	stileid.u32  }
0xac: {  	s1 =	rddreg [dreg:$0x1];
	p0 =	sne.s32 s2, $0x0  }
0xad: {  	s3 =	rddreg [dreg:$0x2];
	[bflag:$0x3] =	sbarrier.arrive $0xFFFF;
	s2 =	simm.s32 @!p0 $0x1C03  }
0xae: {  	[timem:s3], [sflag:s2] =	dma.local @!p0 [hbm:s0], s1  }
0xaf: {  	s0 =	simm.s32 @!p0 $0x3  }
0xb0: {  	_ =	swait.ge @!p0 [sflag:s0], s1  }
0xb1: {  	s1 =	ssub.s32 @!p0 $0x0, s1;
	[sflag:s0] =	ssyncset.done @!p0 $0x0  }
0xb2: {  	[sflag:s0] =	ssyncadd.s32 @!p0 s1  }
0xb3: {  	[bflag:$0x3] =	sbarrier.arrive $0xFFFF  }
0xb4: {  	_ =	shalt  }

</sc_bundles>
